<compile_context>
chip_gen: v7x
topology: tpu7x:2x2x1
jax: 0.10.2.dev20260603
libtpu: 0.0.44.dev20260713+nightly
codegen_flags: <defaults>
</compile_context>

<pallas_src>
import functools

import jax
import jax.numpy as jnp
from jax import lax
from jax.experimental import pallas as pl
from jax.experimental.pallas import tpu as pltpu
from jax.experimental.pallas import tpu_sc as plsc

B = 8
N = 1024
KNN = 20
BLK = 256
HI = lax.Precision.HIGHEST
F32 = jnp.float32
BF16 = jnp.bfloat16
NEG = -3.4e38


def _knn_body(h_ref, idx_ref):
    b = pl.program_id(0)
    i = pl.program_id(1)
    h = h_ref[0]
    hblk = h_ref[0, pl.ds(i * BLK, BLK), :]
    xx = jnp.sum(h * h, axis=1)
    xxb = jnp.sum(hblk * hblk, axis=1)
    dots = lax.dot_general(hblk.astype(BF16), h.astype(BF16),
                           (((1,), (1,)), ((), ())),
                           preferred_element_type=F32)
    inner = -2.0 * dots
    pd = (-xxb[:, None] - inner) - xx[None, :]
    iota = lax.broadcasted_iota(jnp.int32, (BLK, N), 1)
    cols = []
    for _ in range(KNN):
        val = jnp.max(pd, axis=1, keepdims=True)
        sel = jnp.min(jnp.where(pd == val, iota, N), axis=1, keepdims=True)
        cols.append(sel)
        pd = jnp.where(iota == sel, NEG, pd)
    idx_ref[0] = jnp.concatenate(cols, axis=1) + b * N


def _knn(h):
    C = h.shape[2]
    return pl.pallas_call(
        _knn_body,
        grid=(B, N // BLK),
        in_specs=[pl.BlockSpec((1, N, C), lambda b, i: (b, 0, 0))],
        out_specs=pl.BlockSpec((1, BLK, KNN), lambda b, i: (b, i, 0)),
        out_shape=jax.ShapeDtypeStruct((B, N, KNN), jnp.int32),
    )(h)


@functools.lru_cache(maxsize=None)
def _gather_builder(CT):
    info = plsc.get_sparse_core_info()
    NC, NS = info.num_cores, info.num_subcores
    NW = NC * NS
    ROWS = KNN * B * N
    RPW = ROWS // NW
    IB = 128
    NBLK = RPW // IB
    mesh = plsc.VectorSubcoreMesh(core_axis_name="c", subcore_axis_name="s")

    @functools.partial(
        pl.kernel,
        mesh=mesh,
        out_type=jax.ShapeDtypeStruct((ROWS, CT), F32),
        scratch_types=[
            pltpu.VMEM((NBLK, IB), jnp.int32),
            pltpu.VMEM((IB, CT), F32),
            pltpu.VMEM((IB, CT), F32),
            pltpu.SemaphoreType.DMA,
        ],
    )
    def gather(h_hbm, idx_hbm, out_hbm, idx_v, rows_a, rows_b, sem):
        wid = lax.axis_index("s") * NC + lax.axis_index("c")
        pltpu.sync_copy(idx_hbm.at[wid], idx_v)
        base = wid * NBLK

        def seq(i, carry):
            pltpu.async_copy(h_hbm.at[idx_v.at[i]], rows_a, sem).wait()
            pltpu.sync_copy(rows_a, out_hbm.at[pl.ds((base + i) * IB, IB)])
            return carry

        lax.fori_loop(0, NBLK, seq, 0)

    return gather, NW, NBLK, IB


def _gather(h_pad, idx_t):
    CT = h_pad.shape[1]
    fn, NW, NBLK, IB = _gather_builder(CT)
    idx_r = idx_t.reshape(NW, NBLK, IB)
    return fn(h_pad, idx_r)


PB = 512


def _tree_sum(x):
    rows = x.shape[0]
    while rows > 8 and rows % 2 == 0:
        half = rows // 2
        x = x[:half] + x[half:]
        rows = half
    return jnp.sum(x, axis=0, keepdims=True)


def _comp_tree_sum(x):
    comp = x * 0.0
    rows = x.shape[0]
    while rows > 2 and rows % 2 == 0:
        half = rows // 2
        a = x[:half]
        b = x[half:]
        t = a + b
        bv = t - a
        e = (a - (t - bv)) + (b - bv)
        comp = comp[:half] + comp[half:] + e
        x = t
        rows = half
    return (jnp.sum(x, axis=0, keepdims=True)
            + jnp.sum(comp, axis=0, keepdims=True))


def _edge_tc_builder(CR, CE, CT, O):
    NPB = (B * N) // PB

    def body(g_ref, h_ref, w_ref, mx_ref, mn_ref, s_ref):
        pb = pl.program_id(0)
        j = pl.program_id(1)
        g = g_ref[:, :CR]
        h = h_ref[:, :CR]
        ec = jnp.concatenate([g - h, h], axis=1)
        f = lax.dot_general(ec.astype(BF16), w_ref[...].astype(BF16),
                            (((1,), (0,)), ((), ())),
                            preferred_element_type=F32)

        @pl.when(j == 0)
        def _():
            mx_ref[...] = f
            mn_ref[...] = f

        @pl.when(j != 0)
        def _():
            mx_ref[...] = jnp.maximum(mx_ref[...], f)
            mn_ref[...] = jnp.minimum(mn_ref[...], f)

        s = _comp_tree_sum(f)
        dc = f - s / jnp.float32(PB)
        s_ref[0] = jnp.concatenate([s, _tree_sum(dc * dc)], axis=0)

    return pl.pallas_call(
        body,
        grid=(NPB, KNN),
        in_specs=[
            pl.BlockSpec((PB, CT), lambda pb, j: (j * NPB + pb, 0)),
            pl.BlockSpec((PB, CE), lambda pb, j: (pb, 0)),
            pl.BlockSpec((2 * CR, O), lambda pb, j: (0, 0)),
        ],
        out_specs=[
            pl.BlockSpec((PB, O), lambda pb, j: (pb, 0)),
            pl.BlockSpec((PB, O), lambda pb, j: (pb, 0)),
            pl.BlockSpec((1, 2, O), lambda pb, j: (pb * KNN + j, 0, 0)),
        ],
        out_shape=[
            jax.ShapeDtypeStruct((B * N, O), F32),
            jax.ShapeDtypeStruct((B * N, O), F32),
            jax.ShapeDtypeStruct((NPB * KNN, 2, O), F32),
        ],
    )


def _edge_tc(G, h_flat, wt):
    CT = G.shape[1]
    CE = h_flat.shape[1]
    CR = wt.shape[0] // 2
    O = wt.shape[1]
    return _edge_tc_builder(CR, CE, CT, O)(G, h_flat, wt)


def _stats_body(s_ref, mv_ref):
    T = jnp.float32(B * N * KNN)
    parts = s_ref[...]
    sall = parts[:, 0, :]
    m2all = parts[:, 1, :]
    m = _comp_tree_sum(sall) / T
    dm = sall / jnp.float32(PB) - m
    var = (_tree_sum(m2all)
           + jnp.float32(PB) * _tree_sum(dm * dm)) / T
    mv_ref[...] = jnp.concatenate([m, var], axis=0)


def _stats(sums):
    O = sums.shape[2]
    return pl.pallas_call(
        _stats_body,
        out_shape=jax.ShapeDtypeStruct((2, O), F32),
    )(sums)


def _apply_body(mx_ref, mn_ref, mv_ref, g_ref, b_ref, out_ref):
    m = mv_ref[0:1, :]
    var = mv_ref[1:2, :]
    g = g_ref[...]
    sel = jnp.where(g >= 0.0, mx_ref[...], mn_ref[...])
    u = (sel - m) / jnp.sqrt(var + 1e-5) * g + b_ref[...]
    out_ref[...] = jnp.where(u >= 0.0, u, 0.2 * u)


def _apply(mx, mn, mv, g, b):
    O = mx.shape[1]
    RB = 1024
    return pl.pallas_call(
        _apply_body,
        grid=((B * N) // RB,),
        in_specs=[
            pl.BlockSpec((RB, O), lambda r: (r, 0)),
            pl.BlockSpec((RB, O), lambda r: (r, 0)),
            pl.BlockSpec((2, O), lambda r: (0, 0)),
            pl.BlockSpec((1, O), lambda r: (0, 0)),
            pl.BlockSpec((1, O), lambda r: (0, 0)),
        ],
        out_specs=pl.BlockSpec((RB, O), lambda r: (r, 0)),
        out_shape=jax.ShapeDtypeStruct((B * N, O), F32),
    )(mx, mn, mv, g.reshape(1, O), b.reshape(1, O))


def _conv5_body(h1_ref, h2_ref, h3_ref, h4_ref, w_ref, y_ref, sums_ref):
    b = pl.program_id(0)
    i = pl.program_id(1)
    acc = lax.dot_general(h1_ref[0].astype(BF16),
                          w_ref[pl.ds(0, 64), :].astype(BF16),
                          (((1,), (0,)), ((), ())),
                          preferred_element_type=F32)
    acc += lax.dot_general(h2_ref[0].astype(BF16),
                           w_ref[pl.ds(64, 64), :].astype(BF16),
                           (((1,), (0,)), ((), ())),
                           preferred_element_type=F32)
    acc += lax.dot_general(h3_ref[0].astype(BF16),
                           w_ref[pl.ds(128, 128), :].astype(BF16),
                           (((1,), (0,)), ((), ())),
                           preferred_element_type=F32)
    acc += lax.dot_general(h4_ref[0].astype(BF16),
                           w_ref[pl.ds(256, 256), :].astype(BF16),
                           (((1,), (0,)), ((), ())),
                           preferred_element_type=F32)
    y_ref[0] = acc
    s = jnp.sum(acc, axis=0, keepdims=True)
    s2 = jnp.sum(acc * acc, axis=0, keepdims=True)
    st = jnp.concatenate([s, s2], axis=0)
    first = jnp.logical_and(b == 0, i == 0)

    @pl.when(first)
    def _():
        sums_ref[...] = st

    @pl.when(jnp.logical_not(first))
    def _():
        sums_ref[...] = sums_ref[...] + st


def _conv5(h1, h2, h3, h4, w5_t):
    return pl.pallas_call(
        _conv5_body,
        grid=(B, N // BLK),
        in_specs=[
            pl.BlockSpec((1, BLK, 64), lambda b, i: (b, i, 0)),
            pl.BlockSpec((1, BLK, 64), lambda b, i: (b, i, 0)),
            pl.BlockSpec((1, BLK, 128), lambda b, i: (b, i, 0)),
            pl.BlockSpec((1, BLK, 256), lambda b, i: (b, i, 0)),
            pl.BlockSpec((512, 1024), lambda b, i: (0, 0)),
        ],
        out_specs=[
            pl.BlockSpec((1, BLK, 1024), lambda b, i: (b, i, 0)),
            pl.BlockSpec((2, 1024), lambda b, i: (0, 0)),
        ],
        out_shape=[
            jax.ShapeDtypeStruct((B, N, 1024), F32),
            jax.ShapeDtypeStruct((2, 1024), F32),
        ],
    )(h1, h2, h3, h4, w5_t)


def _pool_body(y_ref, sums_ref, g_ref, b_ref, y1_ref, y2_ref):
    i = pl.program_id(1)
    T = jnp.float32(B * N)
    m = sums_ref[0:1, :] / T
    var = sums_ref[1:2, :] / T - m * m
    scale = g_ref[...] / jnp.sqrt(var + 1e-5)
    shift = b_ref[...] - m * scale
    u = y_ref[0] * scale + shift
    lr = jnp.where(u >= 0.0, u, 0.2 * u)
    mx = jnp.max(lr, axis=0, keepdims=True)
    sm = jnp.sum(lr, axis=0, keepdims=True) / jnp.float32(N)

    @pl.when(i == 0)
    def _():
        y1_ref[0] = mx
        y2_ref[0] = sm

    @pl.when(i != 0)
    def _():
        y1_ref[0] = jnp.maximum(y1_ref[0], mx)
        y2_ref[0] = y2_ref[0] + sm


def _pool(y, sums, g5, b5):
    return pl.pallas_call(
        _pool_body,
        grid=(B, N // BLK),
        in_specs=[
            pl.BlockSpec((1, BLK, 1024), lambda b, i: (b, i, 0)),
            pl.BlockSpec((2, 1024), lambda b, i: (0, 0)),
            pl.BlockSpec((1, 1024), lambda b, i: (0, 0)),
            pl.BlockSpec((1, 1024), lambda b, i: (0, 0)),
        ],
        out_specs=[
            pl.BlockSpec((1, 1, 1024), lambda b, i: (b, 0, 0)),
            pl.BlockSpec((1, 1, 1024), lambda b, i: (b, 0, 0)),
        ],
        out_shape=[
            jax.ShapeDtypeStruct((B, 1, 1024), F32),
            jax.ShapeDtypeStruct((B, 1, 1024), F32),
        ],
    )(y, sums, g5.reshape(1, 1024), b5.reshape(1, 1024))


def _head_body(y1_ref, y2_ref, l1_ref, g6_ref, b6_ref, l2_ref, bl2_ref,
               g7_ref, b7_ref, wc_ref, bc_ref, out_ref):
    z = jnp.concatenate([y1_ref[...], y2_ref[...]], axis=1)
    a = lax.dot_general(z.astype(BF16), l1_ref[...].astype(BF16),
                        (((1,), (0,)), ((), ())),
                        preferred_element_type=F32)
    m = jnp.mean(a, axis=0, keepdims=True)
    v = jnp.mean((a - m) * (a - m), axis=0, keepdims=True)
    a = (a - m) / jnp.sqrt(v + 1e-5) * g6_ref[...] + b6_ref[...]
    a = jnp.where(a >= 0.0, a, 0.2 * a)
    a2 = lax.dot_general(a.astype(BF16), l2_ref[...].astype(BF16),
                         (((1,), (0,)), ((), ())),
                         preferred_element_type=F32) + bl2_ref[...]
    m2 = jnp.mean(a2, axis=0, keepdims=True)
    v2 = jnp.mean((a2 - m2) * (a2 - m2), axis=0, keepdims=True)
    a2 = (a2 - m2) / jnp.sqrt(v2 + 1e-5) * g7_ref[...] + b7_ref[...]
    a2 = jnp.where(a2 >= 0.0, a2, 0.2 * a2)
    out_ref[...] = lax.dot_general(a2.astype(BF16), wc_ref[...].astype(BF16),
                                   (((1,), (0,)), ((), ())),
                                   preferred_element_type=F32) + bc_ref[...]


def _head(y1, y2, l1_t, g6, b6, l2_t, bl2, g7, b7, wc_t, bc):
    return pl.pallas_call(
        _head_body,
        out_shape=jax.ShapeDtypeStruct((B, 40), F32),
    )(y1, y2, l1_t, g6.reshape(1, 512), b6.reshape(1, 512), l2_t,
      bl2.reshape(1, 256), g7.reshape(1, 256), b7.reshape(1, 256), wc_t,
      bc.reshape(1, 40))


def _edge_conv(h, W, g, b):
    C = h.shape[2]
    O = W.shape[0]
    if C == 3:
        h = jnp.pad(h, ((0, 0), (0, 0), (0, 5)))
        CE = 8
    else:
        CE = C
    wt = W.T
    idx = _knn(h)
    idx_t = jnp.transpose(idx, (2, 0, 1)).reshape(KNN * B * N)
    h_flat = h.reshape(B * N, CE)
    CT = max(CE, 128)
    h_pad = jnp.pad(h_flat, ((0, 0), (0, CT - CE))) if CT != CE else h_flat
    G = _gather(h_pad, idx_t)
    mx, mn, sums = _edge_tc(G, h_flat, wt)
    mv = _stats(sums)
    return _apply(mx, mn, mv, g, b).reshape(B, N, O)


def kernel(x, W1, g1, b1, W2, g2, b2, W3, g3, b3, W4, g4, b4, W5, g5, b5,
           L1, g6, b6, L2, bL2, g7, b7, Wc, bc):
    h0 = jnp.transpose(x, (0, 2, 1))
    h1 = _edge_conv(h0, W1, g1, b1)
    h2 = _edge_conv(h1, W2, g2, b2)
    h3 = _edge_conv(h2, W3, g3, b3)
    h4 = _edge_conv(h3, W4, g4, b4)
    y, sums = _conv5(h1.reshape(B, N, 64), h2.reshape(B, N, 64),
                     h3.reshape(B, N, 128), h4.reshape(B, N, 256), W5.T)
    y1, y2 = _pool(y, sums, g5, b5)
    return _head(y1.reshape(B, 1024), y2.reshape(B, 1024), L1.T, g6, b6,
                 L2.T, bL2, g7, b7, Wc.T, bc)

# --- scband reference (transcript-rebuilt; emitter-appended) ---
"""Pipeline reference for scband-dgcnn-cls-44650480009633 (READ-ONLY COPY).

The authoritative reference and input builder live on the scoring server;
editing this copy changes nothing except your own understanding.
"""

import jax, jax.numpy as jnp
import numpy as np


def knn(x, k):
    inner = -2.0 * jnp.einsum('bcn,bcm->bnm', x, x)
    xx = jnp.sum(x * x, axis=1, keepdims=True)
    pd = -xx - inner - jnp.transpose(xx, (0, 2, 1))
    return jax.lax.top_k(pd, k)[1]


def get_graph_feature(x, k):
    B, C, N = x.shape
    idx = knn(x, k)
    xt = jnp.transpose(x, (0, 2, 1))
    feat = jax.vmap(lambda pts, ids: pts[ids])(xt, idx)
    xc = jnp.broadcast_to(xt[:, :, None, :], (B, N, k, C))
    f = jnp.concatenate([feat - xc, xc], axis=-1)
    return jnp.transpose(f, (0, 3, 1, 2))


def bn(x, g, b, axes):
    m = jnp.mean(x, axis=axes, keepdims=True)
    v = jnp.var(x, axis=axes, keepdims=True)
    sh = (1, g.shape[0]) + (1,) * (x.ndim - 2)
    return (x - m) / jnp.sqrt(v + 1e-5) * g.reshape(sh) + b.reshape(sh)


def lrelu(x):
    return jnp.where(x >= 0, x, 0.2 * x)


def setup_inputs(seed: int = 0):
    key = jax.random.key(seed)
    ks = jax.random.split(key, 12)
    d = {}
    d['x'] = jax.random.normal(ks[0], (8, 3, 1024), dtype=jnp.float32)
    d['W1'] = jax.random.normal(ks[1], (64, 6), dtype=jnp.float32) * (2.0 / 6) ** 0.5
    d['g1'] = jnp.ones((64,), jnp.float32); d['b1'] = jnp.zeros((64,), jnp.float32)
    d['W2'] = jax.random.normal(ks[2], (64, 128), dtype=jnp.float32) * (2.0 / 128) ** 0.5
    d['g2'] = jnp.ones((64,), jnp.float32); d['b2'] = jnp.zeros((64,), jnp.float32)
    d['W3'] = jax.random.normal(ks[3], (128, 128), dtype=jnp.float32) * (2.0 / 128) ** 0.5
    d['g3'] = jnp.ones((128,), jnp.float32); d['b3'] = jnp.zeros((128,), jnp.float32)
    d['W4'] = jax.random.normal(ks[4], (256, 256), dtype=jnp.float32) * (2.0 / 256) ** 0.5
    d['g4'] = jnp.ones((256,), jnp.float32); d['b4'] = jnp.zeros((256,), jnp.float32)
    d['W5'] = jax.random.normal(ks[5], (1024, 512), dtype=jnp.float32) * (2.0 / 512) ** 0.5
    d['g5'] = jnp.ones((1024,), jnp.float32); d['b5'] = jnp.zeros((1024,), jnp.float32)
    d['L1'] = jax.random.normal(ks[6], (512, 2048), dtype=jnp.float32) * (1.0 / 2048) ** 0.5
    d['g6'] = jnp.ones((512,), jnp.float32); d['b6'] = jnp.zeros((512,), jnp.float32)
    d['L2'] = jax.random.normal(ks[7], (256, 512), dtype=jnp.float32) * (1.0 / 512) ** 0.5
    d['bL2'] = jnp.zeros((256,), jnp.float32)
    d['g7'] = jnp.ones((256,), jnp.float32); d['b7'] = jnp.zeros((256,), jnp.float32)
    d['Wc'] = jax.random.normal(ks[8], (40, 256), dtype=jnp.float32) * (1.0 / 256) ** 0.5
    d['bc'] = jnp.zeros((40,), jnp.float32)
    return d


def reference(x, W1, g1, b1, W2, g2, b2, W3, g3, b3, W4, g4, b4, W5, g5, b5, L1, g6, b6, L2, bL2, g7, b7, Wc, bc):
    k = 20
    feats = []
    h = x
    for (W, g, b) in ((W1, g1, b1), (W2, g2, b2), (W3, g3, b3), (W4, g4, b4)):
        f = get_graph_feature(h, k)
        f = jnp.einsum('bcnk,oc->bonk', f, W)
        f = lrelu(bn(f, g, b, (0, 2, 3)))
        h = jnp.max(f, axis=-1)
        feats.append(h)
    x0 = jnp.concatenate(feats, axis=1)
    y = jnp.einsum('bcn,oc->bon', x0, W5)
    y = lrelu(bn(y, g5, b5, (0, 2)))
    y1 = jnp.max(y, axis=-1)
    y2 = jnp.mean(y, axis=-1)
    z = jnp.concatenate([y1, y2], axis=1)
    z = lrelu(bn(z @ L1.T, g6, b6, (0,)))
    z = lrelu(bn(z @ L2.T + bL2, g7, b7, (0,)))
    return z @ Wc.T + bc

if __name__ == "__main__":
    import jax
    _d = setup_inputs()
    print(jax.jit(kernel)(*tuple(_d.values())))

</pallas_src>

<mosaic_0001>
#map = affine_map<(d0, d1) -> (0, 0)>
#map1 = affine_map<(d0, d1) -> (0, 0, 0)>
module attributes {stable_mosaic.version = 14 : i64} {
  func.func @gather(%arg0: i32, %arg1: i32, %arg2: memref<8192x128xf32, #tpu.memory_space<hbm>>, %arg3: memref<32x40x128xi32, #tpu.memory_space<hbm>>, %arg4: memref<163840x128xf32, #tpu.memory_space<hbm>>, %arg5: memref<40x128xi32, #tpu.memory_space<vmem>>, %arg6: memref<128x128xf32, #tpu.memory_space<vmem>>, %arg7: memref<128x128xf32, #tpu.memory_space<vmem>>, %arg8: memref<!tpu.dma_semaphore, #tpu.memory_space<semaphore_mem>>) attributes {dimension_semantics = [#tpu.dimension_semantics<core_parallel>, #tpu.dimension_semantics<subcore_parallel>], iteration_bounds = array<i64: 2, 16>, scalar_prefetch = 0 : i64, scratch_operands = 4 : i64, tpu.core_type = #tpu.core_type<sc_vector_subcore>, window_params = [{transform_indices = #map}, {transform_indices = #map1}, {transform_indices = #map}]} {
    %mul3A = arith.constant 2 : i32
    %mul3A_0 = arith.muli %arg1, %mul3A : i32
    %add3A = arith.addi %mul3A_0, %arg0 : i32
    "tpu.region"() ({
      %run_scoped3A = tpu.sem_alloc : memref<!tpu.dma_semaphore, #tpu.memory_space<semaphore_mem>>
      %dma_start3A = arith.constant 0 : i32
      %dma_start3A_8 = arith.constant 0 : i32
      %dma_start3A_9 = tpu.memref_slice %arg3[%add3A, %dma_start3A, %dma_start3A_8] : memref<32x40x128xi32, #tpu.memory_space<hbm>> -> memref<1x40x128xi32, #tpu.memory_space<hbm>>
      %dma_start3A_10 = tpu.memref_squeeze %dma_start3A_9 : memref<1x40x128xi32, #tpu.memory_space<hbm>> -> memref<40x128xi32, #tpu.memory_space<hbm>>
      %dma_start3A_11 = arith.constant 0 : i32
      %dma_start3A_12 = arith.constant 0 : i32
      %dma_start3A_13 = tpu.memref_slice %arg3[%add3A, %dma_start3A_11, %dma_start3A_12] : memref<32x40x128xi32, #tpu.memory_space<hbm>> -> memref<1x40x128xi32, #tpu.memory_space<hbm>>
      %dma_start3A_14 = tpu.memref_squeeze %dma_start3A_13 : memref<1x40x128xi32, #tpu.memory_space<hbm>> -> memref<40x128xi32, #tpu.memory_space<hbm>>
      tpu.enqueue_dma source(%dma_start3A_14 : memref<40x128xi32, #tpu.memory_space<hbm>>) target(%arg5 : memref<40x128xi32, #tpu.memory_space<vmem>>) target_semaphore(%run_scoped3A : memref<!tpu.dma_semaphore, #tpu.memory_space<semaphore_mem>>)
      %dma_wait3A = arith.constant 0 : i32
      %dma_wait3A_15 = arith.constant 0 : i32
      %dma_wait3A_16 = tpu.memref_slice %arg3[%add3A, %dma_wait3A, %dma_wait3A_15] : memref<32x40x128xi32, #tpu.memory_space<hbm>> -> memref<1x40x128xi32, #tpu.memory_space<hbm>>
      %dma_wait3A_17 = tpu.memref_squeeze %dma_wait3A_16 : memref<1x40x128xi32, #tpu.memory_space<hbm>> -> memref<40x128xi32, #tpu.memory_space<hbm>>
      %dma_wait3A_18 = arith.constant 0 : i32
      %dma_wait3A_19 = arith.constant 0 : i32
      %dma_wait3A_20 = tpu.memref_slice %arg3[%add3A, %dma_wait3A_18, %dma_wait3A_19] : memref<32x40x128xi32, #tpu.memory_space<hbm>> -> memref<1x40x128xi32, #tpu.memory_space<hbm>>
      %dma_wait3A_21 = tpu.memref_squeeze %dma_wait3A_20 : memref<1x40x128xi32, #tpu.memory_space<hbm>> -> memref<40x128xi32, #tpu.memory_space<hbm>>
      tpu.wait_dma2 semaphore(%run_scoped3A : memref<!tpu.dma_semaphore, #tpu.memory_space<semaphore_mem>>) src(%dma_wait3A_21 : memref<40x128xi32, #tpu.memory_space<hbm>>) dst(%arg5 : memref<40x128xi32, #tpu.memory_space<vmem>>)
      tpu.yield
    }) : () -> ()
    %mul3A_1 = arith.constant 40 : i32
    %mul3A_2 = arith.muli %add3A, %mul3A_1 : i32
    %scan3A = arith.constant 0 : i32
    %scan3A_3 = arith.constant 0 : i32
    %scan3A_4 = arith.constant 40 : i32
    %scan3A_5 = arith.addi %scan3A_3, %scan3A_4 : i32
    %scan3A_6 = arith.constant 1 : i32
    scf.for %scan3A_8 = %scan3A_3 to %scan3A_5 step %scan3A_6  : i32 {
      %dma_start3A = arith.constant 0 : i32
      %dma_start3A_9 = tpu.memref_slice %arg5[%scan3A_8, %dma_start3A] : memref<40x128xi32, #tpu.memory_space<vmem>> -> memref<1x128xi32, #tpu.memory_space<vmem>>
      %dma_start3A_10 = tpu.memref_squeeze %dma_start3A_9 : memref<1x128xi32, #tpu.memory_space<vmem>> -> memref<128xi32, #tpu.memory_space<vmem>>
      %dma_start3A_11 = arith.constant 0 : i32
      %dma_start3A_12 = arith.constant 0 : i32
      %dma_start3A_13 = tpu.memref_slice %arg2[%dma_start3A_11, %dma_start3A_12] : memref<8192x128xf32, #tpu.memory_space<hbm>> -> memref<8192x128xf32, #tpu.memory_space<hbm>>
      tpu.enqueue_indirect_dma source(%dma_start3A_13 : memref<8192x128xf32, #tpu.memory_space<hbm>>) target(%arg6 : memref<128x128xf32, #tpu.memory_space<vmem>>) offsets(%dma_start3A_10 : memref<128xi32, #tpu.memory_space<vmem>>) semaphore(%arg8 : memref<!tpu.dma_semaphore, #tpu.memory_space<semaphore_mem>>)
      %dma_wait3A = arith.constant 0 : i32
      %dma_wait3A_14 = tpu.memref_slice %arg5[%scan3A_8, %dma_wait3A] : memref<40x128xi32, #tpu.memory_space<vmem>> -> memref<1x128xi32, #tpu.memory_space<vmem>>
      %dma_wait3A_15 = tpu.memref_squeeze %dma_wait3A_14 : memref<1x128xi32, #tpu.memory_space<vmem>> -> memref<128xi32, #tpu.memory_space<vmem>>
      %dma_wait3A_16 = arith.constant 0 : i32
      %dma_wait3A_17 = arith.constant 0 : i32
      %dma_wait3A_18 = tpu.memref_slice %arg2[%dma_wait3A_16, %dma_wait3A_17] : memref<8192x128xf32, #tpu.memory_space<hbm>> -> memref<8192x128xf32, #tpu.memory_space<hbm>>
      tpu.wait_indirect_dma semaphore(%arg8 : memref<!tpu.dma_semaphore, #tpu.memory_space<semaphore_mem>>) src(%dma_wait3A_18 : memref<8192x128xf32, #tpu.memory_space<hbm>>) dst(%arg6 : memref<128x128xf32, #tpu.memory_space<vmem>>)
      %add3A_19 = arith.addi %mul3A_2, %scan3A_8 : i32
      %mul3A_20 = arith.constant 128 : i32
      %mul3A_21 = arith.muli %add3A_19, %mul3A_20 : i32
      "tpu.region"() ({
        %run_scoped3A = tpu.sem_alloc : memref<!tpu.dma_semaphore, #tpu.memory_space<semaphore_mem>>
        %dma_start3A_22 = arith.constant 0 : i32
        %dma_start3A_23 = tpu.memref_slice %arg4[%mul3A_21, %dma_start3A_22] : memref<163840x128xf32, #tpu.memory_space<hbm>> -> memref<128x128xf32, #tpu.memory_space<hbm>>
        %dma_start3A_24 = arith.constant 0 : i32
        %dma_start3A_25 = tpu.memref_slice %arg4[%mul3A_21, %dma_start3A_24] : memref<163840x128xf32, #tpu.memory_space<hbm>> -> memref<128x128xf32, #tpu.memory_space<hbm>>
        tpu.enqueue_dma source(%arg6 : memref<128x128xf32, #tpu.memory_space<vmem>>) target(%dma_start3A_25 : memref<128x128xf32, #tpu.memory_space<hbm>>) target_semaphore(%run_scoped3A : memref<!tpu.dma_semaphore, #tpu.memory_space<semaphore_mem>>)
        %dma_wait3A_26 = arith.constant 0 : i32
        %dma_wait3A_27 = tpu.memref_slice %arg4[%mul3A_21, %dma_wait3A_26] : memref<163840x128xf32, #tpu.memory_space<hbm>> -> memref<128x128xf32, #tpu.memory_space<hbm>>
        %dma_wait3A_28 = arith.constant 0 : i32
        %dma_wait3A_29 = tpu.memref_slice %arg4[%mul3A_21, %dma_wait3A_28] : memref<163840x128xf32, #tpu.memory_space<hbm>> -> memref<128x128xf32, #tpu.memory_space<hbm>>
        tpu.wait_dma2 semaphore(%run_scoped3A : memref<!tpu.dma_semaphore, #tpu.memory_space<semaphore_mem>>) src(%arg6 : memref<128x128xf32, #tpu.memory_space<vmem>>) dst(%dma_wait3A_29 : memref<128x128xf32, #tpu.memory_space<hbm>>)
        tpu.yield
      }) : () -> ()
    }
    %scan3A_7 = arith.constant 40 : i32
    return
  }
}

#map = affine_map<(d0, d1) -> (0, 0)>
#map1 = affine_map<(d0, d1) -> (0, 0, 0)>
module attributes {stable_mosaic.version = 14 : i64} {
  func.func @gather(%arg0: i32, %arg1: i32, %arg2: memref<8192x128xf32, #tpu.memory_space<hbm>>, %arg3: memref<32x40x128xi32, #tpu.memory_space<hbm>>, %arg4: memref<163840x128xf32, #tpu.memory_space<hbm>>, %arg5: memref<40x128xi32, #tpu.memory_space<vmem>>, %arg6: memref<128x128xf32, #tpu.memory_space<vmem>>, %arg7: memref<128x128xf32, #tpu.memory_space<vmem>>, %arg8: memref<!tpu.dma_semaphore, #tpu.memory_space<semaphore_mem>>) attributes {dimension_semantics = [#tpu.dimension_semantics<core_parallel>, #tpu.dimension_semantics<subcore_parallel>], iteration_bounds = array<i64: 2, 16>, scalar_prefetch = 0 : i64, scratch_operands = 4 : i64, tpu.core_type = #tpu.core_type<sc_vector_subcore>, window_params = [{transform_indices = #map}, {transform_indices = #map1}, {transform_indices = #map}]} {
    %mul3A = arith.constant 2 : i32
    %mul3A_0 = arith.muli %arg1, %mul3A : i32
    %add3A = arith.addi %mul3A_0, %arg0 : i32
    "tpu.region"() ({
      %run_scoped3A = tpu.sem_alloc : memref<!tpu.dma_semaphore, #tpu.memory_space<semaphore_mem>>
      %dma_start3A = arith.constant 0 : i32
      %dma_start3A_8 = arith.constant 0 : i32
      %dma_start3A_9 = tpu.memref_slice %arg3[%add3A, %dma_start3A, %dma_start3A_8] : memref<32x40x128xi32, #tpu.memory_space<hbm>> -> memref<1x40x128xi32, #tpu.memory_space<hbm>>
      %dma_start3A_10 = tpu.memref_squeeze %dma_start3A_9 : memref<1x40x128xi32, #tpu.memory_space<hbm>> -> memref<40x128xi32, #tpu.memory_space<hbm>>
      %dma_start3A_11 = arith.constant 0 : i32
      %dma_start3A_12 = arith.constant 0 : i32
      %dma_start3A_13 = tpu.memref_slice %arg3[%add3A, %dma_start3A_11, %dma_start3A_12] : memref<32x40x128xi32, #tpu.memory_space<hbm>> -> memref<1x40x128xi32, #tpu.memory_space<hbm>>
      %dma_start3A_14 = tpu.memref_squeeze %dma_start3A_13 : memref<1x40x128xi32, #tpu.memory_space<hbm>> -> memref<40x128xi32, #tpu.memory_space<hbm>>
      tpu.enqueue_dma source(%dma_start3A_14 : memref<40x128xi32, #tpu.memory_space<hbm>>) target(%arg5 : memref<40x128xi32, #tpu.memory_space<vmem>>) target_semaphore(%run_scoped3A : memref<!tpu.dma_semaphore, #tpu.memory_space<semaphore_mem>>)
      %dma_wait3A = arith.constant 0 : i32
      %dma_wait3A_15 = arith.constant 0 : i32
      %dma_wait3A_16 = tpu.memref_slice %arg3[%add3A, %dma_wait3A, %dma_wait3A_15] : memref<32x40x128xi32, #tpu.memory_space<hbm>> -> memref<1x40x128xi32, #tpu.memory_space<hbm>>
      %dma_wait3A_17 = tpu.memref_squeeze %dma_wait3A_16 : memref<1x40x128xi32, #tpu.memory_space<hbm>> -> memref<40x128xi32, #tpu.memory_space<hbm>>
      %dma_wait3A_18 = arith.constant 0 : i32
      %dma_wait3A_19 = arith.constant 0 : i32
      %dma_wait3A_20 = tpu.memref_slice %arg3[%add3A, %dma_wait3A_18, %dma_wait3A_19] : memref<32x40x128xi32, #tpu.memory_space<hbm>> -> memref<1x40x128xi32, #tpu.memory_space<hbm>>
      %dma_wait3A_21 = tpu.memref_squeeze %dma_wait3A_20 : memref<1x40x128xi32, #tpu.memory_space<hbm>> -> memref<40x128xi32, #tpu.memory_space<hbm>>
      tpu.wait_dma2 semaphore(%run_scoped3A : memref<!tpu.dma_semaphore, #tpu.memory_space<semaphore_mem>>) src(%dma_wait3A_21 : memref<40x128xi32, #tpu.memory_space<hbm>>) dst(%arg5 : memref<40x128xi32, #tpu.memory_space<vmem>>)
      tpu.yield
    }) : () -> ()
    %mul3A_1 = arith.constant 40 : i32
    %mul3A_2 = arith.muli %add3A, %mul3A_1 : i32
    %scan3A = arith.constant 0 : i32
    %scan3A_3 = arith.constant 0 : i32
    %scan3A_4 = arith.constant 40 : i32
    %scan3A_5 = arith.addi %scan3A_3, %scan3A_4 : i32
    %scan3A_6 = arith.constant 1 : i32
    scf.for %scan3A_8 = %scan3A_3 to %scan3A_5 step %scan3A_6  : i32 {
      %dma_start3A = arith.constant 0 : i32
      %dma_start3A_9 = tpu.memref_slice %arg5[%scan3A_8, %dma_start3A] : memref<40x128xi32, #tpu.memory_space<vmem>> -> memref<1x128xi32, #tpu.memory_space<vmem>>
      %dma_start3A_10 = tpu.memref_squeeze %dma_start3A_9 : memref<1x128xi32, #tpu.memory_space<vmem>> -> memref<128xi32, #tpu.memory_space<vmem>>
      %dma_start3A_11 = arith.constant 0 : i32
      %dma_start3A_12 = arith.constant 0 : i32
      %dma_start3A_13 = tpu.memref_slice %arg2[%dma_start3A_11, %dma_start3A_12] : memref<8192x128xf32, #tpu.memory_space<hbm>> -> memref<8192x128xf32, #tpu.memory_space<hbm>>
      tpu.enqueue_indirect_dma source(%dma_start3A_13 : memref<8192x128xf32, #tpu.memory_space<hbm>>) target(%arg6 : memref<128x128xf32, #tpu.memory_space<vmem>>) offsets(%dma_start3A_10 : memref<128xi32, #tpu.memory_space<vmem>>) semaphore(%arg8 : memref<!tpu.dma_semaphore, #tpu.memory_space<semaphore_mem>>)
      %dma_wait3A = arith.constant 0 : i32
      %dma_wait3A_14 = tpu.memref_slice %arg5[%scan3A_8, %dma_wait3A] : memref<40x128xi32, #tpu.memory_space<vmem>> -> memref<1x128xi32, #tpu.memory_space<vmem>>
      %dma_wait3A_15 = tpu.memref_squeeze %dma_wait3A_14 : memref<1x128xi32, #tpu.memory_space<vmem>> -> memref<128xi32, #tpu.memory_space<vmem>>
      %dma_wait3A_16 = arith.constant 0 : i32
      %dma_wait3A_17 = arith.constant 0 : i32
      %dma_wait3A_18 = tpu.memref_slice %arg2[%dma_wait3A_16, %dma_wait3A_17] : memref<8192x128xf32, #tpu.memory_space<hbm>> -> memref<8192x128xf32, #tpu.memory_space<hbm>>
      tpu.wait_indirect_dma semaphore(%arg8 : memref<!tpu.dma_semaphore, #tpu.memory_space<semaphore_mem>>) src(%dma_wait3A_18 : memref<8192x128xf32, #tpu.memory_space<hbm>>) dst(%arg6 : memref<128x128xf32, #tpu.memory_space<vmem>>)
      %add3A_19 = arith.addi %mul3A_2, %scan3A_8 : i32
      %mul3A_20 = arith.constant 128 : i32
      %mul3A_21 = arith.muli %add3A_19, %mul3A_20 : i32
      "tpu.region"() ({
        %run_scoped3A = tpu.sem_alloc : memref<!tpu.dma_semaphore, #tpu.memory_space<semaphore_mem>>
        %dma_start3A_22 = arith.constant 0 : i32
        %dma_start3A_23 = tpu.memref_slice %arg4[%mul3A_21, %dma_start3A_22] : memref<163840x128xf32, #tpu.memory_space<hbm>> -> memref<128x128xf32, #tpu.memory_space<hbm>>
        %dma_start3A_24 = arith.constant 0 : i32
        %dma_start3A_25 = tpu.memref_slice %arg4[%mul3A_21, %dma_start3A_24] : memref<163840x128xf32, #tpu.memory_space<hbm>> -> memref<128x128xf32, #tpu.memory_space<hbm>>
        tpu.enqueue_dma source(%arg6 : memref<128x128xf32, #tpu.memory_space<vmem>>) target(%dma_start3A_25 : memref<128x128xf32, #tpu.memory_space<hbm>>) target_semaphore(%run_scoped3A : memref<!tpu.dma_semaphore, #tpu.memory_space<semaphore_mem>>)
        %dma_wait3A_26 = arith.constant 0 : i32
        %dma_wait3A_27 = tpu.memref_slice %arg4[%mul3A_21, %dma_wait3A_26] : memref<163840x128xf32, #tpu.memory_space<hbm>> -> memref<128x128xf32, #tpu.memory_space<hbm>>
        %dma_wait3A_28 = arith.constant 0 : i32
        %dma_wait3A_29 = tpu.memref_slice %arg4[%mul3A_21, %dma_wait3A_28] : memref<163840x128xf32, #tpu.memory_space<hbm>> -> memref<128x128xf32, #tpu.memory_space<hbm>>
        tpu.wait_dma2 semaphore(%run_scoped3A : memref<!tpu.dma_semaphore, #tpu.memory_space<semaphore_mem>>) src(%arg6 : memref<128x128xf32, #tpu.memory_space<vmem>>) dst(%dma_wait3A_29 : memref<128x128xf32, #tpu.memory_space<hbm>>)
        tpu.yield
      }) : () -> ()
    }
    %scan3A_7 = arith.constant 40 : i32
    return
  }
}

#map = affine_map<(d0, d1) -> (0, 0)>
#map1 = affine_map<(d0, d1) -> (0, 0, 0)>
module attributes {stable_mosaic.version = 14 : i64} {
  func.func @gather(%arg0: i32, %arg1: i32, %arg2: memref<8192x128xf32, #tpu.memory_space<hbm>>, %arg3: memref<32x40x128xi32, #tpu.memory_space<hbm>>, %arg4: memref<163840x128xf32, #tpu.memory_space<hbm>>, %arg5: memref<40x128xi32, #tpu.memory_space<vmem>>, %arg6: memref<128x128xf32, #tpu.memory_space<vmem>>, %arg7: memref<128x128xf32, #tpu.memory_space<vmem>>, %arg8: memref<!tpu.dma_semaphore, #tpu.memory_space<semaphore_mem>>) attributes {dimension_semantics = [#tpu.dimension_semantics<core_parallel>, #tpu.dimension_semantics<subcore_parallel>], iteration_bounds = array<i64: 2, 16>, scalar_prefetch = 0 : i64, scratch_operands = 4 : i64, tpu.core_type = #tpu.core_type<sc_vector_subcore>, window_params = [{transform_indices = #map}, {transform_indices = #map1}, {transform_indices = #map}]} {
    %mul3A = arith.constant 2 : i32
    %mul3A_0 = arith.muli %arg1, %mul3A : i32
    %add3A = arith.addi %mul3A_0, %arg0 : i32
    "tpu.region"() ({
      %run_scoped3A = tpu.sem_alloc : memref<!tpu.dma_semaphore, #tpu.memory_space<semaphore_mem>>
      %dma_start3A = arith.constant 0 : i32
      %dma_start3A_8 = arith.constant 0 : i32
      %dma_start3A_9 = tpu.memref_slice %arg3[%add3A, %dma_start3A, %dma_start3A_8] : memref<32x40x128xi32, #tpu.memory_space<hbm>> -> memref<1x40x128xi32, #tpu.memory_space<hbm>>
      %dma_start3A_10 = tpu.memref_squeeze %dma_start3A_9 : memref<1x40x128xi32, #tpu.memory_space<hbm>> -> memref<40x128xi32, #tpu.memory_space<hbm>>
      %dma_start3A_11 = arith.constant 0 : i32
      %dma_start3A_12 = arith.constant 0 : i32
      %dma_start3A_13 = tpu.memref_slice %arg3[%add3A, %dma_start3A_11, %dma_start3A_12] : memref<32x40x128xi32, #tpu.memory_space<hbm>> -> memref<1x40x128xi32, #tpu.memory_space<hbm>>
      %dma_start3A_14 = tpu.memref_squeeze %dma_start3A_13 : memref<1x40x128xi32, #tpu.memory_space<hbm>> -> memref<40x128xi32, #tpu.memory_space<hbm>>
      tpu.enqueue_dma source(%dma_start3A_14 : memref<40x128xi32, #tpu.memory_space<hbm>>) target(%arg5 : memref<40x128xi32, #tpu.memory_space<vmem>>) target_semaphore(%run_scoped3A : memref<!tpu.dma_semaphore, #tpu.memory_space<semaphore_mem>>)
      %dma_wait3A = arith.constant 0 : i32
      %dma_wait3A_15 = arith.constant 0 : i32
      %dma_wait3A_16 = tpu.memref_slice %arg3[%add3A, %dma_wait3A, %dma_wait3A_15] : memref<32x40x128xi32, #tpu.memory_space<hbm>> -> memref<1x40x128xi32, #tpu.memory_space<hbm>>
      %dma_wait3A_17 = tpu.memref_squeeze %dma_wait3A_16 : memref<1x40x128xi32, #tpu.memory_space<hbm>> -> memref<40x128xi32, #tpu.memory_space<hbm>>
      %dma_wait3A_18 = arith.constant 0 : i32
      %dma_wait3A_19 = arith.constant 0 : i32
      %dma_wait3A_20 = tpu.memref_slice %arg3[%add3A, %dma_wait3A_18, %dma_wait3A_19] : memref<32x40x128xi32, #tpu.memory_space<hbm>> -> memref<1x40x128xi32, #tpu.memory_space<hbm>>
      %dma_wait3A_21 = tpu.memref_squeeze %dma_wait3A_20 : memref<1x40x128xi32, #tpu.memory_space<hbm>> -> memref<40x128xi32, #tpu.memory_space<hbm>>
      tpu.wait_dma2 semaphore(%run_scoped3A : memref<!tpu.dma_semaphore, #tpu.memory_space<semaphore_mem>>) src(%dma_wait3A_21 : memref<40x128xi32, #tpu.memory_space<hbm>>) dst(%arg5 : memref<40x128xi32, #tpu.memory_space<vmem>>)
      tpu.yield
    }) : () -> ()
    %mul3A_1 = arith.constant 40 : i32
    %mul3A_2 = arith.muli %add3A, %mul3A_1 : i32
    %scan3A = arith.constant 0 : i32
    %scan3A_3 = arith.constant 0 : i32
    %scan3A_4 = arith.constant 40 : i32
    %scan3A_5 = arith.addi %scan3A_3, %scan3A_4 : i32
    %scan3A_6 = arith.constant 1 : i32
    scf.for %scan3A_8 = %scan3A_3 to %scan3A_5 step %scan3A_6  : i32 {
      %dma_start3A = arith.constant 0 : i32
      %dma_start3A_9 = tpu.memref_slice %arg5[%scan3A_8, %dma_start3A] : memref<40x128xi32, #tpu.memory_space<vmem>> -> memref<1x128xi32, #tpu.memory_space<vmem>>
      %dma_start3A_10 = tpu.memref_squeeze %dma_start3A_9 : memref<1x128xi32, #tpu.memory_space<vmem>> -> memref<128xi32, #tpu.memory_space<vmem>>
      %dma_start3A_11 = arith.constant 0 : i32
      %dma_start3A_12 = arith.constant 0 : i32
      %dma_start3A_13 = tpu.memref_slice %arg2[%dma_start3A_11, %dma_start3A_12] : memref<8192x128xf32, #tpu.memory_space<hbm>> -> memref<8192x128xf32, #tpu.memory_space<hbm>>
      tpu.enqueue_indirect_dma source(%dma_start3A_13 : memref<8192x128xf32, #tpu.memory_space<hbm>>) target(%arg6 : memref<128x128xf32, #tpu.memory_space<vmem>>) offsets(%dma_start3A_10 : memref<128xi32, #tpu.memory_space<vmem>>) semaphore(%arg8 : memref<!tpu.dma_semaphore, #tpu.memory_space<semaphore_mem>>)
      %dma_wait3A = arith.constant 0 : i32
      %dma_wait3A_14 = tpu.memref_slice %arg5[%scan3A_8, %dma_wait3A] : memref<40x128xi32, #tpu.memory_space<vmem>> -> memref<1x128xi32, #tpu.memory_space<vmem>>
      %dma_wait3A_15 = tpu.memref_squeeze %dma_wait3A_14 : memref<1x128xi32, #tpu.memory_space<vmem>> -> memref<128xi32, #tpu.memory_space<vmem>>
      %dma_wait3A_16 = arith.constant 0 : i32
      %dma_wait3A_17 = arith.constant 0 : i32
      %dma_wait3A_18 = tpu.memref_slice %arg2[%dma_wait3A_16, %dma_wait3A_17] : memref<8192x128xf32, #tpu.memory_space<hbm>> -> memref<8192x128xf32, #tpu.memory_space<hbm>>
      tpu.wait_indirect_dma semaphore(%arg8 : memref<!tpu.dma_semaphore, #tpu.memory_space<semaphore_mem>>) src(%dma_wait3A_18 : memref<8192x128xf32, #tpu.memory_space<hbm>>) dst(%arg6 : memref<128x128xf32, #tpu.memory_space<vmem>>)
      %add3A_19 = arith.addi %mul3A_2, %scan3A_8 : i32
      %mul3A_20 = arith.constant 128 : i32
      %mul3A_21 = arith.muli %add3A_19, %mul3A_20 : i32
      "tpu.region"() ({
        %run_scoped3A = tpu.sem_alloc : memref<!tpu.dma_semaphore, #tpu.memory_space<semaphore_mem>>
        %dma_start3A_22 = arith.constant 0 : i32
        %dma_start3A_23 = tpu.memref_slice %arg4[%mul3A_21, %dma_start3A_22] : memref<163840x128xf32, #tpu.memory_space<hbm>> -> memref<128x128xf32, #tpu.memory_space<hbm>>
        %dma_start3A_24 = arith.constant 0 : i32
        %dma_start3A_25 = tpu.memref_slice %arg4[%mul3A_21, %dma_start3A_24] : memref<163840x128xf32, #tpu.memory_space<hbm>> -> memref<128x128xf32, #tpu.memory_space<hbm>>
        tpu.enqueue_dma source(%arg6 : memref<128x128xf32, #tpu.memory_space<vmem>>) target(%dma_start3A_25 : memref<128x128xf32, #tpu.memory_space<hbm>>) target_semaphore(%run_scoped3A : memref<!tpu.dma_semaphore, #tpu.memory_space<semaphore_mem>>)
        %dma_wait3A_26 = arith.constant 0 : i32
        %dma_wait3A_27 = tpu.memref_slice %arg4[%mul3A_21, %dma_wait3A_26] : memref<163840x128xf32, #tpu.memory_space<hbm>> -> memref<128x128xf32, #tpu.memory_space<hbm>>
        %dma_wait3A_28 = arith.constant 0 : i32
        %dma_wait3A_29 = tpu.memref_slice %arg4[%mul3A_21, %dma_wait3A_28] : memref<163840x128xf32, #tpu.memory_space<hbm>> -> memref<128x128xf32, #tpu.memory_space<hbm>>
        tpu.wait_dma2 semaphore(%run_scoped3A : memref<!tpu.dma_semaphore, #tpu.memory_space<semaphore_mem>>) src(%arg6 : memref<128x128xf32, #tpu.memory_space<vmem>>) dst(%dma_wait3A_29 : memref<128x128xf32, #tpu.memory_space<hbm>>)
        tpu.yield
      }) : () -> ()
    }
    %scan3A_7 = arith.constant 40 : i32
    return
  }
}

#map = affine_map<(d0, d1) -> (0, 0)>
#map1 = affine_map<(d0, d1) -> (0, 0, 0)>
module attributes {stable_mosaic.version = 14 : i64} {
  func.func @gather(%arg0: i32, %arg1: i32, %arg2: memref<8192x128xf32, #tpu.memory_space<hbm>>, %arg3: memref<32x40x128xi32, #tpu.memory_space<hbm>>, %arg4: memref<163840x128xf32, #tpu.memory_space<hbm>>, %arg5: memref<40x128xi32, #tpu.memory_space<vmem>>, %arg6: memref<128x128xf32, #tpu.memory_space<vmem>>, %arg7: memref<128x128xf32, #tpu.memory_space<vmem>>, %arg8: memref<!tpu.dma_semaphore, #tpu.memory_space<semaphore_mem>>) attributes {dimension_semantics = [#tpu.dimension_semantics<core_parallel>, #tpu.dimension_semantics<subcore_parallel>], iteration_bounds = array<i64: 2, 16>, scalar_prefetch = 0 : i64, scratch_operands = 4 : i64, tpu.core_type = #tpu.core_type<sc_vector_subcore>, window_params = [{transform_indices = #map}, {transform_indices = #map1}, {transform_indices = #map}]} {
    %mul3A = arith.constant 2 : i32
    %mul3A_0 = arith.muli %arg1, %mul3A : i32
    %add3A = arith.addi %mul3A_0, %arg0 : i32
    "tpu.region"() ({
      %run_scoped3A = tpu.sem_alloc : memref<!tpu.dma_semaphore, #tpu.memory_space<semaphore_mem>>
      %dma_start3A = arith.constant 0 : i32
      %dma_start3A_8 = arith.constant 0 : i32
      %dma_start3A_9 = tpu.memref_slice %arg3[%add3A, %dma_start3A, %dma_start3A_8] : memref<32x40x128xi32, #tpu.memory_space<hbm>> -> memref<1x40x128xi32, #tpu.memory_space<hbm>>
      %dma_start3A_10 = tpu.memref_squeeze %dma_start3A_9 : memref<1x40x128xi32, #tpu.memory_space<hbm>> -> memref<40x128xi32, #tpu.memory_space<hbm>>
      %dma_start3A_11 = arith.constant 0 : i32
      %dma_start3A_12 = arith.constant 0 : i32
      %dma_start3A_13 = tpu.memref_slice %arg3[%add3A, %dma_start3A_11, %dma_start3A_12] : memref<32x40x128xi32, #tpu.memory_space<hbm>> -> memref<1x40x128xi32, #tpu.memory_space<hbm>>
      %dma_start3A_14 = tpu.memref_squeeze %dma_start3A_13 : memref<1x40x128xi32, #tpu.memory_space<hbm>> -> memref<40x128xi32, #tpu.memory_space<hbm>>
      tpu.enqueue_dma source(%dma_start3A_14 : memref<40x128xi32, #tpu.memory_space<hbm>>) target(%arg5 : memref<40x128xi32, #tpu.memory_space<vmem>>) target_semaphore(%run_scoped3A : memref<!tpu.dma_semaphore, #tpu.memory_space<semaphore_mem>>)
      %dma_wait3A = arith.constant 0 : i32
      %dma_wait3A_15 = arith.constant 0 : i32
      %dma_wait3A_16 = tpu.memref_slice %arg3[%add3A, %dma_wait3A, %dma_wait3A_15] : memref<32x40x128xi32, #tpu.memory_space<hbm>> -> memref<1x40x128xi32, #tpu.memory_space<hbm>>
      %dma_wait3A_17 = tpu.memref_squeeze %dma_wait3A_16 : memref<1x40x128xi32, #tpu.memory_space<hbm>> -> memref<40x128xi32, #tpu.memory_space<hbm>>
      %dma_wait3A_18 = arith.constant 0 : i32
      %dma_wait3A_19 = arith.constant 0 : i32
      %dma_wait3A_20 = tpu.memref_slice %arg3[%add3A, %dma_wait3A_18, %dma_wait3A_19] : memref<32x40x128xi32, #tpu.memory_space<hbm>> -> memref<1x40x128xi32, #tpu.memory_space<hbm>>
      %dma_wait3A_21 = tpu.memref_squeeze %dma_wait3A_20 : memref<1x40x128xi32, #tpu.memory_space<hbm>> -> memref<40x128xi32, #tpu.memory_space<hbm>>
      tpu.wait_dma2 semaphore(%run_scoped3A : memref<!tpu.dma_semaphore, #tpu.memory_space<semaphore_mem>>) src(%dma_wait3A_21 : memref<40x128xi32, #tpu.memory_space<hbm>>) dst(%arg5 : memref<40x128xi32, #tpu.memory_space<vmem>>)
      tpu.yield
    }) : () -> ()
    %mul3A_1 = arith.constant 40 : i32
    %mul3A_2 = arith.muli %add3A, %mul3A_1 : i32
    %scan3A = arith.constant 0 : i32
    %scan3A_3 = arith.constant 0 : i32
    %scan3A_4 = arith.constant 40 : i32
    %scan3A_5 = arith.addi %scan3A_3, %scan3A_4 : i32
    %scan3A_6 = arith.constant 1 : i32
    scf.for %scan3A_8 = %scan3A_3 to %scan3A_5 step %scan3A_6  : i32 {
      %dma_start3A = arith.constant 0 : i32
      %dma_start3A_9 = tpu.memref_slice %arg5[%scan3A_8, %dma_start3A] : memref<40x128xi32, #tpu.memory_space<vmem>> -> memref<1x128xi32, #tpu.memory_space<vmem>>
      %dma_start3A_10 = tpu.memref_squeeze %dma_start3A_9 : memref<1x128xi32, #tpu.memory_space<vmem>> -> memref<128xi32, #tpu.memory_space<vmem>>
      %dma_start3A_11 = arith.constant 0 : i32
      %dma_start3A_12 = arith.constant 0 : i32
      %dma_start3A_13 = tpu.memref_slice %arg2[%dma_start3A_11, %dma_start3A_12] : memref<8192x128xf32, #tpu.memory_space<hbm>> -> memref<8192x128xf32, #tpu.memory_space<hbm>>
      tpu.enqueue_indirect_dma source(%dma_start3A_13 : memref<8192x128xf32, #tpu.memory_space<hbm>>) target(%arg6 : memref<128x128xf32, #tpu.memory_space<vmem>>) offsets(%dma_start3A_10 : memref<128xi32, #tpu.memory_space<vmem>>) semaphore(%arg8 : memref<!tpu.dma_semaphore, #tpu.memory_space<semaphore_mem>>)
      %dma_wait3A = arith.constant 0 : i32
      %dma_wait3A_14 = tpu.memref_slice %arg5[%scan3A_8, %dma_wait3A] : memref<40x128xi32, #tpu.memory_space<vmem>> -> memref<1x128xi32, #tpu.memory_space<vmem>>
      %dma_wait3A_15 = tpu.memref_squeeze %dma_wait3A_14 : memref<1x128xi32, #tpu.memory_space<vmem>> -> memref<128xi32, #tpu.memory_space<vmem>>
      %dma_wait3A_16 = arith.constant 0 : i32
      %dma_wait3A_17 = arith.constant 0 : i32
      %dma_wait3A_18 = tpu.memref_slice %arg2[%dma_wait3A_16, %dma_wait3A_17] : memref<8192x128xf32, #tpu.memory_space<hbm>> -> memref<8192x128xf32, #tpu.memory_space<hbm>>
      tpu.wait_indirect_dma semaphore(%arg8 : memref<!tpu.dma_semaphore, #tpu.memory_space<semaphore_mem>>) src(%dma_wait3A_18 : memref<8192x128xf32, #tpu.memory_space<hbm>>) dst(%arg6 : memref<128x128xf32, #tpu.memory_space<vmem>>)
      %add3A_19 = arith.addi %mul3A_2, %scan3A_8 : i32
      %mul3A_20 = arith.constant 128 : i32
      %mul3A_21 = arith.muli %add3A_19, %mul3A_20 : i32
      "tpu.region"() ({
        %run_scoped3A = tpu.sem_alloc : memref<!tpu.dma_semaphore, #tpu.memory_space<semaphore_mem>>
        %dma_start3A_22 = arith.constant 0 : i32
        %dma_start3A_23 = tpu.memref_slice %arg4[%mul3A_21, %dma_start3A_22] : memref<163840x128xf32, #tpu.memory_space<hbm>> -> memref<128x128xf32, #tpu.memory_space<hbm>>
        %dma_start3A_24 = arith.constant 0 : i32
        %dma_start3A_25 = tpu.memref_slice %arg4[%mul3A_21, %dma_start3A_24] : memref<163840x128xf32, #tpu.memory_space<hbm>> -> memref<128x128xf32, #tpu.memory_space<hbm>>
        tpu.enqueue_dma source(%arg6 : memref<128x128xf32, #tpu.memory_space<vmem>>) target(%dma_start3A_25 : memref<128x128xf32, #tpu.memory_space<hbm>>) target_semaphore(%run_scoped3A : memref<!tpu.dma_semaphore, #tpu.memory_space<semaphore_mem>>)
        %dma_wait3A_26 = arith.constant 0 : i32
        %dma_wait3A_27 = tpu.memref_slice %arg4[%mul3A_21, %dma_wait3A_26] : memref<163840x128xf32, #tpu.memory_space<hbm>> -> memref<128x128xf32, #tpu.memory_space<hbm>>
        %dma_wait3A_28 = arith.constant 0 : i32
        %dma_wait3A_29 = tpu.memref_slice %arg4[%mul3A_21, %dma_wait3A_28] : memref<163840x128xf32, #tpu.memory_space<hbm>> -> memref<128x128xf32, #tpu.memory_space<hbm>>
        tpu.wait_dma2 semaphore(%run_scoped3A : memref<!tpu.dma_semaphore, #tpu.memory_space<semaphore_mem>>) src(%arg6 : memref<128x128xf32, #tpu.memory_space<vmem>>) dst(%dma_wait3A_29 : memref<128x128xf32, #tpu.memory_space<hbm>>)
        tpu.yield
      }) : () -> ()
    }
    %scan3A_7 = arith.constant 40 : i32
    return
  }
}

module attributes {stable_mosaic.version = 14 : i64} {
  func.func @_knn_body(%arg0: i32, %arg1: i32, %arg2: memref<1x1024x8xf32, #tpu.memory_space<vmem>>, %arg3: memref<1x256x20xi32, #tpu.memory_space<vmem>>) attributes {dimension_semantics = [#tpu.dimension_semantics<arbitrary>, #tpu.dimension_semantics<arbitrary>], iteration_bounds = array<i64: 8, 4>, scalar_prefetch = 0 : i64, scratch_operands = 0 : i64, tpu.core_type = #tpu.core_type<tc>, window_params = [{transform_indices = @transform_0, window_bounds = array<i64: 1, 1024, 8>}, {transform_indices = @transform_1, window_bounds = array<i64: 1, 256, 20>}]} {
    %get3A = arith.constant 0 : index
    %get3A_0 = arith.constant 0 : index
    %get3A_1 = arith.constant 0 : index
    %get3A_2 = vector.load %arg2[%get3A, %get3A_0, %get3A_1] : memref<1x1024x8xf32, #tpu.memory_space<vmem>>, vector<1x1024x8xf32>
    %get3A_3 = vector.shape_cast %get3A_2 : vector<1x1024x8xf32> to vector<1024x8xf32>
    %mul3A = arith.constant 256 : i32
    %mul3A_4 = arith.muli %arg1, %mul3A : i32
    %get3A_5 = arith.constant 0 : index
    %get3A_6 = arith.index_cast %mul3A_4 : i32 to index
    %get3A_7 = arith.constant 0 : index
    %get3A_8 = vector.load %arg2[%get3A_5, %get3A_6, %get3A_7] : memref<1x1024x8xf32, #tpu.memory_space<vmem>>, vector<1x256x8xf32>
    %get3A_9 = vector.shape_cast %get3A_8 : vector<1x256x8xf32> to vector<256x8xf32>
    %mul3A_10 = arith.mulf %get3A_3, %get3A_3 : vector<1024x8xf32>
    %reduce_sum3A = arith.constant dense<0.000000e+00> : vector<1024xf32>
    %reduce_sum3A_11 = vector.multi_reduction <add>, %mul3A_10, %reduce_sum3A [1] : vector<1024x8xf32> to vector<1024xf32>
    %mul3A_12 = arith.mulf %get3A_9, %get3A_9 : vector<256x8xf32>
    %reduce_sum3A_13 = arith.constant dense<0.000000e+00> : vector<256xf32>
    %reduce_sum3A_14 = vector.multi_reduction <add>, %mul3A_12, %reduce_sum3A_13 [1] : vector<256x8xf32> to vector<256xf32>
    %convert_element_type3A = arith.truncf %get3A_9 : vector<256x8xf32> to vector<256x8xbf16>
    %convert_element_type3A_15 = arith.truncf %get3A_3 : vector<1024x8xf32> to vector<1024x8xbf16>
    %dot_general3A = arith.constant dense<0.000000e+00> : vector<256x1024xf32>
    %dot_general3A_16 = tpu.matmul %convert_element_type3A, %convert_element_type3A_15, %dot_general3A {dimension_numbers = #tpu.dot_dimension_numbers<[1], [1], [0], [0], [0, 0, 1, 0], [], []>, transpose_lhs_hint = false} : vector<256x8xbf16>, vector<1024x8xbf16>, vector<256x1024xf32> -> vector<256x1024xf32>
    %mul3A_17 = arith.constant -2.000000e+00 : f32
    %mul3A_18 = vector.broadcast %mul3A_17 : f32 to vector<256x1024xf32>
    %mul3A_19 = arith.mulf %mul3A_18, %dot_general3A_16 : vector<256x1024xf32>
    %broadcast_in_dim3A = vector.shape_cast %reduce_sum3A_14 : vector<256xf32> to vector<256x1xf32>
    %neg3A = arith.constant 0.000000e+00 : f32
    %neg3A_20 = vector.broadcast %neg3A : f32 to vector<256x1xf32>
    %neg3A_21 = arith.subf %neg3A_20, %broadcast_in_dim3A : vector<256x1xf32>
    %sub3A = vector.broadcast %neg3A_21 : vector<256x1xf32> to vector<256x1024xf32>
    %sub3A_22 = arith.subf %sub3A, %mul3A_19 : vector<256x1024xf32>
    %broadcast_in_dim3A_23 = vector.shape_cast %reduce_sum3A_11 : vector<1024xf32> to vector<1x1024xf32>
    %sub3A_24 = vector.broadcast %broadcast_in_dim3A_23 : vector<1x1024xf32> to vector<256x1024xf32>
    %sub3A_25 = arith.subf %sub3A_22, %sub3A_24 : vector<256x1024xf32>
    %iota3A = tpu.iota {dimensions = array<i32: 1>} : vector<256x1024xi32>
    %reduce_max3A = arith.constant dense<0xFF800000> : vector<256xf32>
    %reduce_max3A_26 = vector.multi_reduction <maximumf>, %sub3A_25, %reduce_max3A [1] : vector<256x1024xf32> to vector<256xf32>
    %broadcast_in_dim3A_27 = vector.shape_cast %reduce_max3A_26 : vector<256xf32> to vector<256x1xf32>
    %eq3A = vector.broadcast %broadcast_in_dim3A_27 : vector<256x1xf32> to vector<256x1024xf32>
    %eq3A_28 = arith.cmpf oeq, %sub3A_25, %eq3A : vector<256x1024xf32>
    %jit3A = arith.constant 1024 : i32
    %broadcast_in_dim3A_29 = vector.broadcast %jit3A : i32 to vector<256x1024xi32>
    %select_n3A = arith.select %eq3A_28, %iota3A, %broadcast_in_dim3A_29 : vector<256x1024xi1>, vector<256x1024xi32>
    %reduce_min3A = arith.constant dense<2147483647> : vector<256xi32>
    %reduce_min3A_30 = vector.multi_reduction <minsi>, %select_n3A, %reduce_min3A [1] : vector<256x1024xi32> to vector<256xi32>
    %broadcast_in_dim3A_31 = vector.shape_cast %reduce_min3A_30 : vector<256xi32> to vector<256x1xi32>
    %eq3A_32 = vector.broadcast %broadcast_in_dim3A_31 : vector<256x1xi32> to vector<256x1024xi32>
    %eq3A_33 = arith.cmpi eq, %iota3A, %eq3A_32 : vector<256x1024xi32>
    %jit3A_34 = arith.constant -3.400000e+38 : f32
    %broadcast_in_dim3A_35 = vector.broadcast %jit3A_34 : f32 to vector<256x1024xf32>
    %select_n3A_36 = arith.select %eq3A_33, %broadcast_in_dim3A_35, %sub3A_25 : vector<256x1024xi1>, vector<256x1024xf32>
    %reduce_max3A_37 = arith.constant dense<0xFF800000> : vector<256xf32>
    %reduce_max3A_38 = vector.multi_reduction <maximumf>, %select_n3A_36, %reduce_max3A_37 [1] : vector<256x1024xf32> to vector<256xf32>
    %broadcast_in_dim3A_39 = vector.shape_cast %reduce_max3A_38 : vector<256xf32> to vector<256x1xf32>
    %eq3A_40 = vector.broadcast %broadcast_in_dim3A_39 : vector<256x1xf32> to vector<256x1024xf32>
    %eq3A_41 = arith.cmpf oeq, %select_n3A_36, %eq3A_40 : vector<256x1024xf32>
    %jit3A_42 = arith.constant 1024 : i32
    %broadcast_in_dim3A_43 = vector.broadcast %jit3A_42 : i32 to vector<256x1024xi32>
    %select_n3A_44 = arith.select %eq3A_41, %iota3A, %broadcast_in_dim3A_43 : vector<256x1024xi1>, vector<256x1024xi32>
    %reduce_min3A_45 = arith.constant dense<2147483647> : vector<256xi32>
    %reduce_min3A_46 = vector.multi_reduction <minsi>, %select_n3A_44, %reduce_min3A_45 [1] : vector<256x1024xi32> to vector<256xi32>
    %broadcast_in_dim3A_47 = vector.shape_cast %reduce_min3A_46 : vector<256xi32> to vector<256x1xi32>
    %eq3A_48 = vector.broadcast %broadcast_in_dim3A_47 : vector<256x1xi32> to vector<256x1024xi32>
    %eq3A_49 = arith.cmpi eq, %iota3A, %eq3A_48 : vector<256x1024xi32>
    %jit3A_50 = arith.constant -3.400000e+38 : f32
    %broadcast_in_dim3A_51 = vector.broadcast %jit3A_50 : f32 to vector<256x1024xf32>
    %select_n3A_52 = arith.select %eq3A_49, %broadcast_in_dim3A_51, %select_n3A_36 : vector<256x1024xi1>, vector<256x1024xf32>
    %reduce_max3A_53 = arith.constant dense<0xFF800000> : vector<256xf32>
    %reduce_max3A_54 = vector.multi_reduction <maximumf>, %select_n3A_52, %reduce_max3A_53 [1] : vector<256x1024xf32> to vector<256xf32>
    %broadcast_in_dim3A_55 = vector.shape_cast %reduce_max3A_54 : vector<256xf32> to vector<256x1xf32>
    %eq3A_56 = vector.broadcast %broadcast_in_dim3A_55 : vector<256x1xf32> to vector<256x1024xf32>
    %eq3A_57 = arith.cmpf oeq, %select_n3A_52, %eq3A_56 : vector<256x1024xf32>
    %jit3A_58 = arith.constant 1024 : i32
    %broadcast_in_dim3A_59 = vector.broadcast %jit3A_58 : i32 to vector<256x1024xi32>
    %select_n3A_60 = arith.select %eq3A_57, %iota3A, %broadcast_in_dim3A_59 : vector<256x1024xi1>, vector<256x1024xi32>
    %reduce_min3A_61 = arith.constant dense<2147483647> : vector<256xi32>
    %reduce_min3A_62 = vector.multi_reduction <minsi>, %select_n3A_60, %reduce_min3A_61 [1] : vector<256x1024xi32> to vector<256xi32>
    %broadcast_in_dim3A_63 = vector.shape_cast %reduce_min3A_62 : vector<256xi32> to vector<256x1xi32>
    %eq3A_64 = vector.broadcast %broadcast_in_dim3A_63 : vector<256x1xi32> to vector<256x1024xi32>
    %eq3A_65 = arith.cmpi eq, %iota3A, %eq3A_64 : vector<256x1024xi32>
    %jit3A_66 = arith.constant -3.400000e+38 : f32
    %broadcast_in_dim3A_67 = vector.broadcast %jit3A_66 : f32 to vector<256x1024xf32>
    %select_n3A_68 = arith.select %eq3A_65, %broadcast_in_dim3A_67, %select_n3A_52 : vector<256x1024xi1>, vector<256x1024xf32>
    %reduce_max3A_69 = arith.constant dense<0xFF800000> : vector<256xf32>
    %reduce_max3A_70 = vector.multi_reduction <maximumf>, %select_n3A_68, %reduce_max3A_69 [1] : vector<256x1024xf32> to vector<256xf32>
    %broadcast_in_dim3A_71 = vector.shape_cast %reduce_max3A_70 : vector<256xf32> to vector<256x1xf32>
    %eq3A_72 = vector.broadcast %broadcast_in_dim3A_71 : vector<256x1xf32> to vector<256x1024xf32>
    %eq3A_73 = arith.cmpf oeq, %select_n3A_68, %eq3A_72 : vector<256x1024xf32>
    %jit3A_74 = arith.constant 1024 : i32
    %broadcast_in_dim3A_75 = vector.broadcast %jit3A_74 : i32 to vector<256x1024xi32>
    %select_n3A_76 = arith.select %eq3A_73, %iota3A, %broadcast_in_dim3A_75 : vector<256x1024xi1>, vector<256x1024xi32>
    %reduce_min3A_77 = arith.constant dense<2147483647> : vector<256xi32>
    %reduce_min3A_78 = vector.multi_reduction <minsi>, %select_n3A_76, %reduce_min3A_77 [1] : vector<256x1024xi32> to vector<256xi32>
    %broadcast_in_dim3A_79 = vector.shape_cast %reduce_min3A_78 : vector<256xi32> to vector<256x1xi32>
    %eq3A_80 = vector.broadcast %broadcast_in_dim3A_79 : vector<256x1xi32> to vector<256x1024xi32>
    %eq3A_81 = arith.cmpi eq, %iota3A, %eq3A_80 : vector<256x1024xi32>
    %jit3A_82 = arith.constant -3.400000e+38 : f32
    %broadcast_in_dim3A_83 = vector.broadcast %jit3A_82 : f32 to vector<256x1024xf32>
    %select_n3A_84 = arith.select %eq3A_81, %broadcast_in_dim3A_83, %select_n3A_68 : vector<256x1024xi1>, vector<256x1024xf32>
    %reduce_max3A_85 = arith.constant dense<0xFF800000> : vector<256xf32>
    %reduce_max3A_86 = vector.multi_reduction <maximumf>, %select_n3A_84, %reduce_max3A_85 [1] : vector<256x1024xf32> to vector<256xf32>
    %broadcast_in_dim3A_87 = vector.shape_cast %reduce_max3A_86 : vector<256xf32> to vector<256x1xf32>
    %eq3A_88 = vector.broadcast %broadcast_in_dim3A_87 : vector<256x1xf32> to vector<256x1024xf32>
    %eq3A_89 = arith.cmpf oeq, %select_n3A_84, %eq3A_88 : vector<256x1024xf32>
    %jit3A_90 = arith.constant 1024 : i32
    %broadcast_in_dim3A_91 = vector.broadcast %jit3A_90 : i32 to vector<256x1024xi32>
    %select_n3A_92 = arith.select %eq3A_89, %iota3A, %broadcast_in_dim3A_91 : vector<256x1024xi1>, vector<256x1024xi32>
    %reduce_min3A_93 = arith.constant dense<2147483647> : vector<256xi32>
    %reduce_min3A_94 = vector.multi_reduction <minsi>, %select_n3A_92, %reduce_min3A_93 [1] : vector<256x1024xi32> to vector<256xi32>
    %broadcast_in_dim3A_95 = vector.shape_cast %reduce_min3A_94 : vector<256xi32> to vector<256x1xi32>
    %eq3A_96 = vector.broadcast %broadcast_in_dim3A_95 : vector<256x1xi32> to vector<256x1024xi32>
    %eq3A_97 = arith.cmpi eq, %iota3A, %eq3A_96 : vector<256x1024xi32>
    %jit3A_98 = arith.constant -3.400000e+38 : f32
    %broadcast_in_dim3A_99 = vector.broadcast %jit3A_98 : f32 to vector<256x1024xf32>
    %select_n3A_100 = arith.select %eq3A_97, %broadcast_in_dim3A_99, %select_n3A_84 : vector<256x1024xi1>, vector<256x1024xf32>
    %reduce_max3A_101 = arith.constant dense<0xFF800000> : vector<256xf32>
    %reduce_max3A_102 = vector.multi_reduction <maximumf>, %select_n3A_100, %reduce_max3A_101 [1] : vector<256x1024xf32> to vector<256xf32>
    %broadcast_in_dim3A_103 = vector.shape_cast %reduce_max3A_102 : vector<256xf32> to vector<256x1xf32>
    %eq3A_104 = vector.broadcast %broadcast_in_dim3A_103 : vector<256x1xf32> to vector<256x1024xf32>
    %eq3A_105 = arith.cmpf oeq, %select_n3A_100, %eq3A_104 : vector<256x1024xf32>
    %jit3A_106 = arith.constant 1024 : i32
    %broadcast_in_dim3A_107 = vector.broadcast %jit3A_106 : i32 to vector<256x1024xi32>
    %select_n3A_108 = arith.select %eq3A_105, %iota3A, %broadcast_in_dim3A_107 : vector<256x1024xi1>, vector<256x1024xi32>
    %reduce_min3A_109 = arith.constant dense<2147483647> : vector<256xi32>
    %reduce_min3A_110 = vector.multi_reduction <minsi>, %select_n3A_108, %reduce_min3A_109 [1] : vector<256x1024xi32> to vector<256xi32>
    %broadcast_in_dim3A_111 = vector.shape_cast %reduce_min3A_110 : vector<256xi32> to vector<256x1xi32>
    %eq3A_112 = vector.broadcast %broadcast_in_dim3A_111 : vector<256x1xi32> to vector<256x1024xi32>
    %eq3A_113 = arith.cmpi eq, %iota3A, %eq3A_112 : vector<256x1024xi32>
    %jit3A_114 = arith.constant -3.400000e+38 : f32
    %broadcast_in_dim3A_115 = vector.broadcast %jit3A_114 : f32 to vector<256x1024xf32>
    %select_n3A_116 = arith.select %eq3A_113, %broadcast_in_dim3A_115, %select_n3A_100 : vector<256x1024xi1>, vector<256x1024xf32>
    %reduce_max3A_117 = arith.constant dense<0xFF800000> : vector<256xf32>
    %reduce_max3A_118 = vector.multi_reduction <maximumf>, %select_n3A_116, %reduce_max3A_117 [1] : vector<256x1024xf32> to vector<256xf32>
    %broadcast_in_dim3A_119 = vector.shape_cast %reduce_max3A_118 : vector<256xf32> to vector<256x1xf32>
    %eq3A_120 = vector.broadcast %broadcast_in_dim3A_119 : vector<256x1xf32> to vector<256x1024xf32>
    %eq3A_121 = arith.cmpf oeq, %select_n3A_116, %eq3A_120 : vector<256x1024xf32>
    %jit3A_122 = arith.constant 1024 : i32
    %broadcast_in_dim3A_123 = vector.broadcast %jit3A_122 : i32 to vector<256x1024xi32>
    %select_n3A_124 = arith.select %eq3A_121, %iota3A, %broadcast_in_dim3A_123 : vector<256x1024xi1>, vector<256x1024xi32>
    %reduce_min3A_125 = arith.constant dense<2147483647> : vector<256xi32>
    %reduce_min3A_126 = vector.multi_reduction <minsi>, %select_n3A_124, %reduce_min3A_125 [1] : vector<256x1024xi32> to vector<256xi32>
    %broadcast_in_dim3A_127 = vector.shape_cast %reduce_min3A_126 : vector<256xi32> to vector<256x1xi32>
    %eq3A_128 = vector.broadcast %broadcast_in_dim3A_127 : vector<256x1xi32> to vector<256x1024xi32>
    %eq3A_129 = arith.cmpi eq, %iota3A, %eq3A_128 : vector<256x1024xi32>
    %jit3A_130 = arith.constant -3.400000e+38 : f32
    %broadcast_in_dim3A_131 = vector.broadcast %jit3A_130 : f32 to vector<256x1024xf32>
    %select_n3A_132 = arith.select %eq3A_129, %broadcast_in_dim3A_131, %select_n3A_116 : vector<256x1024xi1>, vector<256x1024xf32>
    %reduce_max3A_133 = arith.constant dense<0xFF800000> : vector<256xf32>
    %reduce_max3A_134 = vector.multi_reduction <maximumf>, %select_n3A_132, %reduce_max3A_133 [1] : vector<256x1024xf32> to vector<256xf32>
    %broadcast_in_dim3A_135 = vector.shape_cast %reduce_max3A_134 : vector<256xf32> to vector<256x1xf32>
    %eq3A_136 = vector.broadcast %broadcast_in_dim3A_135 : vector<256x1xf32> to vector<256x1024xf32>
    %eq3A_137 = arith.cmpf oeq, %select_n3A_132, %eq3A_136 : vector<256x1024xf32>
    %jit3A_138 = arith.constant 1024 : i32
    %broadcast_in_dim3A_139 = vector.broadcast %jit3A_138 : i32 to vector<256x1024xi32>
    %select_n3A_140 = arith.select %eq3A_137, %iota3A, %broadcast_in_dim3A_139 : vector<256x1024xi1>, vector<256x1024xi32>
    %reduce_min3A_141 = arith.constant dense<2147483647> : vector<256xi32>
    %reduce_min3A_142 = vector.multi_reduction <minsi>, %select_n3A_140, %reduce_min3A_141 [1] : vector<256x1024xi32> to vector<256xi32>
    %broadcast_in_dim3A_143 = vector.shape_cast %reduce_min3A_142 : vector<256xi32> to vector<256x1xi32>
    %eq3A_144 = vector.broadcast %broadcast_in_dim3A_143 : vector<256x1xi32> to vector<256x1024xi32>
    %eq3A_145 = arith.cmpi eq, %iota3A, %eq3A_144 : vector<256x1024xi32>
    %jit3A_146 = arith.constant -3.400000e+38 : f32
    %broadcast_in_dim3A_147 = vector.broadcast %jit3A_146 : f32 to vector<256x1024xf32>
    %select_n3A_148 = arith.select %eq3A_145, %broadcast_in_dim3A_147, %select_n3A_132 : vector<256x1024xi1>, vector<256x1024xf32>
    %reduce_max3A_149 = arith.constant dense<0xFF800000> : vector<256xf32>
    %reduce_max3A_150 = vector.multi_reduction <maximumf>, %select_n3A_148, %reduce_max3A_149 [1] : vector<256x1024xf32> to vector<256xf32>
    %broadcast_in_dim3A_151 = vector.shape_cast %reduce_max3A_150 : vector<256xf32> to vector<256x1xf32>
    %eq3A_152 = vector.broadcast %broadcast_in_dim3A_151 : vector<256x1xf32> to vector<256x1024xf32>
    %eq3A_153 = arith.cmpf oeq, %select_n3A_148, %eq3A_152 : vector<256x1024xf32>
    %jit3A_154 = arith.constant 1024 : i32
    %broadcast_in_dim3A_155 = vector.broadcast %jit3A_154 : i32 to vector<256x1024xi32>
    %select_n3A_156 = arith.select %eq3A_153, %iota3A, %broadcast_in_dim3A_155 : vector<256x1024xi1>, vector<256x1024xi32>
    %reduce_min3A_157 = arith.constant dense<2147483647> : vector<256xi32>
    %reduce_min3A_158 = vector.multi_reduction <minsi>, %select_n3A_156, %reduce_min3A_157 [1] : vector<256x1024xi32> to vector<256xi32>
    %broadcast_in_dim3A_159 = vector.shape_cast %reduce_min3A_158 : vector<256xi32> to vector<256x1xi32>
    %eq3A_160 = vector.broadcast %broadcast_in_dim3A_159 : vector<256x1xi32> to vector<256x1024xi32>
    %eq3A_161 = arith.cmpi eq, %iota3A, %eq3A_160 : vector<256x1024xi32>
    %jit3A_162 = arith.constant -3.400000e+38 : f32
    %broadcast_in_dim3A_163 = vector.broadcast %jit3A_162 : f32 to vector<256x1024xf32>
    %select_n3A_164 = arith.select %eq3A_161, %broadcast_in_dim3A_163, %select_n3A_148 : vector<256x1024xi1>, vector<256x1024xf32>
    %reduce_max3A_165 = arith.constant dense<0xFF800000> : vector<256xf32>
    %reduce_max3A_166 = vector.multi_reduction <maximumf>, %select_n3A_164, %reduce_max3A_165 [1] : vector<256x1024xf32> to vector<256xf32>
    %broadcast_in_dim3A_167 = vector.shape_cast %reduce_max3A_166 : vector<256xf32> to vector<256x1xf32>
    %eq3A_168 = vector.broadcast %broadcast_in_dim3A_167 : vector<256x1xf32> to vector<256x1024xf32>
    %eq3A_169 = arith.cmpf oeq, %select_n3A_164, %eq3A_168 : vector<256x1024xf32>
    %jit3A_170 = arith.constant 1024 : i32
    %broadcast_in_dim3A_171 = vector.broadcast %jit3A_170 : i32 to vector<256x1024xi32>
    %select_n3A_172 = arith.select %eq3A_169, %iota3A, %broadcast_in_dim3A_171 : vector<256x1024xi1>, vector<256x1024xi32>
    %reduce_min3A_173 = arith.constant dense<2147483647> : vector<256xi32>
    %reduce_min3A_174 = vector.multi_reduction <minsi>, %select_n3A_172, %reduce_min3A_173 [1] : vector<256x1024xi32> to vector<256xi32>
    %broadcast_in_dim3A_175 = vector.shape_cast %reduce_min3A_174 : vector<256xi32> to vector<256x1xi32>
    %eq3A_176 = vector.broadcast %broadcast_in_dim3A_175 : vector<256x1xi32> to vector<256x1024xi32>
    %eq3A_177 = arith.cmpi eq, %iota3A, %eq3A_176 : vector<256x1024xi32>
    %jit3A_178 = arith.constant -3.400000e+38 : f32
    %broadcast_in_dim3A_179 = vector.broadcast %jit3A_178 : f32 to vector<256x1024xf32>
    %select_n3A_180 = arith.select %eq3A_177, %broadcast_in_dim3A_179, %select_n3A_164 : vector<256x1024xi1>, vector<256x1024xf32>
    %reduce_max3A_181 = arith.constant dense<0xFF800000> : vector<256xf32>
    %reduce_max3A_182 = vector.multi_reduction <maximumf>, %select_n3A_180, %reduce_max3A_181 [1] : vector<256x1024xf32> to vector<256xf32>
    %broadcast_in_dim3A_183 = vector.shape_cast %reduce_max3A_182 : vector<256xf32> to vector<256x1xf32>
    %eq3A_184 = vector.broadcast %broadcast_in_dim3A_183 : vector<256x1xf32> to vector<256x1024xf32>
    %eq3A_185 = arith.cmpf oeq, %select_n3A_180, %eq3A_184 : vector<256x1024xf32>
    %jit3A_186 = arith.constant 1024 : i32
    %broadcast_in_dim3A_187 = vector.broadcast %jit3A_186 : i32 to vector<256x1024xi32>
    %select_n3A_188 = arith.select %eq3A_185, %iota3A, %broadcast_in_dim3A_187 : vector<256x1024xi1>, vector<256x1024xi32>
    %reduce_min3A_189 = arith.constant dense<2147483647> : vector<256xi32>
    %reduce_min3A_190 = vector.multi_reduction <minsi>, %select_n3A_188, %reduce_min3A_189 [1] : vector<256x1024xi32> to vector<256xi32>
    %broadcast_in_dim3A_191 = vector.shape_cast %reduce_min3A_190 : vector<256xi32> to vector<256x1xi32>
    %eq3A_192 = vector.broadcast %broadcast_in_dim3A_191 : vector<256x1xi32> to vector<256x1024xi32>
    %eq3A_193 = arith.cmpi eq, %iota3A, %eq3A_192 : vector<256x1024xi32>
    %jit3A_194 = arith.constant -3.400000e+38 : f32
    %broadcast_in_dim3A_195 = vector.broadcast %jit3A_194 : f32 to vector<256x1024xf32>
    %select_n3A_196 = arith.select %eq3A_193, %broadcast_in_dim3A_195, %select_n3A_180 : vector<256x1024xi1>, vector<256x1024xf32>
    %reduce_max3A_197 = arith.constant dense<0xFF800000> : vector<256xf32>
    %reduce_max3A_198 = vector.multi_reduction <maximumf>, %select_n3A_196, %reduce_max3A_197 [1] : vector<256x1024xf32> to vector<256xf32>
    %broadcast_in_dim3A_199 = vector.shape_cast %reduce_max3A_198 : vector<256xf32> to vector<256x1xf32>
    %eq3A_200 = vector.broadcast %broadcast_in_dim3A_199 : vector<256x1xf32> to vector<256x1024xf32>
    %eq3A_201 = arith.cmpf oeq, %select_n3A_196, %eq3A_200 : vector<256x1024xf32>
    %jit3A_202 = arith.constant 1024 : i32
    %broadcast_in_dim3A_203 = vector.broadcast %jit3A_202 : i32 to vector<256x1024xi32>
    %select_n3A_204 = arith.select %eq3A_201, %iota3A, %broadcast_in_dim3A_203 : vector<256x1024xi1>, vector<256x1024xi32>
    %reduce_min3A_205 = arith.constant dense<2147483647> : vector<256xi32>
    %reduce_min3A_206 = vector.multi_reduction <minsi>, %select_n3A_204, %reduce_min3A_205 [1] : vector<256x1024xi32> to vector<256xi32>
    %broadcast_in_dim3A_207 = vector.shape_cast %reduce_min3A_206 : vector<256xi32> to vector<256x1xi32>
    %eq3A_208 = vector.broadcast %broadcast_in_dim3A_207 : vector<256x1xi32> to vector<256x1024xi32>
    %eq3A_209 = arith.cmpi eq, %iota3A, %eq3A_208 : vector<256x1024xi32>
    %jit3A_210 = arith.constant -3.400000e+38 : f32
    %broadcast_in_dim3A_211 = vector.broadcast %jit3A_210 : f32 to vector<256x1024xf32>
    %select_n3A_212 = arith.select %eq3A_209, %broadcast_in_dim3A_211, %select_n3A_196 : vector<256x1024xi1>, vector<256x1024xf32>
    %reduce_max3A_213 = arith.constant dense<0xFF800000> : vector<256xf32>
    %reduce_max3A_214 = vector.multi_reduction <maximumf>, %select_n3A_212, %reduce_max3A_213 [1] : vector<256x1024xf32> to vector<256xf32>
    %broadcast_in_dim3A_215 = vector.shape_cast %reduce_max3A_214 : vector<256xf32> to vector<256x1xf32>
    %eq3A_216 = vector.broadcast %broadcast_in_dim3A_215 : vector<256x1xf32> to vector<256x1024xf32>
    %eq3A_217 = arith.cmpf oeq, %select_n3A_212, %eq3A_216 : vector<256x1024xf32>
    %jit3A_218 = arith.constant 1024 : i32
    %broadcast_in_dim3A_219 = vector.broadcast %jit3A_218 : i32 to vector<256x1024xi32>
    %select_n3A_220 = arith.select %eq3A_217, %iota3A, %broadcast_in_dim3A_219 : vector<256x1024xi1>, vector<256x1024xi32>
    %reduce_min3A_221 = arith.constant dense<2147483647> : vector<256xi32>
    %reduce_min3A_222 = vector.multi_reduction <minsi>, %select_n3A_220, %reduce_min3A_221 [1] : vector<256x1024xi32> to vector<256xi32>
    %broadcast_in_dim3A_223 = vector.shape_cast %reduce_min3A_222 : vector<256xi32> to vector<256x1xi32>
    %eq3A_224 = vector.broadcast %broadcast_in_dim3A_223 : vector<256x1xi32> to vector<256x1024xi32>
    %eq3A_225 = arith.cmpi eq, %iota3A, %eq3A_224 : vector<256x1024xi32>
    %jit3A_226 = arith.constant -3.400000e+38 : f32
    %broadcast_in_dim3A_227 = vector.broadcast %jit3A_226 : f32 to vector<256x1024xf32>
    %select_n3A_228 = arith.select %eq3A_225, %broadcast_in_dim3A_227, %select_n3A_212 : vector<256x1024xi1>, vector<256x1024xf32>
    %reduce_max3A_229 = arith.constant dense<0xFF800000> : vector<256xf32>
    %reduce_max3A_230 = vector.multi_reduction <maximumf>, %select_n3A_228, %reduce_max3A_229 [1] : vector<256x1024xf32> to vector<256xf32>
    %broadcast_in_dim3A_231 = vector.shape_cast %reduce_max3A_230 : vector<256xf32> to vector<256x1xf32>
    %eq3A_232 = vector.broadcast %broadcast_in_dim3A_231 : vector<256x1xf32> to vector<256x1024xf32>
    %eq3A_233 = arith.cmpf oeq, %select_n3A_228, %eq3A_232 : vector<256x1024xf32>
    %jit3A_234 = arith.constant 1024 : i32
    %broadcast_in_dim3A_235 = vector.broadcast %jit3A_234 : i32 to vector<256x1024xi32>
    %select_n3A_236 = arith.select %eq3A_233, %iota3A, %broadcast_in_dim3A_235 : vector<256x1024xi1>, vector<256x1024xi32>
    %reduce_min3A_237 = arith.constant dense<2147483647> : vector<256xi32>
    %reduce_min3A_238 = vector.multi_reduction <minsi>, %select_n3A_236, %reduce_min3A_237 [1] : vector<256x1024xi32> to vector<256xi32>
    %broadcast_in_dim3A_239 = vector.shape_cast %reduce_min3A_238 : vector<256xi32> to vector<256x1xi32>
    %eq3A_240 = vector.broadcast %broadcast_in_dim3A_239 : vector<256x1xi32> to vector<256x1024xi32>
    %eq3A_241 = arith.cmpi eq, %iota3A, %eq3A_240 : vector<256x1024xi32>
    %jit3A_242 = arith.constant -3.400000e+38 : f32
    %broadcast_in_dim3A_243 = vector.broadcast %jit3A_242 : f32 to vector<256x1024xf32>
    %select_n3A_244 = arith.select %eq3A_241, %broadcast_in_dim3A_243, %select_n3A_228 : vector<256x1024xi1>, vector<256x1024xf32>
    %reduce_max3A_245 = arith.constant dense<0xFF800000> : vector<256xf32>
    %reduce_max3A_246 = vector.multi_reduction <maximumf>, %select_n3A_244, %reduce_max3A_245 [1] : vector<256x1024xf32> to vector<256xf32>
    %broadcast_in_dim3A_247 = vector.shape_cast %reduce_max3A_246 : vector<256xf32> to vector<256x1xf32>
    %eq3A_248 = vector.broadcast %broadcast_in_dim3A_247 : vector<256x1xf32> to vector<256x1024xf32>
    %eq3A_249 = arith.cmpf oeq, %select_n3A_244, %eq3A_248 : vector<256x1024xf32>
    %jit3A_250 = arith.constant 1024 : i32
    %broadcast_in_dim3A_251 = vector.broadcast %jit3A_250 : i32 to vector<256x1024xi32>
    %select_n3A_252 = arith.select %eq3A_249, %iota3A, %broadcast_in_dim3A_251 : vector<256x1024xi1>, vector<256x1024xi32>
    %reduce_min3A_253 = arith.constant dense<2147483647> : vector<256xi32>
    %reduce_min3A_254 = vector.multi_reduction <minsi>, %select_n3A_252, %reduce_min3A_253 [1] : vector<256x1024xi32> to vector<256xi32>
    %broadcast_in_dim3A_255 = vector.shape_cast %reduce_min3A_254 : vector<256xi32> to vector<256x1xi32>
    %eq3A_256 = vector.broadcast %broadcast_in_dim3A_255 : vector<256x1xi32> to vector<256x1024xi32>
    %eq3A_257 = arith.cmpi eq, %iota3A, %eq3A_256 : vector<256x1024xi32>
    %jit3A_258 = arith.constant -3.400000e+38 : f32
    %broadcast_in_dim3A_259 = vector.broadcast %jit3A_258 : f32 to vector<256x1024xf32>
    %select_n3A_260 = arith.select %eq3A_257, %broadcast_in_dim3A_259, %select_n3A_244 : vector<256x1024xi1>, vector<256x1024xf32>
    %reduce_max3A_261 = arith.constant dense<0xFF800000> : vector<256xf32>
    %reduce_max3A_262 = vector.multi_reduction <maximumf>, %select_n3A_260, %reduce_max3A_261 [1] : vector<256x1024xf32> to vector<256xf32>
    %broadcast_in_dim3A_263 = vector.shape_cast %reduce_max3A_262 : vector<256xf32> to vector<256x1xf32>
    %eq3A_264 = vector.broadcast %broadcast_in_dim3A_263 : vector<256x1xf32> to vector<256x1024xf32>
    %eq3A_265 = arith.cmpf oeq, %select_n3A_260, %eq3A_264 : vector<256x1024xf32>
    %jit3A_266 = arith.constant 1024 : i32
    %broadcast_in_dim3A_267 = vector.broadcast %jit3A_266 : i32 to vector<256x1024xi32>
    %select_n3A_268 = arith.select %eq3A_265, %iota3A, %broadcast_in_dim3A_267 : vector<256x1024xi1>, vector<256x1024xi32>
    %reduce_min3A_269 = arith.constant dense<2147483647> : vector<256xi32>
    %reduce_min3A_270 = vector.multi_reduction <minsi>, %select_n3A_268, %reduce_min3A_269 [1] : vector<256x1024xi32> to vector<256xi32>
    %broadcast_in_dim3A_271 = vector.shape_cast %reduce_min3A_270 : vector<256xi32> to vector<256x1xi32>
    %eq3A_272 = vector.broadcast %broadcast_in_dim3A_271 : vector<256x1xi32> to vector<256x1024xi32>
    %eq3A_273 = arith.cmpi eq, %iota3A, %eq3A_272 : vector<256x1024xi32>
    %jit3A_274 = arith.constant -3.400000e+38 : f32
    %broadcast_in_dim3A_275 = vector.broadcast %jit3A_274 : f32 to vector<256x1024xf32>
    %select_n3A_276 = arith.select %eq3A_273, %broadcast_in_dim3A_275, %select_n3A_260 : vector<256x1024xi1>, vector<256x1024xf32>
    %reduce_max3A_277 = arith.constant dense<0xFF800000> : vector<256xf32>
    %reduce_max3A_278 = vector.multi_reduction <maximumf>, %select_n3A_276, %reduce_max3A_277 [1] : vector<256x1024xf32> to vector<256xf32>
    %broadcast_in_dim3A_279 = vector.shape_cast %reduce_max3A_278 : vector<256xf32> to vector<256x1xf32>
    %eq3A_280 = vector.broadcast %broadcast_in_dim3A_279 : vector<256x1xf32> to vector<256x1024xf32>
    %eq3A_281 = arith.cmpf oeq, %select_n3A_276, %eq3A_280 : vector<256x1024xf32>
    %jit3A_282 = arith.constant 1024 : i32
    %broadcast_in_dim3A_283 = vector.broadcast %jit3A_282 : i32 to vector<256x1024xi32>
    %select_n3A_284 = arith.select %eq3A_281, %iota3A, %broadcast_in_dim3A_283 : vector<256x1024xi1>, vector<256x1024xi32>
    %reduce_min3A_285 = arith.constant dense<2147483647> : vector<256xi32>
    %reduce_min3A_286 = vector.multi_reduction <minsi>, %select_n3A_284, %reduce_min3A_285 [1] : vector<256x1024xi32> to vector<256xi32>
    %broadcast_in_dim3A_287 = vector.shape_cast %reduce_min3A_286 : vector<256xi32> to vector<256x1xi32>
    %eq3A_288 = vector.broadcast %broadcast_in_dim3A_287 : vector<256x1xi32> to vector<256x1024xi32>
    %eq3A_289 = arith.cmpi eq, %iota3A, %eq3A_288 : vector<256x1024xi32>
    %jit3A_290 = arith.constant -3.400000e+38 : f32
    %broadcast_in_dim3A_291 = vector.broadcast %jit3A_290 : f32 to vector<256x1024xf32>
    %select_n3A_292 = arith.select %eq3A_289, %broadcast_in_dim3A_291, %select_n3A_276 : vector<256x1024xi1>, vector<256x1024xf32>
    %reduce_max3A_293 = arith.constant dense<0xFF800000> : vector<256xf32>
    %reduce_max3A_294 = vector.multi_reduction <maximumf>, %select_n3A_292, %reduce_max3A_293 [1] : vector<256x1024xf32> to vector<256xf32>
    %broadcast_in_dim3A_295 = vector.shape_cast %reduce_max3A_294 : vector<256xf32> to vector<256x1xf32>
    %eq3A_296 = vector.broadcast %broadcast_in_dim3A_295 : vector<256x1xf32> to vector<256x1024xf32>
    %eq3A_297 = arith.cmpf oeq, %select_n3A_292, %eq3A_296 : vector<256x1024xf32>
    %jit3A_298 = arith.constant 1024 : i32
    %broadcast_in_dim3A_299 = vector.broadcast %jit3A_298 : i32 to vector<256x1024xi32>
    %select_n3A_300 = arith.select %eq3A_297, %iota3A, %broadcast_in_dim3A_299 : vector<256x1024xi1>, vector<256x1024xi32>
    %reduce_min3A_301 = arith.constant dense<2147483647> : vector<256xi32>
    %reduce_min3A_302 = vector.multi_reduction <minsi>, %select_n3A_300, %reduce_min3A_301 [1] : vector<256x1024xi32> to vector<256xi32>
    %broadcast_in_dim3A_303 = vector.shape_cast %reduce_min3A_302 : vector<256xi32> to vector<256x1xi32>
    %eq3A_304 = vector.broadcast %broadcast_in_dim3A_303 : vector<256x1xi32> to vector<256x1024xi32>
    %eq3A_305 = arith.cmpi eq, %iota3A, %eq3A_304 : vector<256x1024xi32>
    %jit3A_306 = arith.constant -3.400000e+38 : f32
    %broadcast_in_dim3A_307 = vector.broadcast %jit3A_306 : f32 to vector<256x1024xf32>
    %select_n3A_308 = arith.select %eq3A_305, %broadcast_in_dim3A_307, %select_n3A_292 : vector<256x1024xi1>, vector<256x1024xf32>
    %reduce_max3A_309 = arith.constant dense<0xFF800000> : vector<256xf32>
    %reduce_max3A_310 = vector.multi_reduction <maximumf>, %select_n3A_308, %reduce_max3A_309 [1] : vector<256x1024xf32> to vector<256xf32>
    %broadcast_in_dim3A_311 = vector.shape_cast %reduce_max3A_310 : vector<256xf32> to vector<256x1xf32>
    %eq3A_312 = vector.broadcast %broadcast_in_dim3A_311 : vector<256x1xf32> to vector<256x1024xf32>
    %eq3A_313 = arith.cmpf oeq, %select_n3A_308, %eq3A_312 : vector<256x1024xf32>
    %jit3A_314 = arith.constant 1024 : i32
    %broadcast_in_dim3A_315 = vector.broadcast %jit3A_314 : i32 to vector<256x1024xi32>
    %select_n3A_316 = arith.select %eq3A_313, %iota3A, %broadcast_in_dim3A_315 : vector<256x1024xi1>, vector<256x1024xi32>
    %reduce_min3A_317 = arith.constant dense<2147483647> : vector<256xi32>
    %reduce_min3A_318 = vector.multi_reduction <minsi>, %select_n3A_316, %reduce_min3A_317 [1] : vector<256x1024xi32> to vector<256xi32>
    %broadcast_in_dim3A_319 = vector.shape_cast %reduce_min3A_318 : vector<256xi32> to vector<256x1xi32>
    %eq3A_320 = vector.broadcast %broadcast_in_dim3A_319 : vector<256x1xi32> to vector<256x1024xi32>
    %eq3A_321 = arith.cmpi eq, %iota3A, %eq3A_320 : vector<256x1024xi32>
    %jit3A_322 = arith.constant -3.400000e+38 : f32
    %broadcast_in_dim3A_323 = vector.broadcast %jit3A_322 : f32 to vector<256x1024xf32>
    %select_n3A_324 = arith.select %eq3A_321, %broadcast_in_dim3A_323, %select_n3A_308 : vector<256x1024xi1>, vector<256x1024xf32>
    %reduce_max3A_325 = arith.constant dense<0xFF800000> : vector<256xf32>
    %reduce_max3A_326 = vector.multi_reduction <maximumf>, %select_n3A_324, %reduce_max3A_325 [1] : vector<256x1024xf32> to vector<256xf32>
    %broadcast_in_dim3A_327 = vector.shape_cast %reduce_max3A_326 : vector<256xf32> to vector<256x1xf32>
    %eq3A_328 = vector.broadcast %broadcast_in_dim3A_327 : vector<256x1xf32> to vector<256x1024xf32>
    %eq3A_329 = arith.cmpf oeq, %select_n3A_324, %eq3A_328 : vector<256x1024xf32>
    %jit3A_330 = arith.constant 1024 : i32
    %broadcast_in_dim3A_331 = vector.broadcast %jit3A_330 : i32 to vector<256x1024xi32>
    %select_n3A_332 = arith.select %eq3A_329, %iota3A, %broadcast_in_dim3A_331 : vector<256x1024xi1>, vector<256x1024xi32>
    %reduce_min3A_333 = arith.constant dense<2147483647> : vector<256xi32>
    %reduce_min3A_334 = vector.multi_reduction <minsi>, %select_n3A_332, %reduce_min3A_333 [1] : vector<256x1024xi32> to vector<256xi32>
    %broadcast_in_dim3A_335 = vector.shape_cast %reduce_min3A_334 : vector<256xi32> to vector<256x1xi32>
    %concatenate3A = tpu.concatenate %broadcast_in_dim3A_31, %broadcast_in_dim3A_47, %broadcast_in_dim3A_63, %broadcast_in_dim3A_79, %broadcast_in_dim3A_95, %broadcast_in_dim3A_111, %broadcast_in_dim3A_127, %broadcast_in_dim3A_143, %broadcast_in_dim3A_159, %broadcast_in_dim3A_175, %broadcast_in_dim3A_191, %broadcast_in_dim3A_207, %broadcast_in_dim3A_223, %broadcast_in_dim3A_239, %broadcast_in_dim3A_255, %broadcast_in_dim3A_271, %broadcast_in_dim3A_287, %broadcast_in_dim3A_303, %broadcast_in_dim3A_319, %broadcast_in_dim3A_335 in 1 : vector<256x1xi32>, vector<256x1xi32>, vector<256x1xi32>, vector<256x1xi32>, vector<256x1xi32>, vector<256x1xi32>, vector<256x1xi32>, vector<256x1xi32>, vector<256x1xi32>, vector<256x1xi32>, vector<256x1xi32>, vector<256x1xi32>, vector<256x1xi32>, vector<256x1xi32>, vector<256x1xi32>, vector<256x1xi32>, vector<256x1xi32>, vector<256x1xi32>, vector<256x1xi32>, vector<256x1xi32> -> vector<256x20xi32>
    %mul3A_336 = arith.constant 1024 : i32
    %mul3A_337 = arith.muli %arg0, %mul3A_336 : i32
    %add3A = vector.broadcast %mul3A_337 : i32 to vector<256x20xi32>
    %add3A_338 = arith.addi %concatenate3A, %add3A : vector<256x20xi32>
    %swap3A = arith.constant 0 : index
    %swap3A_339 = arith.constant 0 : index
    %swap3A_340 = arith.constant 0 : index
    %swap3A_341 = vector.load %arg3[%swap3A, %swap3A_339, %swap3A_340] : memref<1x256x20xi32, #tpu.memory_space<vmem>>, vector<1x256x20xi32>
    %swap3A_342 = vector.shape_cast %swap3A_341 : vector<1x256x20xi32> to vector<256x20xi32>
    %swap3A_343 = vector.shape_cast %add3A_338 : vector<256x20xi32> to vector<1x256x20xi32>
    tpu.vector_store %arg3[%swap3A, %swap3A_339, %swap3A_340], %swap3A_343 {strides = array<i32>} : memref<1x256x20xi32, #tpu.memory_space<vmem>>, vector<1x256x20xi32>,
    return
  }
  func.func @transform_0(%arg0: i32, %arg1: i32) -> (i32, i32, i32) {
    %c0_i32 = arith.constant 0 : i32
    %c0_i32_0 = arith.constant 0 : i32
    %c0_i32_1 = arith.constant 0 : i32
    return %arg0, %c0_i32, %c0_i32_0 : i32, i32, i32
  }
  func.func @transform_1(%arg0: i32, %arg1: i32) -> (i32, i32, i32) {
    %c0_i32 = arith.constant 0 : i32
    %c0_i32_0 = arith.constant 0 : i32
    return %arg0, %arg1, %c0_i32 : i32, i32, i32
  }
}

module attributes {stable_mosaic.version = 14 : i64} {
  func.func @body(%arg0: i32, %arg1: i32, %arg2: memref<512x128xf32, #tpu.memory_space<vmem>>, %arg3: memref<512x8xf32, #tpu.memory_space<vmem>>, %arg4: memref<6x64xf32, #tpu.memory_space<vmem>>, %arg5: memref<512x64xf32, #tpu.memory_space<vmem>>, %arg6: memref<512x64xf32, #tpu.memory_space<vmem>>, %arg7: memref<1x2x64xf32, #tpu.memory_space<vmem>>) attributes {dimension_semantics = [#tpu.dimension_semantics<arbitrary>, #tpu.dimension_semantics<arbitrary>], iteration_bounds = array<i64: 16, 20>, scalar_prefetch = 0 : i64, scratch_operands = 0 : i64, tpu.core_type = #tpu.core_type<tc>, window_params = [{transform_indices = @transform_0, window_bounds = array<i64: 512, 128>}, {transform_indices = @transform_1, window_bounds = array<i64: 512, 8>}, {pipeline_mode = #tpu.pipeline_mode<synchronous>, transform_indices = @transform_2, window_bounds = array<i64: 6, 64>}, {transform_indices = @transform_3, window_bounds = array<i64: 512, 64>}, {transform_indices = @transform_4, window_bounds = array<i64: 512, 64>}, {transform_indices = @transform_5, window_bounds = array<i64: 1, 2, 64>}]} {
    %get3A = arith.constant 0 : index
    %get3A_0 = arith.constant 0 : index
    %get3A_1 = vector.load %arg2[%get3A, %get3A_0] : memref<512x128xf32, #tpu.memory_space<vmem>>, vector<512x3xf32>
    %get3A_2 = arith.constant 0 : index
    %get3A_3 = arith.constant 0 : index
    %get3A_4 = vector.load %arg3[%get3A_2, %get3A_3] : memref<512x8xf32, #tpu.memory_space<vmem>>, vector<512x3xf32>
    %sub3A = arith.subf %get3A_1, %get3A_4 : vector<512x3xf32>
    %concatenate3A = tpu.concatenate %sub3A, %get3A_4 in 1 : vector<512x3xf32>, vector<512x3xf32> -> vector<512x6xf32>
    %convert_element_type3A = arith.truncf %concatenate3A : vector<512x6xf32> to vector<512x6xbf16>
    %get3A_5 = arith.constant 0 : index
    %get3A_6 = arith.constant 0 : index
    %get3A_7 = vector.load %arg4[%get3A_5, %get3A_6] : memref<6x64xf32, #tpu.memory_space<vmem>>, vector<6x64xf32>
    %convert_element_type3A_8 = arith.truncf %get3A_7 : vector<6x64xf32> to vector<6x64xbf16>
    %dot_general3A = arith.constant dense<0.000000e+00> : vector<512x64xf32>
    %dot_general3A_9 = tpu.matmul %convert_element_type3A, %convert_element_type3A_8, %dot_general3A {dimension_numbers = #tpu.dot_dimension_numbers<[1], [0], [0], [1], [0, 0, 1, 1], [], []>, transpose_lhs_hint = false} : vector<512x6xbf16>, vector<6x64xbf16>, vector<512x64xf32> -> vector<512x64xf32>
    %eq3A = arith.constant 0 : i32
    %eq3A_10 = arith.cmpi eq, %arg1, %eq3A : i32
    %convert_element_type3A_11 = arith.extui %eq3A_10 : i1 to i32
    %cond3A = arith.constant 0 : i32
    %cond3A_12 = arith.cmpi ne, %convert_element_type3A_11, %cond3A : i32
    scf.if %cond3A_12 {
      %swap3A_150 = arith.constant 0 : index
      %swap3A_151 = arith.constant 0 : index
      %swap3A_152 = vector.load %arg5[%swap3A_150, %swap3A_151] : memref<512x64xf32, #tpu.memory_space<vmem>>, vector<512x64xf32>
      tpu.vector_store %arg5[%swap3A_150, %swap3A_151], %dot_general3A_9 {strides = array<i32>} : memref<512x64xf32, #tpu.memory_space<vmem>>, vector<512x64xf32>,
      %swap3A_153 = arith.constant 0 : index
      %swap3A_154 = arith.constant 0 : index
      %swap3A_155 = vector.load %arg6[%swap3A_153, %swap3A_154] : memref<512x64xf32, #tpu.memory_space<vmem>>, vector<512x64xf32>
      tpu.vector_store %arg6[%swap3A_153, %swap3A_154], %dot_general3A_9 {strides = array<i32>} : memref<512x64xf32, #tpu.memory_space<vmem>>, vector<512x64xf32>,
    } else {
    }
    %ne3A = arith.constant 0 : i32
    %ne3A_13 = arith.cmpi ne, %arg1, %ne3A : i32
    %convert_element_type3A_14 = arith.extui %ne3A_13 : i1 to i32
    %cond3A_15 = arith.constant 0 : i32
    %cond3A_16 = arith.cmpi ne, %convert_element_type3A_14, %cond3A_15 : i32
    scf.if %cond3A_16 {
      %get3A_150 = arith.constant 0 : index
      %get3A_151 = arith.constant 0 : index
      %get3A_152 = vector.load %arg5[%get3A_150, %get3A_151] : memref<512x64xf32, #tpu.memory_space<vmem>>, vector<512x64xf32>
      %max3A = arith.maximumf %get3A_152, %dot_general3A_9 : vector<512x64xf32>
      %swap3A_153 = arith.constant 0 : index
      %swap3A_154 = arith.constant 0 : index
      %swap3A_155 = vector.load %arg5[%swap3A_153, %swap3A_154] : memref<512x64xf32, #tpu.memory_space<vmem>>, vector<512x64xf32>
      tpu.vector_store %arg5[%swap3A_153, %swap3A_154], %max3A {strides = array<i32>} : memref<512x64xf32, #tpu.memory_space<vmem>>, vector<512x64xf32>,
      %get3A_156 = arith.constant 0 : index
      %get3A_157 = arith.constant 0 : index
      %get3A_158 = vector.load %arg6[%get3A_156, %get3A_157] : memref<512x64xf32, #tpu.memory_space<vmem>>, vector<512x64xf32>
      %min3A = arith.minimumf %get3A_158, %dot_general3A_9 : vector<512x64xf32>
      %swap3A_159 = arith.constant 0 : index
      %swap3A_160 = arith.constant 0 : index
      %swap3A_161 = vector.load %arg6[%swap3A_159, %swap3A_160] : memref<512x64xf32, #tpu.memory_space<vmem>>, vector<512x64xf32>
      tpu.vector_store %arg6[%swap3A_159, %swap3A_160], %min3A {strides = array<i32>} : memref<512x64xf32, #tpu.memory_space<vmem>>, vector<512x64xf32>,
    } else {
    }
    %mul3A = arith.constant 0.000000e+00 : f32
    %mul3A_17 = vector.broadcast %mul3A : f32 to vector<512x64xf32>
    %mul3A_18 = arith.mulf %dot_general3A_9, %mul3A_17 : vector<512x64xf32>
    %slice3A = vector.extract_strided_slice %dot_general3A_9 {offsets = [0, 0], sizes = [256, 64], strides = [1, 1]} : vector<512x64xf32> to vector<256x64xf32>
    %slice3A_19 = vector.extract_strided_slice %dot_general3A_9 {offsets = [256, 0], sizes = [256, 64], strides = [1, 1]} : vector<512x64xf32> to vector<256x64xf32>
    %add3A = arith.addf %slice3A, %slice3A_19 : vector<256x64xf32>
    %sub3A_20 = arith.subf %add3A, %slice3A : vector<256x64xf32>
    %sub3A_21 = arith.subf %add3A, %sub3A_20 : vector<256x64xf32>
    %sub3A_22 = arith.subf %slice3A, %sub3A_21 : vector<256x64xf32>
    %sub3A_23 = arith.subf %slice3A_19, %sub3A_20 : vector<256x64xf32>
    %add3A_24 = arith.addf %sub3A_22, %sub3A_23 : vector<256x64xf32>
    %slice3A_25 = vector.extract_strided_slice %mul3A_18 {offsets = [0, 0], sizes = [256, 64], strides = [1, 1]} : vector<512x64xf32> to vector<256x64xf32>
    %slice3A_26 = vector.extract_strided_slice %mul3A_18 {offsets = [256, 0], sizes = [256, 64], strides = [1, 1]} : vector<512x64xf32> to vector<256x64xf32>
    %add3A_27 = arith.addf %slice3A_25, %slice3A_26 : vector<256x64xf32>
    %add3A_28 = arith.addf %add3A_27, %add3A_24 : vector<256x64xf32>
    %slice3A_29 = vector.extract_strided_slice %add3A {offsets = [0, 0], sizes = [128, 64], strides = [1, 1]} : vector<256x64xf32> to vector<128x64xf32>
    %slice3A_30 = vector.extract_strided_slice %add3A {offsets = [128, 0], sizes = [128, 64], strides = [1, 1]} : vector<256x64xf32> to vector<128x64xf32>
    %add3A_31 = arith.addf %slice3A_29, %slice3A_30 : vector<128x64xf32>
    %sub3A_32 = arith.subf %add3A_31, %slice3A_29 : vector<128x64xf32>
    %sub3A_33 = arith.subf %add3A_31, %sub3A_32 : vector<128x64xf32>
    %sub3A_34 = arith.subf %slice3A_29, %sub3A_33 : vector<128x64xf32>
    %sub3A_35 = arith.subf %slice3A_30, %sub3A_32 : vector<128x64xf32>
    %add3A_36 = arith.addf %sub3A_34, %sub3A_35 : vector<128x64xf32>
    %slice3A_37 = vector.extract_strided_slice %add3A_28 {offsets = [0, 0], sizes = [128, 64], strides = [1, 1]} : vector<256x64xf32> to vector<128x64xf32>
    %slice3A_38 = vector.extract_strided_slice %add3A_28 {offsets = [128, 0], sizes = [128, 64], strides = [1, 1]} : vector<256x64xf32> to vector<128x64xf32>
    %add3A_39 = arith.addf %slice3A_37, %slice3A_38 : vector<128x64xf32>
    %add3A_40 = arith.addf %add3A_39, %add3A_36 : vector<128x64xf32>
    %slice3A_41 = vector.extract_strided_slice %add3A_31 {offsets = [0, 0], sizes = [64, 64], strides = [1, 1]} : vector<128x64xf32> to vector<64x64xf32>
    %slice3A_42 = vector.extract_strided_slice %add3A_31 {offsets = [64, 0], sizes = [64, 64], strides = [1, 1]} : vector<128x64xf32> to vector<64x64xf32>
    %add3A_43 = arith.addf %slice3A_41, %slice3A_42 : vector<64x64xf32>
    %sub3A_44 = arith.subf %add3A_43, %slice3A_41 : vector<64x64xf32>
    %sub3A_45 = arith.subf %add3A_43, %sub3A_44 : vector<64x64xf32>
    %sub3A_46 = arith.subf %slice3A_41, %sub3A_45 : vector<64x64xf32>
    %sub3A_47 = arith.subf %slice3A_42, %sub3A_44 : vector<64x64xf32>
    %add3A_48 = arith.addf %sub3A_46, %sub3A_47 : vector<64x64xf32>
    %slice3A_49 = vector.extract_strided_slice %add3A_40 {offsets = [0, 0], sizes = [64, 64], strides = [1, 1]} : vector<128x64xf32> to vector<64x64xf32>
    %slice3A_50 = vector.extract_strided_slice %add3A_40 {offsets = [64, 0], sizes = [64, 64], strides = [1, 1]} : vector<128x64xf32> to vector<64x64xf32>
    %add3A_51 = arith.addf %slice3A_49, %slice3A_50 : vector<64x64xf32>
    %add3A_52 = arith.addf %add3A_51, %add3A_48 : vector<64x64xf32>
    %slice3A_53 = vector.extract_strided_slice %add3A_43 {offsets = [0, 0], sizes = [32, 64], strides = [1, 1]} : vector<64x64xf32> to vector<32x64xf32>
    %slice3A_54 = vector.extract_strided_slice %add3A_43 {offsets = [32, 0], sizes = [32, 64], strides = [1, 1]} : vector<64x64xf32> to vector<32x64xf32>
    %add3A_55 = arith.addf %slice3A_53, %slice3A_54 : vector<32x64xf32>
    %sub3A_56 = arith.subf %add3A_55, %slice3A_53 : vector<32x64xf32>
    %sub3A_57 = arith.subf %add3A_55, %sub3A_56 : vector<32x64xf32>
    %sub3A_58 = arith.subf %slice3A_53, %sub3A_57 : vector<32x64xf32>
    %sub3A_59 = arith.subf %slice3A_54, %sub3A_56 : vector<32x64xf32>
    %add3A_60 = arith.addf %sub3A_58, %sub3A_59 : vector<32x64xf32>
    %slice3A_61 = vector.extract_strided_slice %add3A_52 {offsets = [0, 0], sizes = [32, 64], strides = [1, 1]} : vector<64x64xf32> to vector<32x64xf32>
    %slice3A_62 = vector.extract_strided_slice %add3A_52 {offsets = [32, 0], sizes = [32, 64], strides = [1, 1]} : vector<64x64xf32> to vector<32x64xf32>
    %add3A_63 = arith.addf %slice3A_61, %slice3A_62 : vector<32x64xf32>
    %add3A_64 = arith.addf %add3A_63, %add3A_60 : vector<32x64xf32>
    %slice3A_65 = vector.extract_strided_slice %add3A_55 {offsets = [0, 0], sizes = [16, 64], strides = [1, 1]} : vector<32x64xf32> to vector<16x64xf32>
    %slice3A_66 = vector.extract_strided_slice %add3A_55 {offsets = [16, 0], sizes = [16, 64], strides = [1, 1]} : vector<32x64xf32> to vector<16x64xf32>
    %add3A_67 = arith.addf %slice3A_65, %slice3A_66 : vector<16x64xf32>
    %sub3A_68 = arith.subf %add3A_67, %slice3A_65 : vector<16x64xf32>
    %sub3A_69 = arith.subf %add3A_67, %sub3A_68 : vector<16x64xf32>
    %sub3A_70 = arith.subf %slice3A_65, %sub3A_69 : vector<16x64xf32>
    %sub3A_71 = arith.subf %slice3A_66, %sub3A_68 : vector<16x64xf32>
    %add3A_72 = arith.addf %sub3A_70, %sub3A_71 : vector<16x64xf32>
    %slice3A_73 = vector.extract_strided_slice %add3A_64 {offsets = [0, 0], sizes = [16, 64], strides = [1, 1]} : vector<32x64xf32> to vector<16x64xf32>
    %slice3A_74 = vector.extract_strided_slice %add3A_64 {offsets = [16, 0], sizes = [16, 64], strides = [1, 1]} : vector<32x64xf32> to vector<16x64xf32>
    %add3A_75 = arith.addf %slice3A_73, %slice3A_74 : vector<16x64xf32>
    %add3A_76 = arith.addf %add3A_75, %add3A_72 : vector<16x64xf32>
    %slice3A_77 = vector.extract_strided_slice %add3A_67 {offsets = [0, 0], sizes = [8, 64], strides = [1, 1]} : vector<16x64xf32> to vector<8x64xf32>
    %slice3A_78 = vector.extract_strided_slice %add3A_67 {offsets = [8, 0], sizes = [8, 64], strides = [1, 1]} : vector<16x64xf32> to vector<8x64xf32>
    %add3A_79 = arith.addf %slice3A_77, %slice3A_78 : vector<8x64xf32>
    %sub3A_80 = arith.subf %add3A_79, %slice3A_77 : vector<8x64xf32>
    %sub3A_81 = arith.subf %add3A_79, %sub3A_80 : vector<8x64xf32>
    %sub3A_82 = arith.subf %slice3A_77, %sub3A_81 : vector<8x64xf32>
    %sub3A_83 = arith.subf %slice3A_78, %sub3A_80 : vector<8x64xf32>
    %add3A_84 = arith.addf %sub3A_82, %sub3A_83 : vector<8x64xf32>
    %slice3A_85 = vector.extract_strided_slice %add3A_76 {offsets = [0, 0], sizes = [8, 64], strides = [1, 1]} : vector<16x64xf32> to vector<8x64xf32>
    %slice3A_86 = vector.extract_strided_slice %add3A_76 {offsets = [8, 0], sizes = [8, 64], strides = [1, 1]} : vector<16x64xf32> to vector<8x64xf32>
    %add3A_87 = arith.addf %slice3A_85, %slice3A_86 : vector<8x64xf32>
    %add3A_88 = arith.addf %add3A_87, %add3A_84 : vector<8x64xf32>
    %slice3A_89 = vector.extract_strided_slice %add3A_79 {offsets = [0, 0], sizes = [4, 64], strides = [1, 1]} : vector<8x64xf32> to vector<4x64xf32>
    %slice3A_90 = vector.extract_strided_slice %add3A_79 {offsets = [4, 0], sizes = [4, 64], strides = [1, 1]} : vector<8x64xf32> to vector<4x64xf32>
    %add3A_91 = arith.addf %slice3A_89, %slice3A_90 : vector<4x64xf32>
    %sub3A_92 = arith.subf %add3A_91, %slice3A_89 : vector<4x64xf32>
    %sub3A_93 = arith.subf %add3A_91, %sub3A_92 : vector<4x64xf32>
    %sub3A_94 = arith.subf %slice3A_89, %sub3A_93 : vector<4x64xf32>
    %sub3A_95 = arith.subf %slice3A_90, %sub3A_92 : vector<4x64xf32>
    %add3A_96 = arith.addf %sub3A_94, %sub3A_95 : vector<4x64xf32>
    %slice3A_97 = vector.extract_strided_slice %add3A_88 {offsets = [0, 0], sizes = [4, 64], strides = [1, 1]} : vector<8x64xf32> to vector<4x64xf32>
    %slice3A_98 = vector.extract_strided_slice %add3A_88 {offsets = [4, 0], sizes = [4, 64], strides = [1, 1]} : vector<8x64xf32> to vector<4x64xf32>
    %add3A_99 = arith.addf %slice3A_97, %slice3A_98 : vector<4x64xf32>
    %add3A_100 = arith.addf %add3A_99, %add3A_96 : vector<4x64xf32>
    %slice3A_101 = vector.extract_strided_slice %add3A_91 {offsets = [0, 0], sizes = [2, 64], strides = [1, 1]} : vector<4x64xf32> to vector<2x64xf32>
    %slice3A_102 = vector.extract_strided_slice %add3A_91 {offsets = [2, 0], sizes = [2, 64], strides = [1, 1]} : vector<4x64xf32> to vector<2x64xf32>
    %add3A_103 = arith.addf %slice3A_101, %slice3A_102 : vector<2x64xf32>
    %sub3A_104 = arith.subf %add3A_103, %slice3A_101 : vector<2x64xf32>
    %sub3A_105 = arith.subf %add3A_103, %sub3A_104 : vector<2x64xf32>
    %sub3A_106 = arith.subf %slice3A_101, %sub3A_105 : vector<2x64xf32>
    %sub3A_107 = arith.subf %slice3A_102, %sub3A_104 : vector<2x64xf32>
    %add3A_108 = arith.addf %sub3A_106, %sub3A_107 : vector<2x64xf32>
    %slice3A_109 = vector.extract_strided_slice %add3A_100 {offsets = [0, 0], sizes = [2, 64], strides = [1, 1]} : vector<4x64xf32> to vector<2x64xf32>
    %slice3A_110 = vector.extract_strided_slice %add3A_100 {offsets = [2, 0], sizes = [2, 64], strides = [1, 1]} : vector<4x64xf32> to vector<2x64xf32>
    %add3A_111 = arith.addf %slice3A_109, %slice3A_110 : vector<2x64xf32>
    %add3A_112 = arith.addf %add3A_111, %add3A_108 : vector<2x64xf32>
    %reduce_sum3A = arith.constant dense<0.000000e+00> : vector<64xf32>
    %reduce_sum3A_113 = vector.multi_reduction <add>, %add3A_103, %reduce_sum3A [0] : vector<2x64xf32> to vector<64xf32>
    %broadcast_in_dim3A = vector.shape_cast %reduce_sum3A_113 : vector<64xf32> to vector<1x64xf32>
    %reduce_sum3A_114 = arith.constant dense<0.000000e+00> : vector<64xf32>
    %reduce_sum3A_115 = vector.multi_reduction <add>, %add3A_112, %reduce_sum3A_114 [0] : vector<2x64xf32> to vector<64xf32>
    %broadcast_in_dim3A_116 = vector.shape_cast %reduce_sum3A_115 : vector<64xf32> to vector<1x64xf32>
    %add3A_117 = arith.addf %broadcast_in_dim3A, %broadcast_in_dim3A_116 : vector<1x64xf32>
    %div3A = arith.constant 5.120000e+02 : f32
    %div3A_118 = vector.broadcast %div3A : f32 to vector<1x64xf32>
    %div3A_119 = arith.divf %add3A_117, %div3A_118 : vector<1x64xf32>
    %sub3A_120 = vector.broadcast %div3A_119 : vector<1x64xf32> to vector<512x64xf32>
    %sub3A_121 = arith.subf %dot_general3A_9, %sub3A_120 : vector<512x64xf32>
    %mul3A_122 = arith.mulf %sub3A_121, %sub3A_121 : vector<512x64xf32>
    %slice3A_123 = vector.extract_strided_slice %mul3A_122 {offsets = [0, 0], sizes = [256, 64], strides = [1, 1]} : vector<512x64xf32> to vector<256x64xf32>
    %slice3A_124 = vector.extract_strided_slice %mul3A_122 {offsets = [256, 0], sizes = [256, 64], strides = [1, 1]} : vector<512x64xf32> to vector<256x64xf32>
    %add3A_125 = arith.addf %slice3A_123, %slice3A_124 : vector<256x64xf32>
    %slice3A_126 = vector.extract_strided_slice %add3A_125 {offsets = [0, 0], sizes = [128, 64], strides = [1, 1]} : vector<256x64xf32> to vector<128x64xf32>
    %slice3A_127 = vector.extract_strided_slice %add3A_125 {offsets = [128, 0], sizes = [128, 64], strides = [1, 1]} : vector<256x64xf32> to vector<128x64xf32>
    %add3A_128 = arith.addf %slice3A_126, %slice3A_127 : vector<128x64xf32>
    %slice3A_129 = vector.extract_strided_slice %add3A_128 {offsets = [0, 0], sizes = [64, 64], strides = [1, 1]} : vector<128x64xf32> to vector<64x64xf32>
    %slice3A_130 = vector.extract_strided_slice %add3A_128 {offsets = [64, 0], sizes = [64, 64], strides = [1, 1]} : vector<128x64xf32> to vector<64x64xf32>
    %add3A_131 = arith.addf %slice3A_129, %slice3A_130 : vector<64x64xf32>
    %slice3A_132 = vector.extract_strided_slice %add3A_131 {offsets = [0, 0], sizes = [32, 64], strides = [1, 1]} : vector<64x64xf32> to vector<32x64xf32>
    %slice3A_133 = vector.extract_strided_slice %add3A_131 {offsets = [32, 0], sizes = [32, 64], strides = [1, 1]} : vector<64x64xf32> to vector<32x64xf32>
    %add3A_134 = arith.addf %slice3A_132, %slice3A_133 : vector<32x64xf32>
    %slice3A_135 = vector.extract_strided_slice %add3A_134 {offsets = [0, 0], sizes = [16, 64], strides = [1, 1]} : vector<32x64xf32> to vector<16x64xf32>
    %slice3A_136 = vector.extract_strided_slice %add3A_134 {offsets = [16, 0], sizes = [16, 64], strides = [1, 1]} : vector<32x64xf32> to vector<16x64xf32>
    %add3A_137 = arith.addf %slice3A_135, %slice3A_136 : vector<16x64xf32>
    %slice3A_138 = vector.extract_strided_slice %add3A_137 {offsets = [0, 0], sizes = [8, 64], strides = [1, 1]} : vector<16x64xf32> to vector<8x64xf32>
    %slice3A_139 = vector.extract_strided_slice %add3A_137 {offsets = [8, 0], sizes = [8, 64], strides = [1, 1]} : vector<16x64xf32> to vector<8x64xf32>
    %add3A_140 = arith.addf %slice3A_138, %slice3A_139 : vector<8x64xf32>
    %reduce_sum3A_141 = arith.constant dense<0.000000e+00> : vector<64xf32>
    %reduce_sum3A_142 = vector.multi_reduction <add>, %add3A_140, %reduce_sum3A_141 [0] : vector<8x64xf32> to vector<64xf32>
    %broadcast_in_dim3A_143 = vector.shape_cast %reduce_sum3A_142 : vector<64xf32> to vector<1x64xf32>
    %concatenate3A_144 = tpu.concatenate %add3A_117, %broadcast_in_dim3A_143 in 0 : vector<1x64xf32>, vector<1x64xf32> -> vector<2x64xf32>
    %swap3A = arith.constant 0 : index
    %swap3A_145 = arith.constant 0 : index
    %swap3A_146 = arith.constant 0 : index
    %swap3A_147 = vector.load %arg7[%swap3A, %swap3A_145, %swap3A_146] : memref<1x2x64xf32, #tpu.memory_space<vmem>>, vector<1x2x64xf32>
    %swap3A_148 = vector.shape_cast %swap3A_147 : vector<1x2x64xf32> to vector<2x64xf32>
    %swap3A_149 = vector.shape_cast %concatenate3A_144 : vector<2x64xf32> to vector<1x2x64xf32>
    tpu.vector_store %arg7[%swap3A, %swap3A_145, %swap3A_146], %swap3A_149 {strides = array<i32>} : memref<1x2x64xf32, #tpu.memory_space<vmem>>, vector<1x2x64xf32>,
    return
  }
  func.func @transform_0(%arg0: i32, %arg1: i32) -> (i32, i32) {
    %mul3A = arith.constant 16 : i32
    %mul3A_0 = arith.muli %arg1, %mul3A : i32
    %add3A = arith.addi %mul3A_0, %arg0 : i32
    %c0_i32 = arith.constant 0 : i32
    %c0_i32_1 = arith.constant 0 : i32
    return %add3A, %c0_i32 : i32, i32
  }
  func.func @transform_1(%arg0: i32, %arg1: i32) -> (i32, i32) {
    %c0_i32 = arith.constant 0 : i32
    %c0_i32_0 = arith.constant 0 : i32
    return %arg0, %c0_i32 : i32, i32
  }
  func.func @transform_2(%arg0: i32, %arg1: i32) -> (i32, i32) {
    %c0_i32 = arith.constant 0 : i32
    %c0_i32_0 = arith.constant 0 : i32
    %c0_i32_1 = arith.constant 0 : i32
    return %c0_i32, %c0_i32_0 : i32, i32
  }
  func.func @transform_3(%arg0: i32, %arg1: i32) -> (i32, i32) {
    %c0_i32 = arith.constant 0 : i32
    %c0_i32_0 = arith.constant 0 : i32
    return %arg0, %c0_i32 : i32, i32
  }
  func.func @transform_4(%arg0: i32, %arg1: i32) -> (i32, i32) {
    %c0_i32 = arith.constant 0 : i32
    %c0_i32_0 = arith.constant 0 : i32
    return %arg0, %c0_i32 : i32, i32
  }
  func.func @transform_5(%arg0: i32, %arg1: i32) -> (i32, i32, i32) {
    %mul3A = arith.constant 20 : i32
    %mul3A_0 = arith.muli %arg0, %mul3A : i32
    %add3A = arith.addi %mul3A_0, %arg1 : i32
    %c0_i32 = arith.constant 0 : i32
    %c0_i32_1 = arith.constant 0 : i32
    %c0_i32_2 = arith.constant 0 : i32
    return %add3A, %c0_i32, %c0_i32_1 : i32, i32, i32
  }
}

module attributes {stable_mosaic.version = 14 : i64} {
  func.func @_stats_body(%arg0: memref<320x2x64xf32, #tpu.memory_space<vmem>>, %arg1: memref<2x64xf32, #tpu.memory_space<vmem>>) attributes {dimension_semantics = [], scalar_prefetch = 0 : i64, scratch_operands = 0 : i64, tpu.core_type = #tpu.core_type<tc>} {
    %get3A = arith.constant 0 : index
    %get3A_0 = arith.constant 0 : index
    %get3A_1 = arith.constant 0 : index
    %get3A_2 = vector.load %arg0[%get3A, %get3A_0, %get3A_1] : memref<320x2x64xf32, #tpu.memory_space<vmem>>, vector<320x2x64xf32>
    %slice3A = vector.extract_strided_slice %get3A_2 {offsets = [0, 0, 0], sizes = [320, 1, 64], strides = [1, 1, 1]} : vector<320x2x64xf32> to vector<320x1x64xf32>
    %squeeze3A = vector.shape_cast %slice3A : vector<320x1x64xf32> to vector<320x64xf32>
    %slice3A_3 = vector.extract_strided_slice %get3A_2 {offsets = [0, 1, 0], sizes = [320, 1, 64], strides = [1, 1, 1]} : vector<320x2x64xf32> to vector<320x1x64xf32>
    %squeeze3A_4 = vector.shape_cast %slice3A_3 : vector<320x1x64xf32> to vector<320x64xf32>
    %mul3A = arith.constant 0.000000e+00 : f32
    %mul3A_5 = vector.broadcast %mul3A : f32 to vector<320x64xf32>
    %mul3A_6 = arith.mulf %squeeze3A, %mul3A_5 : vector<320x64xf32>
    %slice3A_7 = vector.extract_strided_slice %squeeze3A {offsets = [0, 0], sizes = [160, 64], strides = [1, 1]} : vector<320x64xf32> to vector<160x64xf32>
    %slice3A_8 = vector.extract_strided_slice %squeeze3A {offsets = [160, 0], sizes = [160, 64], strides = [1, 1]} : vector<320x64xf32> to vector<160x64xf32>
    %add3A = arith.addf %slice3A_7, %slice3A_8 : vector<160x64xf32>
    %sub3A = arith.subf %add3A, %slice3A_7 : vector<160x64xf32>
    %sub3A_9 = arith.subf %add3A, %sub3A : vector<160x64xf32>
    %sub3A_10 = arith.subf %slice3A_7, %sub3A_9 : vector<160x64xf32>
    %sub3A_11 = arith.subf %slice3A_8, %sub3A : vector<160x64xf32>
    %add3A_12 = arith.addf %sub3A_10, %sub3A_11 : vector<160x64xf32>
    %slice3A_13 = vector.extract_strided_slice %mul3A_6 {offsets = [0, 0], sizes = [160, 64], strides = [1, 1]} : vector<320x64xf32> to vector<160x64xf32>
    %slice3A_14 = vector.extract_strided_slice %mul3A_6 {offsets = [160, 0], sizes = [160, 64], strides = [1, 1]} : vector<320x64xf32> to vector<160x64xf32>
    %add3A_15 = arith.addf %slice3A_13, %slice3A_14 : vector<160x64xf32>
    %add3A_16 = arith.addf %add3A_15, %add3A_12 : vector<160x64xf32>
    %slice3A_17 = vector.extract_strided_slice %add3A {offsets = [0, 0], sizes = [80, 64], strides = [1, 1]} : vector<160x64xf32> to vector<80x64xf32>
    %slice3A_18 = vector.extract_strided_slice %add3A {offsets = [80, 0], sizes = [80, 64], strides = [1, 1]} : vector<160x64xf32> to vector<80x64xf32>
    %add3A_19 = arith.addf %slice3A_17, %slice3A_18 : vector<80x64xf32>
    %sub3A_20 = arith.subf %add3A_19, %slice3A_17 : vector<80x64xf32>
    %sub3A_21 = arith.subf %add3A_19, %sub3A_20 : vector<80x64xf32>
    %sub3A_22 = arith.subf %slice3A_17, %sub3A_21 : vector<80x64xf32>
    %sub3A_23 = arith.subf %slice3A_18, %sub3A_20 : vector<80x64xf32>
    %add3A_24 = arith.addf %sub3A_22, %sub3A_23 : vector<80x64xf32>
    %slice3A_25 = vector.extract_strided_slice %add3A_16 {offsets = [0, 0], sizes = [80, 64], strides = [1, 1]} : vector<160x64xf32> to vector<80x64xf32>
    %slice3A_26 = vector.extract_strided_slice %add3A_16 {offsets = [80, 0], sizes = [80, 64], strides = [1, 1]} : vector<160x64xf32> to vector<80x64xf32>
    %add3A_27 = arith.addf %slice3A_25, %slice3A_26 : vector<80x64xf32>
    %add3A_28 = arith.addf %add3A_27, %add3A_24 : vector<80x64xf32>
    %slice3A_29 = vector.extract_strided_slice %add3A_19 {offsets = [0, 0], sizes = [40, 64], strides = [1, 1]} : vector<80x64xf32> to vector<40x64xf32>
    %slice3A_30 = vector.extract_strided_slice %add3A_19 {offsets = [40, 0], sizes = [40, 64], strides = [1, 1]} : vector<80x64xf32> to vector<40x64xf32>
    %add3A_31 = arith.addf %slice3A_29, %slice3A_30 : vector<40x64xf32>
    %sub3A_32 = arith.subf %add3A_31, %slice3A_29 : vector<40x64xf32>
    %sub3A_33 = arith.subf %add3A_31, %sub3A_32 : vector<40x64xf32>
    %sub3A_34 = arith.subf %slice3A_29, %sub3A_33 : vector<40x64xf32>
    %sub3A_35 = arith.subf %slice3A_30, %sub3A_32 : vector<40x64xf32>
    %add3A_36 = arith.addf %sub3A_34, %sub3A_35 : vector<40x64xf32>
    %slice3A_37 = vector.extract_strided_slice %add3A_28 {offsets = [0, 0], sizes = [40, 64], strides = [1, 1]} : vector<80x64xf32> to vector<40x64xf32>
    %slice3A_38 = vector.extract_strided_slice %add3A_28 {offsets = [40, 0], sizes = [40, 64], strides = [1, 1]} : vector<80x64xf32> to vector<40x64xf32>
    %add3A_39 = arith.addf %slice3A_37, %slice3A_38 : vector<40x64xf32>
    %add3A_40 = arith.addf %add3A_39, %add3A_36 : vector<40x64xf32>
    %slice3A_41 = vector.extract_strided_slice %add3A_31 {offsets = [0, 0], sizes = [20, 64], strides = [1, 1]} : vector<40x64xf32> to vector<20x64xf32>
    %slice3A_42 = vector.extract_strided_slice %add3A_31 {offsets = [20, 0], sizes = [20, 64], strides = [1, 1]} : vector<40x64xf32> to vector<20x64xf32>
    %add3A_43 = arith.addf %slice3A_41, %slice3A_42 : vector<20x64xf32>
    %sub3A_44 = arith.subf %add3A_43, %slice3A_41 : vector<20x64xf32>
    %sub3A_45 = arith.subf %add3A_43, %sub3A_44 : vector<20x64xf32>
    %sub3A_46 = arith.subf %slice3A_41, %sub3A_45 : vector<20x64xf32>
    %sub3A_47 = arith.subf %slice3A_42, %sub3A_44 : vector<20x64xf32>
    %add3A_48 = arith.addf %sub3A_46, %sub3A_47 : vector<20x64xf32>
    %slice3A_49 = vector.extract_strided_slice %add3A_40 {offsets = [0, 0], sizes = [20, 64], strides = [1, 1]} : vector<40x64xf32> to vector<20x64xf32>
    %slice3A_50 = vector.extract_strided_slice %add3A_40 {offsets = [20, 0], sizes = [20, 64], strides = [1, 1]} : vector<40x64xf32> to vector<20x64xf32>
    %add3A_51 = arith.addf %slice3A_49, %slice3A_50 : vector<20x64xf32>
    %add3A_52 = arith.addf %add3A_51, %add3A_48 : vector<20x64xf32>
    %slice3A_53 = vector.extract_strided_slice %add3A_43 {offsets = [0, 0], sizes = [10, 64], strides = [1, 1]} : vector<20x64xf32> to vector<10x64xf32>
    %slice3A_54 = vector.extract_strided_slice %add3A_43 {offsets = [10, 0], sizes = [10, 64], strides = [1, 1]} : vector<20x64xf32> to vector<10x64xf32>
    %add3A_55 = arith.addf %slice3A_53, %slice3A_54 : vector<10x64xf32>
    %sub3A_56 = arith.subf %add3A_55, %slice3A_53 : vector<10x64xf32>
    %sub3A_57 = arith.subf %add3A_55, %sub3A_56 : vector<10x64xf32>
    %sub3A_58 = arith.subf %slice3A_53, %sub3A_57 : vector<10x64xf32>
    %sub3A_59 = arith.subf %slice3A_54, %sub3A_56 : vector<10x64xf32>
    %add3A_60 = arith.addf %sub3A_58, %sub3A_59 : vector<10x64xf32>
    %slice3A_61 = vector.extract_strided_slice %add3A_52 {offsets = [0, 0], sizes = [10, 64], strides = [1, 1]} : vector<20x64xf32> to vector<10x64xf32>
    %slice3A_62 = vector.extract_strided_slice %add3A_52 {offsets = [10, 0], sizes = [10, 64], strides = [1, 1]} : vector<20x64xf32> to vector<10x64xf32>
    %add3A_63 = arith.addf %slice3A_61, %slice3A_62 : vector<10x64xf32>
    %add3A_64 = arith.addf %add3A_63, %add3A_60 : vector<10x64xf32>
    %slice3A_65 = vector.extract_strided_slice %add3A_55 {offsets = [0, 0], sizes = [5, 64], strides = [1, 1]} : vector<10x64xf32> to vector<5x64xf32>
    %slice3A_66 = vector.extract_strided_slice %add3A_55 {offsets = [5, 0], sizes = [5, 64], strides = [1, 1]} : vector<10x64xf32> to vector<5x64xf32>
    %add3A_67 = arith.addf %slice3A_65, %slice3A_66 : vector<5x64xf32>
    %sub3A_68 = arith.subf %add3A_67, %slice3A_65 : vector<5x64xf32>
    %sub3A_69 = arith.subf %add3A_67, %sub3A_68 : vector<5x64xf32>
    %sub3A_70 = arith.subf %slice3A_65, %sub3A_69 : vector<5x64xf32>
    %sub3A_71 = arith.subf %slice3A_66, %sub3A_68 : vector<5x64xf32>
    %add3A_72 = arith.addf %sub3A_70, %sub3A_71 : vector<5x64xf32>
    %slice3A_73 = vector.extract_strided_slice %add3A_64 {offsets = [0, 0], sizes = [5, 64], strides = [1, 1]} : vector<10x64xf32> to vector<5x64xf32>
    %slice3A_74 = vector.extract_strided_slice %add3A_64 {offsets = [5, 0], sizes = [5, 64], strides = [1, 1]} : vector<10x64xf32> to vector<5x64xf32>
    %add3A_75 = arith.addf %slice3A_73, %slice3A_74 : vector<5x64xf32>
    %add3A_76 = arith.addf %add3A_75, %add3A_72 : vector<5x64xf32>
    %reduce_sum3A = arith.constant dense<0.000000e+00> : vector<64xf32>
    %reduce_sum3A_77 = vector.multi_reduction <add>, %add3A_67, %reduce_sum3A [0] : vector<5x64xf32> to vector<64xf32>
    %broadcast_in_dim3A = vector.shape_cast %reduce_sum3A_77 : vector<64xf32> to vector<1x64xf32>
    %reduce_sum3A_78 = arith.constant dense<0.000000e+00> : vector<64xf32>
    %reduce_sum3A_79 = vector.multi_reduction <add>, %add3A_76, %reduce_sum3A_78 [0] : vector<5x64xf32> to vector<64xf32>
    %broadcast_in_dim3A_80 = vector.shape_cast %reduce_sum3A_79 : vector<64xf32> to vector<1x64xf32>
    %add3A_81 = arith.addf %broadcast_in_dim3A, %broadcast_in_dim3A_80 : vector<1x64xf32>
    %div3A = arith.constant 1.638400e+05 : f32
    %div3A_82 = vector.broadcast %div3A : f32 to vector<1x64xf32>
    %div3A_83 = arith.divf %add3A_81, %div3A_82 : vector<1x64xf32>
    %div3A_84 = arith.constant 5.120000e+02 : f32
    %div3A_85 = vector.broadcast %div3A_84 : f32 to vector<320x64xf32>
    %div3A_86 = arith.divf %squeeze3A, %div3A_85 : vector<320x64xf32>
    %sub3A_87 = vector.broadcast %div3A_83 : vector<1x64xf32> to vector<320x64xf32>
    %sub3A_88 = arith.subf %div3A_86, %sub3A_87 : vector<320x64xf32>
    %slice3A_89 = vector.extract_strided_slice %squeeze3A_4 {offsets = [0, 0], sizes = [160, 64], strides = [1, 1]} : vector<320x64xf32> to vector<160x64xf32>
    %slice3A_90 = vector.extract_strided_slice %squeeze3A_4 {offsets = [160, 0], sizes = [160, 64], strides = [1, 1]} : vector<320x64xf32> to vector<160x64xf32>
    %add3A_91 = arith.addf %slice3A_89, %slice3A_90 : vector<160x64xf32>
    %slice3A_92 = vector.extract_strided_slice %add3A_91 {offsets = [0, 0], sizes = [80, 64], strides = [1, 1]} : vector<160x64xf32> to vector<80x64xf32>
    %slice3A_93 = vector.extract_strided_slice %add3A_91 {offsets = [80, 0], sizes = [80, 64], strides = [1, 1]} : vector<160x64xf32> to vector<80x64xf32>
    %add3A_94 = arith.addf %slice3A_92, %slice3A_93 : vector<80x64xf32>
    %slice3A_95 = vector.extract_strided_slice %add3A_94 {offsets = [0, 0], sizes = [40, 64], strides = [1, 1]} : vector<80x64xf32> to vector<40x64xf32>
    %slice3A_96 = vector.extract_strided_slice %add3A_94 {offsets = [40, 0], sizes = [40, 64], strides = [1, 1]} : vector<80x64xf32> to vector<40x64xf32>
    %add3A_97 = arith.addf %slice3A_95, %slice3A_96 : vector<40x64xf32>
    %slice3A_98 = vector.extract_strided_slice %add3A_97 {offsets = [0, 0], sizes = [20, 64], strides = [1, 1]} : vector<40x64xf32> to vector<20x64xf32>
    %slice3A_99 = vector.extract_strided_slice %add3A_97 {offsets = [20, 0], sizes = [20, 64], strides = [1, 1]} : vector<40x64xf32> to vector<20x64xf32>
    %add3A_100 = arith.addf %slice3A_98, %slice3A_99 : vector<20x64xf32>
    %slice3A_101 = vector.extract_strided_slice %add3A_100 {offsets = [0, 0], sizes = [10, 64], strides = [1, 1]} : vector<20x64xf32> to vector<10x64xf32>
    %slice3A_102 = vector.extract_strided_slice %add3A_100 {offsets = [10, 0], sizes = [10, 64], strides = [1, 1]} : vector<20x64xf32> to vector<10x64xf32>
    %add3A_103 = arith.addf %slice3A_101, %slice3A_102 : vector<10x64xf32>
    %slice3A_104 = vector.extract_strided_slice %add3A_103 {offsets = [0, 0], sizes = [5, 64], strides = [1, 1]} : vector<10x64xf32> to vector<5x64xf32>
    %slice3A_105 = vector.extract_strided_slice %add3A_103 {offsets = [5, 0], sizes = [5, 64], strides = [1, 1]} : vector<10x64xf32> to vector<5x64xf32>
    %add3A_106 = arith.addf %slice3A_104, %slice3A_105 : vector<5x64xf32>
    %reduce_sum3A_107 = arith.constant dense<0.000000e+00> : vector<64xf32>
    %reduce_sum3A_108 = vector.multi_reduction <add>, %add3A_106, %reduce_sum3A_107 [0] : vector<5x64xf32> to vector<64xf32>
    %broadcast_in_dim3A_109 = vector.shape_cast %reduce_sum3A_108 : vector<64xf32> to vector<1x64xf32>
    %mul3A_110 = arith.mulf %sub3A_88, %sub3A_88 : vector<320x64xf32>
    %slice3A_111 = vector.extract_strided_slice %mul3A_110 {offsets = [0, 0], sizes = [160, 64], strides = [1, 1]} : vector<320x64xf32> to vector<160x64xf32>
    %slice3A_112 = vector.extract_strided_slice %mul3A_110 {offsets = [160, 0], sizes = [160, 64], strides = [1, 1]} : vector<320x64xf32> to vector<160x64xf32>
    %add3A_113 = arith.addf %slice3A_111, %slice3A_112 : vector<160x64xf32>
    %slice3A_114 = vector.extract_strided_slice %add3A_113 {offsets = [0, 0], sizes = [80, 64], strides = [1, 1]} : vector<160x64xf32> to vector<80x64xf32>
    %slice3A_115 = vector.extract_strided_slice %add3A_113 {offsets = [80, 0], sizes = [80, 64], strides = [1, 1]} : vector<160x64xf32> to vector<80x64xf32>
    %add3A_116 = arith.addf %slice3A_114, %slice3A_115 : vector<80x64xf32>
    %slice3A_117 = vector.extract_strided_slice %add3A_116 {offsets = [0, 0], sizes = [40, 64], strides = [1, 1]} : vector<80x64xf32> to vector<40x64xf32>
    %slice3A_118 = vector.extract_strided_slice %add3A_116 {offsets = [40, 0], sizes = [40, 64], strides = [1, 1]} : vector<80x64xf32> to vector<40x64xf32>
    %add3A_119 = arith.addf %slice3A_117, %slice3A_118 : vector<40x64xf32>
    %slice3A_120 = vector.extract_strided_slice %add3A_119 {offsets = [0, 0], sizes = [20, 64], strides = [1, 1]} : vector<40x64xf32> to vector<20x64xf32>
    %slice3A_121 = vector.extract_strided_slice %add3A_119 {offsets = [20, 0], sizes = [20, 64], strides = [1, 1]} : vector<40x64xf32> to vector<20x64xf32>
    %add3A_122 = arith.addf %slice3A_120, %slice3A_121 : vector<20x64xf32>
    %slice3A_123 = vector.extract_strided_slice %add3A_122 {offsets = [0, 0], sizes = [10, 64], strides = [1, 1]} : vector<20x64xf32> to vector<10x64xf32>
    %slice3A_124 = vector.extract_strided_slice %add3A_122 {offsets = [10, 0], sizes = [10, 64], strides = [1, 1]} : vector<20x64xf32> to vector<10x64xf32>
    %add3A_125 = arith.addf %slice3A_123, %slice3A_124 : vector<10x64xf32>
    %slice3A_126 = vector.extract_strided_slice %add3A_125 {offsets = [0, 0], sizes = [5, 64], strides = [1, 1]} : vector<10x64xf32> to vector<5x64xf32>
    %slice3A_127 = vector.extract_strided_slice %add3A_125 {offsets = [5, 0], sizes = [5, 64], strides = [1, 1]} : vector<10x64xf32> to vector<5x64xf32>
    %add3A_128 = arith.addf %slice3A_126, %slice3A_127 : vector<5x64xf32>
    %reduce_sum3A_129 = arith.constant dense<0.000000e+00> : vector<64xf32>
    %reduce_sum3A_130 = vector.multi_reduction <add>, %add3A_128, %reduce_sum3A_129 [0] : vector<5x64xf32> to vector<64xf32>
    %broadcast_in_dim3A_131 = vector.shape_cast %reduce_sum3A_130 : vector<64xf32> to vector<1x64xf32>
    %mul3A_132 = arith.constant 5.120000e+02 : f32
    %mul3A_133 = vector.broadcast %mul3A_132 : f32 to vector<1x64xf32>
    %mul3A_134 = arith.mulf %mul3A_133, %broadcast_in_dim3A_131 : vector<1x64xf32>
    %add3A_135 = arith.addf %broadcast_in_dim3A_109, %mul3A_134 : vector<1x64xf32>
    %div3A_136 = arith.constant 1.638400e+05 : f32
    %div3A_137 = vector.broadcast %div3A_136 : f32 to vector<1x64xf32>
    %div3A_138 = arith.divf %add3A_135, %div3A_137 : vector<1x64xf32>
    %concatenate3A = tpu.concatenate %div3A_83, %div3A_138 in 0 : vector<1x64xf32>, vector<1x64xf32> -> vector<2x64xf32>
    %swap3A = arith.constant 0 : index
    %swap3A_139 = arith.constant 0 : index
    %swap3A_140 = vector.load %arg1[%swap3A, %swap3A_139] : memref<2x64xf32, #tpu.memory_space<vmem>>, vector<2x64xf32>
    tpu.vector_store %arg1[%swap3A, %swap3A_139], %concatenate3A {strides = array<i32>} : memref<2x64xf32, #tpu.memory_space<vmem>>, vector<2x64xf32>,
    return
  }
}

module attributes {stable_mosaic.version = 14 : i64} {
  func.func @_apply_body(%arg0: i32, %arg1: memref<1024x64xf32, #tpu.memory_space<vmem>>, %arg2: memref<1024x64xf32, #tpu.memory_space<vmem>>, %arg3: memref<2x64xf32, #tpu.memory_space<vmem>>, %arg4: memref<1x64xf32, #tpu.memory_space<vmem>>, %arg5: memref<1x64xf32, #tpu.memory_space<vmem>>, %arg6: memref<1024x64xf32, #tpu.memory_space<vmem>>) attributes {dimension_semantics = [#tpu.dimension_semantics<arbitrary>], iteration_bounds = array<i64: 8>, scalar_prefetch = 0 : i64, scratch_operands = 0 : i64, tpu.core_type = #tpu.core_type<tc>, window_params = [{transform_indices = @transform_0, window_bounds = array<i64: 1024, 64>}, {transform_indices = @transform_1, window_bounds = array<i64: 1024, 64>}, {pipeline_mode = #tpu.pipeline_mode<synchronous>, transform_indices = @transform_2, window_bounds = array<i64: 2, 64>}, {pipeline_mode = #tpu.pipeline_mode<synchronous>, transform_indices = @transform_3, window_bounds = array<i64: 1, 64>}, {pipeline_mode = #tpu.pipeline_mode<synchronous>, transform_indices = @transform_4, window_bounds = array<i64: 1, 64>}, {transform_indices = @transform_5, window_bounds = array<i64: 1024, 64>}]} {
    %get3A = arith.constant 0 : index
    %get3A_0 = arith.constant 0 : index
    %get3A_1 = vector.load %arg3[%get3A, %get3A_0] : memref<2x64xf32, #tpu.memory_space<vmem>>, vector<1x64xf32>
    %get3A_2 = arith.constant 1 : index
    %get3A_3 = arith.constant 0 : index
    %get3A_4 = vector.load %arg3[%get3A_2, %get3A_3] : memref<2x64xf32, #tpu.memory_space<vmem>>, vector<1x64xf32>
    %get3A_5 = arith.constant 0 : index
    %get3A_6 = arith.constant 0 : index
    %get3A_7 = vector.load %arg4[%get3A_5, %get3A_6] : memref<1x64xf32, #tpu.memory_space<vmem>>, vector<1x64xf32>
    %ge3A = arith.constant 0.000000e+00 : f32
    %ge3A_8 = vector.broadcast %ge3A : f32 to vector<1x64xf32>
    %ge3A_9 = arith.cmpf oge, %get3A_7, %ge3A_8 : vector<1x64xf32>
    %get3A_10 = arith.constant 0 : index
    %get3A_11 = arith.constant 0 : index
    %get3A_12 = vector.load %arg1[%get3A_10, %get3A_11] : memref<1024x64xf32, #tpu.memory_space<vmem>>, vector<1024x64xf32>
    %get3A_13 = arith.constant 0 : index
    %get3A_14 = arith.constant 0 : index
    %get3A_15 = vector.load %arg2[%get3A_13, %get3A_14] : memref<1024x64xf32, #tpu.memory_space<vmem>>, vector<1024x64xf32>
    %broadcast_in_dim3A = vector.shape_cast %ge3A_9 : vector<1x64xi1> to vector<1x64xi1>
    %broadcast_in_dim3A_16 = vector.broadcast %broadcast_in_dim3A : vector<1x64xi1> to vector<1024x64xi1>
    %select_n3A = arith.select %broadcast_in_dim3A_16, %get3A_12, %get3A_15 : vector<1024x64xi1>, vector<1024x64xf32>
    %sub3A = vector.broadcast %get3A_1 : vector<1x64xf32> to vector<1024x64xf32>
    %sub3A_17 = arith.subf %select_n3A, %sub3A : vector<1024x64xf32>
    %add3A = arith.constant 9.99999974E-6 : f32
    %add3A_18 = vector.broadcast %add3A : f32 to vector<1x64xf32>
    %add3A_19 = arith.addf %get3A_4, %add3A_18 : vector<1x64xf32>
    %sqrt3A = math.sqrt %add3A_19 : vector<1x64xf32>
    %div3A = vector.broadcast %sqrt3A : vector<1x64xf32> to vector<1024x64xf32>
    %div3A_20 = arith.divf %sub3A_17, %div3A : vector<1024x64xf32>
    %mul3A = vector.broadcast %get3A_7 : vector<1x64xf32> to vector<1024x64xf32>
    %mul3A_21 = arith.mulf %div3A_20, %mul3A : vector<1024x64xf32>
    %get3A_22 = arith.constant 0 : index
    %get3A_23 = arith.constant 0 : index
    %get3A_24 = vector.load %arg5[%get3A_22, %get3A_23] : memref<1x64xf32, #tpu.memory_space<vmem>>, vector<1x64xf32>
    %add3A_25 = vector.broadcast %get3A_24 : vector<1x64xf32> to vector<1024x64xf32>
    %add3A_26 = arith.addf %mul3A_21, %add3A_25 : vector<1024x64xf32>
    %ge3A_27 = arith.constant 0.000000e+00 : f32
    %ge3A_28 = vector.broadcast %ge3A_27 : f32 to vector<1024x64xf32>
    %ge3A_29 = arith.cmpf oge, %add3A_26, %ge3A_28 : vector<1024x64xf32>
    %mul3A_30 = arith.constant 2.000000e-01 : f32
    %mul3A_31 = vector.broadcast %mul3A_30 : f32 to vector<1024x64xf32>
    %mul3A_32 = arith.mulf %mul3A_31, %add3A_26 : vector<1024x64xf32>
    %select_n3A_33 = arith.select %ge3A_29, %add3A_26, %mul3A_32 : vector<1024x64xi1>, vector<1024x64xf32>
    %swap3A = arith.constant 0 : index
    %swap3A_34 = arith.constant 0 : index
    %swap3A_35 = vector.load %arg6[%swap3A, %swap3A_34] : memref<1024x64xf32, #tpu.memory_space<vmem>>, vector<1024x64xf32>
    tpu.vector_store %arg6[%swap3A, %swap3A_34], %select_n3A_33 {strides = array<i32>} : memref<1024x64xf32, #tpu.memory_space<vmem>>, vector<1024x64xf32>,
    return
  }
  func.func @transform_0(%arg0: i32) -> (i32, i32) {
    %c0_i32 = arith.constant 0 : i32
    %c0_i32_0 = arith.constant 0 : i32
    return %arg0, %c0_i32 : i32, i32
  }
  func.func @transform_1(%arg0: i32) -> (i32, i32) {
    %c0_i32 = arith.constant 0 : i32
    %c0_i32_0 = arith.constant 0 : i32
    return %arg0, %c0_i32 : i32, i32
  }
  func.func @transform_2(%arg0: i32) -> (i32, i32) {
    %c0_i32 = arith.constant 0 : i32
    %c0_i32_0 = arith.constant 0 : i32
    %c0_i32_1 = arith.constant 0 : i32
    return %c0_i32, %c0_i32_0 : i32, i32
  }
  func.func @transform_3(%arg0: i32) -> (i32, i32) {
    %c0_i32 = arith.constant 0 : i32
    %c0_i32_0 = arith.constant 0 : i32
    %c0_i32_1 = arith.constant 0 : i32
    return %c0_i32, %c0_i32_0 : i32, i32
  }
  func.func @transform_4(%arg0: i32) -> (i32, i32) {
    %c0_i32 = arith.constant 0 : i32
    %c0_i32_0 = arith.constant 0 : i32
    %c0_i32_1 = arith.constant 0 : i32
    return %c0_i32, %c0_i32_0 : i32, i32
  }
  func.func @transform_5(%arg0: i32) -> (i32, i32) {
    %c0_i32 = arith.constant 0 : i32
    %c0_i32_0 = arith.constant 0 : i32
    return %arg0, %c0_i32 : i32, i32
  }
}

module attributes {stable_mosaic.version = 14 : i64} {
  func.func @_knn_body(%arg0: i32, %arg1: i32, %arg2: memref<1x1024x64xf32, #tpu.memory_space<vmem>>, %arg3: memref<1x256x20xi32, #tpu.memory_space<vmem>>) attributes {dimension_semantics = [#tpu.dimension_semantics<arbitrary>, #tpu.dimension_semantics<arbitrary>], iteration_bounds = array<i64: 8, 4>, scalar_prefetch = 0 : i64, scratch_operands = 0 : i64, tpu.core_type = #tpu.core_type<tc>, window_params = [{transform_indices = @transform_0, window_bounds = array<i64: 1, 1024, 64>}, {transform_indices = @transform_1, window_bounds = array<i64: 1, 256, 20>}]} {
    %get3A = arith.constant 0 : index
    %get3A_0 = arith.constant 0 : index
    %get3A_1 = arith.constant 0 : index
    %get3A_2 = vector.load %arg2[%get3A, %get3A_0, %get3A_1] : memref<1x1024x64xf32, #tpu.memory_space<vmem>>, vector<1x1024x64xf32>
    %get3A_3 = vector.shape_cast %get3A_2 : vector<1x1024x64xf32> to vector<1024x64xf32>
    %mul3A = arith.constant 256 : i32
    %mul3A_4 = arith.muli %arg1, %mul3A : i32
    %get3A_5 = arith.constant 0 : index
    %get3A_6 = arith.index_cast %mul3A_4 : i32 to index
    %get3A_7 = arith.constant 0 : index
    %get3A_8 = vector.load %arg2[%get3A_5, %get3A_6, %get3A_7] : memref<1x1024x64xf32, #tpu.memory_space<vmem>>, vector<1x256x64xf32>
    %get3A_9 = vector.shape_cast %get3A_8 : vector<1x256x64xf32> to vector<256x64xf32>
    %mul3A_10 = arith.mulf %get3A_3, %get3A_3 : vector<1024x64xf32>
    %reduce_sum3A = arith.constant dense<0.000000e+00> : vector<1024xf32>
    %reduce_sum3A_11 = vector.multi_reduction <add>, %mul3A_10, %reduce_sum3A [1] : vector<1024x64xf32> to vector<1024xf32>
    %mul3A_12 = arith.mulf %get3A_9, %get3A_9 : vector<256x64xf32>
    %reduce_sum3A_13 = arith.constant dense<0.000000e+00> : vector<256xf32>
    %reduce_sum3A_14 = vector.multi_reduction <add>, %mul3A_12, %reduce_sum3A_13 [1] : vector<256x64xf32> to vector<256xf32>
    %convert_element_type3A = arith.truncf %get3A_9 : vector<256x64xf32> to vector<256x64xbf16>
    %convert_element_type3A_15 = arith.truncf %get3A_3 : vector<1024x64xf32> to vector<1024x64xbf16>
    %dot_general3A = arith.constant dense<0.000000e+00> : vector<256x1024xf32>
    %dot_general3A_16 = tpu.matmul %convert_element_type3A, %convert_element_type3A_15, %dot_general3A {dimension_numbers = #tpu.dot_dimension_numbers<[1], [1], [0], [0], [0, 0, 1, 0], [], []>, transpose_lhs_hint = false} : vector<256x64xbf16>, vector<1024x64xbf16>, vector<256x1024xf32> -> vector<256x1024xf32>
    %mul3A_17 = arith.constant -2.000000e+00 : f32
    %mul3A_18 = vector.broadcast %mul3A_17 : f32 to vector<256x1024xf32>
    %mul3A_19 = arith.mulf %mul3A_18, %dot_general3A_16 : vector<256x1024xf32>
    %broadcast_in_dim3A = vector.shape_cast %reduce_sum3A_14 : vector<256xf32> to vector<256x1xf32>
    %neg3A = arith.constant 0.000000e+00 : f32
    %neg3A_20 = vector.broadcast %neg3A : f32 to vector<256x1xf32>
    %neg3A_21 = arith.subf %neg3A_20, %broadcast_in_dim3A : vector<256x1xf32>
    %sub3A = vector.broadcast %neg3A_21 : vector<256x1xf32> to vector<256x1024xf32>
    %sub3A_22 = arith.subf %sub3A, %mul3A_19 : vector<256x1024xf32>
    %broadcast_in_dim3A_23 = vector.shape_cast %reduce_sum3A_11 : vector<1024xf32> to vector<1x1024xf32>
    %sub3A_24 = vector.broadcast %broadcast_in_dim3A_23 : vector<1x1024xf32> to vector<256x1024xf32>
    %sub3A_25 = arith.subf %sub3A_22, %sub3A_24 : vector<256x1024xf32>
    %iota3A = tpu.iota {dimensions = array<i32: 1>} : vector<256x1024xi32>
    %reduce_max3A = arith.constant dense<0xFF800000> : vector<256xf32>
    %reduce_max3A_26 = vector.multi_reduction <maximumf>, %sub3A_25, %reduce_max3A [1] : vector<256x1024xf32> to vector<256xf32>
    %broadcast_in_dim3A_27 = vector.shape_cast %reduce_max3A_26 : vector<256xf32> to vector<256x1xf32>
    %eq3A = vector.broadcast %broadcast_in_dim3A_27 : vector<256x1xf32> to vector<256x1024xf32>
    %eq3A_28 = arith.cmpf oeq, %sub3A_25, %eq3A : vector<256x1024xf32>
    %jit3A = arith.constant 1024 : i32
    %broadcast_in_dim3A_29 = vector.broadcast %jit3A : i32 to vector<256x1024xi32>
    %select_n3A = arith.select %eq3A_28, %iota3A, %broadcast_in_dim3A_29 : vector<256x1024xi1>, vector<256x1024xi32>
    %reduce_min3A = arith.constant dense<2147483647> : vector<256xi32>
    %reduce_min3A_30 = vector.multi_reduction <minsi>, %select_n3A, %reduce_min3A [1] : vector<256x1024xi32> to vector<256xi32>
    %broadcast_in_dim3A_31 = vector.shape_cast %reduce_min3A_30 : vector<256xi32> to vector<256x1xi32>
    %eq3A_32 = vector.broadcast %broadcast_in_dim3A_31 : vector<256x1xi32> to vector<256x1024xi32>
    %eq3A_33 = arith.cmpi eq, %iota3A, %eq3A_32 : vector<256x1024xi32>
    %jit3A_34 = arith.constant -3.400000e+38 : f32
    %broadcast_in_dim3A_35 = vector.broadcast %jit3A_34 : f32 to vector<256x1024xf32>
    %select_n3A_36 = arith.select %eq3A_33, %broadcast_in_dim3A_35, %sub3A_25 : vector<256x1024xi1>, vector<256x1024xf32>
    %reduce_max3A_37 = arith.constant dense<0xFF800000> : vector<256xf32>
    %reduce_max3A_38 = vector.multi_reduction <maximumf>, %select_n3A_36, %reduce_max3A_37 [1] : vector<256x1024xf32> to vector<256xf32>
    %broadcast_in_dim3A_39 = vector.shape_cast %reduce_max3A_38 : vector<256xf32> to vector<256x1xf32>
    %eq3A_40 = vector.broadcast %broadcast_in_dim3A_39 : vector<256x1xf32> to vector<256x1024xf32>
    %eq3A_41 = arith.cmpf oeq, %select_n3A_36, %eq3A_40 : vector<256x1024xf32>
    %jit3A_42 = arith.constant 1024 : i32
    %broadcast_in_dim3A_43 = vector.broadcast %jit3A_42 : i32 to vector<256x1024xi32>
    %select_n3A_44 = arith.select %eq3A_41, %iota3A, %broadcast_in_dim3A_43 : vector<256x1024xi1>, vector<256x1024xi32>
    %reduce_min3A_45 = arith.constant dense<2147483647> : vector<256xi32>
    %reduce_min3A_46 = vector.multi_reduction <minsi>, %select_n3A_44, %reduce_min3A_45 [1] : vector<256x1024xi32> to vector<256xi32>
    %broadcast_in_dim3A_47 = vector.shape_cast %reduce_min3A_46 : vector<256xi32> to vector<256x1xi32>
    %eq3A_48 = vector.broadcast %broadcast_in_dim3A_47 : vector<256x1xi32> to vector<256x1024xi32>
    %eq3A_49 = arith.cmpi eq, %iota3A, %eq3A_48 : vector<256x1024xi32>
    %jit3A_50 = arith.constant -3.400000e+38 : f32
    %broadcast_in_dim3A_51 = vector.broadcast %jit3A_50 : f32 to vector<256x1024xf32>
    %select_n3A_52 = arith.select %eq3A_49, %broadcast_in_dim3A_51, %select_n3A_36 : vector<256x1024xi1>, vector<256x1024xf32>
    %reduce_max3A_53 = arith.constant dense<0xFF800000> : vector<256xf32>
    %reduce_max3A_54 = vector.multi_reduction <maximumf>, %select_n3A_52, %reduce_max3A_53 [1] : vector<256x1024xf32> to vector<256xf32>
    %broadcast_in_dim3A_55 = vector.shape_cast %reduce_max3A_54 : vector<256xf32> to vector<256x1xf32>
    %eq3A_56 = vector.broadcast %broadcast_in_dim3A_55 : vector<256x1xf32> to vector<256x1024xf32>
    %eq3A_57 = arith.cmpf oeq, %select_n3A_52, %eq3A_56 : vector<256x1024xf32>
    %jit3A_58 = arith.constant 1024 : i32
    %broadcast_in_dim3A_59 = vector.broadcast %jit3A_58 : i32 to vector<256x1024xi32>
    %select_n3A_60 = arith.select %eq3A_57, %iota3A, %broadcast_in_dim3A_59 : vector<256x1024xi1>, vector<256x1024xi32>
    %reduce_min3A_61 = arith.constant dense<2147483647> : vector<256xi32>
    %reduce_min3A_62 = vector.multi_reduction <minsi>, %select_n3A_60, %reduce_min3A_61 [1] : vector<256x1024xi32> to vector<256xi32>
    %broadcast_in_dim3A_63 = vector.shape_cast %reduce_min3A_62 : vector<256xi32> to vector<256x1xi32>
    %eq3A_64 = vector.broadcast %broadcast_in_dim3A_63 : vector<256x1xi32> to vector<256x1024xi32>
    %eq3A_65 = arith.cmpi eq, %iota3A, %eq3A_64 : vector<256x1024xi32>
    %jit3A_66 = arith.constant -3.400000e+38 : f32
    %broadcast_in_dim3A_67 = vector.broadcast %jit3A_66 : f32 to vector<256x1024xf32>
    %select_n3A_68 = arith.select %eq3A_65, %broadcast_in_dim3A_67, %select_n3A_52 : vector<256x1024xi1>, vector<256x1024xf32>
    %reduce_max3A_69 = arith.constant dense<0xFF800000> : vector<256xf32>
    %reduce_max3A_70 = vector.multi_reduction <maximumf>, %select_n3A_68, %reduce_max3A_69 [1] : vector<256x1024xf32> to vector<256xf32>
    %broadcast_in_dim3A_71 = vector.shape_cast %reduce_max3A_70 : vector<256xf32> to vector<256x1xf32>
    %eq3A_72 = vector.broadcast %broadcast_in_dim3A_71 : vector<256x1xf32> to vector<256x1024xf32>
    %eq3A_73 = arith.cmpf oeq, %select_n3A_68, %eq3A_72 : vector<256x1024xf32>
    %jit3A_74 = arith.constant 1024 : i32
    %broadcast_in_dim3A_75 = vector.broadcast %jit3A_74 : i32 to vector<256x1024xi32>
    %select_n3A_76 = arith.select %eq3A_73, %iota3A, %broadcast_in_dim3A_75 : vector<256x1024xi1>, vector<256x1024xi32>
    %reduce_min3A_77 = arith.constant dense<2147483647> : vector<256xi32>
    %reduce_min3A_78 = vector.multi_reduction <minsi>, %select_n3A_76, %reduce_min3A_77 [1] : vector<256x1024xi32> to vector<256xi32>
    %broadcast_in_dim3A_79 = vector.shape_cast %reduce_min3A_78 : vector<256xi32> to vector<256x1xi32>
    %eq3A_80 = vector.broadcast %broadcast_in_dim3A_79 : vector<256x1xi32> to vector<256x1024xi32>
    %eq3A_81 = arith.cmpi eq, %iota3A, %eq3A_80 : vector<256x1024xi32>
    %jit3A_82 = arith.constant -3.400000e+38 : f32
    %broadcast_in_dim3A_83 = vector.broadcast %jit3A_82 : f32 to vector<256x1024xf32>
    %select_n3A_84 = arith.select %eq3A_81, %broadcast_in_dim3A_83, %select_n3A_68 : vector<256x1024xi1>, vector<256x1024xf32>
    %reduce_max3A_85 = arith.constant dense<0xFF800000> : vector<256xf32>
    %reduce_max3A_86 = vector.multi_reduction <maximumf>, %select_n3A_84, %reduce_max3A_85 [1] : vector<256x1024xf32> to vector<256xf32>
    %broadcast_in_dim3A_87 = vector.shape_cast %reduce_max3A_86 : vector<256xf32> to vector<256x1xf32>
    %eq3A_88 = vector.broadcast %broadcast_in_dim3A_87 : vector<256x1xf32> to vector<256x1024xf32>
    %eq3A_89 = arith.cmpf oeq, %select_n3A_84, %eq3A_88 : vector<256x1024xf32>
    %jit3A_90 = arith.constant 1024 : i32
    %broadcast_in_dim3A_91 = vector.broadcast %jit3A_90 : i32 to vector<256x1024xi32>
    %select_n3A_92 = arith.select %eq3A_89, %iota3A, %broadcast_in_dim3A_91 : vector<256x1024xi1>, vector<256x1024xi32>
    %reduce_min3A_93 = arith.constant dense<2147483647> : vector<256xi32>
    %reduce_min3A_94 = vector.multi_reduction <minsi>, %select_n3A_92, %reduce_min3A_93 [1] : vector<256x1024xi32> to vector<256xi32>
    %broadcast_in_dim3A_95 = vector.shape_cast %reduce_min3A_94 : vector<256xi32> to vector<256x1xi32>
    %eq3A_96 = vector.broadcast %broadcast_in_dim3A_95 : vector<256x1xi32> to vector<256x1024xi32>
    %eq3A_97 = arith.cmpi eq, %iota3A, %eq3A_96 : vector<256x1024xi32>
    %jit3A_98 = arith.constant -3.400000e+38 : f32
    %broadcast_in_dim3A_99 = vector.broadcast %jit3A_98 : f32 to vector<256x1024xf32>
    %select_n3A_100 = arith.select %eq3A_97, %broadcast_in_dim3A_99, %select_n3A_84 : vector<256x1024xi1>, vector<256x1024xf32>
    %reduce_max3A_101 = arith.constant dense<0xFF800000> : vector<256xf32>
    %reduce_max3A_102 = vector.multi_reduction <maximumf>, %select_n3A_100, %reduce_max3A_101 [1] : vector<256x1024xf32> to vector<256xf32>
    %broadcast_in_dim3A_103 = vector.shape_cast %reduce_max3A_102 : vector<256xf32> to vector<256x1xf32>
    %eq3A_104 = vector.broadcast %broadcast_in_dim3A_103 : vector<256x1xf32> to vector<256x1024xf32>
    %eq3A_105 = arith.cmpf oeq, %select_n3A_100, %eq3A_104 : vector<256x1024xf32>
    %jit3A_106 = arith.constant 1024 : i32
    %broadcast_in_dim3A_107 = vector.broadcast %jit3A_106 : i32 to vector<256x1024xi32>
    %select_n3A_108 = arith.select %eq3A_105, %iota3A, %broadcast_in_dim3A_107 : vector<256x1024xi1>, vector<256x1024xi32>
    %reduce_min3A_109 = arith.constant dense<2147483647> : vector<256xi32>
    %reduce_min3A_110 = vector.multi_reduction <minsi>, %select_n3A_108, %reduce_min3A_109 [1] : vector<256x1024xi32> to vector<256xi32>
    %broadcast_in_dim3A_111 = vector.shape_cast %reduce_min3A_110 : vector<256xi32> to vector<256x1xi32>
    %eq3A_112 = vector.broadcast %broadcast_in_dim3A_111 : vector<256x1xi32> to vector<256x1024xi32>
    %eq3A_113 = arith.cmpi eq, %iota3A, %eq3A_112 : vector<256x1024xi32>
    %jit3A_114 = arith.constant -3.400000e+38 : f32
    %broadcast_in_dim3A_115 = vector.broadcast %jit3A_114 : f32 to vector<256x1024xf32>
    %select_n3A_116 = arith.select %eq3A_113, %broadcast_in_dim3A_115, %select_n3A_100 : vector<256x1024xi1>, vector<256x1024xf32>
    %reduce_max3A_117 = arith.constant dense<0xFF800000> : vector<256xf32>
    %reduce_max3A_118 = vector.multi_reduction <maximumf>, %select_n3A_116, %reduce_max3A_117 [1] : vector<256x1024xf32> to vector<256xf32>
    %broadcast_in_dim3A_119 = vector.shape_cast %reduce_max3A_118 : vector<256xf32> to vector<256x1xf32>
    %eq3A_120 = vector.broadcast %broadcast_in_dim3A_119 : vector<256x1xf32> to vector<256x1024xf32>
    %eq3A_121 = arith.cmpf oeq, %select_n3A_116, %eq3A_120 : vector<256x1024xf32>
    %jit3A_122 = arith.constant 1024 : i32
    %broadcast_in_dim3A_123 = vector.broadcast %jit3A_122 : i32 to vector<256x1024xi32>
    %select_n3A_124 = arith.select %eq3A_121, %iota3A, %broadcast_in_dim3A_123 : vector<256x1024xi1>, vector<256x1024xi32>
    %reduce_min3A_125 = arith.constant dense<2147483647> : vector<256xi32>
    %reduce_min3A_126 = vector.multi_reduction <minsi>, %select_n3A_124, %reduce_min3A_125 [1] : vector<256x1024xi32> to vector<256xi32>
    %broadcast_in_dim3A_127 = vector.shape_cast %reduce_min3A_126 : vector<256xi32> to vector<256x1xi32>
    %eq3A_128 = vector.broadcast %broadcast_in_dim3A_127 : vector<256x1xi32> to vector<256x1024xi32>
    %eq3A_129 = arith.cmpi eq, %iota3A, %eq3A_128 : vector<256x1024xi32>
    %jit3A_130 = arith.constant -3.400000e+38 : f32
    %broadcast_in_dim3A_131 = vector.broadcast %jit3A_130 : f32 to vector<256x1024xf32>
    %select_n3A_132 = arith.select %eq3A_129, %broadcast_in_dim3A_131, %select_n3A_116 : vector<256x1024xi1>, vector<256x1024xf32>
    %reduce_max3A_133 = arith.constant dense<0xFF800000> : vector<256xf32>
    %reduce_max3A_134 = vector.multi_reduction <maximumf>, %select_n3A_132, %reduce_max3A_133 [1] : vector<256x1024xf32> to vector<256xf32>
    %broadcast_in_dim3A_135 = vector.shape_cast %reduce_max3A_134 : vector<256xf32> to vector<256x1xf32>
    %eq3A_136 = vector.broadcast %broadcast_in_dim3A_135 : vector<256x1xf32> to vector<256x1024xf32>
    %eq3A_137 = arith.cmpf oeq, %select_n3A_132, %eq3A_136 : vector<256x1024xf32>
    %jit3A_138 = arith.constant 1024 : i32
    %broadcast_in_dim3A_139 = vector.broadcast %jit3A_138 : i32 to vector<256x1024xi32>
    %select_n3A_140 = arith.select %eq3A_137, %iota3A, %broadcast_in_dim3A_139 : vector<256x1024xi1>, vector<256x1024xi32>
    %reduce_min3A_141 = arith.constant dense<2147483647> : vector<256xi32>
    %reduce_min3A_142 = vector.multi_reduction <minsi>, %select_n3A_140, %reduce_min3A_141 [1] : vector<256x1024xi32> to vector<256xi32>
    %broadcast_in_dim3A_143 = vector.shape_cast %reduce_min3A_142 : vector<256xi32> to vector<256x1xi32>
    %eq3A_144 = vector.broadcast %broadcast_in_dim3A_143 : vector<256x1xi32> to vector<256x1024xi32>
    %eq3A_145 = arith.cmpi eq, %iota3A, %eq3A_144 : vector<256x1024xi32>
    %jit3A_146 = arith.constant -3.400000e+38 : f32
    %broadcast_in_dim3A_147 = vector.broadcast %jit3A_146 : f32 to vector<256x1024xf32>
    %select_n3A_148 = arith.select %eq3A_145, %broadcast_in_dim3A_147, %select_n3A_132 : vector<256x1024xi1>, vector<256x1024xf32>
    %reduce_max3A_149 = arith.constant dense<0xFF800000> : vector<256xf32>
    %reduce_max3A_150 = vector.multi_reduction <maximumf>, %select_n3A_148, %reduce_max3A_149 [1] : vector<256x1024xf32> to vector<256xf32>
    %broadcast_in_dim3A_151 = vector.shape_cast %reduce_max3A_150 : vector<256xf32> to vector<256x1xf32>
    %eq3A_152 = vector.broadcast %broadcast_in_dim3A_151 : vector<256x1xf32> to vector<256x1024xf32>
    %eq3A_153 = arith.cmpf oeq, %select_n3A_148, %eq3A_152 : vector<256x1024xf32>
    %jit3A_154 = arith.constant 1024 : i32
    %broadcast_in_dim3A_155 = vector.broadcast %jit3A_154 : i32 to vector<256x1024xi32>
    %select_n3A_156 = arith.select %eq3A_153, %iota3A, %broadcast_in_dim3A_155 : vector<256x1024xi1>, vector<256x1024xi32>
    %reduce_min3A_157 = arith.constant dense<2147483647> : vector<256xi32>
    %reduce_min3A_158 = vector.multi_reduction <minsi>, %select_n3A_156, %reduce_min3A_157 [1] : vector<256x1024xi32> to vector<256xi32>
    %broadcast_in_dim3A_159 = vector.shape_cast %reduce_min3A_158 : vector<256xi32> to vector<256x1xi32>
    %eq3A_160 = vector.broadcast %broadcast_in_dim3A_159 : vector<256x1xi32> to vector<256x1024xi32>
    %eq3A_161 = arith.cmpi eq, %iota3A, %eq3A_160 : vector<256x1024xi32>
    %jit3A_162 = arith.constant -3.400000e+38 : f32
    %broadcast_in_dim3A_163 = vector.broadcast %jit3A_162 : f32 to vector<256x1024xf32>
    %select_n3A_164 = arith.select %eq3A_161, %broadcast_in_dim3A_163, %select_n3A_148 : vector<256x1024xi1>, vector<256x1024xf32>
    %reduce_max3A_165 = arith.constant dense<0xFF800000> : vector<256xf32>
    %reduce_max3A_166 = vector.multi_reduction <maximumf>, %select_n3A_164, %reduce_max3A_165 [1] : vector<256x1024xf32> to vector<256xf32>
    %broadcast_in_dim3A_167 = vector.shape_cast %reduce_max3A_166 : vector<256xf32> to vector<256x1xf32>
    %eq3A_168 = vector.broadcast %broadcast_in_dim3A_167 : vector<256x1xf32> to vector<256x1024xf32>
    %eq3A_169 = arith.cmpf oeq, %select_n3A_164, %eq3A_168 : vector<256x1024xf32>
    %jit3A_170 = arith.constant 1024 : i32
    %broadcast_in_dim3A_171 = vector.broadcast %jit3A_170 : i32 to vector<256x1024xi32>
    %select_n3A_172 = arith.select %eq3A_169, %iota3A, %broadcast_in_dim3A_171 : vector<256x1024xi1>, vector<256x1024xi32>
    %reduce_min3A_173 = arith.constant dense<2147483647> : vector<256xi32>
    %reduce_min3A_174 = vector.multi_reduction <minsi>, %select_n3A_172, %reduce_min3A_173 [1] : vector<256x1024xi32> to vector<256xi32>
    %broadcast_in_dim3A_175 = vector.shape_cast %reduce_min3A_174 : vector<256xi32> to vector<256x1xi32>
    %eq3A_176 = vector.broadcast %broadcast_in_dim3A_175 : vector<256x1xi32> to vector<256x1024xi32>
    %eq3A_177 = arith.cmpi eq, %iota3A, %eq3A_176 : vector<256x1024xi32>
    %jit3A_178 = arith.constant -3.400000e+38 : f32
    %broadcast_in_dim3A_179 = vector.broadcast %jit3A_178 : f32 to vector<256x1024xf32>
    %select_n3A_180 = arith.select %eq3A_177, %broadcast_in_dim3A_179, %select_n3A_164 : vector<256x1024xi1>, vector<256x1024xf32>
    %reduce_max3A_181 = arith.constant dense<0xFF800000> : vector<256xf32>
    %reduce_max3A_182 = vector.multi_reduction <maximumf>, %select_n3A_180, %reduce_max3A_181 [1] : vector<256x1024xf32> to vector<256xf32>
    %broadcast_in_dim3A_183 = vector.shape_cast %reduce_max3A_182 : vector<256xf32> to vector<256x1xf32>
    %eq3A_184 = vector.broadcast %broadcast_in_dim3A_183 : vector<256x1xf32> to vector<256x1024xf32>
    %eq3A_185 = arith.cmpf oeq, %select_n3A_180, %eq3A_184 : vector<256x1024xf32>
    %jit3A_186 = arith.constant 1024 : i32
    %broadcast_in_dim3A_187 = vector.broadcast %jit3A_186 : i32 to vector<256x1024xi32>
    %select_n3A_188 = arith.select %eq3A_185, %iota3A, %broadcast_in_dim3A_187 : vector<256x1024xi1>, vector<256x1024xi32>
    %reduce_min3A_189 = arith.constant dense<2147483647> : vector<256xi32>
    %reduce_min3A_190 = vector.multi_reduction <minsi>, %select_n3A_188, %reduce_min3A_189 [1] : vector<256x1024xi32> to vector<256xi32>
    %broadcast_in_dim3A_191 = vector.shape_cast %reduce_min3A_190 : vector<256xi32> to vector<256x1xi32>
    %eq3A_192 = vector.broadcast %broadcast_in_dim3A_191 : vector<256x1xi32> to vector<256x1024xi32>
    %eq3A_193 = arith.cmpi eq, %iota3A, %eq3A_192 : vector<256x1024xi32>
    %jit3A_194 = arith.constant -3.400000e+38 : f32
    %broadcast_in_dim3A_195 = vector.broadcast %jit3A_194 : f32 to vector<256x1024xf32>
    %select_n3A_196 = arith.select %eq3A_193, %broadcast_in_dim3A_195, %select_n3A_180 : vector<256x1024xi1>, vector<256x1024xf32>
    %reduce_max3A_197 = arith.constant dense<0xFF800000> : vector<256xf32>
    %reduce_max3A_198 = vector.multi_reduction <maximumf>, %select_n3A_196, %reduce_max3A_197 [1] : vector<256x1024xf32> to vector<256xf32>
    %broadcast_in_dim3A_199 = vector.shape_cast %reduce_max3A_198 : vector<256xf32> to vector<256x1xf32>
    %eq3A_200 = vector.broadcast %broadcast_in_dim3A_199 : vector<256x1xf32> to vector<256x1024xf32>
    %eq3A_201 = arith.cmpf oeq, %select_n3A_196, %eq3A_200 : vector<256x1024xf32>
    %jit3A_202 = arith.constant 1024 : i32
    %broadcast_in_dim3A_203 = vector.broadcast %jit3A_202 : i32 to vector<256x1024xi32>
    %select_n3A_204 = arith.select %eq3A_201, %iota3A, %broadcast_in_dim3A_203 : vector<256x1024xi1>, vector<256x1024xi32>
    %reduce_min3A_205 = arith.constant dense<2147483647> : vector<256xi32>
    %reduce_min3A_206 = vector.multi_reduction <minsi>, %select_n3A_204, %reduce_min3A_205 [1] : vector<256x1024xi32> to vector<256xi32>
    %broadcast_in_dim3A_207 = vector.shape_cast %reduce_min3A_206 : vector<256xi32> to vector<256x1xi32>
    %eq3A_208 = vector.broadcast %broadcast_in_dim3A_207 : vector<256x1xi32> to vector<256x1024xi32>
    %eq3A_209 = arith.cmpi eq, %iota3A, %eq3A_208 : vector<256x1024xi32>
    %jit3A_210 = arith.constant -3.400000e+38 : f32
    %broadcast_in_dim3A_211 = vector.broadcast %jit3A_210 : f32 to vector<256x1024xf32>
    %select_n3A_212 = arith.select %eq3A_209, %broadcast_in_dim3A_211, %select_n3A_196 : vector<256x1024xi1>, vector<256x1024xf32>
    %reduce_max3A_213 = arith.constant dense<0xFF800000> : vector<256xf32>
    %reduce_max3A_214 = vector.multi_reduction <maximumf>, %select_n3A_212, %reduce_max3A_213 [1] : vector<256x1024xf32> to vector<256xf32>
    %broadcast_in_dim3A_215 = vector.shape_cast %reduce_max3A_214 : vector<256xf32> to vector<256x1xf32>
    %eq3A_216 = vector.broadcast %broadcast_in_dim3A_215 : vector<256x1xf32> to vector<256x1024xf32>
    %eq3A_217 = arith.cmpf oeq, %select_n3A_212, %eq3A_216 : vector<256x1024xf32>
    %jit3A_218 = arith.constant 1024 : i32
    %broadcast_in_dim3A_219 = vector.broadcast %jit3A_218 : i32 to vector<256x1024xi32>
    %select_n3A_220 = arith.select %eq3A_217, %iota3A, %broadcast_in_dim3A_219 : vector<256x1024xi1>, vector<256x1024xi32>
    %reduce_min3A_221 = arith.constant dense<2147483647> : vector<256xi32>
    %reduce_min3A_222 = vector.multi_reduction <minsi>, %select_n3A_220, %reduce_min3A_221 [1] : vector<256x1024xi32> to vector<256xi32>
    %broadcast_in_dim3A_223 = vector.shape_cast %reduce_min3A_222 : vector<256xi32> to vector<256x1xi32>
    %eq3A_224 = vector.broadcast %broadcast_in_dim3A_223 : vector<256x1xi32> to vector<256x1024xi32>
    %eq3A_225 = arith.cmpi eq, %iota3A, %eq3A_224 : vector<256x1024xi32>
    %jit3A_226 = arith.constant -3.400000e+38 : f32
    %broadcast_in_dim3A_227 = vector.broadcast %jit3A_226 : f32 to vector<256x1024xf32>
    %select_n3A_228 = arith.select %eq3A_225, %broadcast_in_dim3A_227, %select_n3A_212 : vector<256x1024xi1>, vector<256x1024xf32>
    %reduce_max3A_229 = arith.constant dense<0xFF800000> : vector<256xf32>
    %reduce_max3A_230 = vector.multi_reduction <maximumf>, %select_n3A_228, %reduce_max3A_229 [1] : vector<256x1024xf32> to vector<256xf32>
    %broadcast_in_dim3A_231 = vector.shape_cast %reduce_max3A_230 : vector<256xf32> to vector<256x1xf32>
    %eq3A_232 = vector.broadcast %broadcast_in_dim3A_231 : vector<256x1xf32> to vector<256x1024xf32>
    %eq3A_233 = arith.cmpf oeq, %select_n3A_228, %eq3A_232 : vector<256x1024xf32>
    %jit3A_234 = arith.constant 1024 : i32
    %broadcast_in_dim3A_235 = vector.broadcast %jit3A_234 : i32 to vector<256x1024xi32>
    %select_n3A_236 = arith.select %eq3A_233, %iota3A, %broadcast_in_dim3A_235 : vector<256x1024xi1>, vector<256x1024xi32>
    %reduce_min3A_237 = arith.constant dense<2147483647> : vector<256xi32>
    %reduce_min3A_238 = vector.multi_reduction <minsi>, %select_n3A_236, %reduce_min3A_237 [1] : vector<256x1024xi32> to vector<256xi32>
    %broadcast_in_dim3A_239 = vector.shape_cast %reduce_min3A_238 : vector<256xi32> to vector<256x1xi32>
    %eq3A_240 = vector.broadcast %broadcast_in_dim3A_239 : vector<256x1xi32> to vector<256x1024xi32>
    %eq3A_241 = arith.cmpi eq, %iota3A, %eq3A_240 : vector<256x1024xi32>
    %jit3A_242 = arith.constant -3.400000e+38 : f32
    %broadcast_in_dim3A_243 = vector.broadcast %jit3A_242 : f32 to vector<256x1024xf32>
    %select_n3A_244 = arith.select %eq3A_241, %broadcast_in_dim3A_243, %select_n3A_228 : vector<256x1024xi1>, vector<256x1024xf32>
    %reduce_max3A_245 = arith.constant dense<0xFF800000> : vector<256xf32>
    %reduce_max3A_246 = vector.multi_reduction <maximumf>, %select_n3A_244, %reduce_max3A_245 [1] : vector<256x1024xf32> to vector<256xf32>
    %broadcast_in_dim3A_247 = vector.shape_cast %reduce_max3A_246 : vector<256xf32> to vector<256x1xf32>
    %eq3A_248 = vector.broadcast %broadcast_in_dim3A_247 : vector<256x1xf32> to vector<256x1024xf32>
    %eq3A_249 = arith.cmpf oeq, %select_n3A_244, %eq3A_248 : vector<256x1024xf32>
    %jit3A_250 = arith.constant 1024 : i32
    %broadcast_in_dim3A_251 = vector.broadcast %jit3A_250 : i32 to vector<256x1024xi32>
    %select_n3A_252 = arith.select %eq3A_249, %iota3A, %broadcast_in_dim3A_251 : vector<256x1024xi1>, vector<256x1024xi32>
    %reduce_min3A_253 = arith.constant dense<2147483647> : vector<256xi32>
    %reduce_min3A_254 = vector.multi_reduction <minsi>, %select_n3A_252, %reduce_min3A_253 [1] : vector<256x1024xi32> to vector<256xi32>
    %broadcast_in_dim3A_255 = vector.shape_cast %reduce_min3A_254 : vector<256xi32> to vector<256x1xi32>
    %eq3A_256 = vector.broadcast %broadcast_in_dim3A_255 : vector<256x1xi32> to vector<256x1024xi32>
    %eq3A_257 = arith.cmpi eq, %iota3A, %eq3A_256 : vector<256x1024xi32>
    %jit3A_258 = arith.constant -3.400000e+38 : f32
    %broadcast_in_dim3A_259 = vector.broadcast %jit3A_258 : f32 to vector<256x1024xf32>
    %select_n3A_260 = arith.select %eq3A_257, %broadcast_in_dim3A_259, %select_n3A_244 : vector<256x1024xi1>, vector<256x1024xf32>
    %reduce_max3A_261 = arith.constant dense<0xFF800000> : vector<256xf32>
    %reduce_max3A_262 = vector.multi_reduction <maximumf>, %select_n3A_260, %reduce_max3A_261 [1] : vector<256x1024xf32> to vector<256xf32>
    %broadcast_in_dim3A_263 = vector.shape_cast %reduce_max3A_262 : vector<256xf32> to vector<256x1xf32>
    %eq3A_264 = vector.broadcast %broadcast_in_dim3A_263 : vector<256x1xf32> to vector<256x1024xf32>
    %eq3A_265 = arith.cmpf oeq, %select_n3A_260, %eq3A_264 : vector<256x1024xf32>
    %jit3A_266 = arith.constant 1024 : i32
    %broadcast_in_dim3A_267 = vector.broadcast %jit3A_266 : i32 to vector<256x1024xi32>
    %select_n3A_268 = arith.select %eq3A_265, %iota3A, %broadcast_in_dim3A_267 : vector<256x1024xi1>, vector<256x1024xi32>
    %reduce_min3A_269 = arith.constant dense<2147483647> : vector<256xi32>
    %reduce_min3A_270 = vector.multi_reduction <minsi>, %select_n3A_268, %reduce_min3A_269 [1] : vector<256x1024xi32> to vector<256xi32>
    %broadcast_in_dim3A_271 = vector.shape_cast %reduce_min3A_270 : vector<256xi32> to vector<256x1xi32>
    %eq3A_272 = vector.broadcast %broadcast_in_dim3A_271 : vector<256x1xi32> to vector<256x1024xi32>
    %eq3A_273 = arith.cmpi eq, %iota3A, %eq3A_272 : vector<256x1024xi32>
    %jit3A_274 = arith.constant -3.400000e+38 : f32
    %broadcast_in_dim3A_275 = vector.broadcast %jit3A_274 : f32 to vector<256x1024xf32>
    %select_n3A_276 = arith.select %eq3A_273, %broadcast_in_dim3A_275, %select_n3A_260 : vector<256x1024xi1>, vector<256x1024xf32>
    %reduce_max3A_277 = arith.constant dense<0xFF800000> : vector<256xf32>
    %reduce_max3A_278 = vector.multi_reduction <maximumf>, %select_n3A_276, %reduce_max3A_277 [1] : vector<256x1024xf32> to vector<256xf32>
    %broadcast_in_dim3A_279 = vector.shape_cast %reduce_max3A_278 : vector<256xf32> to vector<256x1xf32>
    %eq3A_280 = vector.broadcast %broadcast_in_dim3A_279 : vector<256x1xf32> to vector<256x1024xf32>
    %eq3A_281 = arith.cmpf oeq, %select_n3A_276, %eq3A_280 : vector<256x1024xf32>
    %jit3A_282 = arith.constant 1024 : i32
    %broadcast_in_dim3A_283 = vector.broadcast %jit3A_282 : i32 to vector<256x1024xi32>
    %select_n3A_284 = arith.select %eq3A_281, %iota3A, %broadcast_in_dim3A_283 : vector<256x1024xi1>, vector<256x1024xi32>
    %reduce_min3A_285 = arith.constant dense<2147483647> : vector<256xi32>
    %reduce_min3A_286 = vector.multi_reduction <minsi>, %select_n3A_284, %reduce_min3A_285 [1] : vector<256x1024xi32> to vector<256xi32>
    %broadcast_in_dim3A_287 = vector.shape_cast %reduce_min3A_286 : vector<256xi32> to vector<256x1xi32>
    %eq3A_288 = vector.broadcast %broadcast_in_dim3A_287 : vector<256x1xi32> to vector<256x1024xi32>
    %eq3A_289 = arith.cmpi eq, %iota3A, %eq3A_288 : vector<256x1024xi32>
    %jit3A_290 = arith.constant -3.400000e+38 : f32
    %broadcast_in_dim3A_291 = vector.broadcast %jit3A_290 : f32 to vector<256x1024xf32>
    %select_n3A_292 = arith.select %eq3A_289, %broadcast_in_dim3A_291, %select_n3A_276 : vector<256x1024xi1>, vector<256x1024xf32>
    %reduce_max3A_293 = arith.constant dense<0xFF800000> : vector<256xf32>
    %reduce_max3A_294 = vector.multi_reduction <maximumf>, %select_n3A_292, %reduce_max3A_293 [1] : vector<256x1024xf32> to vector<256xf32>
    %broadcast_in_dim3A_295 = vector.shape_cast %reduce_max3A_294 : vector<256xf32> to vector<256x1xf32>
    %eq3A_296 = vector.broadcast %broadcast_in_dim3A_295 : vector<256x1xf32> to vector<256x1024xf32>
    %eq3A_297 = arith.cmpf oeq, %select_n3A_292, %eq3A_296 : vector<256x1024xf32>
    %jit3A_298 = arith.constant 1024 : i32
    %broadcast_in_dim3A_299 = vector.broadcast %jit3A_298 : i32 to vector<256x1024xi32>
    %select_n3A_300 = arith.select %eq3A_297, %iota3A, %broadcast_in_dim3A_299 : vector<256x1024xi1>, vector<256x1024xi32>
    %reduce_min3A_301 = arith.constant dense<2147483647> : vector<256xi32>
    %reduce_min3A_302 = vector.multi_reduction <minsi>, %select_n3A_300, %reduce_min3A_301 [1] : vector<256x1024xi32> to vector<256xi32>
    %broadcast_in_dim3A_303 = vector.shape_cast %reduce_min3A_302 : vector<256xi32> to vector<256x1xi32>
    %eq3A_304 = vector.broadcast %broadcast_in_dim3A_303 : vector<256x1xi32> to vector<256x1024xi32>
    %eq3A_305 = arith.cmpi eq, %iota3A, %eq3A_304 : vector<256x1024xi32>
    %jit3A_306 = arith.constant -3.400000e+38 : f32
    %broadcast_in_dim3A_307 = vector.broadcast %jit3A_306 : f32 to vector<256x1024xf32>
    %select_n3A_308 = arith.select %eq3A_305, %broadcast_in_dim3A_307, %select_n3A_292 : vector<256x1024xi1>, vector<256x1024xf32>
    %reduce_max3A_309 = arith.constant dense<0xFF800000> : vector<256xf32>
    %reduce_max3A_310 = vector.multi_reduction <maximumf>, %select_n3A_308, %reduce_max3A_309 [1] : vector<256x1024xf32> to vector<256xf32>
    %broadcast_in_dim3A_311 = vector.shape_cast %reduce_max3A_310 : vector<256xf32> to vector<256x1xf32>
    %eq3A_312 = vector.broadcast %broadcast_in_dim3A_311 : vector<256x1xf32> to vector<256x1024xf32>
    %eq3A_313 = arith.cmpf oeq, %select_n3A_308, %eq3A_312 : vector<256x1024xf32>
    %jit3A_314 = arith.constant 1024 : i32
    %broadcast_in_dim3A_315 = vector.broadcast %jit3A_314 : i32 to vector<256x1024xi32>
    %select_n3A_316 = arith.select %eq3A_313, %iota3A, %broadcast_in_dim3A_315 : vector<256x1024xi1>, vector<256x1024xi32>
    %reduce_min3A_317 = arith.constant dense<2147483647> : vector<256xi32>
    %reduce_min3A_318 = vector.multi_reduction <minsi>, %select_n3A_316, %reduce_min3A_317 [1] : vector<256x1024xi32> to vector<256xi32>
    %broadcast_in_dim3A_319 = vector.shape_cast %reduce_min3A_318 : vector<256xi32> to vector<256x1xi32>
    %eq3A_320 = vector.broadcast %broadcast_in_dim3A_319 : vector<256x1xi32> to vector<256x1024xi32>
    %eq3A_321 = arith.cmpi eq, %iota3A, %eq3A_320 : vector<256x1024xi32>
    %jit3A_322 = arith.constant -3.400000e+38 : f32
    %broadcast_in_dim3A_323 = vector.broadcast %jit3A_322 : f32 to vector<256x1024xf32>
    %select_n3A_324 = arith.select %eq3A_321, %broadcast_in_dim3A_323, %select_n3A_308 : vector<256x1024xi1>, vector<256x1024xf32>
    %reduce_max3A_325 = arith.constant dense<0xFF800000> : vector<256xf32>
    %reduce_max3A_326 = vector.multi_reduction <maximumf>, %select_n3A_324, %reduce_max3A_325 [1] : vector<256x1024xf32> to vector<256xf32>
    %broadcast_in_dim3A_327 = vector.shape_cast %reduce_max3A_326 : vector<256xf32> to vector<256x1xf32>
    %eq3A_328 = vector.broadcast %broadcast_in_dim3A_327 : vector<256x1xf32> to vector<256x1024xf32>
    %eq3A_329 = arith.cmpf oeq, %select_n3A_324, %eq3A_328 : vector<256x1024xf32>
    %jit3A_330 = arith.constant 1024 : i32
    %broadcast_in_dim3A_331 = vector.broadcast %jit3A_330 : i32 to vector<256x1024xi32>
    %select_n3A_332 = arith.select %eq3A_329, %iota3A, %broadcast_in_dim3A_331 : vector<256x1024xi1>, vector<256x1024xi32>
    %reduce_min3A_333 = arith.constant dense<2147483647> : vector<256xi32>
    %reduce_min3A_334 = vector.multi_reduction <minsi>, %select_n3A_332, %reduce_min3A_333 [1] : vector<256x1024xi32> to vector<256xi32>
    %broadcast_in_dim3A_335 = vector.shape_cast %reduce_min3A_334 : vector<256xi32> to vector<256x1xi32>
    %concatenate3A = tpu.concatenate %broadcast_in_dim3A_31, %broadcast_in_dim3A_47, %broadcast_in_dim3A_63, %broadcast_in_dim3A_79, %broadcast_in_dim3A_95, %broadcast_in_dim3A_111, %broadcast_in_dim3A_127, %broadcast_in_dim3A_143, %broadcast_in_dim3A_159, %broadcast_in_dim3A_175, %broadcast_in_dim3A_191, %broadcast_in_dim3A_207, %broadcast_in_dim3A_223, %broadcast_in_dim3A_239, %broadcast_in_dim3A_255, %broadcast_in_dim3A_271, %broadcast_in_dim3A_287, %broadcast_in_dim3A_303, %broadcast_in_dim3A_319, %broadcast_in_dim3A_335 in 1 : vector<256x1xi32>, vector<256x1xi32>, vector<256x1xi32>, vector<256x1xi32>, vector<256x1xi32>, vector<256x1xi32>, vector<256x1xi32>, vector<256x1xi32>, vector<256x1xi32>, vector<256x1xi32>, vector<256x1xi32>, vector<256x1xi32>, vector<256x1xi32>, vector<256x1xi32>, vector<256x1xi32>, vector<256x1xi32>, vector<256x1xi32>, vector<256x1xi32>, vector<256x1xi32>, vector<256x1xi32> -> vector<256x20xi32>
    %mul3A_336 = arith.constant 1024 : i32
    %mul3A_337 = arith.muli %arg0, %mul3A_336 : i32
    %add3A = vector.broadcast %mul3A_337 : i32 to vector<256x20xi32>
    %add3A_338 = arith.addi %concatenate3A, %add3A : vector<256x20xi32>
    %swap3A = arith.constant 0 : index
    %swap3A_339 = arith.constant 0 : index
    %swap3A_340 = arith.constant 0 : index
    %swap3A_341 = vector.load %arg3[%swap3A, %swap3A_339, %swap3A_340] : memref<1x256x20xi32, #tpu.memory_space<vmem>>, vector<1x256x20xi32>
    %swap3A_342 = vector.shape_cast %swap3A_341 : vector<1x256x20xi32> to vector<256x20xi32>
    %swap3A_343 = vector.shape_cast %add3A_338 : vector<256x20xi32> to vector<1x256x20xi32>
    tpu.vector_store %arg3[%swap3A, %swap3A_339, %swap3A_340], %swap3A_343 {strides = array<i32>} : memref<1x256x20xi32, #tpu.memory_space<vmem>>, vector<1x256x20xi32>,
    return
  }
  func.func @transform_0(%arg0: i32, %arg1: i32) -> (i32, i32, i32) {
    %c0_i32 = arith.constant 0 : i32
    %c0_i32_0 = arith.constant 0 : i32
    %c0_i32_1 = arith.constant 0 : i32
    return %arg0, %c0_i32, %c0_i32_0 : i32, i32, i32
  }
  func.func @transform_1(%arg0: i32, %arg1: i32) -> (i32, i32, i32) {
    %c0_i32 = arith.constant 0 : i32
    %c0_i32_0 = arith.constant 0 : i32
    return %arg0, %arg1, %c0_i32 : i32, i32, i32
  }
}

module attributes {stable_mosaic.version = 14 : i64} {
  func.func @body(%arg0: i32, %arg1: i32, %arg2: memref<512x128xf32, #tpu.memory_space<vmem>>, %arg3: memref<512x64xf32, #tpu.memory_space<vmem>>, %arg4: memref<128x64xf32, #tpu.memory_space<vmem>>, %arg5: memref<512x64xf32, #tpu.memory_space<vmem>>, %arg6: memref<512x64xf32, #tpu.memory_space<vmem>>, %arg7: memref<1x2x64xf32, #tpu.memory_space<vmem>>) attributes {dimension_semantics = [#tpu.dimension_semantics<arbitrary>, #tpu.dimension_semantics<arbitrary>], iteration_bounds = array<i64: 16, 20>, scalar_prefetch = 0 : i64, scratch_operands = 0 : i64, tpu.core_type = #tpu.core_type<tc>, window_params = [{transform_indices = @transform_0, window_bounds = array<i64: 512, 128>}, {transform_indices = @transform_1, window_bounds = array<i64: 512, 64>}, {pipeline_mode = #tpu.pipeline_mode<synchronous>, transform_indices = @transform_2, window_bounds = array<i64: 128, 64>}, {transform_indices = @transform_3, window_bounds = array<i64: 512, 64>}, {transform_indices = @transform_4, window_bounds = array<i64: 512, 64>}, {transform_indices = @transform_5, window_bounds = array<i64: 1, 2, 64>}]} {
    %get3A = arith.constant 0 : index
    %get3A_0 = arith.constant 0 : index
    %get3A_1 = vector.load %arg2[%get3A, %get3A_0] : memref<512x128xf32, #tpu.memory_space<vmem>>, vector<512x64xf32>
    %get3A_2 = arith.constant 0 : index
    %get3A_3 = arith.constant 0 : index
    %get3A_4 = vector.load %arg3[%get3A_2, %get3A_3] : memref<512x64xf32, #tpu.memory_space<vmem>>, vector<512x64xf32>
    %sub3A = arith.subf %get3A_1, %get3A_4 : vector<512x64xf32>
    %concatenate3A = tpu.concatenate %sub3A, %get3A_4 in 1 : vector<512x64xf32>, vector<512x64xf32> -> vector<512x128xf32>
    %convert_element_type3A = arith.truncf %concatenate3A : vector<512x128xf32> to vector<512x128xbf16>
    %get3A_5 = arith.constant 0 : index
    %get3A_6 = arith.constant 0 : index
    %get3A_7 = vector.load %arg4[%get3A_5, %get3A_6] : memref<128x64xf32, #tpu.memory_space<vmem>>, vector<128x64xf32>
    %convert_element_type3A_8 = arith.truncf %get3A_7 : vector<128x64xf32> to vector<128x64xbf16>
    %dot_general3A = arith.constant dense<0.000000e+00> : vector<512x64xf32>
    %dot_general3A_9 = tpu.matmul %convert_element_type3A, %convert_element_type3A_8, %dot_general3A {dimension_numbers = #tpu.dot_dimension_numbers<[1], [0], [0], [1], [0, 0, 1, 1], [], []>, transpose_lhs_hint = false} : vector<512x128xbf16>, vector<128x64xbf16>, vector<512x64xf32> -> vector<512x64xf32>
    %eq3A = arith.constant 0 : i32
    %eq3A_10 = arith.cmpi eq, %arg1, %eq3A : i32
    %convert_element_type3A_11 = arith.extui %eq3A_10 : i1 to i32
    %cond3A = arith.constant 0 : i32
    %cond3A_12 = arith.cmpi ne, %convert_element_type3A_11, %cond3A : i32
    scf.if %cond3A_12 {
      %swap3A_150 = arith.constant 0 : index
      %swap3A_151 = arith.constant 0 : index
      %swap3A_152 = vector.load %arg5[%swap3A_150, %swap3A_151] : memref<512x64xf32, #tpu.memory_space<vmem>>, vector<512x64xf32>
      tpu.vector_store %arg5[%swap3A_150, %swap3A_151], %dot_general3A_9 {strides = array<i32>} : memref<512x64xf32, #tpu.memory_space<vmem>>, vector<512x64xf32>,
      %swap3A_153 = arith.constant 0 : index
      %swap3A_154 = arith.constant 0 : index
      %swap3A_155 = vector.load %arg6[%swap3A_153, %swap3A_154] : memref<512x64xf32, #tpu.memory_space<vmem>>, vector<512x64xf32>
      tpu.vector_store %arg6[%swap3A_153, %swap3A_154], %dot_general3A_9 {strides = array<i32>} : memref<512x64xf32, #tpu.memory_space<vmem>>, vector<512x64xf32>,
    } else {
    }
    %ne3A = arith.constant 0 : i32
    %ne3A_13 = arith.cmpi ne, %arg1, %ne3A : i32
    %convert_element_type3A_14 = arith.extui %ne3A_13 : i1 to i32
    %cond3A_15 = arith.constant 0 : i32
    %cond3A_16 = arith.cmpi ne, %convert_element_type3A_14, %cond3A_15 : i32
    scf.if %cond3A_16 {
      %get3A_150 = arith.constant 0 : index
      %get3A_151 = arith.constant 0 : index
      %get3A_152 = vector.load %arg5[%get3A_150, %get3A_151] : memref<512x64xf32, #tpu.memory_space<vmem>>, vector<512x64xf32>
      %max3A = arith.maximumf %get3A_152, %dot_general3A_9 : vector<512x64xf32>
      %swap3A_153 = arith.constant 0 : index
      %swap3A_154 = arith.constant 0 : index
      %swap3A_155 = vector.load %arg5[%swap3A_153, %swap3A_154] : memref<512x64xf32, #tpu.memory_space<vmem>>, vector<512x64xf32>
      tpu.vector_store %arg5[%swap3A_153, %swap3A_154], %max3A {strides = array<i32>} : memref<512x64xf32, #tpu.memory_space<vmem>>, vector<512x64xf32>,
      %get3A_156 = arith.constant 0 : index
      %get3A_157 = arith.constant 0 : index
      %get3A_158 = vector.load %arg6[%get3A_156, %get3A_157] : memref<512x64xf32, #tpu.memory_space<vmem>>, vector<512x64xf32>
      %min3A = arith.minimumf %get3A_158, %dot_general3A_9 : vector<512x64xf32>
      %swap3A_159 = arith.constant 0 : index
      %swap3A_160 = arith.constant 0 : index
      %swap3A_161 = vector.load %arg6[%swap3A_159, %swap3A_160] : memref<512x64xf32, #tpu.memory_space<vmem>>, vector<512x64xf32>
      tpu.vector_store %arg6[%swap3A_159, %swap3A_160], %min3A {strides = array<i32>} : memref<512x64xf32, #tpu.memory_space<vmem>>, vector<512x64xf32>,
    } else {
    }
    %mul3A = arith.constant 0.000000e+00 : f32
    %mul3A_17 = vector.broadcast %mul3A : f32 to vector<512x64xf32>
    %mul3A_18 = arith.mulf %dot_general3A_9, %mul3A_17 : vector<512x64xf32>
    %slice3A = vector.extract_strided_slice %dot_general3A_9 {offsets = [0, 0], sizes = [256, 64], strides = [1, 1]} : vector<512x64xf32> to vector<256x64xf32>
    %slice3A_19 = vector.extract_strided_slice %dot_general3A_9 {offsets = [256, 0], sizes = [256, 64], strides = [1, 1]} : vector<512x64xf32> to vector<256x64xf32>
    %add3A = arith.addf %slice3A, %slice3A_19 : vector<256x64xf32>
    %sub3A_20 = arith.subf %add3A, %slice3A : vector<256x64xf32>
    %sub3A_21 = arith.subf %add3A, %sub3A_20 : vector<256x64xf32>
    %sub3A_22 = arith.subf %slice3A, %sub3A_21 : vector<256x64xf32>
    %sub3A_23 = arith.subf %slice3A_19, %sub3A_20 : vector<256x64xf32>
    %add3A_24 = arith.addf %sub3A_22, %sub3A_23 : vector<256x64xf32>
    %slice3A_25 = vector.extract_strided_slice %mul3A_18 {offsets = [0, 0], sizes = [256, 64], strides = [1, 1]} : vector<512x64xf32> to vector<256x64xf32>
    %slice3A_26 = vector.extract_strided_slice %mul3A_18 {offsets = [256, 0], sizes = [256, 64], strides = [1, 1]} : vector<512x64xf32> to vector<256x64xf32>
    %add3A_27 = arith.addf %slice3A_25, %slice3A_26 : vector<256x64xf32>
    %add3A_28 = arith.addf %add3A_27, %add3A_24 : vector<256x64xf32>
    %slice3A_29 = vector.extract_strided_slice %add3A {offsets = [0, 0], sizes = [128, 64], strides = [1, 1]} : vector<256x64xf32> to vector<128x64xf32>
    %slice3A_30 = vector.extract_strided_slice %add3A {offsets = [128, 0], sizes = [128, 64], strides = [1, 1]} : vector<256x64xf32> to vector<128x64xf32>
    %add3A_31 = arith.addf %slice3A_29, %slice3A_30 : vector<128x64xf32>
    %sub3A_32 = arith.subf %add3A_31, %slice3A_29 : vector<128x64xf32>
    %sub3A_33 = arith.subf %add3A_31, %sub3A_32 : vector<128x64xf32>
    %sub3A_34 = arith.subf %slice3A_29, %sub3A_33 : vector<128x64xf32>
    %sub3A_35 = arith.subf %slice3A_30, %sub3A_32 : vector<128x64xf32>
    %add3A_36 = arith.addf %sub3A_34, %sub3A_35 : vector<128x64xf32>
    %slice3A_37 = vector.extract_strided_slice %add3A_28 {offsets = [0, 0], sizes = [128, 64], strides = [1, 1]} : vector<256x64xf32> to vector<128x64xf32>
    %slice3A_38 = vector.extract_strided_slice %add3A_28 {offsets = [128, 0], sizes = [128, 64], strides = [1, 1]} : vector<256x64xf32> to vector<128x64xf32>
    %add3A_39 = arith.addf %slice3A_37, %slice3A_38 : vector<128x64xf32>
    %add3A_40 = arith.addf %add3A_39, %add3A_36 : vector<128x64xf32>
    %slice3A_41 = vector.extract_strided_slice %add3A_31 {offsets = [0, 0], sizes = [64, 64], strides = [1, 1]} : vector<128x64xf32> to vector<64x64xf32>
    %slice3A_42 = vector.extract_strided_slice %add3A_31 {offsets = [64, 0], sizes = [64, 64], strides = [1, 1]} : vector<128x64xf32> to vector<64x64xf32>
    %add3A_43 = arith.addf %slice3A_41, %slice3A_42 : vector<64x64xf32>
    %sub3A_44 = arith.subf %add3A_43, %slice3A_41 : vector<64x64xf32>
    %sub3A_45 = arith.subf %add3A_43, %sub3A_44 : vector<64x64xf32>
    %sub3A_46 = arith.subf %slice3A_41, %sub3A_45 : vector<64x64xf32>
    %sub3A_47 = arith.subf %slice3A_42, %sub3A_44 : vector<64x64xf32>
    %add3A_48 = arith.addf %sub3A_46, %sub3A_47 : vector<64x64xf32>
    %slice3A_49 = vector.extract_strided_slice %add3A_40 {offsets = [0, 0], sizes = [64, 64], strides = [1, 1]} : vector<128x64xf32> to vector<64x64xf32>
    %slice3A_50 = vector.extract_strided_slice %add3A_40 {offsets = [64, 0], sizes = [64, 64], strides = [1, 1]} : vector<128x64xf32> to vector<64x64xf32>
    %add3A_51 = arith.addf %slice3A_49, %slice3A_50 : vector<64x64xf32>
    %add3A_52 = arith.addf %add3A_51, %add3A_48 : vector<64x64xf32>
    %slice3A_53 = vector.extract_strided_slice %add3A_43 {offsets = [0, 0], sizes = [32, 64], strides = [1, 1]} : vector<64x64xf32> to vector<32x64xf32>
    %slice3A_54 = vector.extract_strided_slice %add3A_43 {offsets = [32, 0], sizes = [32, 64], strides = [1, 1]} : vector<64x64xf32> to vector<32x64xf32>
    %add3A_55 = arith.addf %slice3A_53, %slice3A_54 : vector<32x64xf32>
    %sub3A_56 = arith.subf %add3A_55, %slice3A_53 : vector<32x64xf32>
    %sub3A_57 = arith.subf %add3A_55, %sub3A_56 : vector<32x64xf32>
    %sub3A_58 = arith.subf %slice3A_53, %sub3A_57 : vector<32x64xf32>
    %sub3A_59 = arith.subf %slice3A_54, %sub3A_56 : vector<32x64xf32>
    %add3A_60 = arith.addf %sub3A_58, %sub3A_59 : vector<32x64xf32>
    %slice3A_61 = vector.extract_strided_slice %add3A_52 {offsets = [0, 0], sizes = [32, 64], strides = [1, 1]} : vector<64x64xf32> to vector<32x64xf32>
    %slice3A_62 = vector.extract_strided_slice %add3A_52 {offsets = [32, 0], sizes = [32, 64], strides = [1, 1]} : vector<64x64xf32> to vector<32x64xf32>
    %add3A_63 = arith.addf %slice3A_61, %slice3A_62 : vector<32x64xf32>
    %add3A_64 = arith.addf %add3A_63, %add3A_60 : vector<32x64xf32>
    %slice3A_65 = vector.extract_strided_slice %add3A_55 {offsets = [0, 0], sizes = [16, 64], strides = [1, 1]} : vector<32x64xf32> to vector<16x64xf32>
    %slice3A_66 = vector.extract_strided_slice %add3A_55 {offsets = [16, 0], sizes = [16, 64], strides = [1, 1]} : vector<32x64xf32> to vector<16x64xf32>
    %add3A_67 = arith.addf %slice3A_65, %slice3A_66 : vector<16x64xf32>
    %sub3A_68 = arith.subf %add3A_67, %slice3A_65 : vector<16x64xf32>
    %sub3A_69 = arith.subf %add3A_67, %sub3A_68 : vector<16x64xf32>
    %sub3A_70 = arith.subf %slice3A_65, %sub3A_69 : vector<16x64xf32>
    %sub3A_71 = arith.subf %slice3A_66, %sub3A_68 : vector<16x64xf32>
    %add3A_72 = arith.addf %sub3A_70, %sub3A_71 : vector<16x64xf32>
    %slice3A_73 = vector.extract_strided_slice %add3A_64 {offsets = [0, 0], sizes = [16, 64], strides = [1, 1]} : vector<32x64xf32> to vector<16x64xf32>
    %slice3A_74 = vector.extract_strided_slice %add3A_64 {offsets = [16, 0], sizes = [16, 64], strides = [1, 1]} : vector<32x64xf32> to vector<16x64xf32>
    %add3A_75 = arith.addf %slice3A_73, %slice3A_74 : vector<16x64xf32>
    %add3A_76 = arith.addf %add3A_75, %add3A_72 : vector<16x64xf32>
    %slice3A_77 = vector.extract_strided_slice %add3A_67 {offsets = [0, 0], sizes = [8, 64], strides = [1, 1]} : vector<16x64xf32> to vector<8x64xf32>
    %slice3A_78 = vector.extract_strided_slice %add3A_67 {offsets = [8, 0], sizes = [8, 64], strides = [1, 1]} : vector<16x64xf32> to vector<8x64xf32>
    %add3A_79 = arith.addf %slice3A_77, %slice3A_78 : vector<8x64xf32>
    %sub3A_80 = arith.subf %add3A_79, %slice3A_77 : vector<8x64xf32>
    %sub3A_81 = arith.subf %add3A_79, %sub3A_80 : vector<8x64xf32>
    %sub3A_82 = arith.subf %slice3A_77, %sub3A_81 : vector<8x64xf32>
    %sub3A_83 = arith.subf %slice3A_78, %sub3A_80 : vector<8x64xf32>
    %add3A_84 = arith.addf %sub3A_82, %sub3A_83 : vector<8x64xf32>
    %slice3A_85 = vector.extract_strided_slice %add3A_76 {offsets = [0, 0], sizes = [8, 64], strides = [1, 1]} : vector<16x64xf32> to vector<8x64xf32>
    %slice3A_86 = vector.extract_strided_slice %add3A_76 {offsets = [8, 0], sizes = [8, 64], strides = [1, 1]} : vector<16x64xf32> to vector<8x64xf32>
    %add3A_87 = arith.addf %slice3A_85, %slice3A_86 : vector<8x64xf32>
    %add3A_88 = arith.addf %add3A_87, %add3A_84 : vector<8x64xf32>
    %slice3A_89 = vector.extract_strided_slice %add3A_79 {offsets = [0, 0], sizes = [4, 64], strides = [1, 1]} : vector<8x64xf32> to vector<4x64xf32>
    %slice3A_90 = vector.extract_strided_slice %add3A_79 {offsets = [4, 0], sizes = [4, 64], strides = [1, 1]} : vector<8x64xf32> to vector<4x64xf32>
    %add3A_91 = arith.addf %slice3A_89, %slice3A_90 : vector<4x64xf32>
    %sub3A_92 = arith.subf %add3A_91, %slice3A_89 : vector<4x64xf32>
    %sub3A_93 = arith.subf %add3A_91, %sub3A_92 : vector<4x64xf32>
    %sub3A_94 = arith.subf %slice3A_89, %sub3A_93 : vector<4x64xf32>
    %sub3A_95 = arith.subf %slice3A_90, %sub3A_92 : vector<4x64xf32>
    %add3A_96 = arith.addf %sub3A_94, %sub3A_95 : vector<4x64xf32>
    %slice3A_97 = vector.extract_strided_slice %add3A_88 {offsets = [0, 0], sizes = [4, 64], strides = [1, 1]} : vector<8x64xf32> to vector<4x64xf32>
    %slice3A_98 = vector.extract_strided_slice %add3A_88 {offsets = [4, 0], sizes = [4, 64], strides = [1, 1]} : vector<8x64xf32> to vector<4x64xf32>
    %add3A_99 = arith.addf %slice3A_97, %slice3A_98 : vector<4x64xf32>
    %add3A_100 = arith.addf %add3A_99, %add3A_96 : vector<4x64xf32>
    %slice3A_101 = vector.extract_strided_slice %add3A_91 {offsets = [0, 0], sizes = [2, 64], strides = [1, 1]} : vector<4x64xf32> to vector<2x64xf32>
    %slice3A_102 = vector.extract_strided_slice %add3A_91 {offsets = [2, 0], sizes = [2, 64], strides = [1, 1]} : vector<4x64xf32> to vector<2x64xf32>
    %add3A_103 = arith.addf %slice3A_101, %slice3A_102 : vector<2x64xf32>
    %sub3A_104 = arith.subf %add3A_103, %slice3A_101 : vector<2x64xf32>
    %sub3A_105 = arith.subf %add3A_103, %sub3A_104 : vector<2x64xf32>
    %sub3A_106 = arith.subf %slice3A_101, %sub3A_105 : vector<2x64xf32>
    %sub3A_107 = arith.subf %slice3A_102, %sub3A_104 : vector<2x64xf32>
    %add3A_108 = arith.addf %sub3A_106, %sub3A_107 : vector<2x64xf32>
    %slice3A_109 = vector.extract_strided_slice %add3A_100 {offsets = [0, 0], sizes = [2, 64], strides = [1, 1]} : vector<4x64xf32> to vector<2x64xf32>
    %slice3A_110 = vector.extract_strided_slice %add3A_100 {offsets = [2, 0], sizes = [2, 64], strides = [1, 1]} : vector<4x64xf32> to vector<2x64xf32>
    %add3A_111 = arith.addf %slice3A_109, %slice3A_110 : vector<2x64xf32>
    %add3A_112 = arith.addf %add3A_111, %add3A_108 : vector<2x64xf32>
    %reduce_sum3A = arith.constant dense<0.000000e+00> : vector<64xf32>
    %reduce_sum3A_113 = vector.multi_reduction <add>, %add3A_103, %reduce_sum3A [0] : vector<2x64xf32> to vector<64xf32>
    %broadcast_in_dim3A = vector.shape_cast %reduce_sum3A_113 : vector<64xf32> to vector<1x64xf32>
    %reduce_sum3A_114 = arith.constant dense<0.000000e+00> : vector<64xf32>
    %reduce_sum3A_115 = vector.multi_reduction <add>, %add3A_112, %reduce_sum3A_114 [0] : vector<2x64xf32> to vector<64xf32>
    %broadcast_in_dim3A_116 = vector.shape_cast %reduce_sum3A_115 : vector<64xf32> to vector<1x64xf32>
    %add3A_117 = arith.addf %broadcast_in_dim3A, %broadcast_in_dim3A_116 : vector<1x64xf32>
    %div3A = arith.constant 5.120000e+02 : f32
    %div3A_118 = vector.broadcast %div3A : f32 to vector<1x64xf32>
    %div3A_119 = arith.divf %add3A_117, %div3A_118 : vector<1x64xf32>
    %sub3A_120 = vector.broadcast %div3A_119 : vector<1x64xf32> to vector<512x64xf32>
    %sub3A_121 = arith.subf %dot_general3A_9, %sub3A_120 : vector<512x64xf32>
    %mul3A_122 = arith.mulf %sub3A_121, %sub3A_121 : vector<512x64xf32>
    %slice3A_123 = vector.extract_strided_slice %mul3A_122 {offsets = [0, 0], sizes = [256, 64], strides = [1, 1]} : vector<512x64xf32> to vector<256x64xf32>
    %slice3A_124 = vector.extract_strided_slice %mul3A_122 {offsets = [256, 0], sizes = [256, 64], strides = [1, 1]} : vector<512x64xf32> to vector<256x64xf32>
    %add3A_125 = arith.addf %slice3A_123, %slice3A_124 : vector<256x64xf32>
    %slice3A_126 = vector.extract_strided_slice %add3A_125 {offsets = [0, 0], sizes = [128, 64], strides = [1, 1]} : vector<256x64xf32> to vector<128x64xf32>
    %slice3A_127 = vector.extract_strided_slice %add3A_125 {offsets = [128, 0], sizes = [128, 64], strides = [1, 1]} : vector<256x64xf32> to vector<128x64xf32>
    %add3A_128 = arith.addf %slice3A_126, %slice3A_127 : vector<128x64xf32>
    %slice3A_129 = vector.extract_strided_slice %add3A_128 {offsets = [0, 0], sizes = [64, 64], strides = [1, 1]} : vector<128x64xf32> to vector<64x64xf32>
    %slice3A_130 = vector.extract_strided_slice %add3A_128 {offsets = [64, 0], sizes = [64, 64], strides = [1, 1]} : vector<128x64xf32> to vector<64x64xf32>
    %add3A_131 = arith.addf %slice3A_129, %slice3A_130 : vector<64x64xf32>
    %slice3A_132 = vector.extract_strided_slice %add3A_131 {offsets = [0, 0], sizes = [32, 64], strides = [1, 1]} : vector<64x64xf32> to vector<32x64xf32>
    %slice3A_133 = vector.extract_strided_slice %add3A_131 {offsets = [32, 0], sizes = [32, 64], strides = [1, 1]} : vector<64x64xf32> to vector<32x64xf32>
    %add3A_134 = arith.addf %slice3A_132, %slice3A_133 : vector<32x64xf32>
    %slice3A_135 = vector.extract_strided_slice %add3A_134 {offsets = [0, 0], sizes = [16, 64], strides = [1, 1]} : vector<32x64xf32> to vector<16x64xf32>
    %slice3A_136 = vector.extract_strided_slice %add3A_134 {offsets = [16, 0], sizes = [16, 64], strides = [1, 1]} : vector<32x64xf32> to vector<16x64xf32>
    %add3A_137 = arith.addf %slice3A_135, %slice3A_136 : vector<16x64xf32>
    %slice3A_138 = vector.extract_strided_slice %add3A_137 {offsets = [0, 0], sizes = [8, 64], strides = [1, 1]} : vector<16x64xf32> to vector<8x64xf32>
    %slice3A_139 = vector.extract_strided_slice %add3A_137 {offsets = [8, 0], sizes = [8, 64], strides = [1, 1]} : vector<16x64xf32> to vector<8x64xf32>
    %add3A_140 = arith.addf %slice3A_138, %slice3A_139 : vector<8x64xf32>
    %reduce_sum3A_141 = arith.constant dense<0.000000e+00> : vector<64xf32>
    %reduce_sum3A_142 = vector.multi_reduction <add>, %add3A_140, %reduce_sum3A_141 [0] : vector<8x64xf32> to vector<64xf32>
    %broadcast_in_dim3A_143 = vector.shape_cast %reduce_sum3A_142 : vector<64xf32> to vector<1x64xf32>
    %concatenate3A_144 = tpu.concatenate %add3A_117, %broadcast_in_dim3A_143 in 0 : vector<1x64xf32>, vector<1x64xf32> -> vector<2x64xf32>
    %swap3A = arith.constant 0 : index
    %swap3A_145 = arith.constant 0 : index
    %swap3A_146 = arith.constant 0 : index
    %swap3A_147 = vector.load %arg7[%swap3A, %swap3A_145, %swap3A_146] : memref<1x2x64xf32, #tpu.memory_space<vmem>>, vector<1x2x64xf32>
    %swap3A_148 = vector.shape_cast %swap3A_147 : vector<1x2x64xf32> to vector<2x64xf32>
    %swap3A_149 = vector.shape_cast %concatenate3A_144 : vector<2x64xf32> to vector<1x2x64xf32>
    tpu.vector_store %arg7[%swap3A, %swap3A_145, %swap3A_146], %swap3A_149 {strides = array<i32>} : memref<1x2x64xf32, #tpu.memory_space<vmem>>, vector<1x2x64xf32>,
    return
  }
  func.func @transform_0(%arg0: i32, %arg1: i32) -> (i32, i32) {
    %mul3A = arith.constant 16 : i32
    %mul3A_0 = arith.muli %arg1, %mul3A : i32
    %add3A = arith.addi %mul3A_0, %arg0 : i32
    %c0_i32 = arith.constant 0 : i32
    %c0_i32_1 = arith.constant 0 : i32
    return %add3A, %c0_i32 : i32, i32
  }
  func.func @transform_1(%arg0: i32, %arg1: i32) -> (i32, i32) {
    %c0_i32 = arith.constant 0 : i32
    %c0_i32_0 = arith.constant 0 : i32
    return %arg0, %c0_i32 : i32, i32
  }
  func.func @transform_2(%arg0: i32, %arg1: i32) -> (i32, i32) {
    %c0_i32 = arith.constant 0 : i32
    %c0_i32_0 = arith.constant 0 : i32
    %c0_i32_1 = arith.constant 0 : i32
    return %c0_i32, %c0_i32_0 : i32, i32
  }
  func.func @transform_3(%arg0: i32, %arg1: i32) -> (i32, i32) {
    %c0_i32 = arith.constant 0 : i32
    %c0_i32_0 = arith.constant 0 : i32
    return %arg0, %c0_i32 : i32, i32
  }
  func.func @transform_4(%arg0: i32, %arg1: i32) -> (i32, i32) {
    %c0_i32 = arith.constant 0 : i32
    %c0_i32_0 = arith.constant 0 : i32
    return %arg0, %c0_i32 : i32, i32
  }
  func.func @transform_5(%arg0: i32, %arg1: i32) -> (i32, i32, i32) {
    %mul3A = arith.constant 20 : i32
    %mul3A_0 = arith.muli %arg0, %mul3A : i32
    %add3A = arith.addi %mul3A_0, %arg1 : i32
    %c0_i32 = arith.constant 0 : i32
    %c0_i32_1 = arith.constant 0 : i32
    %c0_i32_2 = arith.constant 0 : i32
    return %add3A, %c0_i32, %c0_i32_1 : i32, i32, i32
  }
}

module attributes {stable_mosaic.version = 14 : i64} {
  func.func @body(%arg0: i32, %arg1: i32, %arg2: memref<512x128xf32, #tpu.memory_space<vmem>>, %arg3: memref<512x64xf32, #tpu.memory_space<vmem>>, %arg4: memref<128x128xf32, #tpu.memory_space<vmem>>, %arg5: memref<512x128xf32, #tpu.memory_space<vmem>>, %arg6: memref<512x128xf32, #tpu.memory_space<vmem>>, %arg7: memref<1x2x128xf32, #tpu.memory_space<vmem>>) attributes {dimension_semantics = [#tpu.dimension_semantics<arbitrary>, #tpu.dimension_semantics<arbitrary>], iteration_bounds = array<i64: 16, 20>, scalar_prefetch = 0 : i64, scratch_operands = 0 : i64, tpu.core_type = #tpu.core_type<tc>, window_params = [{transform_indices = @transform_0, window_bounds = array<i64: 512, 128>}, {transform_indices = @transform_1, window_bounds = array<i64: 512, 64>}, {pipeline_mode = #tpu.pipeline_mode<synchronous>, transform_indices = @transform_2, window_bounds = array<i64: 128, 128>}, {transform_indices = @transform_3, window_bounds = array<i64: 512, 128>}, {transform_indices = @transform_4, window_bounds = array<i64: 512, 128>}, {transform_indices = @transform_5, window_bounds = array<i64: 1, 2, 128>}]} {
    %get3A = arith.constant 0 : index
    %get3A_0 = arith.constant 0 : index
    %get3A_1 = vector.load %arg2[%get3A, %get3A_0] : memref<512x128xf32, #tpu.memory_space<vmem>>, vector<512x64xf32>
    %get3A_2 = arith.constant 0 : index
    %get3A_3 = arith.constant 0 : index
    %get3A_4 = vector.load %arg3[%get3A_2, %get3A_3] : memref<512x64xf32, #tpu.memory_space<vmem>>, vector<512x64xf32>
    %sub3A = arith.subf %get3A_1, %get3A_4 : vector<512x64xf32>
    %concatenate3A = tpu.concatenate %sub3A, %get3A_4 in 1 : vector<512x64xf32>, vector<512x64xf32> -> vector<512x128xf32>
    %convert_element_type3A = arith.truncf %concatenate3A : vector<512x128xf32> to vector<512x128xbf16>
    %get3A_5 = arith.constant 0 : index
    %get3A_6 = arith.constant 0 : index
    %get3A_7 = vector.load %arg4[%get3A_5, %get3A_6] : memref<128x128xf32, #tpu.memory_space<vmem>>, vector<128x128xf32>
    %convert_element_type3A_8 = arith.truncf %get3A_7 : vector<128x128xf32> to vector<128x128xbf16>
    %dot_general3A = arith.constant dense<0.000000e+00> : vector<512x128xf32>
    %dot_general3A_9 = tpu.matmul %convert_element_type3A, %convert_element_type3A_8, %dot_general3A {dimension_numbers = #tpu.dot_dimension_numbers<[1], [0], [0], [1], [0, 0, 1, 1], [], []>, transpose_lhs_hint = false} : vector<512x128xbf16>, vector<128x128xbf16>, vector<512x128xf32> -> vector<512x128xf32>
    %eq3A = arith.constant 0 : i32
    %eq3A_10 = arith.cmpi eq, %arg1, %eq3A : i32
    %convert_element_type3A_11 = arith.extui %eq3A_10 : i1 to i32
    %cond3A = arith.constant 0 : i32
    %cond3A_12 = arith.cmpi ne, %convert_element_type3A_11, %cond3A : i32
    scf.if %cond3A_12 {
      %swap3A_150 = arith.constant 0 : index
      %swap3A_151 = arith.constant 0 : index
      %swap3A_152 = vector.load %arg5[%swap3A_150, %swap3A_151] : memref<512x128xf32, #tpu.memory_space<vmem>>, vector<512x128xf32>
      tpu.vector_store %arg5[%swap3A_150, %swap3A_151], %dot_general3A_9 {strides = array<i32>} : memref<512x128xf32, #tpu.memory_space<vmem>>, vector<512x128xf32>,
      %swap3A_153 = arith.constant 0 : index
      %swap3A_154 = arith.constant 0 : index
      %swap3A_155 = vector.load %arg6[%swap3A_153, %swap3A_154] : memref<512x128xf32, #tpu.memory_space<vmem>>, vector<512x128xf32>
      tpu.vector_store %arg6[%swap3A_153, %swap3A_154], %dot_general3A_9 {strides = array<i32>} : memref<512x128xf32, #tpu.memory_space<vmem>>, vector<512x128xf32>,
    } else {
    }
    %ne3A = arith.constant 0 : i32
    %ne3A_13 = arith.cmpi ne, %arg1, %ne3A : i32
    %convert_element_type3A_14 = arith.extui %ne3A_13 : i1 to i32
    %cond3A_15 = arith.constant 0 : i32
    %cond3A_16 = arith.cmpi ne, %convert_element_type3A_14, %cond3A_15 : i32
    scf.if %cond3A_16 {
      %get3A_150 = arith.constant 0 : index
      %get3A_151 = arith.constant 0 : index
      %get3A_152 = vector.load %arg5[%get3A_150, %get3A_151] : memref<512x128xf32, #tpu.memory_space<vmem>>, vector<512x128xf32>
      %max3A = arith.maximumf %get3A_152, %dot_general3A_9 : vector<512x128xf32>
      %swap3A_153 = arith.constant 0 : index
      %swap3A_154 = arith.constant 0 : index
      %swap3A_155 = vector.load %arg5[%swap3A_153, %swap3A_154] : memref<512x128xf32, #tpu.memory_space<vmem>>, vector<512x128xf32>
      tpu.vector_store %arg5[%swap3A_153, %swap3A_154], %max3A {strides = array<i32>} : memref<512x128xf32, #tpu.memory_space<vmem>>, vector<512x128xf32>,
      %get3A_156 = arith.constant 0 : index
      %get3A_157 = arith.constant 0 : index
      %get3A_158 = vector.load %arg6[%get3A_156, %get3A_157] : memref<512x128xf32, #tpu.memory_space<vmem>>, vector<512x128xf32>
      %min3A = arith.minimumf %get3A_158, %dot_general3A_9 : vector<512x128xf32>
      %swap3A_159 = arith.constant 0 : index
      %swap3A_160 = arith.constant 0 : index
      %swap3A_161 = vector.load %arg6[%swap3A_159, %swap3A_160] : memref<512x128xf32, #tpu.memory_space<vmem>>, vector<512x128xf32>
      tpu.vector_store %arg6[%swap3A_159, %swap3A_160], %min3A {strides = array<i32>} : memref<512x128xf32, #tpu.memory_space<vmem>>, vector<512x128xf32>,
    } else {
    }
    %mul3A = arith.constant 0.000000e+00 : f32
    %mul3A_17 = vector.broadcast %mul3A : f32 to vector<512x128xf32>
    %mul3A_18 = arith.mulf %dot_general3A_9, %mul3A_17 : vector<512x128xf32>
    %slice3A = vector.extract_strided_slice %dot_general3A_9 {offsets = [0, 0], sizes = [256, 128], strides = [1, 1]} : vector<512x128xf32> to vector<256x128xf32>
    %slice3A_19 = vector.extract_strided_slice %dot_general3A_9 {offsets = [256, 0], sizes = [256, 128], strides = [1, 1]} : vector<512x128xf32> to vector<256x128xf32>
    %add3A = arith.addf %slice3A, %slice3A_19 : vector<256x128xf32>
    %sub3A_20 = arith.subf %add3A, %slice3A : vector<256x128xf32>
    %sub3A_21 = arith.subf %add3A, %sub3A_20 : vector<256x128xf32>
    %sub3A_22 = arith.subf %slice3A, %sub3A_21 : vector<256x128xf32>
    %sub3A_23 = arith.subf %slice3A_19, %sub3A_20 : vector<256x128xf32>
    %add3A_24 = arith.addf %sub3A_22, %sub3A_23 : vector<256x128xf32>
    %slice3A_25 = vector.extract_strided_slice %mul3A_18 {offsets = [0, 0], sizes = [256, 128], strides = [1, 1]} : vector<512x128xf32> to vector<256x128xf32>
    %slice3A_26 = vector.extract_strided_slice %mul3A_18 {offsets = [256, 0], sizes = [256, 128], strides = [1, 1]} : vector<512x128xf32> to vector<256x128xf32>
    %add3A_27 = arith.addf %slice3A_25, %slice3A_26 : vector<256x128xf32>
    %add3A_28 = arith.addf %add3A_27, %add3A_24 : vector<256x128xf32>
    %slice3A_29 = vector.extract_strided_slice %add3A {offsets = [0, 0], sizes = [128, 128], strides = [1, 1]} : vector<256x128xf32> to vector<128x128xf32>
    %slice3A_30 = vector.extract_strided_slice %add3A {offsets = [128, 0], sizes = [128, 128], strides = [1, 1]} : vector<256x128xf32> to vector<128x128xf32>
    %add3A_31 = arith.addf %slice3A_29, %slice3A_30 : vector<128x128xf32>
    %sub3A_32 = arith.subf %add3A_31, %slice3A_29 : vector<128x128xf32>
    %sub3A_33 = arith.subf %add3A_31, %sub3A_32 : vector<128x128xf32>
    %sub3A_34 = arith.subf %slice3A_29, %sub3A_33 : vector<128x128xf32>
    %sub3A_35 = arith.subf %slice3A_30, %sub3A_32 : vector<128x128xf32>
    %add3A_36 = arith.addf %sub3A_34, %sub3A_35 : vector<128x128xf32>
    %slice3A_37 = vector.extract_strided_slice %add3A_28 {offsets = [0, 0], sizes = [128, 128], strides = [1, 1]} : vector<256x128xf32> to vector<128x128xf32>
    %slice3A_38 = vector.extract_strided_slice %add3A_28 {offsets = [128, 0], sizes = [128, 128], strides = [1, 1]} : vector<256x128xf32> to vector<128x128xf32>
    %add3A_39 = arith.addf %slice3A_37, %slice3A_38 : vector<128x128xf32>
    %add3A_40 = arith.addf %add3A_39, %add3A_36 : vector<128x128xf32>
    %slice3A_41 = vector.extract_strided_slice %add3A_31 {offsets = [0, 0], sizes = [64, 128], strides = [1, 1]} : vector<128x128xf32> to vector<64x128xf32>
    %slice3A_42 = vector.extract_strided_slice %add3A_31 {offsets = [64, 0], sizes = [64, 128], strides = [1, 1]} : vector<128x128xf32> to vector<64x128xf32>
    %add3A_43 = arith.addf %slice3A_41, %slice3A_42 : vector<64x128xf32>
    %sub3A_44 = arith.subf %add3A_43, %slice3A_41 : vector<64x128xf32>
    %sub3A_45 = arith.subf %add3A_43, %sub3A_44 : vector<64x128xf32>
    %sub3A_46 = arith.subf %slice3A_41, %sub3A_45 : vector<64x128xf32>
    %sub3A_47 = arith.subf %slice3A_42, %sub3A_44 : vector<64x128xf32>
    %add3A_48 = arith.addf %sub3A_46, %sub3A_47 : vector<64x128xf32>
    %slice3A_49 = vector.extract_strided_slice %add3A_40 {offsets = [0, 0], sizes = [64, 128], strides = [1, 1]} : vector<128x128xf32> to vector<64x128xf32>
    %slice3A_50 = vector.extract_strided_slice %add3A_40 {offsets = [64, 0], sizes = [64, 128], strides = [1, 1]} : vector<128x128xf32> to vector<64x128xf32>
    %add3A_51 = arith.addf %slice3A_49, %slice3A_50 : vector<64x128xf32>
    %add3A_52 = arith.addf %add3A_51, %add3A_48 : vector<64x128xf32>
    %slice3A_53 = vector.extract_strided_slice %add3A_43 {offsets = [0, 0], sizes = [32, 128], strides = [1, 1]} : vector<64x128xf32> to vector<32x128xf32>
    %slice3A_54 = vector.extract_strided_slice %add3A_43 {offsets = [32, 0], sizes = [32, 128], strides = [1, 1]} : vector<64x128xf32> to vector<32x128xf32>
    %add3A_55 = arith.addf %slice3A_53, %slice3A_54 : vector<32x128xf32>
    %sub3A_56 = arith.subf %add3A_55, %slice3A_53 : vector<32x128xf32>
    %sub3A_57 = arith.subf %add3A_55, %sub3A_56 : vector<32x128xf32>
    %sub3A_58 = arith.subf %slice3A_53, %sub3A_57 : vector<32x128xf32>
    %sub3A_59 = arith.subf %slice3A_54, %sub3A_56 : vector<32x128xf32>
    %add3A_60 = arith.addf %sub3A_58, %sub3A_59 : vector<32x128xf32>
    %slice3A_61 = vector.extract_strided_slice %add3A_52 {offsets = [0, 0], sizes = [32, 128], strides = [1, 1]} : vector<64x128xf32> to vector<32x128xf32>
    %slice3A_62 = vector.extract_strided_slice %add3A_52 {offsets = [32, 0], sizes = [32, 128], strides = [1, 1]} : vector<64x128xf32> to vector<32x128xf32>
    %add3A_63 = arith.addf %slice3A_61, %slice3A_62 : vector<32x128xf32>
    %add3A_64 = arith.addf %add3A_63, %add3A_60 : vector<32x128xf32>
    %slice3A_65 = vector.extract_strided_slice %add3A_55 {offsets = [0, 0], sizes = [16, 128], strides = [1, 1]} : vector<32x128xf32> to vector<16x128xf32>
    %slice3A_66 = vector.extract_strided_slice %add3A_55 {offsets = [16, 0], sizes = [16, 128], strides = [1, 1]} : vector<32x128xf32> to vector<16x128xf32>
    %add3A_67 = arith.addf %slice3A_65, %slice3A_66 : vector<16x128xf32>
    %sub3A_68 = arith.subf %add3A_67, %slice3A_65 : vector<16x128xf32>
    %sub3A_69 = arith.subf %add3A_67, %sub3A_68 : vector<16x128xf32>
    %sub3A_70 = arith.subf %slice3A_65, %sub3A_69 : vector<16x128xf32>
    %sub3A_71 = arith.subf %slice3A_66, %sub3A_68 : vector<16x128xf32>
    %add3A_72 = arith.addf %sub3A_70, %sub3A_71 : vector<16x128xf32>
    %slice3A_73 = vector.extract_strided_slice %add3A_64 {offsets = [0, 0], sizes = [16, 128], strides = [1, 1]} : vector<32x128xf32> to vector<16x128xf32>
    %slice3A_74 = vector.extract_strided_slice %add3A_64 {offsets = [16, 0], sizes = [16, 128], strides = [1, 1]} : vector<32x128xf32> to vector<16x128xf32>
    %add3A_75 = arith.addf %slice3A_73, %slice3A_74 : vector<16x128xf32>
    %add3A_76 = arith.addf %add3A_75, %add3A_72 : vector<16x128xf32>
    %slice3A_77 = vector.extract_strided_slice %add3A_67 {offsets = [0, 0], sizes = [8, 128], strides = [1, 1]} : vector<16x128xf32> to vector<8x128xf32>
    %slice3A_78 = vector.extract_strided_slice %add3A_67 {offsets = [8, 0], sizes = [8, 128], strides = [1, 1]} : vector<16x128xf32> to vector<8x128xf32>
    %add3A_79 = arith.addf %slice3A_77, %slice3A_78 : vector<8x128xf32>
    %sub3A_80 = arith.subf %add3A_79, %slice3A_77 : vector<8x128xf32>
    %sub3A_81 = arith.subf %add3A_79, %sub3A_80 : vector<8x128xf32>
    %sub3A_82 = arith.subf %slice3A_77, %sub3A_81 : vector<8x128xf32>
    %sub3A_83 = arith.subf %slice3A_78, %sub3A_80 : vector<8x128xf32>
    %add3A_84 = arith.addf %sub3A_82, %sub3A_83 : vector<8x128xf32>
    %slice3A_85 = vector.extract_strided_slice %add3A_76 {offsets = [0, 0], sizes = [8, 128], strides = [1, 1]} : vector<16x128xf32> to vector<8x128xf32>
    %slice3A_86 = vector.extract_strided_slice %add3A_76 {offsets = [8, 0], sizes = [8, 128], strides = [1, 1]} : vector<16x128xf32> to vector<8x128xf32>
    %add3A_87 = arith.addf %slice3A_85, %slice3A_86 : vector<8x128xf32>
    %add3A_88 = arith.addf %add3A_87, %add3A_84 : vector<8x128xf32>
    %slice3A_89 = vector.extract_strided_slice %add3A_79 {offsets = [0, 0], sizes = [4, 128], strides = [1, 1]} : vector<8x128xf32> to vector<4x128xf32>
    %slice3A_90 = vector.extract_strided_slice %add3A_79 {offsets = [4, 0], sizes = [4, 128], strides = [1, 1]} : vector<8x128xf32> to vector<4x128xf32>
    %add3A_91 = arith.addf %slice3A_89, %slice3A_90 : vector<4x128xf32>
    %sub3A_92 = arith.subf %add3A_91, %slice3A_89 : vector<4x128xf32>
    %sub3A_93 = arith.subf %add3A_91, %sub3A_92 : vector<4x128xf32>
    %sub3A_94 = arith.subf %slice3A_89, %sub3A_93 : vector<4x128xf32>
    %sub3A_95 = arith.subf %slice3A_90, %sub3A_92 : vector<4x128xf32>
    %add3A_96 = arith.addf %sub3A_94, %sub3A_95 : vector<4x128xf32>
    %slice3A_97 = vector.extract_strided_slice %add3A_88 {offsets = [0, 0], sizes = [4, 128], strides = [1, 1]} : vector<8x128xf32> to vector<4x128xf32>
    %slice3A_98 = vector.extract_strided_slice %add3A_88 {offsets = [4, 0], sizes = [4, 128], strides = [1, 1]} : vector<8x128xf32> to vector<4x128xf32>
    %add3A_99 = arith.addf %slice3A_97, %slice3A_98 : vector<4x128xf32>
    %add3A_100 = arith.addf %add3A_99, %add3A_96 : vector<4x128xf32>
    %slice3A_101 = vector.extract_strided_slice %add3A_91 {offsets = [0, 0], sizes = [2, 128], strides = [1, 1]} : vector<4x128xf32> to vector<2x128xf32>
    %slice3A_102 = vector.extract_strided_slice %add3A_91 {offsets = [2, 0], sizes = [2, 128], strides = [1, 1]} : vector<4x128xf32> to vector<2x128xf32>
    %add3A_103 = arith.addf %slice3A_101, %slice3A_102 : vector<2x128xf32>
    %sub3A_104 = arith.subf %add3A_103, %slice3A_101 : vector<2x128xf32>
    %sub3A_105 = arith.subf %add3A_103, %sub3A_104 : vector<2x128xf32>
    %sub3A_106 = arith.subf %slice3A_101, %sub3A_105 : vector<2x128xf32>
    %sub3A_107 = arith.subf %slice3A_102, %sub3A_104 : vector<2x128xf32>
    %add3A_108 = arith.addf %sub3A_106, %sub3A_107 : vector<2x128xf32>
    %slice3A_109 = vector.extract_strided_slice %add3A_100 {offsets = [0, 0], sizes = [2, 128], strides = [1, 1]} : vector<4x128xf32> to vector<2x128xf32>
    %slice3A_110 = vector.extract_strided_slice %add3A_100 {offsets = [2, 0], sizes = [2, 128], strides = [1, 1]} : vector<4x128xf32> to vector<2x128xf32>
    %add3A_111 = arith.addf %slice3A_109, %slice3A_110 : vector<2x128xf32>
    %add3A_112 = arith.addf %add3A_111, %add3A_108 : vector<2x128xf32>
    %reduce_sum3A = arith.constant dense<0.000000e+00> : vector<128xf32>
    %reduce_sum3A_113 = vector.multi_reduction <add>, %add3A_103, %reduce_sum3A [0] : vector<2x128xf32> to vector<128xf32>
    %broadcast_in_dim3A = vector.shape_cast %reduce_sum3A_113 : vector<128xf32> to vector<1x128xf32>
    %reduce_sum3A_114 = arith.constant dense<0.000000e+00> : vector<128xf32>
    %reduce_sum3A_115 = vector.multi_reduction <add>, %add3A_112, %reduce_sum3A_114 [0] : vector<2x128xf32> to vector<128xf32>
    %broadcast_in_dim3A_116 = vector.shape_cast %reduce_sum3A_115 : vector<128xf32> to vector<1x128xf32>
    %add3A_117 = arith.addf %broadcast_in_dim3A, %broadcast_in_dim3A_116 : vector<1x128xf32>
    %div3A = arith.constant 5.120000e+02 : f32
    %div3A_118 = vector.broadcast %div3A : f32 to vector<1x128xf32>
    %div3A_119 = arith.divf %add3A_117, %div3A_118 : vector<1x128xf32>
    %sub3A_120 = vector.broadcast %div3A_119 : vector<1x128xf32> to vector<512x128xf32>
    %sub3A_121 = arith.subf %dot_general3A_9, %sub3A_120 : vector<512x128xf32>
    %mul3A_122 = arith.mulf %sub3A_121, %sub3A_121 : vector<512x128xf32>
    %slice3A_123 = vector.extract_strided_slice %mul3A_122 {offsets = [0, 0], sizes = [256, 128], strides = [1, 1]} : vector<512x128xf32> to vector<256x128xf32>
    %slice3A_124 = vector.extract_strided_slice %mul3A_122 {offsets = [256, 0], sizes = [256, 128], strides = [1, 1]} : vector<512x128xf32> to vector<256x128xf32>
    %add3A_125 = arith.addf %slice3A_123, %slice3A_124 : vector<256x128xf32>
    %slice3A_126 = vector.extract_strided_slice %add3A_125 {offsets = [0, 0], sizes = [128, 128], strides = [1, 1]} : vector<256x128xf32> to vector<128x128xf32>
    %slice3A_127 = vector.extract_strided_slice %add3A_125 {offsets = [128, 0], sizes = [128, 128], strides = [1, 1]} : vector<256x128xf32> to vector<128x128xf32>
    %add3A_128 = arith.addf %slice3A_126, %slice3A_127 : vector<128x128xf32>
    %slice3A_129 = vector.extract_strided_slice %add3A_128 {offsets = [0, 0], sizes = [64, 128], strides = [1, 1]} : vector<128x128xf32> to vector<64x128xf32>
    %slice3A_130 = vector.extract_strided_slice %add3A_128 {offsets = [64, 0], sizes = [64, 128], strides = [1, 1]} : vector<128x128xf32> to vector<64x128xf32>
    %add3A_131 = arith.addf %slice3A_129, %slice3A_130 : vector<64x128xf32>
    %slice3A_132 = vector.extract_strided_slice %add3A_131 {offsets = [0, 0], sizes = [32, 128], strides = [1, 1]} : vector<64x128xf32> to vector<32x128xf32>
    %slice3A_133 = vector.extract_strided_slice %add3A_131 {offsets = [32, 0], sizes = [32, 128], strides = [1, 1]} : vector<64x128xf32> to vector<32x128xf32>
    %add3A_134 = arith.addf %slice3A_132, %slice3A_133 : vector<32x128xf32>
    %slice3A_135 = vector.extract_strided_slice %add3A_134 {offsets = [0, 0], sizes = [16, 128], strides = [1, 1]} : vector<32x128xf32> to vector<16x128xf32>
    %slice3A_136 = vector.extract_strided_slice %add3A_134 {offsets = [16, 0], sizes = [16, 128], strides = [1, 1]} : vector<32x128xf32> to vector<16x128xf32>
    %add3A_137 = arith.addf %slice3A_135, %slice3A_136 : vector<16x128xf32>
    %slice3A_138 = vector.extract_strided_slice %add3A_137 {offsets = [0, 0], sizes = [8, 128], strides = [1, 1]} : vector<16x128xf32> to vector<8x128xf32>
    %slice3A_139 = vector.extract_strided_slice %add3A_137 {offsets = [8, 0], sizes = [8, 128], strides = [1, 1]} : vector<16x128xf32> to vector<8x128xf32>
    %add3A_140 = arith.addf %slice3A_138, %slice3A_139 : vector<8x128xf32>
    %reduce_sum3A_141 = arith.constant dense<0.000000e+00> : vector<128xf32>
    %reduce_sum3A_142 = vector.multi_reduction <add>, %add3A_140, %reduce_sum3A_141 [0] : vector<8x128xf32> to vector<128xf32>
    %broadcast_in_dim3A_143 = vector.shape_cast %reduce_sum3A_142 : vector<128xf32> to vector<1x128xf32>
    %concatenate3A_144 = tpu.concatenate %add3A_117, %broadcast_in_dim3A_143 in 0 : vector<1x128xf32>, vector<1x128xf32> -> vector<2x128xf32>
    %swap3A = arith.constant 0 : index
    %swap3A_145 = arith.constant 0 : index
    %swap3A_146 = arith.constant 0 : index
    %swap3A_147 = vector.load %arg7[%swap3A, %swap3A_145, %swap3A_146] : memref<1x2x128xf32, #tpu.memory_space<vmem>>, vector<1x2x128xf32>
    %swap3A_148 = vector.shape_cast %swap3A_147 : vector<1x2x128xf32> to vector<2x128xf32>
    %swap3A_149 = vector.shape_cast %concatenate3A_144 : vector<2x128xf32> to vector<1x2x128xf32>
    tpu.vector_store %arg7[%swap3A, %swap3A_145, %swap3A_146], %swap3A_149 {strides = array<i32>} : memref<1x2x128xf32, #tpu.memory_space<vmem>>, vector<1x2x128xf32>,
    return
  }
  func.func @transform_0(%arg0: i32, %arg1: i32) -> (i32, i32) {
    %mul3A = arith.constant 16 : i32
    %mul3A_0 = arith.muli %arg1, %mul3A : i32
    %add3A = arith.addi %mul3A_0, %arg0 : i32
    %c0_i32 = arith.constant 0 : i32
    %c0_i32_1 = arith.constant 0 : i32
    return %add3A, %c0_i32 : i32, i32
  }
  func.func @transform_1(%arg0: i32, %arg1: i32) -> (i32, i32) {
    %c0_i32 = arith.constant 0 : i32
    %c0_i32_0 = arith.constant 0 : i32
    return %arg0, %c0_i32 : i32, i32
  }
  func.func @transform_2(%arg0: i32, %arg1: i32) -> (i32, i32) {
    %c0_i32 = arith.constant 0 : i32
    %c0_i32_0 = arith.constant 0 : i32
    %c0_i32_1 = arith.constant 0 : i32
    return %c0_i32, %c0_i32_0 : i32, i32
  }
  func.func @transform_3(%arg0: i32, %arg1: i32) -> (i32, i32) {
    %c0_i32 = arith.constant 0 : i32
    %c0_i32_0 = arith.constant 0 : i32
    return %arg0, %c0_i32 : i32, i32
  }
  func.func @transform_4(%arg0: i32, %arg1: i32) -> (i32, i32) {
    %c0_i32 = arith.constant 0 : i32
    %c0_i32_0 = arith.constant 0 : i32
    return %arg0, %c0_i32 : i32, i32
  }
  func.func @transform_5(%arg0: i32, %arg1: i32) -> (i32, i32, i32) {
    %mul3A = arith.constant 20 : i32
    %mul3A_0 = arith.muli %arg0, %mul3A : i32
    %add3A = arith.addi %mul3A_0, %arg1 : i32
    %c0_i32 = arith.constant 0 : i32
    %c0_i32_1 = arith.constant 0 : i32
    %c0_i32_2 = arith.constant 0 : i32
    return %add3A, %c0_i32, %c0_i32_1 : i32, i32, i32
  }
}

module attributes {stable_mosaic.version = 14 : i64} {
  func.func @_stats_body(%arg0: memref<320x2x128xf32, #tpu.memory_space<vmem>>, %arg1: memref<2x128xf32, #tpu.memory_space<vmem>>) attributes {dimension_semantics = [], scalar_prefetch = 0 : i64, scratch_operands = 0 : i64, tpu.core_type = #tpu.core_type<tc>} {
    %get3A = arith.constant 0 : index
    %get3A_0 = arith.constant 0 : index
    %get3A_1 = arith.constant 0 : index
    %get3A_2 = vector.load %arg0[%get3A, %get3A_0, %get3A_1] : memref<320x2x128xf32, #tpu.memory_space<vmem>>, vector<320x2x128xf32>
    %slice3A = vector.extract_strided_slice %get3A_2 {offsets = [0, 0, 0], sizes = [320, 1, 128], strides = [1, 1, 1]} : vector<320x2x128xf32> to vector<320x1x128xf32>
    %squeeze3A = vector.shape_cast %slice3A : vector<320x1x128xf32> to vector<320x128xf32>
    %slice3A_3 = vector.extract_strided_slice %get3A_2 {offsets = [0, 1, 0], sizes = [320, 1, 128], strides = [1, 1, 1]} : vector<320x2x128xf32> to vector<320x1x128xf32>
    %squeeze3A_4 = vector.shape_cast %slice3A_3 : vector<320x1x128xf32> to vector<320x128xf32>
    %mul3A = arith.constant 0.000000e+00 : f32
    %mul3A_5 = vector.broadcast %mul3A : f32 to vector<320x128xf32>
    %mul3A_6 = arith.mulf %squeeze3A, %mul3A_5 : vector<320x128xf32>
    %slice3A_7 = vector.extract_strided_slice %squeeze3A {offsets = [0, 0], sizes = [160, 128], strides = [1, 1]} : vector<320x128xf32> to vector<160x128xf32>
    %slice3A_8 = vector.extract_strided_slice %squeeze3A {offsets = [160, 0], sizes = [160, 128], strides = [1, 1]} : vector<320x128xf32> to vector<160x128xf32>
    %add3A = arith.addf %slice3A_7, %slice3A_8 : vector<160x128xf32>
    %sub3A = arith.subf %add3A, %slice3A_7 : vector<160x128xf32>
    %sub3A_9 = arith.subf %add3A, %sub3A : vector<160x128xf32>
    %sub3A_10 = arith.subf %slice3A_7, %sub3A_9 : vector<160x128xf32>
    %sub3A_11 = arith.subf %slice3A_8, %sub3A : vector<160x128xf32>
    %add3A_12 = arith.addf %sub3A_10, %sub3A_11 : vector<160x128xf32>
    %slice3A_13 = vector.extract_strided_slice %mul3A_6 {offsets = [0, 0], sizes = [160, 128], strides = [1, 1]} : vector<320x128xf32> to vector<160x128xf32>
    %slice3A_14 = vector.extract_strided_slice %mul3A_6 {offsets = [160, 0], sizes = [160, 128], strides = [1, 1]} : vector<320x128xf32> to vector<160x128xf32>
    %add3A_15 = arith.addf %slice3A_13, %slice3A_14 : vector<160x128xf32>
    %add3A_16 = arith.addf %add3A_15, %add3A_12 : vector<160x128xf32>
    %slice3A_17 = vector.extract_strided_slice %add3A {offsets = [0, 0], sizes = [80, 128], strides = [1, 1]} : vector<160x128xf32> to vector<80x128xf32>
    %slice3A_18 = vector.extract_strided_slice %add3A {offsets = [80, 0], sizes = [80, 128], strides = [1, 1]} : vector<160x128xf32> to vector<80x128xf32>
    %add3A_19 = arith.addf %slice3A_17, %slice3A_18 : vector<80x128xf32>
    %sub3A_20 = arith.subf %add3A_19, %slice3A_17 : vector<80x128xf32>
    %sub3A_21 = arith.subf %add3A_19, %sub3A_20 : vector<80x128xf32>
    %sub3A_22 = arith.subf %slice3A_17, %sub3A_21 : vector<80x128xf32>
    %sub3A_23 = arith.subf %slice3A_18, %sub3A_20 : vector<80x128xf32>
    %add3A_24 = arith.addf %sub3A_22, %sub3A_23 : vector<80x128xf32>
    %slice3A_25 = vector.extract_strided_slice %add3A_16 {offsets = [0, 0], sizes = [80, 128], strides = [1, 1]} : vector<160x128xf32> to vector<80x128xf32>
    %slice3A_26 = vector.extract_strided_slice %add3A_16 {offsets = [80, 0], sizes = [80, 128], strides = [1, 1]} : vector<160x128xf32> to vector<80x128xf32>
    %add3A_27 = arith.addf %slice3A_25, %slice3A_26 : vector<80x128xf32>
    %add3A_28 = arith.addf %add3A_27, %add3A_24 : vector<80x128xf32>
    %slice3A_29 = vector.extract_strided_slice %add3A_19 {offsets = [0, 0], sizes = [40, 128], strides = [1, 1]} : vector<80x128xf32> to vector<40x128xf32>
    %slice3A_30 = vector.extract_strided_slice %add3A_19 {offsets = [40, 0], sizes = [40, 128], strides = [1, 1]} : vector<80x128xf32> to vector<40x128xf32>
    %add3A_31 = arith.addf %slice3A_29, %slice3A_30 : vector<40x128xf32>
    %sub3A_32 = arith.subf %add3A_31, %slice3A_29 : vector<40x128xf32>
    %sub3A_33 = arith.subf %add3A_31, %sub3A_32 : vector<40x128xf32>
    %sub3A_34 = arith.subf %slice3A_29, %sub3A_33 : vector<40x128xf32>
    %sub3A_35 = arith.subf %slice3A_30, %sub3A_32 : vector<40x128xf32>
    %add3A_36 = arith.addf %sub3A_34, %sub3A_35 : vector<40x128xf32>
    %slice3A_37 = vector.extract_strided_slice %add3A_28 {offsets = [0, 0], sizes = [40, 128], strides = [1, 1]} : vector<80x128xf32> to vector<40x128xf32>
    %slice3A_38 = vector.extract_strided_slice %add3A_28 {offsets = [40, 0], sizes = [40, 128], strides = [1, 1]} : vector<80x128xf32> to vector<40x128xf32>
    %add3A_39 = arith.addf %slice3A_37, %slice3A_38 : vector<40x128xf32>
    %add3A_40 = arith.addf %add3A_39, %add3A_36 : vector<40x128xf32>
    %slice3A_41 = vector.extract_strided_slice %add3A_31 {offsets = [0, 0], sizes = [20, 128], strides = [1, 1]} : vector<40x128xf32> to vector<20x128xf32>
    %slice3A_42 = vector.extract_strided_slice %add3A_31 {offsets = [20, 0], sizes = [20, 128], strides = [1, 1]} : vector<40x128xf32> to vector<20x128xf32>
    %add3A_43 = arith.addf %slice3A_41, %slice3A_42 : vector<20x128xf32>
    %sub3A_44 = arith.subf %add3A_43, %slice3A_41 : vector<20x128xf32>
    %sub3A_45 = arith.subf %add3A_43, %sub3A_44 : vector<20x128xf32>
    %sub3A_46 = arith.subf %slice3A_41, %sub3A_45 : vector<20x128xf32>
    %sub3A_47 = arith.subf %slice3A_42, %sub3A_44 : vector<20x128xf32>
    %add3A_48 = arith.addf %sub3A_46, %sub3A_47 : vector<20x128xf32>
    %slice3A_49 = vector.extract_strided_slice %add3A_40 {offsets = [0, 0], sizes = [20, 128], strides = [1, 1]} : vector<40x128xf32> to vector<20x128xf32>
    %slice3A_50 = vector.extract_strided_slice %add3A_40 {offsets = [20, 0], sizes = [20, 128], strides = [1, 1]} : vector<40x128xf32> to vector<20x128xf32>
    %add3A_51 = arith.addf %slice3A_49, %slice3A_50 : vector<20x128xf32>
    %add3A_52 = arith.addf %add3A_51, %add3A_48 : vector<20x128xf32>
    %slice3A_53 = vector.extract_strided_slice %add3A_43 {offsets = [0, 0], sizes = [10, 128], strides = [1, 1]} : vector<20x128xf32> to vector<10x128xf32>
    %slice3A_54 = vector.extract_strided_slice %add3A_43 {offsets = [10, 0], sizes = [10, 128], strides = [1, 1]} : vector<20x128xf32> to vector<10x128xf32>
    %add3A_55 = arith.addf %slice3A_53, %slice3A_54 : vector<10x128xf32>
    %sub3A_56 = arith.subf %add3A_55, %slice3A_53 : vector<10x128xf32>
    %sub3A_57 = arith.subf %add3A_55, %sub3A_56 : vector<10x128xf32>
    %sub3A_58 = arith.subf %slice3A_53, %sub3A_57 : vector<10x128xf32>
    %sub3A_59 = arith.subf %slice3A_54, %sub3A_56 : vector<10x128xf32>
    %add3A_60 = arith.addf %sub3A_58, %sub3A_59 : vector<10x128xf32>
    %slice3A_61 = vector.extract_strided_slice %add3A_52 {offsets = [0, 0], sizes = [10, 128], strides = [1, 1]} : vector<20x128xf32> to vector<10x128xf32>
    %slice3A_62 = vector.extract_strided_slice %add3A_52 {offsets = [10, 0], sizes = [10, 128], strides = [1, 1]} : vector<20x128xf32> to vector<10x128xf32>
    %add3A_63 = arith.addf %slice3A_61, %slice3A_62 : vector<10x128xf32>
    %add3A_64 = arith.addf %add3A_63, %add3A_60 : vector<10x128xf32>
    %slice3A_65 = vector.extract_strided_slice %add3A_55 {offsets = [0, 0], sizes = [5, 128], strides = [1, 1]} : vector<10x128xf32> to vector<5x128xf32>
    %slice3A_66 = vector.extract_strided_slice %add3A_55 {offsets = [5, 0], sizes = [5, 128], strides = [1, 1]} : vector<10x128xf32> to vector<5x128xf32>
    %add3A_67 = arith.addf %slice3A_65, %slice3A_66 : vector<5x128xf32>
    %sub3A_68 = arith.subf %add3A_67, %slice3A_65 : vector<5x128xf32>
    %sub3A_69 = arith.subf %add3A_67, %sub3A_68 : vector<5x128xf32>
    %sub3A_70 = arith.subf %slice3A_65, %sub3A_69 : vector<5x128xf32>
    %sub3A_71 = arith.subf %slice3A_66, %sub3A_68 : vector<5x128xf32>
    %add3A_72 = arith.addf %sub3A_70, %sub3A_71 : vector<5x128xf32>
    %slice3A_73 = vector.extract_strided_slice %add3A_64 {offsets = [0, 0], sizes = [5, 128], strides = [1, 1]} : vector<10x128xf32> to vector<5x128xf32>
    %slice3A_74 = vector.extract_strided_slice %add3A_64 {offsets = [5, 0], sizes = [5, 128], strides = [1, 1]} : vector<10x128xf32> to vector<5x128xf32>
    %add3A_75 = arith.addf %slice3A_73, %slice3A_74 : vector<5x128xf32>
    %add3A_76 = arith.addf %add3A_75, %add3A_72 : vector<5x128xf32>
    %reduce_sum3A = arith.constant dense<0.000000e+00> : vector<128xf32>
    %reduce_sum3A_77 = vector.multi_reduction <add>, %add3A_67, %reduce_sum3A [0] : vector<5x128xf32> to vector<128xf32>
    %broadcast_in_dim3A = vector.shape_cast %reduce_sum3A_77 : vector<128xf32> to vector<1x128xf32>
    %reduce_sum3A_78 = arith.constant dense<0.000000e+00> : vector<128xf32>
    %reduce_sum3A_79 = vector.multi_reduction <add>, %add3A_76, %reduce_sum3A_78 [0] : vector<5x128xf32> to vector<128xf32>
    %broadcast_in_dim3A_80 = vector.shape_cast %reduce_sum3A_79 : vector<128xf32> to vector<1x128xf32>
    %add3A_81 = arith.addf %broadcast_in_dim3A, %broadcast_in_dim3A_80 : vector<1x128xf32>
    %div3A = arith.constant 1.638400e+05 : f32
    %div3A_82 = vector.broadcast %div3A : f32 to vector<1x128xf32>
    %div3A_83 = arith.divf %add3A_81, %div3A_82 : vector<1x128xf32>
    %div3A_84 = arith.constant 5.120000e+02 : f32
    %div3A_85 = vector.broadcast %div3A_84 : f32 to vector<320x128xf32>
    %div3A_86 = arith.divf %squeeze3A, %div3A_85 : vector<320x128xf32>
    %sub3A_87 = vector.broadcast %div3A_83 : vector<1x128xf32> to vector<320x128xf32>
    %sub3A_88 = arith.subf %div3A_86, %sub3A_87 : vector<320x128xf32>
    %slice3A_89 = vector.extract_strided_slice %squeeze3A_4 {offsets = [0, 0], sizes = [160, 128], strides = [1, 1]} : vector<320x128xf32> to vector<160x128xf32>
    %slice3A_90 = vector.extract_strided_slice %squeeze3A_4 {offsets = [160, 0], sizes = [160, 128], strides = [1, 1]} : vector<320x128xf32> to vector<160x128xf32>
    %add3A_91 = arith.addf %slice3A_89, %slice3A_90 : vector<160x128xf32>
    %slice3A_92 = vector.extract_strided_slice %add3A_91 {offsets = [0, 0], sizes = [80, 128], strides = [1, 1]} : vector<160x128xf32> to vector<80x128xf32>
    %slice3A_93 = vector.extract_strided_slice %add3A_91 {offsets = [80, 0], sizes = [80, 128], strides = [1, 1]} : vector<160x128xf32> to vector<80x128xf32>
    %add3A_94 = arith.addf %slice3A_92, %slice3A_93 : vector<80x128xf32>
    %slice3A_95 = vector.extract_strided_slice %add3A_94 {offsets = [0, 0], sizes = [40, 128], strides = [1, 1]} : vector<80x128xf32> to vector<40x128xf32>
    %slice3A_96 = vector.extract_strided_slice %add3A_94 {offsets = [40, 0], sizes = [40, 128], strides = [1, 1]} : vector<80x128xf32> to vector<40x128xf32>
    %add3A_97 = arith.addf %slice3A_95, %slice3A_96 : vector<40x128xf32>
    %slice3A_98 = vector.extract_strided_slice %add3A_97 {offsets = [0, 0], sizes = [20, 128], strides = [1, 1]} : vector<40x128xf32> to vector<20x128xf32>
    %slice3A_99 = vector.extract_strided_slice %add3A_97 {offsets = [20, 0], sizes = [20, 128], strides = [1, 1]} : vector<40x128xf32> to vector<20x128xf32>
    %add3A_100 = arith.addf %slice3A_98, %slice3A_99 : vector<20x128xf32>
    %slice3A_101 = vector.extract_strided_slice %add3A_100 {offsets = [0, 0], sizes = [10, 128], strides = [1, 1]} : vector<20x128xf32> to vector<10x128xf32>
    %slice3A_102 = vector.extract_strided_slice %add3A_100 {offsets = [10, 0], sizes = [10, 128], strides = [1, 1]} : vector<20x128xf32> to vector<10x128xf32>
    %add3A_103 = arith.addf %slice3A_101, %slice3A_102 : vector<10x128xf32>
    %slice3A_104 = vector.extract_strided_slice %add3A_103 {offsets = [0, 0], sizes = [5, 128], strides = [1, 1]} : vector<10x128xf32> to vector<5x128xf32>
    %slice3A_105 = vector.extract_strided_slice %add3A_103 {offsets = [5, 0], sizes = [5, 128], strides = [1, 1]} : vector<10x128xf32> to vector<5x128xf32>
    %add3A_106 = arith.addf %slice3A_104, %slice3A_105 : vector<5x128xf32>
    %reduce_sum3A_107 = arith.constant dense<0.000000e+00> : vector<128xf32>
    %reduce_sum3A_108 = vector.multi_reduction <add>, %add3A_106, %reduce_sum3A_107 [0] : vector<5x128xf32> to vector<128xf32>
    %broadcast_in_dim3A_109 = vector.shape_cast %reduce_sum3A_108 : vector<128xf32> to vector<1x128xf32>
    %mul3A_110 = arith.mulf %sub3A_88, %sub3A_88 : vector<320x128xf32>
    %slice3A_111 = vector.extract_strided_slice %mul3A_110 {offsets = [0, 0], sizes = [160, 128], strides = [1, 1]} : vector<320x128xf32> to vector<160x128xf32>
    %slice3A_112 = vector.extract_strided_slice %mul3A_110 {offsets = [160, 0], sizes = [160, 128], strides = [1, 1]} : vector<320x128xf32> to vector<160x128xf32>
    %add3A_113 = arith.addf %slice3A_111, %slice3A_112 : vector<160x128xf32>
    %slice3A_114 = vector.extract_strided_slice %add3A_113 {offsets = [0, 0], sizes = [80, 128], strides = [1, 1]} : vector<160x128xf32> to vector<80x128xf32>
    %slice3A_115 = vector.extract_strided_slice %add3A_113 {offsets = [80, 0], sizes = [80, 128], strides = [1, 1]} : vector<160x128xf32> to vector<80x128xf32>
    %add3A_116 = arith.addf %slice3A_114, %slice3A_115 : vector<80x128xf32>
    %slice3A_117 = vector.extract_strided_slice %add3A_116 {offsets = [0, 0], sizes = [40, 128], strides = [1, 1]} : vector<80x128xf32> to vector<40x128xf32>
    %slice3A_118 = vector.extract_strided_slice %add3A_116 {offsets = [40, 0], sizes = [40, 128], strides = [1, 1]} : vector<80x128xf32> to vector<40x128xf32>
    %add3A_119 = arith.addf %slice3A_117, %slice3A_118 : vector<40x128xf32>
    %slice3A_120 = vector.extract_strided_slice %add3A_119 {offsets = [0, 0], sizes = [20, 128], strides = [1, 1]} : vector<40x128xf32> to vector<20x128xf32>
    %slice3A_121 = vector.extract_strided_slice %add3A_119 {offsets = [20, 0], sizes = [20, 128], strides = [1, 1]} : vector<40x128xf32> to vector<20x128xf32>
    %add3A_122 = arith.addf %slice3A_120, %slice3A_121 : vector<20x128xf32>
    %slice3A_123 = vector.extract_strided_slice %add3A_122 {offsets = [0, 0], sizes = [10, 128], strides = [1, 1]} : vector<20x128xf32> to vector<10x128xf32>
    %slice3A_124 = vector.extract_strided_slice %add3A_122 {offsets = [10, 0], sizes = [10, 128], strides = [1, 1]} : vector<20x128xf32> to vector<10x128xf32>
    %add3A_125 = arith.addf %slice3A_123, %slice3A_124 : vector<10x128xf32>
    %slice3A_126 = vector.extract_strided_slice %add3A_125 {offsets = [0, 0], sizes = [5, 128], strides = [1, 1]} : vector<10x128xf32> to vector<5x128xf32>
    %slice3A_127 = vector.extract_strided_slice %add3A_125 {offsets = [5, 0], sizes = [5, 128], strides = [1, 1]} : vector<10x128xf32> to vector<5x128xf32>
    %add3A_128 = arith.addf %slice3A_126, %slice3A_127 : vector<5x128xf32>
    %reduce_sum3A_129 = arith.constant dense<0.000000e+00> : vector<128xf32>
    %reduce_sum3A_130 = vector.multi_reduction <add>, %add3A_128, %reduce_sum3A_129 [0] : vector<5x128xf32> to vector<128xf32>
    %broadcast_in_dim3A_131 = vector.shape_cast %reduce_sum3A_130 : vector<128xf32> to vector<1x128xf32>
    %mul3A_132 = arith.constant 5.120000e+02 : f32
    %mul3A_133 = vector.broadcast %mul3A_132 : f32 to vector<1x128xf32>
    %mul3A_134 = arith.mulf %mul3A_133, %broadcast_in_dim3A_131 : vector<1x128xf32>
    %add3A_135 = arith.addf %broadcast_in_dim3A_109, %mul3A_134 : vector<1x128xf32>
    %div3A_136 = arith.constant 1.638400e+05 : f32
    %div3A_137 = vector.broadcast %div3A_136 : f32 to vector<1x128xf32>
    %div3A_138 = arith.divf %add3A_135, %div3A_137 : vector<1x128xf32>
    %concatenate3A = tpu.concatenate %div3A_83, %div3A_138 in 0 : vector<1x128xf32>, vector<1x128xf32> -> vector<2x128xf32>
    %swap3A = arith.constant 0 : index
    %swap3A_139 = arith.constant 0 : index
    %swap3A_140 = vector.load %arg1[%swap3A, %swap3A_139] : memref<2x128xf32, #tpu.memory_space<vmem>>, vector<2x128xf32>
    tpu.vector_store %arg1[%swap3A, %swap3A_139], %concatenate3A {strides = array<i32>} : memref<2x128xf32, #tpu.memory_space<vmem>>, vector<2x128xf32>,
    return
  }
}

module attributes {stable_mosaic.version = 14 : i64} {
  func.func @_apply_body(%arg0: i32, %arg1: memref<1024x128xf32, #tpu.memory_space<vmem>>, %arg2: memref<1024x128xf32, #tpu.memory_space<vmem>>, %arg3: memref<2x128xf32, #tpu.memory_space<vmem>>, %arg4: memref<1x128xf32, #tpu.memory_space<vmem>>, %arg5: memref<1x128xf32, #tpu.memory_space<vmem>>, %arg6: memref<1024x128xf32, #tpu.memory_space<vmem>>) attributes {dimension_semantics = [#tpu.dimension_semantics<arbitrary>], iteration_bounds = array<i64: 8>, scalar_prefetch = 0 : i64, scratch_operands = 0 : i64, tpu.core_type = #tpu.core_type<tc>, window_params = [{transform_indices = @transform_0, window_bounds = array<i64: 1024, 128>}, {transform_indices = @transform_1, window_bounds = array<i64: 1024, 128>}, {pipeline_mode = #tpu.pipeline_mode<synchronous>, transform_indices = @transform_2, window_bounds = array<i64: 2, 128>}, {pipeline_mode = #tpu.pipeline_mode<synchronous>, transform_indices = @transform_3, window_bounds = array<i64: 1, 128>}, {pipeline_mode = #tpu.pipeline_mode<synchronous>, transform_indices = @transform_4, window_bounds = array<i64: 1, 128>}, {transform_indices = @transform_5, window_bounds = array<i64: 1024, 128>}]} {
    %get3A = arith.constant 0 : index
    %get3A_0 = arith.constant 0 : index
    %get3A_1 = vector.load %arg3[%get3A, %get3A_0] : memref<2x128xf32, #tpu.memory_space<vmem>>, vector<1x128xf32>
    %get3A_2 = arith.constant 1 : index
    %get3A_3 = arith.constant 0 : index
    %get3A_4 = vector.load %arg3[%get3A_2, %get3A_3] : memref<2x128xf32, #tpu.memory_space<vmem>>, vector<1x128xf32>
    %get3A_5 = arith.constant 0 : index
    %get3A_6 = arith.constant 0 : index
    %get3A_7 = vector.load %arg4[%get3A_5, %get3A_6] : memref<1x128xf32, #tpu.memory_space<vmem>>, vector<1x128xf32>
    %ge3A = arith.constant 0.000000e+00 : f32
    %ge3A_8 = vector.broadcast %ge3A : f32 to vector<1x128xf32>
    %ge3A_9 = arith.cmpf oge, %get3A_7, %ge3A_8 : vector<1x128xf32>
    %get3A_10 = arith.constant 0 : index
    %get3A_11 = arith.constant 0 : index
    %get3A_12 = vector.load %arg1[%get3A_10, %get3A_11] : memref<1024x128xf32, #tpu.memory_space<vmem>>, vector<1024x128xf32>
    %get3A_13 = arith.constant 0 : index
    %get3A_14 = arith.constant 0 : index
    %get3A_15 = vector.load %arg2[%get3A_13, %get3A_14] : memref<1024x128xf32, #tpu.memory_space<vmem>>, vector<1024x128xf32>
    %broadcast_in_dim3A = vector.shape_cast %ge3A_9 : vector<1x128xi1> to vector<1x128xi1>
    %broadcast_in_dim3A_16 = vector.broadcast %broadcast_in_dim3A : vector<1x128xi1> to vector<1024x128xi1>
    %select_n3A = arith.select %broadcast_in_dim3A_16, %get3A_12, %get3A_15 : vector<1024x128xi1>, vector<1024x128xf32>
    %sub3A = vector.broadcast %get3A_1 : vector<1x128xf32> to vector<1024x128xf32>
    %sub3A_17 = arith.subf %select_n3A, %sub3A : vector<1024x128xf32>
    %add3A = arith.constant 9.99999974E-6 : f32
    %add3A_18 = vector.broadcast %add3A : f32 to vector<1x128xf32>
    %add3A_19 = arith.addf %get3A_4, %add3A_18 : vector<1x128xf32>
    %sqrt3A = math.sqrt %add3A_19 : vector<1x128xf32>
    %div3A = vector.broadcast %sqrt3A : vector<1x128xf32> to vector<1024x128xf32>
    %div3A_20 = arith.divf %sub3A_17, %div3A : vector<1024x128xf32>
    %mul3A = vector.broadcast %get3A_7 : vector<1x128xf32> to vector<1024x128xf32>
    %mul3A_21 = arith.mulf %div3A_20, %mul3A : vector<1024x128xf32>
    %get3A_22 = arith.constant 0 : index
    %get3A_23 = arith.constant 0 : index
    %get3A_24 = vector.load %arg5[%get3A_22, %get3A_23] : memref<1x128xf32, #tpu.memory_space<vmem>>, vector<1x128xf32>
    %add3A_25 = vector.broadcast %get3A_24 : vector<1x128xf32> to vector<1024x128xf32>
    %add3A_26 = arith.addf %mul3A_21, %add3A_25 : vector<1024x128xf32>
    %ge3A_27 = arith.constant 0.000000e+00 : f32
    %ge3A_28 = vector.broadcast %ge3A_27 : f32 to vector<1024x128xf32>
    %ge3A_29 = arith.cmpf oge, %add3A_26, %ge3A_28 : vector<1024x128xf32>
    %mul3A_30 = arith.constant 2.000000e-01 : f32
    %mul3A_31 = vector.broadcast %mul3A_30 : f32 to vector<1024x128xf32>
    %mul3A_32 = arith.mulf %mul3A_31, %add3A_26 : vector<1024x128xf32>
    %select_n3A_33 = arith.select %ge3A_29, %add3A_26, %mul3A_32 : vector<1024x128xi1>, vector<1024x128xf32>
    %swap3A = arith.constant 0 : index
    %swap3A_34 = arith.constant 0 : index
    %swap3A_35 = vector.load %arg6[%swap3A, %swap3A_34] : memref<1024x128xf32, #tpu.memory_space<vmem>>, vector<1024x128xf32>
    tpu.vector_store %arg6[%swap3A, %swap3A_34], %select_n3A_33 {strides = array<i32>} : memref<1024x128xf32, #tpu.memory_space<vmem>>, vector<1024x128xf32>,
    return
  }
  func.func @transform_0(%arg0: i32) -> (i32, i32) {
    %c0_i32 = arith.constant 0 : i32
    %c0_i32_0 = arith.constant 0 : i32
    return %arg0, %c0_i32 : i32, i32
  }
  func.func @transform_1(%arg0: i32) -> (i32, i32) {
    %c0_i32 = arith.constant 0 : i32
    %c0_i32_0 = arith.constant 0 : i32
    return %arg0, %c0_i32 : i32, i32
  }
  func.func @transform_2(%arg0: i32) -> (i32, i32) {
    %c0_i32 = arith.constant 0 : i32
    %c0_i32_0 = arith.constant 0 : i32
    %c0_i32_1 = arith.constant 0 : i32
    return %c0_i32, %c0_i32_0 : i32, i32
  }
  func.func @transform_3(%arg0: i32) -> (i32, i32) {
    %c0_i32 = arith.constant 0 : i32
    %c0_i32_0 = arith.constant 0 : i32
    %c0_i32_1 = arith.constant 0 : i32
    return %c0_i32, %c0_i32_0 : i32, i32
  }
  func.func @transform_4(%arg0: i32) -> (i32, i32) {
    %c0_i32 = arith.constant 0 : i32
    %c0_i32_0 = arith.constant 0 : i32
    %c0_i32_1 = arith.constant 0 : i32
    return %c0_i32, %c0_i32_0 : i32, i32
  }
  func.func @transform_5(%arg0: i32) -> (i32, i32) {
    %c0_i32 = arith.constant 0 : i32
    %c0_i32_0 = arith.constant 0 : i32
    return %arg0, %c0_i32 : i32, i32
  }
}

module attributes {stable_mosaic.version = 14 : i64} {
  func.func @_knn_body(%arg0: i32, %arg1: i32, %arg2: memref<1x1024x128xf32, #tpu.memory_space<vmem>>, %arg3: memref<1x256x20xi32, #tpu.memory_space<vmem>>) attributes {dimension_semantics = [#tpu.dimension_semantics<arbitrary>, #tpu.dimension_semantics<arbitrary>], iteration_bounds = array<i64: 8, 4>, scalar_prefetch = 0 : i64, scratch_operands = 0 : i64, tpu.core_type = #tpu.core_type<tc>, window_params = [{transform_indices = @transform_0, window_bounds = array<i64: 1, 1024, 128>}, {transform_indices = @transform_1, window_bounds = array<i64: 1, 256, 20>}]} {
    %get3A = arith.constant 0 : index
    %get3A_0 = arith.constant 0 : index
    %get3A_1 = arith.constant 0 : index
    %get3A_2 = vector.load %arg2[%get3A, %get3A_0, %get3A_1] : memref<1x1024x128xf32, #tpu.memory_space<vmem>>, vector<1x1024x128xf32>
    %get3A_3 = vector.shape_cast %get3A_2 : vector<1x1024x128xf32> to vector<1024x128xf32>
    %mul3A = arith.constant 256 : i32
    %mul3A_4 = arith.muli %arg1, %mul3A : i32
    %get3A_5 = arith.constant 0 : index
    %get3A_6 = arith.index_cast %mul3A_4 : i32 to index
    %get3A_7 = arith.constant 0 : index
    %get3A_8 = vector.load %arg2[%get3A_5, %get3A_6, %get3A_7] : memref<1x1024x128xf32, #tpu.memory_space<vmem>>, vector<1x256x128xf32>
    %get3A_9 = vector.shape_cast %get3A_8 : vector<1x256x128xf32> to vector<256x128xf32>
    %mul3A_10 = arith.mulf %get3A_3, %get3A_3 : vector<1024x128xf32>
    %reduce_sum3A = arith.constant dense<0.000000e+00> : vector<1024xf32>
    %reduce_sum3A_11 = vector.multi_reduction <add>, %mul3A_10, %reduce_sum3A [1] : vector<1024x128xf32> to vector<1024xf32>
    %mul3A_12 = arith.mulf %get3A_9, %get3A_9 : vector<256x128xf32>
    %reduce_sum3A_13 = arith.constant dense<0.000000e+00> : vector<256xf32>
    %reduce_sum3A_14 = vector.multi_reduction <add>, %mul3A_12, %reduce_sum3A_13 [1] : vector<256x128xf32> to vector<256xf32>
    %convert_element_type3A = arith.truncf %get3A_9 : vector<256x128xf32> to vector<256x128xbf16>
    %convert_element_type3A_15 = arith.truncf %get3A_3 : vector<1024x128xf32> to vector<1024x128xbf16>
    %dot_general3A = arith.constant dense<0.000000e+00> : vector<256x1024xf32>
    %dot_general3A_16 = tpu.matmul %convert_element_type3A, %convert_element_type3A_15, %dot_general3A {dimension_numbers = #tpu.dot_dimension_numbers<[1], [1], [0], [0], [0, 0, 1, 0], [], []>, transpose_lhs_hint = false} : vector<256x128xbf16>, vector<1024x128xbf16>, vector<256x1024xf32> -> vector<256x1024xf32>
    %mul3A_17 = arith.constant -2.000000e+00 : f32
    %mul3A_18 = vector.broadcast %mul3A_17 : f32 to vector<256x1024xf32>
    %mul3A_19 = arith.mulf %mul3A_18, %dot_general3A_16 : vector<256x1024xf32>
    %broadcast_in_dim3A = vector.shape_cast %reduce_sum3A_14 : vector<256xf32> to vector<256x1xf32>
    %neg3A = arith.constant 0.000000e+00 : f32
    %neg3A_20 = vector.broadcast %neg3A : f32 to vector<256x1xf32>
    %neg3A_21 = arith.subf %neg3A_20, %broadcast_in_dim3A : vector<256x1xf32>
    %sub3A = vector.broadcast %neg3A_21 : vector<256x1xf32> to vector<256x1024xf32>
    %sub3A_22 = arith.subf %sub3A, %mul3A_19 : vector<256x1024xf32>
    %broadcast_in_dim3A_23 = vector.shape_cast %reduce_sum3A_11 : vector<1024xf32> to vector<1x1024xf32>
    %sub3A_24 = vector.broadcast %broadcast_in_dim3A_23 : vector<1x1024xf32> to vector<256x1024xf32>
    %sub3A_25 = arith.subf %sub3A_22, %sub3A_24 : vector<256x1024xf32>
    %iota3A = tpu.iota {dimensions = array<i32: 1>} : vector<256x1024xi32>
    %reduce_max3A = arith.constant dense<0xFF800000> : vector<256xf32>
    %reduce_max3A_26 = vector.multi_reduction <maximumf>, %sub3A_25, %reduce_max3A [1] : vector<256x1024xf32> to vector<256xf32>
    %broadcast_in_dim3A_27 = vector.shape_cast %reduce_max3A_26 : vector<256xf32> to vector<256x1xf32>
    %eq3A = vector.broadcast %broadcast_in_dim3A_27 : vector<256x1xf32> to vector<256x1024xf32>
    %eq3A_28 = arith.cmpf oeq, %sub3A_25, %eq3A : vector<256x1024xf32>
    %jit3A = arith.constant 1024 : i32
    %broadcast_in_dim3A_29 = vector.broadcast %jit3A : i32 to vector<256x1024xi32>
    %select_n3A = arith.select %eq3A_28, %iota3A, %broadcast_in_dim3A_29 : vector<256x1024xi1>, vector<256x1024xi32>
    %reduce_min3A = arith.constant dense<2147483647> : vector<256xi32>
    %reduce_min3A_30 = vector.multi_reduction <minsi>, %select_n3A, %reduce_min3A [1] : vector<256x1024xi32> to vector<256xi32>
    %broadcast_in_dim3A_31 = vector.shape_cast %reduce_min3A_30 : vector<256xi32> to vector<256x1xi32>
    %eq3A_32 = vector.broadcast %broadcast_in_dim3A_31 : vector<256x1xi32> to vector<256x1024xi32>
    %eq3A_33 = arith.cmpi eq, %iota3A, %eq3A_32 : vector<256x1024xi32>
    %jit3A_34 = arith.constant -3.400000e+38 : f32
    %broadcast_in_dim3A_35 = vector.broadcast %jit3A_34 : f32 to vector<256x1024xf32>
    %select_n3A_36 = arith.select %eq3A_33, %broadcast_in_dim3A_35, %sub3A_25 : vector<256x1024xi1>, vector<256x1024xf32>
    %reduce_max3A_37 = arith.constant dense<0xFF800000> : vector<256xf32>
    %reduce_max3A_38 = vector.multi_reduction <maximumf>, %select_n3A_36, %reduce_max3A_37 [1] : vector<256x1024xf32> to vector<256xf32>
    %broadcast_in_dim3A_39 = vector.shape_cast %reduce_max3A_38 : vector<256xf32> to vector<256x1xf32>
    %eq3A_40 = vector.broadcast %broadcast_in_dim3A_39 : vector<256x1xf32> to vector<256x1024xf32>
    %eq3A_41 = arith.cmpf oeq, %select_n3A_36, %eq3A_40 : vector<256x1024xf32>
    %jit3A_42 = arith.constant 1024 : i32
    %broadcast_in_dim3A_43 = vector.broadcast %jit3A_42 : i32 to vector<256x1024xi32>
    %select_n3A_44 = arith.select %eq3A_41, %iota3A, %broadcast_in_dim3A_43 : vector<256x1024xi1>, vector<256x1024xi32>
    %reduce_min3A_45 = arith.constant dense<2147483647> : vector<256xi32>
    %reduce_min3A_46 = vector.multi_reduction <minsi>, %select_n3A_44, %reduce_min3A_45 [1] : vector<256x1024xi32> to vector<256xi32>
    %broadcast_in_dim3A_47 = vector.shape_cast %reduce_min3A_46 : vector<256xi32> to vector<256x1xi32>
    %eq3A_48 = vector.broadcast %broadcast_in_dim3A_47 : vector<256x1xi32> to vector<256x1024xi32>
    %eq3A_49 = arith.cmpi eq, %iota3A, %eq3A_48 : vector<256x1024xi32>
    %jit3A_50 = arith.constant -3.400000e+38 : f32
    %broadcast_in_dim3A_51 = vector.broadcast %jit3A_50 : f32 to vector<256x1024xf32>
    %select_n3A_52 = arith.select %eq3A_49, %broadcast_in_dim3A_51, %select_n3A_36 : vector<256x1024xi1>, vector<256x1024xf32>
    %reduce_max3A_53 = arith.constant dense<0xFF800000> : vector<256xf32>
    %reduce_max3A_54 = vector.multi_reduction <maximumf>, %select_n3A_52, %reduce_max3A_53 [1] : vector<256x1024xf32> to vector<256xf32>
    %broadcast_in_dim3A_55 = vector.shape_cast %reduce_max3A_54 : vector<256xf32> to vector<256x1xf32>
    %eq3A_56 = vector.broadcast %broadcast_in_dim3A_55 : vector<256x1xf32> to vector<256x1024xf32>
    %eq3A_57 = arith.cmpf oeq, %select_n3A_52, %eq3A_56 : vector<256x1024xf32>
    %jit3A_58 = arith.constant 1024 : i32
    %broadcast_in_dim3A_59 = vector.broadcast %jit3A_58 : i32 to vector<256x1024xi32>
    %select_n3A_60 = arith.select %eq3A_57, %iota3A, %broadcast_in_dim3A_59 : vector<256x1024xi1>, vector<256x1024xi32>
    %reduce_min3A_61 = arith.constant dense<2147483647> : vector<256xi32>
    %reduce_min3A_62 = vector.multi_reduction <minsi>, %select_n3A_60, %reduce_min3A_61 [1] : vector<256x1024xi32> to vector<256xi32>
    %broadcast_in_dim3A_63 = vector.shape_cast %reduce_min3A_62 : vector<256xi32> to vector<256x1xi32>
    %eq3A_64 = vector.broadcast %broadcast_in_dim3A_63 : vector<256x1xi32> to vector<256x1024xi32>
    %eq3A_65 = arith.cmpi eq, %iota3A, %eq3A_64 : vector<256x1024xi32>
    %jit3A_66 = arith.constant -3.400000e+38 : f32
    %broadcast_in_dim3A_67 = vector.broadcast %jit3A_66 : f32 to vector<256x1024xf32>
    %select_n3A_68 = arith.select %eq3A_65, %broadcast_in_dim3A_67, %select_n3A_52 : vector<256x1024xi1>, vector<256x1024xf32>
    %reduce_max3A_69 = arith.constant dense<0xFF800000> : vector<256xf32>
    %reduce_max3A_70 = vector.multi_reduction <maximumf>, %select_n3A_68, %reduce_max3A_69 [1] : vector<256x1024xf32> to vector<256xf32>
    %broadcast_in_dim3A_71 = vector.shape_cast %reduce_max3A_70 : vector<256xf32> to vector<256x1xf32>
    %eq3A_72 = vector.broadcast %broadcast_in_dim3A_71 : vector<256x1xf32> to vector<256x1024xf32>
    %eq3A_73 = arith.cmpf oeq, %select_n3A_68, %eq3A_72 : vector<256x1024xf32>
    %jit3A_74 = arith.constant 1024 : i32
    %broadcast_in_dim3A_75 = vector.broadcast %jit3A_74 : i32 to vector<256x1024xi32>
    %select_n3A_76 = arith.select %eq3A_73, %iota3A, %broadcast_in_dim3A_75 : vector<256x1024xi1>, vector<256x1024xi32>
    %reduce_min3A_77 = arith.constant dense<2147483647> : vector<256xi32>
    %reduce_min3A_78 = vector.multi_reduction <minsi>, %select_n3A_76, %reduce_min3A_77 [1] : vector<256x1024xi32> to vector<256xi32>
    %broadcast_in_dim3A_79 = vector.shape_cast %reduce_min3A_78 : vector<256xi32> to vector<256x1xi32>
    %eq3A_80 = vector.broadcast %broadcast_in_dim3A_79 : vector<256x1xi32> to vector<256x1024xi32>
    %eq3A_81 = arith.cmpi eq, %iota3A, %eq3A_80 : vector<256x1024xi32>
    %jit3A_82 = arith.constant -3.400000e+38 : f32
    %broadcast_in_dim3A_83 = vector.broadcast %jit3A_82 : f32 to vector<256x1024xf32>
    %select_n3A_84 = arith.select %eq3A_81, %broadcast_in_dim3A_83, %select_n3A_68 : vector<256x1024xi1>, vector<256x1024xf32>
    %reduce_max3A_85 = arith.constant dense<0xFF800000> : vector<256xf32>
    %reduce_max3A_86 = vector.multi_reduction <maximumf>, %select_n3A_84, %reduce_max3A_85 [1] : vector<256x1024xf32> to vector<256xf32>
    %broadcast_in_dim3A_87 = vector.shape_cast %reduce_max3A_86 : vector<256xf32> to vector<256x1xf32>
    %eq3A_88 = vector.broadcast %broadcast_in_dim3A_87 : vector<256x1xf32> to vector<256x1024xf32>
    %eq3A_89 = arith.cmpf oeq, %select_n3A_84, %eq3A_88 : vector<256x1024xf32>
    %jit3A_90 = arith.constant 1024 : i32
    %broadcast_in_dim3A_91 = vector.broadcast %jit3A_90 : i32 to vector<256x1024xi32>
    %select_n3A_92 = arith.select %eq3A_89, %iota3A, %broadcast_in_dim3A_91 : vector<256x1024xi1>, vector<256x1024xi32>
    %reduce_min3A_93 = arith.constant dense<2147483647> : vector<256xi32>
    %reduce_min3A_94 = vector.multi_reduction <minsi>, %select_n3A_92, %reduce_min3A_93 [1] : vector<256x1024xi32> to vector<256xi32>
    %broadcast_in_dim3A_95 = vector.shape_cast %reduce_min3A_94 : vector<256xi32> to vector<256x1xi32>
    %eq3A_96 = vector.broadcast %broadcast_in_dim3A_95 : vector<256x1xi32> to vector<256x1024xi32>
    %eq3A_97 = arith.cmpi eq, %iota3A, %eq3A_96 : vector<256x1024xi32>
    %jit3A_98 = arith.constant -3.400000e+38 : f32
    %broadcast_in_dim3A_99 = vector.broadcast %jit3A_98 : f32 to vector<256x1024xf32>
    %select_n3A_100 = arith.select %eq3A_97, %broadcast_in_dim3A_99, %select_n3A_84 : vector<256x1024xi1>, vector<256x1024xf32>
    %reduce_max3A_101 = arith.constant dense<0xFF800000> : vector<256xf32>
    %reduce_max3A_102 = vector.multi_reduction <maximumf>, %select_n3A_100, %reduce_max3A_101 [1] : vector<256x1024xf32> to vector<256xf32>
    %broadcast_in_dim3A_103 = vector.shape_cast %reduce_max3A_102 : vector<256xf32> to vector<256x1xf32>
    %eq3A_104 = vector.broadcast %broadcast_in_dim3A_103 : vector<256x1xf32> to vector<256x1024xf32>
    %eq3A_105 = arith.cmpf oeq, %select_n3A_100, %eq3A_104 : vector<256x1024xf32>
    %jit3A_106 = arith.constant 1024 : i32
    %broadcast_in_dim3A_107 = vector.broadcast %jit3A_106 : i32 to vector<256x1024xi32>
    %select_n3A_108 = arith.select %eq3A_105, %iota3A, %broadcast_in_dim3A_107 : vector<256x1024xi1>, vector<256x1024xi32>
    %reduce_min3A_109 = arith.constant dense<2147483647> : vector<256xi32>
    %reduce_min3A_110 = vector.multi_reduction <minsi>, %select_n3A_108, %reduce_min3A_109 [1] : vector<256x1024xi32> to vector<256xi32>
    %broadcast_in_dim3A_111 = vector.shape_cast %reduce_min3A_110 : vector<256xi32> to vector<256x1xi32>
    %eq3A_112 = vector.broadcast %broadcast_in_dim3A_111 : vector<256x1xi32> to vector<256x1024xi32>
    %eq3A_113 = arith.cmpi eq, %iota3A, %eq3A_112 : vector<256x1024xi32>
    %jit3A_114 = arith.constant -3.400000e+38 : f32
    %broadcast_in_dim3A_115 = vector.broadcast %jit3A_114 : f32 to vector<256x1024xf32>
    %select_n3A_116 = arith.select %eq3A_113, %broadcast_in_dim3A_115, %select_n3A_100 : vector<256x1024xi1>, vector<256x1024xf32>
    %reduce_max3A_117 = arith.constant dense<0xFF800000> : vector<256xf32>
    %reduce_max3A_118 = vector.multi_reduction <maximumf>, %select_n3A_116, %reduce_max3A_117 [1] : vector<256x1024xf32> to vector<256xf32>
    %broadcast_in_dim3A_119 = vector.shape_cast %reduce_max3A_118 : vector<256xf32> to vector<256x1xf32>
    %eq3A_120 = vector.broadcast %broadcast_in_dim3A_119 : vector<256x1xf32> to vector<256x1024xf32>
    %eq3A_121 = arith.cmpf oeq, %select_n3A_116, %eq3A_120 : vector<256x1024xf32>
    %jit3A_122 = arith.constant 1024 : i32
    %broadcast_in_dim3A_123 = vector.broadcast %jit3A_122 : i32 to vector<256x1024xi32>
    %select_n3A_124 = arith.select %eq3A_121, %iota3A, %broadcast_in_dim3A_123 : vector<256x1024xi1>, vector<256x1024xi32>
    %reduce_min3A_125 = arith.constant dense<2147483647> : vector<256xi32>
    %reduce_min3A_126 = vector.multi_reduction <minsi>, %select_n3A_124, %reduce_min3A_125 [1] : vector<256x1024xi32> to vector<256xi32>
    %broadcast_in_dim3A_127 = vector.shape_cast %reduce_min3A_126 : vector<256xi32> to vector<256x1xi32>
    %eq3A_128 = vector.broadcast %broadcast_in_dim3A_127 : vector<256x1xi32> to vector<256x1024xi32>
    %eq3A_129 = arith.cmpi eq, %iota3A, %eq3A_128 : vector<256x1024xi32>
    %jit3A_130 = arith.constant -3.400000e+38 : f32
    %broadcast_in_dim3A_131 = vector.broadcast %jit3A_130 : f32 to vector<256x1024xf32>
    %select_n3A_132 = arith.select %eq3A_129, %broadcast_in_dim3A_131, %select_n3A_116 : vector<256x1024xi1>, vector<256x1024xf32>
    %reduce_max3A_133 = arith.constant dense<0xFF800000> : vector<256xf32>
    %reduce_max3A_134 = vector.multi_reduction <maximumf>, %select_n3A_132, %reduce_max3A_133 [1] : vector<256x1024xf32> to vector<256xf32>
    %broadcast_in_dim3A_135 = vector.shape_cast %reduce_max3A_134 : vector<256xf32> to vector<256x1xf32>
    %eq3A_136 = vector.broadcast %broadcast_in_dim3A_135 : vector<256x1xf32> to vector<256x1024xf32>
    %eq3A_137 = arith.cmpf oeq, %select_n3A_132, %eq3A_136 : vector<256x1024xf32>
    %jit3A_138 = arith.constant 1024 : i32
    %broadcast_in_dim3A_139 = vector.broadcast %jit3A_138 : i32 to vector<256x1024xi32>
    %select_n3A_140 = arith.select %eq3A_137, %iota3A, %broadcast_in_dim3A_139 : vector<256x1024xi1>, vector<256x1024xi32>
    %reduce_min3A_141 = arith.constant dense<2147483647> : vector<256xi32>
    %reduce_min3A_142 = vector.multi_reduction <minsi>, %select_n3A_140, %reduce_min3A_141 [1] : vector<256x1024xi32> to vector<256xi32>
    %broadcast_in_dim3A_143 = vector.shape_cast %reduce_min3A_142 : vector<256xi32> to vector<256x1xi32>
    %eq3A_144 = vector.broadcast %broadcast_in_dim3A_143 : vector<256x1xi32> to vector<256x1024xi32>
    %eq3A_145 = arith.cmpi eq, %iota3A, %eq3A_144 : vector<256x1024xi32>
    %jit3A_146 = arith.constant -3.400000e+38 : f32
    %broadcast_in_dim3A_147 = vector.broadcast %jit3A_146 : f32 to vector<256x1024xf32>
    %select_n3A_148 = arith.select %eq3A_145, %broadcast_in_dim3A_147, %select_n3A_132 : vector<256x1024xi1>, vector<256x1024xf32>
    %reduce_max3A_149 = arith.constant dense<0xFF800000> : vector<256xf32>
    %reduce_max3A_150 = vector.multi_reduction <maximumf>, %select_n3A_148, %reduce_max3A_149 [1] : vector<256x1024xf32> to vector<256xf32>
    %broadcast_in_dim3A_151 = vector.shape_cast %reduce_max3A_150 : vector<256xf32> to vector<256x1xf32>
    %eq3A_152 = vector.broadcast %broadcast_in_dim3A_151 : vector<256x1xf32> to vector<256x1024xf32>
    %eq3A_153 = arith.cmpf oeq, %select_n3A_148, %eq3A_152 : vector<256x1024xf32>
    %jit3A_154 = arith.constant 1024 : i32
    %broadcast_in_dim3A_155 = vector.broadcast %jit3A_154 : i32 to vector<256x1024xi32>
    %select_n3A_156 = arith.select %eq3A_153, %iota3A, %broadcast_in_dim3A_155 : vector<256x1024xi1>, vector<256x1024xi32>
    %reduce_min3A_157 = arith.constant dense<2147483647> : vector<256xi32>
    %reduce_min3A_158 = vector.multi_reduction <minsi>, %select_n3A_156, %reduce_min3A_157 [1] : vector<256x1024xi32> to vector<256xi32>
    %broadcast_in_dim3A_159 = vector.shape_cast %reduce_min3A_158 : vector<256xi32> to vector<256x1xi32>
    %eq3A_160 = vector.broadcast %broadcast_in_dim3A_159 : vector<256x1xi32> to vector<256x1024xi32>
    %eq3A_161 = arith.cmpi eq, %iota3A, %eq3A_160 : vector<256x1024xi32>
    %jit3A_162 = arith.constant -3.400000e+38 : f32
    %broadcast_in_dim3A_163 = vector.broadcast %jit3A_162 : f32 to vector<256x1024xf32>
    %select_n3A_164 = arith.select %eq3A_161, %broadcast_in_dim3A_163, %select_n3A_148 : vector<256x1024xi1>, vector<256x1024xf32>
    %reduce_max3A_165 = arith.constant dense<0xFF800000> : vector<256xf32>
    %reduce_max3A_166 = vector.multi_reduction <maximumf>, %select_n3A_164, %reduce_max3A_165 [1] : vector<256x1024xf32> to vector<256xf32>
    %broadcast_in_dim3A_167 = vector.shape_cast %reduce_max3A_166 : vector<256xf32> to vector<256x1xf32>
    %eq3A_168 = vector.broadcast %broadcast_in_dim3A_167 : vector<256x1xf32> to vector<256x1024xf32>
    %eq3A_169 = arith.cmpf oeq, %select_n3A_164, %eq3A_168 : vector<256x1024xf32>
    %jit3A_170 = arith.constant 1024 : i32
    %broadcast_in_dim3A_171 = vector.broadcast %jit3A_170 : i32 to vector<256x1024xi32>
    %select_n3A_172 = arith.select %eq3A_169, %iota3A, %broadcast_in_dim3A_171 : vector<256x1024xi1>, vector<256x1024xi32>
    %reduce_min3A_173 = arith.constant dense<2147483647> : vector<256xi32>
    %reduce_min3A_174 = vector.multi_reduction <minsi>, %select_n3A_172, %reduce_min3A_173 [1] : vector<256x1024xi32> to vector<256xi32>
    %broadcast_in_dim3A_175 = vector.shape_cast %reduce_min3A_174 : vector<256xi32> to vector<256x1xi32>
    %eq3A_176 = vector.broadcast %broadcast_in_dim3A_175 : vector<256x1xi32> to vector<256x1024xi32>
    %eq3A_177 = arith.cmpi eq, %iota3A, %eq3A_176 : vector<256x1024xi32>
    %jit3A_178 = arith.constant -3.400000e+38 : f32
    %broadcast_in_dim3A_179 = vector.broadcast %jit3A_178 : f32 to vector<256x1024xf32>
    %select_n3A_180 = arith.select %eq3A_177, %broadcast_in_dim3A_179, %select_n3A_164 : vector<256x1024xi1>, vector<256x1024xf32>
    %reduce_max3A_181 = arith.constant dense<0xFF800000> : vector<256xf32>
    %reduce_max3A_182 = vector.multi_reduction <maximumf>, %select_n3A_180, %reduce_max3A_181 [1] : vector<256x1024xf32> to vector<256xf32>
    %broadcast_in_dim3A_183 = vector.shape_cast %reduce_max3A_182 : vector<256xf32> to vector<256x1xf32>
    %eq3A_184 = vector.broadcast %broadcast_in_dim3A_183 : vector<256x1xf32> to vector<256x1024xf32>
    %eq3A_185 = arith.cmpf oeq, %select_n3A_180, %eq3A_184 : vector<256x1024xf32>
    %jit3A_186 = arith.constant 1024 : i32
    %broadcast_in_dim3A_187 = vector.broadcast %jit3A_186 : i32 to vector<256x1024xi32>
    %select_n3A_188 = arith.select %eq3A_185, %iota3A, %broadcast_in_dim3A_187 : vector<256x1024xi1>, vector<256x1024xi32>
    %reduce_min3A_189 = arith.constant dense<2147483647> : vector<256xi32>
    %reduce_min3A_190 = vector.multi_reduction <minsi>, %select_n3A_188, %reduce_min3A_189 [1] : vector<256x1024xi32> to vector<256xi32>
    %broadcast_in_dim3A_191 = vector.shape_cast %reduce_min3A_190 : vector<256xi32> to vector<256x1xi32>
    %eq3A_192 = vector.broadcast %broadcast_in_dim3A_191 : vector<256x1xi32> to vector<256x1024xi32>
    %eq3A_193 = arith.cmpi eq, %iota3A, %eq3A_192 : vector<256x1024xi32>
    %jit3A_194 = arith.constant -3.400000e+38 : f32
    %broadcast_in_dim3A_195 = vector.broadcast %jit3A_194 : f32 to vector<256x1024xf32>
    %select_n3A_196 = arith.select %eq3A_193, %broadcast_in_dim3A_195, %select_n3A_180 : vector<256x1024xi1>, vector<256x1024xf32>
    %reduce_max3A_197 = arith.constant dense<0xFF800000> : vector<256xf32>
    %reduce_max3A_198 = vector.multi_reduction <maximumf>, %select_n3A_196, %reduce_max3A_197 [1] : vector<256x1024xf32> to vector<256xf32>
    %broadcast_in_dim3A_199 = vector.shape_cast %reduce_max3A_198 : vector<256xf32> to vector<256x1xf32>
    %eq3A_200 = vector.broadcast %broadcast_in_dim3A_199 : vector<256x1xf32> to vector<256x1024xf32>
    %eq3A_201 = arith.cmpf oeq, %select_n3A_196, %eq3A_200 : vector<256x1024xf32>
    %jit3A_202 = arith.constant 1024 : i32
    %broadcast_in_dim3A_203 = vector.broadcast %jit3A_202 : i32 to vector<256x1024xi32>
    %select_n3A_204 = arith.select %eq3A_201, %iota3A, %broadcast_in_dim3A_203 : vector<256x1024xi1>, vector<256x1024xi32>
    %reduce_min3A_205 = arith.constant dense<2147483647> : vector<256xi32>
    %reduce_min3A_206 = vector.multi_reduction <minsi>, %select_n3A_204, %reduce_min3A_205 [1] : vector<256x1024xi32> to vector<256xi32>
    %broadcast_in_dim3A_207 = vector.shape_cast %reduce_min3A_206 : vector<256xi32> to vector<256x1xi32>
    %eq3A_208 = vector.broadcast %broadcast_in_dim3A_207 : vector<256x1xi32> to vector<256x1024xi32>
    %eq3A_209 = arith.cmpi eq, %iota3A, %eq3A_208 : vector<256x1024xi32>
    %jit3A_210 = arith.constant -3.400000e+38 : f32
    %broadcast_in_dim3A_211 = vector.broadcast %jit3A_210 : f32 to vector<256x1024xf32>
    %select_n3A_212 = arith.select %eq3A_209, %broadcast_in_dim3A_211, %select_n3A_196 : vector<256x1024xi1>, vector<256x1024xf32>
    %reduce_max3A_213 = arith.constant dense<0xFF800000> : vector<256xf32>
    %reduce_max3A_214 = vector.multi_reduction <maximumf>, %select_n3A_212, %reduce_max3A_213 [1] : vector<256x1024xf32> to vector<256xf32>
    %broadcast_in_dim3A_215 = vector.shape_cast %reduce_max3A_214 : vector<256xf32> to vector<256x1xf32>
    %eq3A_216 = vector.broadcast %broadcast_in_dim3A_215 : vector<256x1xf32> to vector<256x1024xf32>
    %eq3A_217 = arith.cmpf oeq, %select_n3A_212, %eq3A_216 : vector<256x1024xf32>
    %jit3A_218 = arith.constant 1024 : i32
    %broadcast_in_dim3A_219 = vector.broadcast %jit3A_218 : i32 to vector<256x1024xi32>
    %select_n3A_220 = arith.select %eq3A_217, %iota3A, %broadcast_in_dim3A_219 : vector<256x1024xi1>, vector<256x1024xi32>
    %reduce_min3A_221 = arith.constant dense<2147483647> : vector<256xi32>
    %reduce_min3A_222 = vector.multi_reduction <minsi>, %select_n3A_220, %reduce_min3A_221 [1] : vector<256x1024xi32> to vector<256xi32>
    %broadcast_in_dim3A_223 = vector.shape_cast %reduce_min3A_222 : vector<256xi32> to vector<256x1xi32>
    %eq3A_224 = vector.broadcast %broadcast_in_dim3A_223 : vector<256x1xi32> to vector<256x1024xi32>
    %eq3A_225 = arith.cmpi eq, %iota3A, %eq3A_224 : vector<256x1024xi32>
    %jit3A_226 = arith.constant -3.400000e+38 : f32
    %broadcast_in_dim3A_227 = vector.broadcast %jit3A_226 : f32 to vector<256x1024xf32>
    %select_n3A_228 = arith.select %eq3A_225, %broadcast_in_dim3A_227, %select_n3A_212 : vector<256x1024xi1>, vector<256x1024xf32>
    %reduce_max3A_229 = arith.constant dense<0xFF800000> : vector<256xf32>
    %reduce_max3A_230 = vector.multi_reduction <maximumf>, %select_n3A_228, %reduce_max3A_229 [1] : vector<256x1024xf32> to vector<256xf32>
    %broadcast_in_dim3A_231 = vector.shape_cast %reduce_max3A_230 : vector<256xf32> to vector<256x1xf32>
    %eq3A_232 = vector.broadcast %broadcast_in_dim3A_231 : vector<256x1xf32> to vector<256x1024xf32>
    %eq3A_233 = arith.cmpf oeq, %select_n3A_228, %eq3A_232 : vector<256x1024xf32>
    %jit3A_234 = arith.constant 1024 : i32
    %broadcast_in_dim3A_235 = vector.broadcast %jit3A_234 : i32 to vector<256x1024xi32>
    %select_n3A_236 = arith.select %eq3A_233, %iota3A, %broadcast_in_dim3A_235 : vector<256x1024xi1>, vector<256x1024xi32>
    %reduce_min3A_237 = arith.constant dense<2147483647> : vector<256xi32>
    %reduce_min3A_238 = vector.multi_reduction <minsi>, %select_n3A_236, %reduce_min3A_237 [1] : vector<256x1024xi32> to vector<256xi32>
    %broadcast_in_dim3A_239 = vector.shape_cast %reduce_min3A_238 : vector<256xi32> to vector<256x1xi32>
    %eq3A_240 = vector.broadcast %broadcast_in_dim3A_239 : vector<256x1xi32> to vector<256x1024xi32>
    %eq3A_241 = arith.cmpi eq, %iota3A, %eq3A_240 : vector<256x1024xi32>
    %jit3A_242 = arith.constant -3.400000e+38 : f32
    %broadcast_in_dim3A_243 = vector.broadcast %jit3A_242 : f32 to vector<256x1024xf32>
    %select_n3A_244 = arith.select %eq3A_241, %broadcast_in_dim3A_243, %select_n3A_228 : vector<256x1024xi1>, vector<256x1024xf32>
    %reduce_max3A_245 = arith.constant dense<0xFF800000> : vector<256xf32>
    %reduce_max3A_246 = vector.multi_reduction <maximumf>, %select_n3A_244, %reduce_max3A_245 [1] : vector<256x1024xf32> to vector<256xf32>
    %broadcast_in_dim3A_247 = vector.shape_cast %reduce_max3A_246 : vector<256xf32> to vector<256x1xf32>
    %eq3A_248 = vector.broadcast %broadcast_in_dim3A_247 : vector<256x1xf32> to vector<256x1024xf32>
    %eq3A_249 = arith.cmpf oeq, %select_n3A_244, %eq3A_248 : vector<256x1024xf32>
    %jit3A_250 = arith.constant 1024 : i32
    %broadcast_in_dim3A_251 = vector.broadcast %jit3A_250 : i32 to vector<256x1024xi32>
    %select_n3A_252 = arith.select %eq3A_249, %iota3A, %broadcast_in_dim3A_251 : vector<256x1024xi1>, vector<256x1024xi32>
    %reduce_min3A_253 = arith.constant dense<2147483647> : vector<256xi32>
    %reduce_min3A_254 = vector.multi_reduction <minsi>, %select_n3A_252, %reduce_min3A_253 [1] : vector<256x1024xi32> to vector<256xi32>
    %broadcast_in_dim3A_255 = vector.shape_cast %reduce_min3A_254 : vector<256xi32> to vector<256x1xi32>
    %eq3A_256 = vector.broadcast %broadcast_in_dim3A_255 : vector<256x1xi32> to vector<256x1024xi32>
    %eq3A_257 = arith.cmpi eq, %iota3A, %eq3A_256 : vector<256x1024xi32>
    %jit3A_258 = arith.constant -3.400000e+38 : f32
    %broadcast_in_dim3A_259 = vector.broadcast %jit3A_258 : f32 to vector<256x1024xf32>
    %select_n3A_260 = arith.select %eq3A_257, %broadcast_in_dim3A_259, %select_n3A_244 : vector<256x1024xi1>, vector<256x1024xf32>
    %reduce_max3A_261 = arith.constant dense<0xFF800000> : vector<256xf32>
    %reduce_max3A_262 = vector.multi_reduction <maximumf>, %select_n3A_260, %reduce_max3A_261 [1] : vector<256x1024xf32> to vector<256xf32>
    %broadcast_in_dim3A_263 = vector.shape_cast %reduce_max3A_262 : vector<256xf32> to vector<256x1xf32>
    %eq3A_264 = vector.broadcast %broadcast_in_dim3A_263 : vector<256x1xf32> to vector<256x1024xf32>
    %eq3A_265 = arith.cmpf oeq, %select_n3A_260, %eq3A_264 : vector<256x1024xf32>
    %jit3A_266 = arith.constant 1024 : i32
    %broadcast_in_dim3A_267 = vector.broadcast %jit3A_266 : i32 to vector<256x1024xi32>
    %select_n3A_268 = arith.select %eq3A_265, %iota3A, %broadcast_in_dim3A_267 : vector<256x1024xi1>, vector<256x1024xi32>
    %reduce_min3A_269 = arith.constant dense<2147483647> : vector<256xi32>
    %reduce_min3A_270 = vector.multi_reduction <minsi>, %select_n3A_268, %reduce_min3A_269 [1] : vector<256x1024xi32> to vector<256xi32>
    %broadcast_in_dim3A_271 = vector.shape_cast %reduce_min3A_270 : vector<256xi32> to vector<256x1xi32>
    %eq3A_272 = vector.broadcast %broadcast_in_dim3A_271 : vector<256x1xi32> to vector<256x1024xi32>
    %eq3A_273 = arith.cmpi eq, %iota3A, %eq3A_272 : vector<256x1024xi32>
    %jit3A_274 = arith.constant -3.400000e+38 : f32
    %broadcast_in_dim3A_275 = vector.broadcast %jit3A_274 : f32 to vector<256x1024xf32>
    %select_n3A_276 = arith.select %eq3A_273, %broadcast_in_dim3A_275, %select_n3A_260 : vector<256x1024xi1>, vector<256x1024xf32>
    %reduce_max3A_277 = arith.constant dense<0xFF800000> : vector<256xf32>
    %reduce_max3A_278 = vector.multi_reduction <maximumf>, %select_n3A_276, %reduce_max3A_277 [1] : vector<256x1024xf32> to vector<256xf32>
    %broadcast_in_dim3A_279 = vector.shape_cast %reduce_max3A_278 : vector<256xf32> to vector<256x1xf32>
    %eq3A_280 = vector.broadcast %broadcast_in_dim3A_279 : vector<256x1xf32> to vector<256x1024xf32>
    %eq3A_281 = arith.cmpf oeq, %select_n3A_276, %eq3A_280 : vector<256x1024xf32>
    %jit3A_282 = arith.constant 1024 : i32
    %broadcast_in_dim3A_283 = vector.broadcast %jit3A_282 : i32 to vector<256x1024xi32>
    %select_n3A_284 = arith.select %eq3A_281, %iota3A, %broadcast_in_dim3A_283 : vector<256x1024xi1>, vector<256x1024xi32>
    %reduce_min3A_285 = arith.constant dense<2147483647> : vector<256xi32>
    %reduce_min3A_286 = vector.multi_reduction <minsi>, %select_n3A_284, %reduce_min3A_285 [1] : vector<256x1024xi32> to vector<256xi32>
    %broadcast_in_dim3A_287 = vector.shape_cast %reduce_min3A_286 : vector<256xi32> to vector<256x1xi32>
    %eq3A_288 = vector.broadcast %broadcast_in_dim3A_287 : vector<256x1xi32> to vector<256x1024xi32>
    %eq3A_289 = arith.cmpi eq, %iota3A, %eq3A_288 : vector<256x1024xi32>
    %jit3A_290 = arith.constant -3.400000e+38 : f32
    %broadcast_in_dim3A_291 = vector.broadcast %jit3A_290 : f32 to vector<256x1024xf32>
    %select_n3A_292 = arith.select %eq3A_289, %broadcast_in_dim3A_291, %select_n3A_276 : vector<256x1024xi1>, vector<256x1024xf32>
    %reduce_max3A_293 = arith.constant dense<0xFF800000> : vector<256xf32>
    %reduce_max3A_294 = vector.multi_reduction <maximumf>, %select_n3A_292, %reduce_max3A_293 [1] : vector<256x1024xf32> to vector<256xf32>
    %broadcast_in_dim3A_295 = vector.shape_cast %reduce_max3A_294 : vector<256xf32> to vector<256x1xf32>
    %eq3A_296 = vector.broadcast %broadcast_in_dim3A_295 : vector<256x1xf32> to vector<256x1024xf32>
    %eq3A_297 = arith.cmpf oeq, %select_n3A_292, %eq3A_296 : vector<256x1024xf32>
    %jit3A_298 = arith.constant 1024 : i32
    %broadcast_in_dim3A_299 = vector.broadcast %jit3A_298 : i32 to vector<256x1024xi32>
    %select_n3A_300 = arith.select %eq3A_297, %iota3A, %broadcast_in_dim3A_299 : vector<256x1024xi1>, vector<256x1024xi32>
    %reduce_min3A_301 = arith.constant dense<2147483647> : vector<256xi32>
    %reduce_min3A_302 = vector.multi_reduction <minsi>, %select_n3A_300, %reduce_min3A_301 [1] : vector<256x1024xi32> to vector<256xi32>
    %broadcast_in_dim3A_303 = vector.shape_cast %reduce_min3A_302 : vector<256xi32> to vector<256x1xi32>
    %eq3A_304 = vector.broadcast %broadcast_in_dim3A_303 : vector<256x1xi32> to vector<256x1024xi32>
    %eq3A_305 = arith.cmpi eq, %iota3A, %eq3A_304 : vector<256x1024xi32>
    %jit3A_306 = arith.constant -3.400000e+38 : f32
    %broadcast_in_dim3A_307 = vector.broadcast %jit3A_306 : f32 to vector<256x1024xf32>
    %select_n3A_308 = arith.select %eq3A_305, %broadcast_in_dim3A_307, %select_n3A_292 : vector<256x1024xi1>, vector<256x1024xf32>
    %reduce_max3A_309 = arith.constant dense<0xFF800000> : vector<256xf32>
    %reduce_max3A_310 = vector.multi_reduction <maximumf>, %select_n3A_308, %reduce_max3A_309 [1] : vector<256x1024xf32> to vector<256xf32>
    %broadcast_in_dim3A_311 = vector.shape_cast %reduce_max3A_310 : vector<256xf32> to vector<256x1xf32>
    %eq3A_312 = vector.broadcast %broadcast_in_dim3A_311 : vector<256x1xf32> to vector<256x1024xf32>
    %eq3A_313 = arith.cmpf oeq, %select_n3A_308, %eq3A_312 : vector<256x1024xf32>
    %jit3A_314 = arith.constant 1024 : i32
    %broadcast_in_dim3A_315 = vector.broadcast %jit3A_314 : i32 to vector<256x1024xi32>
    %select_n3A_316 = arith.select %eq3A_313, %iota3A, %broadcast_in_dim3A_315 : vector<256x1024xi1>, vector<256x1024xi32>
    %reduce_min3A_317 = arith.constant dense<2147483647> : vector<256xi32>
    %reduce_min3A_318 = vector.multi_reduction <minsi>, %select_n3A_316, %reduce_min3A_317 [1] : vector<256x1024xi32> to vector<256xi32>
    %broadcast_in_dim3A_319 = vector.shape_cast %reduce_min3A_318 : vector<256xi32> to vector<256x1xi32>
    %eq3A_320 = vector.broadcast %broadcast_in_dim3A_319 : vector<256x1xi32> to vector<256x1024xi32>
    %eq3A_321 = arith.cmpi eq, %iota3A, %eq3A_320 : vector<256x1024xi32>
    %jit3A_322 = arith.constant -3.400000e+38 : f32
    %broadcast_in_dim3A_323 = vector.broadcast %jit3A_322 : f32 to vector<256x1024xf32>
    %select_n3A_324 = arith.select %eq3A_321, %broadcast_in_dim3A_323, %select_n3A_308 : vector<256x1024xi1>, vector<256x1024xf32>
    %reduce_max3A_325 = arith.constant dense<0xFF800000> : vector<256xf32>
    %reduce_max3A_326 = vector.multi_reduction <maximumf>, %select_n3A_324, %reduce_max3A_325 [1] : vector<256x1024xf32> to vector<256xf32>
    %broadcast_in_dim3A_327 = vector.shape_cast %reduce_max3A_326 : vector<256xf32> to vector<256x1xf32>
    %eq3A_328 = vector.broadcast %broadcast_in_dim3A_327 : vector<256x1xf32> to vector<256x1024xf32>
    %eq3A_329 = arith.cmpf oeq, %select_n3A_324, %eq3A_328 : vector<256x1024xf32>
    %jit3A_330 = arith.constant 1024 : i32
    %broadcast_in_dim3A_331 = vector.broadcast %jit3A_330 : i32 to vector<256x1024xi32>
    %select_n3A_332 = arith.select %eq3A_329, %iota3A, %broadcast_in_dim3A_331 : vector<256x1024xi1>, vector<256x1024xi32>
    %reduce_min3A_333 = arith.constant dense<2147483647> : vector<256xi32>
    %reduce_min3A_334 = vector.multi_reduction <minsi>, %select_n3A_332, %reduce_min3A_333 [1] : vector<256x1024xi32> to vector<256xi32>
    %broadcast_in_dim3A_335 = vector.shape_cast %reduce_min3A_334 : vector<256xi32> to vector<256x1xi32>
    %concatenate3A = tpu.concatenate %broadcast_in_dim3A_31, %broadcast_in_dim3A_47, %broadcast_in_dim3A_63, %broadcast_in_dim3A_79, %broadcast_in_dim3A_95, %broadcast_in_dim3A_111, %broadcast_in_dim3A_127, %broadcast_in_dim3A_143, %broadcast_in_dim3A_159, %broadcast_in_dim3A_175, %broadcast_in_dim3A_191, %broadcast_in_dim3A_207, %broadcast_in_dim3A_223, %broadcast_in_dim3A_239, %broadcast_in_dim3A_255, %broadcast_in_dim3A_271, %broadcast_in_dim3A_287, %broadcast_in_dim3A_303, %broadcast_in_dim3A_319, %broadcast_in_dim3A_335 in 1 : vector<256x1xi32>, vector<256x1xi32>, vector<256x1xi32>, vector<256x1xi32>, vector<256x1xi32>, vector<256x1xi32>, vector<256x1xi32>, vector<256x1xi32>, vector<256x1xi32>, vector<256x1xi32>, vector<256x1xi32>, vector<256x1xi32>, vector<256x1xi32>, vector<256x1xi32>, vector<256x1xi32>, vector<256x1xi32>, vector<256x1xi32>, vector<256x1xi32>, vector<256x1xi32>, vector<256x1xi32> -> vector<256x20xi32>
    %mul3A_336 = arith.constant 1024 : i32
    %mul3A_337 = arith.muli %arg0, %mul3A_336 : i32
    %add3A = vector.broadcast %mul3A_337 : i32 to vector<256x20xi32>
    %add3A_338 = arith.addi %concatenate3A, %add3A : vector<256x20xi32>
    %swap3A = arith.constant 0 : index
    %swap3A_339 = arith.constant 0 : index
    %swap3A_340 = arith.constant 0 : index
    %swap3A_341 = vector.load %arg3[%swap3A, %swap3A_339, %swap3A_340] : memref<1x256x20xi32, #tpu.memory_space<vmem>>, vector<1x256x20xi32>
    %swap3A_342 = vector.shape_cast %swap3A_341 : vector<1x256x20xi32> to vector<256x20xi32>
    %swap3A_343 = vector.shape_cast %add3A_338 : vector<256x20xi32> to vector<1x256x20xi32>
    tpu.vector_store %arg3[%swap3A, %swap3A_339, %swap3A_340], %swap3A_343 {strides = array<i32>} : memref<1x256x20xi32, #tpu.memory_space<vmem>>, vector<1x256x20xi32>,
    return
  }
  func.func @transform_0(%arg0: i32, %arg1: i32) -> (i32, i32, i32) {
    %c0_i32 = arith.constant 0 : i32
    %c0_i32_0 = arith.constant 0 : i32
    %c0_i32_1 = arith.constant 0 : i32
    return %arg0, %c0_i32, %c0_i32_0 : i32, i32, i32
  }
  func.func @transform_1(%arg0: i32, %arg1: i32) -> (i32, i32, i32) {
    %c0_i32 = arith.constant 0 : i32
    %c0_i32_0 = arith.constant 0 : i32
    return %arg0, %arg1, %c0_i32 : i32, i32, i32
  }
}

module attributes {stable_mosaic.version = 14 : i64} {
  func.func @body(%arg0: i32, %arg1: i32, %arg2: memref<512x128xf32, #tpu.memory_space<vmem>>, %arg3: memref<512x128xf32, #tpu.memory_space<vmem>>, %arg4: memref<256x256xf32, #tpu.memory_space<vmem>>, %arg5: memref<512x256xf32, #tpu.memory_space<vmem>>, %arg6: memref<512x256xf32, #tpu.memory_space<vmem>>, %arg7: memref<1x2x256xf32, #tpu.memory_space<vmem>>) attributes {dimension_semantics = [#tpu.dimension_semantics<arbitrary>, #tpu.dimension_semantics<arbitrary>], iteration_bounds = array<i64: 16, 20>, scalar_prefetch = 0 : i64, scratch_operands = 0 : i64, tpu.core_type = #tpu.core_type<tc>, window_params = [{transform_indices = @transform_0, window_bounds = array<i64: 512, 128>}, {transform_indices = @transform_1, window_bounds = array<i64: 512, 128>}, {pipeline_mode = #tpu.pipeline_mode<synchronous>, transform_indices = @transform_2, window_bounds = array<i64: 256, 256>}, {transform_indices = @transform_3, window_bounds = array<i64: 512, 256>}, {transform_indices = @transform_4, window_bounds = array<i64: 512, 256>}, {transform_indices = @transform_5, window_bounds = array<i64: 1, 2, 256>}]} {
    %get3A = arith.constant 0 : index
    %get3A_0 = arith.constant 0 : index
    %get3A_1 = vector.load %arg2[%get3A, %get3A_0] : memref<512x128xf32, #tpu.memory_space<vmem>>, vector<512x128xf32>
    %get3A_2 = arith.constant 0 : index
    %get3A_3 = arith.constant 0 : index
    %get3A_4 = vector.load %arg3[%get3A_2, %get3A_3] : memref<512x128xf32, #tpu.memory_space<vmem>>, vector<512x128xf32>
    %sub3A = arith.subf %get3A_1, %get3A_4 : vector<512x128xf32>
    %concatenate3A = tpu.concatenate %sub3A, %get3A_4 in 1 : vector<512x128xf32>, vector<512x128xf32> -> vector<512x256xf32>
    %convert_element_type3A = arith.truncf %concatenate3A : vector<512x256xf32> to vector<512x256xbf16>
    %get3A_5 = arith.constant 0 : index
    %get3A_6 = arith.constant 0 : index
    %get3A_7 = vector.load %arg4[%get3A_5, %get3A_6] : memref<256x256xf32, #tpu.memory_space<vmem>>, vector<256x256xf32>
    %convert_element_type3A_8 = arith.truncf %get3A_7 : vector<256x256xf32> to vector<256x256xbf16>
    %dot_general3A = arith.constant dense<0.000000e+00> : vector<512x256xf32>
    %dot_general3A_9 = tpu.matmul %convert_element_type3A, %convert_element_type3A_8, %dot_general3A {dimension_numbers = #tpu.dot_dimension_numbers<[1], [0], [0], [1], [0, 0, 1, 1], [], []>, transpose_lhs_hint = false} : vector<512x256xbf16>, vector<256x256xbf16>, vector<512x256xf32> -> vector<512x256xf32>
    %eq3A = arith.constant 0 : i32
    %eq3A_10 = arith.cmpi eq, %arg1, %eq3A : i32
    %convert_element_type3A_11 = arith.extui %eq3A_10 : i1 to i32
    %cond3A = arith.constant 0 : i32
    %cond3A_12 = arith.cmpi ne, %convert_element_type3A_11, %cond3A : i32
    scf.if %cond3A_12 {
      %swap3A_150 = arith.constant 0 : index
      %swap3A_151 = arith.constant 0 : index
      %swap3A_152 = vector.load %arg5[%swap3A_150, %swap3A_151] : memref<512x256xf32, #tpu.memory_space<vmem>>, vector<512x256xf32>
      tpu.vector_store %arg5[%swap3A_150, %swap3A_151], %dot_general3A_9 {strides = array<i32>} : memref<512x256xf32, #tpu.memory_space<vmem>>, vector<512x256xf32>,
      %swap3A_153 = arith.constant 0 : index
      %swap3A_154 = arith.constant 0 : index
      %swap3A_155 = vector.load %arg6[%swap3A_153, %swap3A_154] : memref<512x256xf32, #tpu.memory_space<vmem>>, vector<512x256xf32>
      tpu.vector_store %arg6[%swap3A_153, %swap3A_154], %dot_general3A_9 {strides = array<i32>} : memref<512x256xf32, #tpu.memory_space<vmem>>, vector<512x256xf32>,
    } else {
    }
    %ne3A = arith.constant 0 : i32
    %ne3A_13 = arith.cmpi ne, %arg1, %ne3A : i32
    %convert_element_type3A_14 = arith.extui %ne3A_13 : i1 to i32
    %cond3A_15 = arith.constant 0 : i32
    %cond3A_16 = arith.cmpi ne, %convert_element_type3A_14, %cond3A_15 : i32
    scf.if %cond3A_16 {
      %get3A_150 = arith.constant 0 : index
      %get3A_151 = arith.constant 0 : index
      %get3A_152 = vector.load %arg5[%get3A_150, %get3A_151] : memref<512x256xf32, #tpu.memory_space<vmem>>, vector<512x256xf32>
      %max3A = arith.maximumf %get3A_152, %dot_general3A_9 : vector<512x256xf32>
      %swap3A_153 = arith.constant 0 : index
      %swap3A_154 = arith.constant 0 : index
      %swap3A_155 = vector.load %arg5[%swap3A_153, %swap3A_154] : memref<512x256xf32, #tpu.memory_space<vmem>>, vector<512x256xf32>
      tpu.vector_store %arg5[%swap3A_153, %swap3A_154], %max3A {strides = array<i32>} : memref<512x256xf32, #tpu.memory_space<vmem>>, vector<512x256xf32>,
      %get3A_156 = arith.constant 0 : index
      %get3A_157 = arith.constant 0 : index
      %get3A_158 = vector.load %arg6[%get3A_156, %get3A_157] : memref<512x256xf32, #tpu.memory_space<vmem>>, vector<512x256xf32>
      %min3A = arith.minimumf %get3A_158, %dot_general3A_9 : vector<512x256xf32>
      %swap3A_159 = arith.constant 0 : index
      %swap3A_160 = arith.constant 0 : index
      %swap3A_161 = vector.load %arg6[%swap3A_159, %swap3A_160] : memref<512x256xf32, #tpu.memory_space<vmem>>, vector<512x256xf32>
      tpu.vector_store %arg6[%swap3A_159, %swap3A_160], %min3A {strides = array<i32>} : memref<512x256xf32, #tpu.memory_space<vmem>>, vector<512x256xf32>,
    } else {
    }
    %mul3A = arith.constant 0.000000e+00 : f32
    %mul3A_17 = vector.broadcast %mul3A : f32 to vector<512x256xf32>
    %mul3A_18 = arith.mulf %dot_general3A_9, %mul3A_17 : vector<512x256xf32>
    %slice3A = vector.extract_strided_slice %dot_general3A_9 {offsets = [0, 0], sizes = [256, 256], strides = [1, 1]} : vector<512x256xf32> to vector<256x256xf32>
    %slice3A_19 = vector.extract_strided_slice %dot_general3A_9 {offsets = [256, 0], sizes = [256, 256], strides = [1, 1]} : vector<512x256xf32> to vector<256x256xf32>
    %add3A = arith.addf %slice3A, %slice3A_19 : vector<256x256xf32>
    %sub3A_20 = arith.subf %add3A, %slice3A : vector<256x256xf32>
    %sub3A_21 = arith.subf %add3A, %sub3A_20 : vector<256x256xf32>
    %sub3A_22 = arith.subf %slice3A, %sub3A_21 : vector<256x256xf32>
    %sub3A_23 = arith.subf %slice3A_19, %sub3A_20 : vector<256x256xf32>
    %add3A_24 = arith.addf %sub3A_22, %sub3A_23 : vector<256x256xf32>
    %slice3A_25 = vector.extract_strided_slice %mul3A_18 {offsets = [0, 0], sizes = [256, 256], strides = [1, 1]} : vector<512x256xf32> to vector<256x256xf32>
    %slice3A_26 = vector.extract_strided_slice %mul3A_18 {offsets = [256, 0], sizes = [256, 256], strides = [1, 1]} : vector<512x256xf32> to vector<256x256xf32>
    %add3A_27 = arith.addf %slice3A_25, %slice3A_26 : vector<256x256xf32>
    %add3A_28 = arith.addf %add3A_27, %add3A_24 : vector<256x256xf32>
    %slice3A_29 = vector.extract_strided_slice %add3A {offsets = [0, 0], sizes = [128, 256], strides = [1, 1]} : vector<256x256xf32> to vector<128x256xf32>
    %slice3A_30 = vector.extract_strided_slice %add3A {offsets = [128, 0], sizes = [128, 256], strides = [1, 1]} : vector<256x256xf32> to vector<128x256xf32>
    %add3A_31 = arith.addf %slice3A_29, %slice3A_30 : vector<128x256xf32>
    %sub3A_32 = arith.subf %add3A_31, %slice3A_29 : vector<128x256xf32>
    %sub3A_33 = arith.subf %add3A_31, %sub3A_32 : vector<128x256xf32>
    %sub3A_34 = arith.subf %slice3A_29, %sub3A_33 : vector<128x256xf32>
    %sub3A_35 = arith.subf %slice3A_30, %sub3A_32 : vector<128x256xf32>
    %add3A_36 = arith.addf %sub3A_34, %sub3A_35 : vector<128x256xf32>
    %slice3A_37 = vector.extract_strided_slice %add3A_28 {offsets = [0, 0], sizes = [128, 256], strides = [1, 1]} : vector<256x256xf32> to vector<128x256xf32>
    %slice3A_38 = vector.extract_strided_slice %add3A_28 {offsets = [128, 0], sizes = [128, 256], strides = [1, 1]} : vector<256x256xf32> to vector<128x256xf32>
    %add3A_39 = arith.addf %slice3A_37, %slice3A_38 : vector<128x256xf32>
    %add3A_40 = arith.addf %add3A_39, %add3A_36 : vector<128x256xf32>
    %slice3A_41 = vector.extract_strided_slice %add3A_31 {offsets = [0, 0], sizes = [64, 256], strides = [1, 1]} : vector<128x256xf32> to vector<64x256xf32>
    %slice3A_42 = vector.extract_strided_slice %add3A_31 {offsets = [64, 0], sizes = [64, 256], strides = [1, 1]} : vector<128x256xf32> to vector<64x256xf32>
    %add3A_43 = arith.addf %slice3A_41, %slice3A_42 : vector<64x256xf32>
    %sub3A_44 = arith.subf %add3A_43, %slice3A_41 : vector<64x256xf32>
    %sub3A_45 = arith.subf %add3A_43, %sub3A_44 : vector<64x256xf32>
    %sub3A_46 = arith.subf %slice3A_41, %sub3A_45 : vector<64x256xf32>
    %sub3A_47 = arith.subf %slice3A_42, %sub3A_44 : vector<64x256xf32>
    %add3A_48 = arith.addf %sub3A_46, %sub3A_47 : vector<64x256xf32>
    %slice3A_49 = vector.extract_strided_slice %add3A_40 {offsets = [0, 0], sizes = [64, 256], strides = [1, 1]} : vector<128x256xf32> to vector<64x256xf32>
    %slice3A_50 = vector.extract_strided_slice %add3A_40 {offsets = [64, 0], sizes = [64, 256], strides = [1, 1]} : vector<128x256xf32> to vector<64x256xf32>
    %add3A_51 = arith.addf %slice3A_49, %slice3A_50 : vector<64x256xf32>
    %add3A_52 = arith.addf %add3A_51, %add3A_48 : vector<64x256xf32>
    %slice3A_53 = vector.extract_strided_slice %add3A_43 {offsets = [0, 0], sizes = [32, 256], strides = [1, 1]} : vector<64x256xf32> to vector<32x256xf32>
    %slice3A_54 = vector.extract_strided_slice %add3A_43 {offsets = [32, 0], sizes = [32, 256], strides = [1, 1]} : vector<64x256xf32> to vector<32x256xf32>
    %add3A_55 = arith.addf %slice3A_53, %slice3A_54 : vector<32x256xf32>
    %sub3A_56 = arith.subf %add3A_55, %slice3A_53 : vector<32x256xf32>
    %sub3A_57 = arith.subf %add3A_55, %sub3A_56 : vector<32x256xf32>
    %sub3A_58 = arith.subf %slice3A_53, %sub3A_57 : vector<32x256xf32>
    %sub3A_59 = arith.subf %slice3A_54, %sub3A_56 : vector<32x256xf32>
    %add3A_60 = arith.addf %sub3A_58, %sub3A_59 : vector<32x256xf32>
    %slice3A_61 = vector.extract_strided_slice %add3A_52 {offsets = [0, 0], sizes = [32, 256], strides = [1, 1]} : vector<64x256xf32> to vector<32x256xf32>
    %slice3A_62 = vector.extract_strided_slice %add3A_52 {offsets = [32, 0], sizes = [32, 256], strides = [1, 1]} : vector<64x256xf32> to vector<32x256xf32>
    %add3A_63 = arith.addf %slice3A_61, %slice3A_62 : vector<32x256xf32>
    %add3A_64 = arith.addf %add3A_63, %add3A_60 : vector<32x256xf32>
    %slice3A_65 = vector.extract_strided_slice %add3A_55 {offsets = [0, 0], sizes = [16, 256], strides = [1, 1]} : vector<32x256xf32> to vector<16x256xf32>
    %slice3A_66 = vector.extract_strided_slice %add3A_55 {offsets = [16, 0], sizes = [16, 256], strides = [1, 1]} : vector<32x256xf32> to vector<16x256xf32>
    %add3A_67 = arith.addf %slice3A_65, %slice3A_66 : vector<16x256xf32>
    %sub3A_68 = arith.subf %add3A_67, %slice3A_65 : vector<16x256xf32>
    %sub3A_69 = arith.subf %add3A_67, %sub3A_68 : vector<16x256xf32>
    %sub3A_70 = arith.subf %slice3A_65, %sub3A_69 : vector<16x256xf32>
    %sub3A_71 = arith.subf %slice3A_66, %sub3A_68 : vector<16x256xf32>
    %add3A_72 = arith.addf %sub3A_70, %sub3A_71 : vector<16x256xf32>
    %slice3A_73 = vector.extract_strided_slice %add3A_64 {offsets = [0, 0], sizes = [16, 256], strides = [1, 1]} : vector<32x256xf32> to vector<16x256xf32>
    %slice3A_74 = vector.extract_strided_slice %add3A_64 {offsets = [16, 0], sizes = [16, 256], strides = [1, 1]} : vector<32x256xf32> to vector<16x256xf32>
    %add3A_75 = arith.addf %slice3A_73, %slice3A_74 : vector<16x256xf32>
    %add3A_76 = arith.addf %add3A_75, %add3A_72 : vector<16x256xf32>
    %slice3A_77 = vector.extract_strided_slice %add3A_67 {offsets = [0, 0], sizes = [8, 256], strides = [1, 1]} : vector<16x256xf32> to vector<8x256xf32>
    %slice3A_78 = vector.extract_strided_slice %add3A_67 {offsets = [8, 0], sizes = [8, 256], strides = [1, 1]} : vector<16x256xf32> to vector<8x256xf32>
    %add3A_79 = arith.addf %slice3A_77, %slice3A_78 : vector<8x256xf32>
    %sub3A_80 = arith.subf %add3A_79, %slice3A_77 : vector<8x256xf32>
    %sub3A_81 = arith.subf %add3A_79, %sub3A_80 : vector<8x256xf32>
    %sub3A_82 = arith.subf %slice3A_77, %sub3A_81 : vector<8x256xf32>
    %sub3A_83 = arith.subf %slice3A_78, %sub3A_80 : vector<8x256xf32>
    %add3A_84 = arith.addf %sub3A_82, %sub3A_83 : vector<8x256xf32>
    %slice3A_85 = vector.extract_strided_slice %add3A_76 {offsets = [0, 0], sizes = [8, 256], strides = [1, 1]} : vector<16x256xf32> to vector<8x256xf32>
    %slice3A_86 = vector.extract_strided_slice %add3A_76 {offsets = [8, 0], sizes = [8, 256], strides = [1, 1]} : vector<16x256xf32> to vector<8x256xf32>
    %add3A_87 = arith.addf %slice3A_85, %slice3A_86 : vector<8x256xf32>
    %add3A_88 = arith.addf %add3A_87, %add3A_84 : vector<8x256xf32>
    %slice3A_89 = vector.extract_strided_slice %add3A_79 {offsets = [0, 0], sizes = [4, 256], strides = [1, 1]} : vector<8x256xf32> to vector<4x256xf32>
    %slice3A_90 = vector.extract_strided_slice %add3A_79 {offsets = [4, 0], sizes = [4, 256], strides = [1, 1]} : vector<8x256xf32> to vector<4x256xf32>
    %add3A_91 = arith.addf %slice3A_89, %slice3A_90 : vector<4x256xf32>
    %sub3A_92 = arith.subf %add3A_91, %slice3A_89 : vector<4x256xf32>
    %sub3A_93 = arith.subf %add3A_91, %sub3A_92 : vector<4x256xf32>
    %sub3A_94 = arith.subf %slice3A_89, %sub3A_93 : vector<4x256xf32>
    %sub3A_95 = arith.subf %slice3A_90, %sub3A_92 : vector<4x256xf32>
    %add3A_96 = arith.addf %sub3A_94, %sub3A_95 : vector<4x256xf32>
    %slice3A_97 = vector.extract_strided_slice %add3A_88 {offsets = [0, 0], sizes = [4, 256], strides = [1, 1]} : vector<8x256xf32> to vector<4x256xf32>
    %slice3A_98 = vector.extract_strided_slice %add3A_88 {offsets = [4, 0], sizes = [4, 256], strides = [1, 1]} : vector<8x256xf32> to vector<4x256xf32>
    %add3A_99 = arith.addf %slice3A_97, %slice3A_98 : vector<4x256xf32>
    %add3A_100 = arith.addf %add3A_99, %add3A_96 : vector<4x256xf32>
    %slice3A_101 = vector.extract_strided_slice %add3A_91 {offsets = [0, 0], sizes = [2, 256], strides = [1, 1]} : vector<4x256xf32> to vector<2x256xf32>
    %slice3A_102 = vector.extract_strided_slice %add3A_91 {offsets = [2, 0], sizes = [2, 256], strides = [1, 1]} : vector<4x256xf32> to vector<2x256xf32>
    %add3A_103 = arith.addf %slice3A_101, %slice3A_102 : vector<2x256xf32>
    %sub3A_104 = arith.subf %add3A_103, %slice3A_101 : vector<2x256xf32>
    %sub3A_105 = arith.subf %add3A_103, %sub3A_104 : vector<2x256xf32>
    %sub3A_106 = arith.subf %slice3A_101, %sub3A_105 : vector<2x256xf32>
    %sub3A_107 = arith.subf %slice3A_102, %sub3A_104 : vector<2x256xf32>
    %add3A_108 = arith.addf %sub3A_106, %sub3A_107 : vector<2x256xf32>
    %slice3A_109 = vector.extract_strided_slice %add3A_100 {offsets = [0, 0], sizes = [2, 256], strides = [1, 1]} : vector<4x256xf32> to vector<2x256xf32>
    %slice3A_110 = vector.extract_strided_slice %add3A_100 {offsets = [2, 0], sizes = [2, 256], strides = [1, 1]} : vector<4x256xf32> to vector<2x256xf32>
    %add3A_111 = arith.addf %slice3A_109, %slice3A_110 : vector<2x256xf32>
    %add3A_112 = arith.addf %add3A_111, %add3A_108 : vector<2x256xf32>
    %reduce_sum3A = arith.constant dense<0.000000e+00> : vector<256xf32>
    %reduce_sum3A_113 = vector.multi_reduction <add>, %add3A_103, %reduce_sum3A [0] : vector<2x256xf32> to vector<256xf32>
    %broadcast_in_dim3A = vector.shape_cast %reduce_sum3A_113 : vector<256xf32> to vector<1x256xf32>
    %reduce_sum3A_114 = arith.constant dense<0.000000e+00> : vector<256xf32>
    %reduce_sum3A_115 = vector.multi_reduction <add>, %add3A_112, %reduce_sum3A_114 [0] : vector<2x256xf32> to vector<256xf32>
    %broadcast_in_dim3A_116 = vector.shape_cast %reduce_sum3A_115 : vector<256xf32> to vector<1x256xf32>
    %add3A_117 = arith.addf %broadcast_in_dim3A, %broadcast_in_dim3A_116 : vector<1x256xf32>
    %div3A = arith.constant 5.120000e+02 : f32
    %div3A_118 = vector.broadcast %div3A : f32 to vector<1x256xf32>
    %div3A_119 = arith.divf %add3A_117, %div3A_118 : vector<1x256xf32>
    %sub3A_120 = vector.broadcast %div3A_119 : vector<1x256xf32> to vector<512x256xf32>
    %sub3A_121 = arith.subf %dot_general3A_9, %sub3A_120 : vector<512x256xf32>
    %mul3A_122 = arith.mulf %sub3A_121, %sub3A_121 : vector<512x256xf32>
    %slice3A_123 = vector.extract_strided_slice %mul3A_122 {offsets = [0, 0], sizes = [256, 256], strides = [1, 1]} : vector<512x256xf32> to vector<256x256xf32>
    %slice3A_124 = vector.extract_strided_slice %mul3A_122 {offsets = [256, 0], sizes = [256, 256], strides = [1, 1]} : vector<512x256xf32> to vector<256x256xf32>
    %add3A_125 = arith.addf %slice3A_123, %slice3A_124 : vector<256x256xf32>
    %slice3A_126 = vector.extract_strided_slice %add3A_125 {offsets = [0, 0], sizes = [128, 256], strides = [1, 1]} : vector<256x256xf32> to vector<128x256xf32>
    %slice3A_127 = vector.extract_strided_slice %add3A_125 {offsets = [128, 0], sizes = [128, 256], strides = [1, 1]} : vector<256x256xf32> to vector<128x256xf32>
    %add3A_128 = arith.addf %slice3A_126, %slice3A_127 : vector<128x256xf32>
    %slice3A_129 = vector.extract_strided_slice %add3A_128 {offsets = [0, 0], sizes = [64, 256], strides = [1, 1]} : vector<128x256xf32> to vector<64x256xf32>
    %slice3A_130 = vector.extract_strided_slice %add3A_128 {offsets = [64, 0], sizes = [64, 256], strides = [1, 1]} : vector<128x256xf32> to vector<64x256xf32>
    %add3A_131 = arith.addf %slice3A_129, %slice3A_130 : vector<64x256xf32>
    %slice3A_132 = vector.extract_strided_slice %add3A_131 {offsets = [0, 0], sizes = [32, 256], strides = [1, 1]} : vector<64x256xf32> to vector<32x256xf32>
    %slice3A_133 = vector.extract_strided_slice %add3A_131 {offsets = [32, 0], sizes = [32, 256], strides = [1, 1]} : vector<64x256xf32> to vector<32x256xf32>
    %add3A_134 = arith.addf %slice3A_132, %slice3A_133 : vector<32x256xf32>
    %slice3A_135 = vector.extract_strided_slice %add3A_134 {offsets = [0, 0], sizes = [16, 256], strides = [1, 1]} : vector<32x256xf32> to vector<16x256xf32>
    %slice3A_136 = vector.extract_strided_slice %add3A_134 {offsets = [16, 0], sizes = [16, 256], strides = [1, 1]} : vector<32x256xf32> to vector<16x256xf32>
    %add3A_137 = arith.addf %slice3A_135, %slice3A_136 : vector<16x256xf32>
    %slice3A_138 = vector.extract_strided_slice %add3A_137 {offsets = [0, 0], sizes = [8, 256], strides = [1, 1]} : vector<16x256xf32> to vector<8x256xf32>
    %slice3A_139 = vector.extract_strided_slice %add3A_137 {offsets = [8, 0], sizes = [8, 256], strides = [1, 1]} : vector<16x256xf32> to vector<8x256xf32>
    %add3A_140 = arith.addf %slice3A_138, %slice3A_139 : vector<8x256xf32>
    %reduce_sum3A_141 = arith.constant dense<0.000000e+00> : vector<256xf32>
    %reduce_sum3A_142 = vector.multi_reduction <add>, %add3A_140, %reduce_sum3A_141 [0] : vector<8x256xf32> to vector<256xf32>
    %broadcast_in_dim3A_143 = vector.shape_cast %reduce_sum3A_142 : vector<256xf32> to vector<1x256xf32>
    %concatenate3A_144 = tpu.concatenate %add3A_117, %broadcast_in_dim3A_143 in 0 : vector<1x256xf32>, vector<1x256xf32> -> vector<2x256xf32>
    %swap3A = arith.constant 0 : index
    %swap3A_145 = arith.constant 0 : index
    %swap3A_146 = arith.constant 0 : index
    %swap3A_147 = vector.load %arg7[%swap3A, %swap3A_145, %swap3A_146] : memref<1x2x256xf32, #tpu.memory_space<vmem>>, vector<1x2x256xf32>
    %swap3A_148 = vector.shape_cast %swap3A_147 : vector<1x2x256xf32> to vector<2x256xf32>
    %swap3A_149 = vector.shape_cast %concatenate3A_144 : vector<2x256xf32> to vector<1x2x256xf32>
    tpu.vector_store %arg7[%swap3A, %swap3A_145, %swap3A_146], %swap3A_149 {strides = array<i32>} : memref<1x2x256xf32, #tpu.memory_space<vmem>>, vector<1x2x256xf32>,
    return
  }
  func.func @transform_0(%arg0: i32, %arg1: i32) -> (i32, i32) {
    %mul3A = arith.constant 16 : i32
    %mul3A_0 = arith.muli %arg1, %mul3A : i32
    %add3A = arith.addi %mul3A_0, %arg0 : i32
    %c0_i32 = arith.constant 0 : i32
    %c0_i32_1 = arith.constant 0 : i32
    return %add3A, %c0_i32 : i32, i32
  }
  func.func @transform_1(%arg0: i32, %arg1: i32) -> (i32, i32) {
    %c0_i32 = arith.constant 0 : i32
    %c0_i32_0 = arith.constant 0 : i32
    return %arg0, %c0_i32 : i32, i32
  }
  func.func @transform_2(%arg0: i32, %arg1: i32) -> (i32, i32) {
    %c0_i32 = arith.constant 0 : i32
    %c0_i32_0 = arith.constant 0 : i32
    %c0_i32_1 = arith.constant 0 : i32
    return %c0_i32, %c0_i32_0 : i32, i32
  }
  func.func @transform_3(%arg0: i32, %arg1: i32) -> (i32, i32) {
    %c0_i32 = arith.constant 0 : i32
    %c0_i32_0 = arith.constant 0 : i32
    return %arg0, %c0_i32 : i32, i32
  }
  func.func @transform_4(%arg0: i32, %arg1: i32) -> (i32, i32) {
    %c0_i32 = arith.constant 0 : i32
    %c0_i32_0 = arith.constant 0 : i32
    return %arg0, %c0_i32 : i32, i32
  }
  func.func @transform_5(%arg0: i32, %arg1: i32) -> (i32, i32, i32) {
    %mul3A = arith.constant 20 : i32
    %mul3A_0 = arith.muli %arg0, %mul3A : i32
    %add3A = arith.addi %mul3A_0, %arg1 : i32
    %c0_i32 = arith.constant 0 : i32
    %c0_i32_1 = arith.constant 0 : i32
    %c0_i32_2 = arith.constant 0 : i32
    return %add3A, %c0_i32, %c0_i32_1 : i32, i32, i32
  }
}

module attributes {stable_mosaic.version = 14 : i64} {
  func.func @_stats_body(%arg0: memref<320x2x256xf32, #tpu.memory_space<vmem>>, %arg1: memref<2x256xf32, #tpu.memory_space<vmem>>) attributes {dimension_semantics = [], scalar_prefetch = 0 : i64, scratch_operands = 0 : i64, tpu.core_type = #tpu.core_type<tc>} {
    %get3A = arith.constant 0 : index
    %get3A_0 = arith.constant 0 : index
    %get3A_1 = arith.constant 0 : index
    %get3A_2 = vector.load %arg0[%get3A, %get3A_0, %get3A_1] : memref<320x2x256xf32, #tpu.memory_space<vmem>>, vector<320x2x256xf32>
    %slice3A = vector.extract_strided_slice %get3A_2 {offsets = [0, 0, 0], sizes = [320, 1, 256], strides = [1, 1, 1]} : vector<320x2x256xf32> to vector<320x1x256xf32>
    %squeeze3A = vector.shape_cast %slice3A : vector<320x1x256xf32> to vector<320x256xf32>
    %slice3A_3 = vector.extract_strided_slice %get3A_2 {offsets = [0, 1, 0], sizes = [320, 1, 256], strides = [1, 1, 1]} : vector<320x2x256xf32> to vector<320x1x256xf32>
    %squeeze3A_4 = vector.shape_cast %slice3A_3 : vector<320x1x256xf32> to vector<320x256xf32>
    %mul3A = arith.constant 0.000000e+00 : f32
    %mul3A_5 = vector.broadcast %mul3A : f32 to vector<320x256xf32>
    %mul3A_6 = arith.mulf %squeeze3A, %mul3A_5 : vector<320x256xf32>
    %slice3A_7 = vector.extract_strided_slice %squeeze3A {offsets = [0, 0], sizes = [160, 256], strides = [1, 1]} : vector<320x256xf32> to vector<160x256xf32>
    %slice3A_8 = vector.extract_strided_slice %squeeze3A {offsets = [160, 0], sizes = [160, 256], strides = [1, 1]} : vector<320x256xf32> to vector<160x256xf32>
    %add3A = arith.addf %slice3A_7, %slice3A_8 : vector<160x256xf32>
    %sub3A = arith.subf %add3A, %slice3A_7 : vector<160x256xf32>
    %sub3A_9 = arith.subf %add3A, %sub3A : vector<160x256xf32>
    %sub3A_10 = arith.subf %slice3A_7, %sub3A_9 : vector<160x256xf32>
    %sub3A_11 = arith.subf %slice3A_8, %sub3A : vector<160x256xf32>
    %add3A_12 = arith.addf %sub3A_10, %sub3A_11 : vector<160x256xf32>
    %slice3A_13 = vector.extract_strided_slice %mul3A_6 {offsets = [0, 0], sizes = [160, 256], strides = [1, 1]} : vector<320x256xf32> to vector<160x256xf32>
    %slice3A_14 = vector.extract_strided_slice %mul3A_6 {offsets = [160, 0], sizes = [160, 256], strides = [1, 1]} : vector<320x256xf32> to vector<160x256xf32>
    %add3A_15 = arith.addf %slice3A_13, %slice3A_14 : vector<160x256xf32>
    %add3A_16 = arith.addf %add3A_15, %add3A_12 : vector<160x256xf32>
    %slice3A_17 = vector.extract_strided_slice %add3A {offsets = [0, 0], sizes = [80, 256], strides = [1, 1]} : vector<160x256xf32> to vector<80x256xf32>
    %slice3A_18 = vector.extract_strided_slice %add3A {offsets = [80, 0], sizes = [80, 256], strides = [1, 1]} : vector<160x256xf32> to vector<80x256xf32>
    %add3A_19 = arith.addf %slice3A_17, %slice3A_18 : vector<80x256xf32>
    %sub3A_20 = arith.subf %add3A_19, %slice3A_17 : vector<80x256xf32>
    %sub3A_21 = arith.subf %add3A_19, %sub3A_20 : vector<80x256xf32>
    %sub3A_22 = arith.subf %slice3A_17, %sub3A_21 : vector<80x256xf32>
    %sub3A_23 = arith.subf %slice3A_18, %sub3A_20 : vector<80x256xf32>
    %add3A_24 = arith.addf %sub3A_22, %sub3A_23 : vector<80x256xf32>
    %slice3A_25 = vector.extract_strided_slice %add3A_16 {offsets = [0, 0], sizes = [80, 256], strides = [1, 1]} : vector<160x256xf32> to vector<80x256xf32>
    %slice3A_26 = vector.extract_strided_slice %add3A_16 {offsets = [80, 0], sizes = [80, 256], strides = [1, 1]} : vector<160x256xf32> to vector<80x256xf32>
    %add3A_27 = arith.addf %slice3A_25, %slice3A_26 : vector<80x256xf32>
    %add3A_28 = arith.addf %add3A_27, %add3A_24 : vector<80x256xf32>
    %slice3A_29 = vector.extract_strided_slice %add3A_19 {offsets = [0, 0], sizes = [40, 256], strides = [1, 1]} : vector<80x256xf32> to vector<40x256xf32>
    %slice3A_30 = vector.extract_strided_slice %add3A_19 {offsets = [40, 0], sizes = [40, 256], strides = [1, 1]} : vector<80x256xf32> to vector<40x256xf32>
    %add3A_31 = arith.addf %slice3A_29, %slice3A_30 : vector<40x256xf32>
    %sub3A_32 = arith.subf %add3A_31, %slice3A_29 : vector<40x256xf32>
    %sub3A_33 = arith.subf %add3A_31, %sub3A_32 : vector<40x256xf32>
    %sub3A_34 = arith.subf %slice3A_29, %sub3A_33 : vector<40x256xf32>
    %sub3A_35 = arith.subf %slice3A_30, %sub3A_32 : vector<40x256xf32>
    %add3A_36 = arith.addf %sub3A_34, %sub3A_35 : vector<40x256xf32>
    %slice3A_37 = vector.extract_strided_slice %add3A_28 {offsets = [0, 0], sizes = [40, 256], strides = [1, 1]} : vector<80x256xf32> to vector<40x256xf32>
    %slice3A_38 = vector.extract_strided_slice %add3A_28 {offsets = [40, 0], sizes = [40, 256], strides = [1, 1]} : vector<80x256xf32> to vector<40x256xf32>
    %add3A_39 = arith.addf %slice3A_37, %slice3A_38 : vector<40x256xf32>
    %add3A_40 = arith.addf %add3A_39, %add3A_36 : vector<40x256xf32>
    %slice3A_41 = vector.extract_strided_slice %add3A_31 {offsets = [0, 0], sizes = [20, 256], strides = [1, 1]} : vector<40x256xf32> to vector<20x256xf32>
    %slice3A_42 = vector.extract_strided_slice %add3A_31 {offsets = [20, 0], sizes = [20, 256], strides = [1, 1]} : vector<40x256xf32> to vector<20x256xf32>
    %add3A_43 = arith.addf %slice3A_41, %slice3A_42 : vector<20x256xf32>
    %sub3A_44 = arith.subf %add3A_43, %slice3A_41 : vector<20x256xf32>
    %sub3A_45 = arith.subf %add3A_43, %sub3A_44 : vector<20x256xf32>
    %sub3A_46 = arith.subf %slice3A_41, %sub3A_45 : vector<20x256xf32>
    %sub3A_47 = arith.subf %slice3A_42, %sub3A_44 : vector<20x256xf32>
    %add3A_48 = arith.addf %sub3A_46, %sub3A_47 : vector<20x256xf32>
    %slice3A_49 = vector.extract_strided_slice %add3A_40 {offsets = [0, 0], sizes = [20, 256], strides = [1, 1]} : vector<40x256xf32> to vector<20x256xf32>
    %slice3A_50 = vector.extract_strided_slice %add3A_40 {offsets = [20, 0], sizes = [20, 256], strides = [1, 1]} : vector<40x256xf32> to vector<20x256xf32>
    %add3A_51 = arith.addf %slice3A_49, %slice3A_50 : vector<20x256xf32>
    %add3A_52 = arith.addf %add3A_51, %add3A_48 : vector<20x256xf32>
    %slice3A_53 = vector.extract_strided_slice %add3A_43 {offsets = [0, 0], sizes = [10, 256], strides = [1, 1]} : vector<20x256xf32> to vector<10x256xf32>
    %slice3A_54 = vector.extract_strided_slice %add3A_43 {offsets = [10, 0], sizes = [10, 256], strides = [1, 1]} : vector<20x256xf32> to vector<10x256xf32>
    %add3A_55 = arith.addf %slice3A_53, %slice3A_54 : vector<10x256xf32>
    %sub3A_56 = arith.subf %add3A_55, %slice3A_53 : vector<10x256xf32>
    %sub3A_57 = arith.subf %add3A_55, %sub3A_56 : vector<10x256xf32>
    %sub3A_58 = arith.subf %slice3A_53, %sub3A_57 : vector<10x256xf32>
    %sub3A_59 = arith.subf %slice3A_54, %sub3A_56 : vector<10x256xf32>
    %add3A_60 = arith.addf %sub3A_58, %sub3A_59 : vector<10x256xf32>
    %slice3A_61 = vector.extract_strided_slice %add3A_52 {offsets = [0, 0], sizes = [10, 256], strides = [1, 1]} : vector<20x256xf32> to vector<10x256xf32>
    %slice3A_62 = vector.extract_strided_slice %add3A_52 {offsets = [10, 0], sizes = [10, 256], strides = [1, 1]} : vector<20x256xf32> to vector<10x256xf32>
    %add3A_63 = arith.addf %slice3A_61, %slice3A_62 : vector<10x256xf32>
    %add3A_64 = arith.addf %add3A_63, %add3A_60 : vector<10x256xf32>
    %slice3A_65 = vector.extract_strided_slice %add3A_55 {offsets = [0, 0], sizes = [5, 256], strides = [1, 1]} : vector<10x256xf32> to vector<5x256xf32>
    %slice3A_66 = vector.extract_strided_slice %add3A_55 {offsets = [5, 0], sizes = [5, 256], strides = [1, 1]} : vector<10x256xf32> to vector<5x256xf32>
    %add3A_67 = arith.addf %slice3A_65, %slice3A_66 : vector<5x256xf32>
    %sub3A_68 = arith.subf %add3A_67, %slice3A_65 : vector<5x256xf32>
    %sub3A_69 = arith.subf %add3A_67, %sub3A_68 : vector<5x256xf32>
    %sub3A_70 = arith.subf %slice3A_65, %sub3A_69 : vector<5x256xf32>
    %sub3A_71 = arith.subf %slice3A_66, %sub3A_68 : vector<5x256xf32>
    %add3A_72 = arith.addf %sub3A_70, %sub3A_71 : vector<5x256xf32>
    %slice3A_73 = vector.extract_strided_slice %add3A_64 {offsets = [0, 0], sizes = [5, 256], strides = [1, 1]} : vector<10x256xf32> to vector<5x256xf32>
    %slice3A_74 = vector.extract_strided_slice %add3A_64 {offsets = [5, 0], sizes = [5, 256], strides = [1, 1]} : vector<10x256xf32> to vector<5x256xf32>
    %add3A_75 = arith.addf %slice3A_73, %slice3A_74 : vector<5x256xf32>
    %add3A_76 = arith.addf %add3A_75, %add3A_72 : vector<5x256xf32>
    %reduce_sum3A = arith.constant dense<0.000000e+00> : vector<256xf32>
    %reduce_sum3A_77 = vector.multi_reduction <add>, %add3A_67, %reduce_sum3A [0] : vector<5x256xf32> to vector<256xf32>
    %broadcast_in_dim3A = vector.shape_cast %reduce_sum3A_77 : vector<256xf32> to vector<1x256xf32>
    %reduce_sum3A_78 = arith.constant dense<0.000000e+00> : vector<256xf32>
    %reduce_sum3A_79 = vector.multi_reduction <add>, %add3A_76, %reduce_sum3A_78 [0] : vector<5x256xf32> to vector<256xf32>
    %broadcast_in_dim3A_80 = vector.shape_cast %reduce_sum3A_79 : vector<256xf32> to vector<1x256xf32>
    %add3A_81 = arith.addf %broadcast_in_dim3A, %broadcast_in_dim3A_80 : vector<1x256xf32>
    %div3A = arith.constant 1.638400e+05 : f32
    %div3A_82 = vector.broadcast %div3A : f32 to vector<1x256xf32>
    %div3A_83 = arith.divf %add3A_81, %div3A_82 : vector<1x256xf32>
    %div3A_84 = arith.constant 5.120000e+02 : f32
    %div3A_85 = vector.broadcast %div3A_84 : f32 to vector<320x256xf32>
    %div3A_86 = arith.divf %squeeze3A, %div3A_85 : vector<320x256xf32>
    %sub3A_87 = vector.broadcast %div3A_83 : vector<1x256xf32> to vector<320x256xf32>
    %sub3A_88 = arith.subf %div3A_86, %sub3A_87 : vector<320x256xf32>
    %slice3A_89 = vector.extract_strided_slice %squeeze3A_4 {offsets = [0, 0], sizes = [160, 256], strides = [1, 1]} : vector<320x256xf32> to vector<160x256xf32>
    %slice3A_90 = vector.extract_strided_slice %squeeze3A_4 {offsets = [160, 0], sizes = [160, 256], strides = [1, 1]} : vector<320x256xf32> to vector<160x256xf32>
    %add3A_91 = arith.addf %slice3A_89, %slice3A_90 : vector<160x256xf32>
    %slice3A_92 = vector.extract_strided_slice %add3A_91 {offsets = [0, 0], sizes = [80, 256], strides = [1, 1]} : vector<160x256xf32> to vector<80x256xf32>
    %slice3A_93 = vector.extract_strided_slice %add3A_91 {offsets = [80, 0], sizes = [80, 256], strides = [1, 1]} : vector<160x256xf32> to vector<80x256xf32>
    %add3A_94 = arith.addf %slice3A_92, %slice3A_93 : vector<80x256xf32>
    %slice3A_95 = vector.extract_strided_slice %add3A_94 {offsets = [0, 0], sizes = [40, 256], strides = [1, 1]} : vector<80x256xf32> to vector<40x256xf32>
    %slice3A_96 = vector.extract_strided_slice %add3A_94 {offsets = [40, 0], sizes = [40, 256], strides = [1, 1]} : vector<80x256xf32> to vector<40x256xf32>
    %add3A_97 = arith.addf %slice3A_95, %slice3A_96 : vector<40x256xf32>
    %slice3A_98 = vector.extract_strided_slice %add3A_97 {offsets = [0, 0], sizes = [20, 256], strides = [1, 1]} : vector<40x256xf32> to vector<20x256xf32>
    %slice3A_99 = vector.extract_strided_slice %add3A_97 {offsets = [20, 0], sizes = [20, 256], strides = [1, 1]} : vector<40x256xf32> to vector<20x256xf32>
    %add3A_100 = arith.addf %slice3A_98, %slice3A_99 : vector<20x256xf32>
    %slice3A_101 = vector.extract_strided_slice %add3A_100 {offsets = [0, 0], sizes = [10, 256], strides = [1, 1]} : vector<20x256xf32> to vector<10x256xf32>
    %slice3A_102 = vector.extract_strided_slice %add3A_100 {offsets = [10, 0], sizes = [10, 256], strides = [1, 1]} : vector<20x256xf32> to vector<10x256xf32>
    %add3A_103 = arith.addf %slice3A_101, %slice3A_102 : vector<10x256xf32>
    %slice3A_104 = vector.extract_strided_slice %add3A_103 {offsets = [0, 0], sizes = [5, 256], strides = [1, 1]} : vector<10x256xf32> to vector<5x256xf32>
    %slice3A_105 = vector.extract_strided_slice %add3A_103 {offsets = [5, 0], sizes = [5, 256], strides = [1, 1]} : vector<10x256xf32> to vector<5x256xf32>
    %add3A_106 = arith.addf %slice3A_104, %slice3A_105 : vector<5x256xf32>
    %reduce_sum3A_107 = arith.constant dense<0.000000e+00> : vector<256xf32>
    %reduce_sum3A_108 = vector.multi_reduction <add>, %add3A_106, %reduce_sum3A_107 [0] : vector<5x256xf32> to vector<256xf32>
    %broadcast_in_dim3A_109 = vector.shape_cast %reduce_sum3A_108 : vector<256xf32> to vector<1x256xf32>
    %mul3A_110 = arith.mulf %sub3A_88, %sub3A_88 : vector<320x256xf32>
    %slice3A_111 = vector.extract_strided_slice %mul3A_110 {offsets = [0, 0], sizes = [160, 256], strides = [1, 1]} : vector<320x256xf32> to vector<160x256xf32>
    %slice3A_112 = vector.extract_strided_slice %mul3A_110 {offsets = [160, 0], sizes = [160, 256], strides = [1, 1]} : vector<320x256xf32> to vector<160x256xf32>
    %add3A_113 = arith.addf %slice3A_111, %slice3A_112 : vector<160x256xf32>
    %slice3A_114 = vector.extract_strided_slice %add3A_113 {offsets = [0, 0], sizes = [80, 256], strides = [1, 1]} : vector<160x256xf32> to vector<80x256xf32>
    %slice3A_115 = vector.extract_strided_slice %add3A_113 {offsets = [80, 0], sizes = [80, 256], strides = [1, 1]} : vector<160x256xf32> to vector<80x256xf32>
    %add3A_116 = arith.addf %slice3A_114, %slice3A_115 : vector<80x256xf32>
    %slice3A_117 = vector.extract_strided_slice %add3A_116 {offsets = [0, 0], sizes = [40, 256], strides = [1, 1]} : vector<80x256xf32> to vector<40x256xf32>
    %slice3A_118 = vector.extract_strided_slice %add3A_116 {offsets = [40, 0], sizes = [40, 256], strides = [1, 1]} : vector<80x256xf32> to vector<40x256xf32>
    %add3A_119 = arith.addf %slice3A_117, %slice3A_118 : vector<40x256xf32>
    %slice3A_120 = vector.extract_strided_slice %add3A_119 {offsets = [0, 0], sizes = [20, 256], strides = [1, 1]} : vector<40x256xf32> to vector<20x256xf32>
    %slice3A_121 = vector.extract_strided_slice %add3A_119 {offsets = [20, 0], sizes = [20, 256], strides = [1, 1]} : vector<40x256xf32> to vector<20x256xf32>
    %add3A_122 = arith.addf %slice3A_120, %slice3A_121 : vector<20x256xf32>
    %slice3A_123 = vector.extract_strided_slice %add3A_122 {offsets = [0, 0], sizes = [10, 256], strides = [1, 1]} : vector<20x256xf32> to vector<10x256xf32>
    %slice3A_124 = vector.extract_strided_slice %add3A_122 {offsets = [10, 0], sizes = [10, 256], strides = [1, 1]} : vector<20x256xf32> to vector<10x256xf32>
    %add3A_125 = arith.addf %slice3A_123, %slice3A_124 : vector<10x256xf32>
    %slice3A_126 = vector.extract_strided_slice %add3A_125 {offsets = [0, 0], sizes = [5, 256], strides = [1, 1]} : vector<10x256xf32> to vector<5x256xf32>
    %slice3A_127 = vector.extract_strided_slice %add3A_125 {offsets = [5, 0], sizes = [5, 256], strides = [1, 1]} : vector<10x256xf32> to vector<5x256xf32>
    %add3A_128 = arith.addf %slice3A_126, %slice3A_127 : vector<5x256xf32>
    %reduce_sum3A_129 = arith.constant dense<0.000000e+00> : vector<256xf32>
    %reduce_sum3A_130 = vector.multi_reduction <add>, %add3A_128, %reduce_sum3A_129 [0] : vector<5x256xf32> to vector<256xf32>
    %broadcast_in_dim3A_131 = vector.shape_cast %reduce_sum3A_130 : vector<256xf32> to vector<1x256xf32>
    %mul3A_132 = arith.constant 5.120000e+02 : f32
    %mul3A_133 = vector.broadcast %mul3A_132 : f32 to vector<1x256xf32>
    %mul3A_134 = arith.mulf %mul3A_133, %broadcast_in_dim3A_131 : vector<1x256xf32>
    %add3A_135 = arith.addf %broadcast_in_dim3A_109, %mul3A_134 : vector<1x256xf32>
    %div3A_136 = arith.constant 1.638400e+05 : f32
    %div3A_137 = vector.broadcast %div3A_136 : f32 to vector<1x256xf32>
    %div3A_138 = arith.divf %add3A_135, %div3A_137 : vector<1x256xf32>
    %concatenate3A = tpu.concatenate %div3A_83, %div3A_138 in 0 : vector<1x256xf32>, vector<1x256xf32> -> vector<2x256xf32>
    %swap3A = arith.constant 0 : index
    %swap3A_139 = arith.constant 0 : index
    %swap3A_140 = vector.load %arg1[%swap3A, %swap3A_139] : memref<2x256xf32, #tpu.memory_space<vmem>>, vector<2x256xf32>
    tpu.vector_store %arg1[%swap3A, %swap3A_139], %concatenate3A {strides = array<i32>} : memref<2x256xf32, #tpu.memory_space<vmem>>, vector<2x256xf32>,
    return
  }
}

module attributes {stable_mosaic.version = 14 : i64} {
  func.func @_apply_body(%arg0: i32, %arg1: memref<1024x256xf32, #tpu.memory_space<vmem>>, %arg2: memref<1024x256xf32, #tpu.memory_space<vmem>>, %arg3: memref<2x256xf32, #tpu.memory_space<vmem>>, %arg4: memref<1x256xf32, #tpu.memory_space<vmem>>, %arg5: memref<1x256xf32, #tpu.memory_space<vmem>>, %arg6: memref<1024x256xf32, #tpu.memory_space<vmem>>) attributes {dimension_semantics = [#tpu.dimension_semantics<arbitrary>], iteration_bounds = array<i64: 8>, scalar_prefetch = 0 : i64, scratch_operands = 0 : i64, tpu.core_type = #tpu.core_type<tc>, window_params = [{transform_indices = @transform_0, window_bounds = array<i64: 1024, 256>}, {transform_indices = @transform_1, window_bounds = array<i64: 1024, 256>}, {pipeline_mode = #tpu.pipeline_mode<synchronous>, transform_indices = @transform_2, window_bounds = array<i64: 2, 256>}, {pipeline_mode = #tpu.pipeline_mode<synchronous>, transform_indices = @transform_3, window_bounds = array<i64: 1, 256>}, {pipeline_mode = #tpu.pipeline_mode<synchronous>, transform_indices = @transform_4, window_bounds = array<i64: 1, 256>}, {transform_indices = @transform_5, window_bounds = array<i64: 1024, 256>}]} {
    %get3A = arith.constant 0 : index
    %get3A_0 = arith.constant 0 : index
    %get3A_1 = vector.load %arg3[%get3A, %get3A_0] : memref<2x256xf32, #tpu.memory_space<vmem>>, vector<1x256xf32>
    %get3A_2 = arith.constant 1 : index
    %get3A_3 = arith.constant 0 : index
    %get3A_4 = vector.load %arg3[%get3A_2, %get3A_3] : memref<2x256xf32, #tpu.memory_space<vmem>>, vector<1x256xf32>
    %get3A_5 = arith.constant 0 : index
    %get3A_6 = arith.constant 0 : index
    %get3A_7 = vector.load %arg4[%get3A_5, %get3A_6] : memref<1x256xf32, #tpu.memory_space<vmem>>, vector<1x256xf32>
    %ge3A = arith.constant 0.000000e+00 : f32
    %ge3A_8 = vector.broadcast %ge3A : f32 to vector<1x256xf32>
    %ge3A_9 = arith.cmpf oge, %get3A_7, %ge3A_8 : vector<1x256xf32>
    %get3A_10 = arith.constant 0 : index
    %get3A_11 = arith.constant 0 : index
    %get3A_12 = vector.load %arg1[%get3A_10, %get3A_11] : memref<1024x256xf32, #tpu.memory_space<vmem>>, vector<1024x256xf32>
    %get3A_13 = arith.constant 0 : index
    %get3A_14 = arith.constant 0 : index
    %get3A_15 = vector.load %arg2[%get3A_13, %get3A_14] : memref<1024x256xf32, #tpu.memory_space<vmem>>, vector<1024x256xf32>
    %broadcast_in_dim3A = vector.shape_cast %ge3A_9 : vector<1x256xi1> to vector<1x256xi1>
    %broadcast_in_dim3A_16 = vector.broadcast %broadcast_in_dim3A : vector<1x256xi1> to vector<1024x256xi1>
    %select_n3A = arith.select %broadcast_in_dim3A_16, %get3A_12, %get3A_15 : vector<1024x256xi1>, vector<1024x256xf32>
    %sub3A = vector.broadcast %get3A_1 : vector<1x256xf32> to vector<1024x256xf32>
    %sub3A_17 = arith.subf %select_n3A, %sub3A : vector<1024x256xf32>
    %add3A = arith.constant 9.99999974E-6 : f32
    %add3A_18 = vector.broadcast %add3A : f32 to vector<1x256xf32>
    %add3A_19 = arith.addf %get3A_4, %add3A_18 : vector<1x256xf32>
    %sqrt3A = math.sqrt %add3A_19 : vector<1x256xf32>
    %div3A = vector.broadcast %sqrt3A : vector<1x256xf32> to vector<1024x256xf32>
    %div3A_20 = arith.divf %sub3A_17, %div3A : vector<1024x256xf32>
    %mul3A = vector.broadcast %get3A_7 : vector<1x256xf32> to vector<1024x256xf32>
    %mul3A_21 = arith.mulf %div3A_20, %mul3A : vector<1024x256xf32>
    %get3A_22 = arith.constant 0 : index
    %get3A_23 = arith.constant 0 : index
    %get3A_24 = vector.load %arg5[%get3A_22, %get3A_23] : memref<1x256xf32, #tpu.memory_space<vmem>>, vector<1x256xf32>
    %add3A_25 = vector.broadcast %get3A_24 : vector<1x256xf32> to vector<1024x256xf32>
    %add3A_26 = arith.addf %mul3A_21, %add3A_25 : vector<1024x256xf32>
    %ge3A_27 = arith.constant 0.000000e+00 : f32
    %ge3A_28 = vector.broadcast %ge3A_27 : f32 to vector<1024x256xf32>
    %ge3A_29 = arith.cmpf oge, %add3A_26, %ge3A_28 : vector<1024x256xf32>
    %mul3A_30 = arith.constant 2.000000e-01 : f32
    %mul3A_31 = vector.broadcast %mul3A_30 : f32 to vector<1024x256xf32>
    %mul3A_32 = arith.mulf %mul3A_31, %add3A_26 : vector<1024x256xf32>
    %select_n3A_33 = arith.select %ge3A_29, %add3A_26, %mul3A_32 : vector<1024x256xi1>, vector<1024x256xf32>
    %swap3A = arith.constant 0 : index
    %swap3A_34 = arith.constant 0 : index
    %swap3A_35 = vector.load %arg6[%swap3A, %swap3A_34] : memref<1024x256xf32, #tpu.memory_space<vmem>>, vector<1024x256xf32>
    tpu.vector_store %arg6[%swap3A, %swap3A_34], %select_n3A_33 {strides = array<i32>} : memref<1024x256xf32, #tpu.memory_space<vmem>>, vector<1024x256xf32>,
    return
  }
  func.func @transform_0(%arg0: i32) -> (i32, i32) {
    %c0_i32 = arith.constant 0 : i32
    %c0_i32_0 = arith.constant 0 : i32
    return %arg0, %c0_i32 : i32, i32
  }
  func.func @transform_1(%arg0: i32) -> (i32, i32) {
    %c0_i32 = arith.constant 0 : i32
    %c0_i32_0 = arith.constant 0 : i32
    return %arg0, %c0_i32 : i32, i32
  }
  func.func @transform_2(%arg0: i32) -> (i32, i32) {
    %c0_i32 = arith.constant 0 : i32
    %c0_i32_0 = arith.constant 0 : i32
    %c0_i32_1 = arith.constant 0 : i32
    return %c0_i32, %c0_i32_0 : i32, i32
  }
  func.func @transform_3(%arg0: i32) -> (i32, i32) {
    %c0_i32 = arith.constant 0 : i32
    %c0_i32_0 = arith.constant 0 : i32
    %c0_i32_1 = arith.constant 0 : i32
    return %c0_i32, %c0_i32_0 : i32, i32
  }
  func.func @transform_4(%arg0: i32) -> (i32, i32) {
    %c0_i32 = arith.constant 0 : i32
    %c0_i32_0 = arith.constant 0 : i32
    %c0_i32_1 = arith.constant 0 : i32
    return %c0_i32, %c0_i32_0 : i32, i32
  }
  func.func @transform_5(%arg0: i32) -> (i32, i32) {
    %c0_i32 = arith.constant 0 : i32
    %c0_i32_0 = arith.constant 0 : i32
    return %arg0, %c0_i32 : i32, i32
  }
}

module attributes {stable_mosaic.version = 14 : i64} {
  func.func @_conv5_body(%arg0: i32, %arg1: i32, %arg2: memref<1x256x64xf32, #tpu.memory_space<vmem>>, %arg3: memref<1x256x64xf32, #tpu.memory_space<vmem>>, %arg4: memref<1x256x128xf32, #tpu.memory_space<vmem>>, %arg5: memref<1x256x256xf32, #tpu.memory_space<vmem>>, %arg6: memref<512x1024xf32, #tpu.memory_space<vmem>>, %arg7: memref<1x256x1024xf32, #tpu.memory_space<vmem>>, %arg8: memref<2x1024xf32, #tpu.memory_space<vmem>>) attributes {dimension_semantics = [#tpu.dimension_semantics<arbitrary>, #tpu.dimension_semantics<arbitrary>], iteration_bounds = array<i64: 8, 4>, scalar_prefetch = 0 : i64, scratch_operands = 0 : i64, tpu.core_type = #tpu.core_type<tc>, window_params = [{transform_indices = @transform_0, window_bounds = array<i64: 1, 256, 64>}, {transform_indices = @transform_1, window_bounds = array<i64: 1, 256, 64>}, {transform_indices = @transform_2, window_bounds = array<i64: 1, 256, 128>}, {transform_indices = @transform_3, window_bounds = array<i64: 1, 256, 256>}, {pipeline_mode = #tpu.pipeline_mode<synchronous>, transform_indices = @transform_4, window_bounds = array<i64: 512, 1024>}, {transform_indices = @transform_5, window_bounds = array<i64: 1, 256, 1024>}, {pipeline_mode = #tpu.pipeline_mode<synchronous>, transform_indices = @transform_6, window_bounds = array<i64: 2, 1024>}]} {
    %get3A = arith.constant 0 : index
    %get3A_0 = arith.constant 0 : index
    %get3A_1 = arith.constant 0 : index
    %get3A_2 = vector.load %arg2[%get3A, %get3A_0, %get3A_1] : memref<1x256x64xf32, #tpu.memory_space<vmem>>, vector<1x256x64xf32>
    %get3A_3 = vector.shape_cast %get3A_2 : vector<1x256x64xf32> to vector<256x64xf32>
    %convert_element_type3A = arith.truncf %get3A_3 : vector<256x64xf32> to vector<256x64xbf16>
    %get3A_4 = arith.constant 0 : index
    %get3A_5 = arith.constant 0 : index
    %get3A_6 = vector.load %arg6[%get3A_4, %get3A_5] : memref<512x1024xf32, #tpu.memory_space<vmem>>, vector<64x1024xf32>
    %convert_element_type3A_7 = arith.truncf %get3A_6 : vector<64x1024xf32> to vector<64x1024xbf16>
    %dot_general3A = arith.constant dense<0.000000e+00> : vector<256x1024xf32>
    %dot_general3A_8 = tpu.matmul %convert_element_type3A, %convert_element_type3A_7, %dot_general3A {dimension_numbers = #tpu.dot_dimension_numbers<[1], [0], [0], [1], [0, 0, 1, 1], [], []>, transpose_lhs_hint = false} : vector<256x64xbf16>, vector<64x1024xbf16>, vector<256x1024xf32> -> vector<256x1024xf32>
    %get3A_9 = arith.constant 0 : index
    %get3A_10 = arith.constant 0 : index
    %get3A_11 = arith.constant 0 : index
    %get3A_12 = vector.load %arg3[%get3A_9, %get3A_10, %get3A_11] : memref<1x256x64xf32, #tpu.memory_space<vmem>>, vector<1x256x64xf32>
    %get3A_13 = vector.shape_cast %get3A_12 : vector<1x256x64xf32> to vector<256x64xf32>
    %convert_element_type3A_14 = arith.truncf %get3A_13 : vector<256x64xf32> to vector<256x64xbf16>
    %get3A_15 = arith.constant 64 : index
    %get3A_16 = arith.constant 0 : index
    %get3A_17 = vector.load %arg6[%get3A_15, %get3A_16] : memref<512x1024xf32, #tpu.memory_space<vmem>>, vector<64x1024xf32>
    %convert_element_type3A_18 = arith.truncf %get3A_17 : vector<64x1024xf32> to vector<64x1024xbf16>
    %dot_general3A_19 = arith.constant dense<0.000000e+00> : vector<256x1024xf32>
    %dot_general3A_20 = tpu.matmul %convert_element_type3A_14, %convert_element_type3A_18, %dot_general3A_19 {dimension_numbers = #tpu.dot_dimension_numbers<[1], [0], [0], [1], [0, 0, 1, 1], [], []>, transpose_lhs_hint = false} : vector<256x64xbf16>, vector<64x1024xbf16>, vector<256x1024xf32> -> vector<256x1024xf32>
    %add3A = arith.addf %dot_general3A_8, %dot_general3A_20 : vector<256x1024xf32>
    %get3A_21 = arith.constant 0 : index
    %get3A_22 = arith.constant 0 : index
    %get3A_23 = arith.constant 0 : index
    %get3A_24 = vector.load %arg4[%get3A_21, %get3A_22, %get3A_23] : memref<1x256x128xf32, #tpu.memory_space<vmem>>, vector<1x256x128xf32>
    %get3A_25 = vector.shape_cast %get3A_24 : vector<1x256x128xf32> to vector<256x128xf32>
    %convert_element_type3A_26 = arith.truncf %get3A_25 : vector<256x128xf32> to vector<256x128xbf16>
    %get3A_27 = arith.constant 128 : index
    %get3A_28 = arith.constant 0 : index
    %get3A_29 = vector.load %arg6[%get3A_27, %get3A_28] : memref<512x1024xf32, #tpu.memory_space<vmem>>, vector<128x1024xf32>
    %convert_element_type3A_30 = arith.truncf %get3A_29 : vector<128x1024xf32> to vector<128x1024xbf16>
    %dot_general3A_31 = arith.constant dense<0.000000e+00> : vector<256x1024xf32>
    %dot_general3A_32 = tpu.matmul %convert_element_type3A_26, %convert_element_type3A_30, %dot_general3A_31 {dimension_numbers = #tpu.dot_dimension_numbers<[1], [0], [0], [1], [0, 0, 1, 1], [], []>, transpose_lhs_hint = false} : vector<256x128xbf16>, vector<128x1024xbf16>, vector<256x1024xf32> -> vector<256x1024xf32>
    %add3A_33 = arith.addf %add3A, %dot_general3A_32 : vector<256x1024xf32>
    %get3A_34 = arith.constant 0 : index
    %get3A_35 = arith.constant 0 : index
    %get3A_36 = arith.constant 0 : index
    %get3A_37 = vector.load %arg5[%get3A_34, %get3A_35, %get3A_36] : memref<1x256x256xf32, #tpu.memory_space<vmem>>, vector<1x256x256xf32>
    %get3A_38 = vector.shape_cast %get3A_37 : vector<1x256x256xf32> to vector<256x256xf32>
    %convert_element_type3A_39 = arith.truncf %get3A_38 : vector<256x256xf32> to vector<256x256xbf16>
    %get3A_40 = arith.constant 256 : index
    %get3A_41 = arith.constant 0 : index
    %get3A_42 = vector.load %arg6[%get3A_40, %get3A_41] : memref<512x1024xf32, #tpu.memory_space<vmem>>, vector<256x1024xf32>
    %convert_element_type3A_43 = arith.truncf %get3A_42 : vector<256x1024xf32> to vector<256x1024xbf16>
    %dot_general3A_44 = arith.constant dense<0.000000e+00> : vector<256x1024xf32>
    %dot_general3A_45 = tpu.matmul %convert_element_type3A_39, %convert_element_type3A_43, %dot_general3A_44 {dimension_numbers = #tpu.dot_dimension_numbers<[1], [0], [0], [1], [0, 0, 1, 1], [], []>, transpose_lhs_hint = false} : vector<256x256xbf16>, vector<256x1024xbf16>, vector<256x1024xf32> -> vector<256x1024xf32>
    %add3A_46 = arith.addf %add3A_33, %dot_general3A_45 : vector<256x1024xf32>
    %swap3A = arith.constant 0 : index
    %swap3A_47 = arith.constant 0 : index
    %swap3A_48 = arith.constant 0 : index
    %swap3A_49 = vector.load %arg7[%swap3A, %swap3A_47, %swap3A_48] : memref<1x256x1024xf32, #tpu.memory_space<vmem>>, vector<1x256x1024xf32>
    %swap3A_50 = vector.shape_cast %swap3A_49 : vector<1x256x1024xf32> to vector<256x1024xf32>
    %swap3A_51 = vector.shape_cast %add3A_46 : vector<256x1024xf32> to vector<1x256x1024xf32>
    tpu.vector_store %arg7[%swap3A, %swap3A_47, %swap3A_48], %swap3A_51 {strides = array<i32>} : memref<1x256x1024xf32, #tpu.memory_space<vmem>>, vector<1x256x1024xf32>,
    %reduce_sum3A = arith.constant dense<0.000000e+00> : vector<1024xf32>
    %reduce_sum3A_52 = vector.multi_reduction <add>, %add3A_46, %reduce_sum3A [0] : vector<256x1024xf32> to vector<1024xf32>
    %broadcast_in_dim3A = vector.shape_cast %reduce_sum3A_52 : vector<1024xf32> to vector<1x1024xf32>
    %mul3A = arith.mulf %add3A_46, %add3A_46 : vector<256x1024xf32>
    %reduce_sum3A_53 = arith.constant dense<0.000000e+00> : vector<1024xf32>
    %reduce_sum3A_54 = vector.multi_reduction <add>, %mul3A, %reduce_sum3A_53 [0] : vector<256x1024xf32> to vector<1024xf32>
    %broadcast_in_dim3A_55 = vector.shape_cast %reduce_sum3A_54 : vector<1024xf32> to vector<1x1024xf32>
    %concatenate3A = tpu.concatenate %broadcast_in_dim3A, %broadcast_in_dim3A_55 in 0 : vector<1x1024xf32>, vector<1x1024xf32> -> vector<2x1024xf32>
    %eq3A = arith.constant 0 : i32
    %eq3A_56 = arith.cmpi eq, %arg0, %eq3A : i32
    %eq3A_57 = arith.constant 0 : i32
    %eq3A_58 = arith.cmpi eq, %arg1, %eq3A_57 : i32
    %and3A = arith.andi %eq3A_56, %eq3A_58 : i1
    %convert_element_type3A_59 = arith.extui %and3A : i1 to i32
    %cond3A = arith.constant 0 : i32
    %cond3A_60 = arith.cmpi ne, %convert_element_type3A_59, %cond3A : i32
    scf.if %cond3A_60 {
      %swap3A_65 = arith.constant 0 : index
      %swap3A_66 = arith.constant 0 : index
      %swap3A_67 = vector.load %arg8[%swap3A_65, %swap3A_66] : memref<2x1024xf32, #tpu.memory_space<vmem>>, vector<2x1024xf32>
      tpu.vector_store %arg8[%swap3A_65, %swap3A_66], %concatenate3A {strides = array<i32>} : memref<2x1024xf32, #tpu.memory_space<vmem>>, vector<2x1024xf32>,
    } else {
    }
    %not3A = arith.constant true
    %not3A_61 = arith.xori %and3A, %not3A : i1
    %convert_element_type3A_62 = arith.extui %not3A_61 : i1 to i32
    %cond3A_63 = arith.constant 0 : i32
    %cond3A_64 = arith.cmpi ne, %convert_element_type3A_62, %cond3A_63 : i32
    scf.if %cond3A_64 {
      %get3A_65 = arith.constant 0 : index
      %get3A_66 = arith.constant 0 : index
      %get3A_67 = vector.load %arg8[%get3A_65, %get3A_66] : memref<2x1024xf32, #tpu.memory_space<vmem>>, vector<2x1024xf32>
      %add3A_68 = arith.addf %get3A_67, %concatenate3A : vector<2x1024xf32>
      %swap3A_69 = arith.constant 0 : index
      %swap3A_70 = arith.constant 0 : index
      %swap3A_71 = vector.load %arg8[%swap3A_69, %swap3A_70] : memref<2x1024xf32, #tpu.memory_space<vmem>>, vector<2x1024xf32>
      tpu.vector_store %arg8[%swap3A_69, %swap3A_70], %add3A_68 {strides = array<i32>} : memref<2x1024xf32, #tpu.memory_space<vmem>>, vector<2x1024xf32>,
    } else {
    }
    return
  }
  func.func @transform_0(%arg0: i32, %arg1: i32) -> (i32, i32, i32) {
    %c0_i32 = arith.constant 0 : i32
    %c0_i32_0 = arith.constant 0 : i32
    return %arg0, %arg1, %c0_i32 : i32, i32, i32
  }
  func.func @transform_1(%arg0: i32, %arg1: i32) -> (i32, i32, i32) {
    %c0_i32 = arith.constant 0 : i32
    %c0_i32_0 = arith.constant 0 : i32
    return %arg0, %arg1, %c0_i32 : i32, i32, i32
  }
  func.func @transform_2(%arg0: i32, %arg1: i32) -> (i32, i32, i32) {
    %c0_i32 = arith.constant 0 : i32
    %c0_i32_0 = arith.constant 0 : i32
    return %arg0, %arg1, %c0_i32 : i32, i32, i32
  }
  func.func @transform_3(%arg0: i32, %arg1: i32) -> (i32, i32, i32) {
    %c0_i32 = arith.constant 0 : i32
    %c0_i32_0 = arith.constant 0 : i32
    return %arg0, %arg1, %c0_i32 : i32, i32, i32
  }
  func.func @transform_4(%arg0: i32, %arg1: i32) -> (i32, i32) {
    %c0_i32 = arith.constant 0 : i32
    %c0_i32_0 = arith.constant 0 : i32
    %c0_i32_1 = arith.constant 0 : i32
    return %c0_i32, %c0_i32_0 : i32, i32
  }
  func.func @transform_5(%arg0: i32, %arg1: i32) -> (i32, i32, i32) {
    %c0_i32 = arith.constant 0 : i32
    %c0_i32_0 = arith.constant 0 : i32
    return %arg0, %arg1, %c0_i32 : i32, i32, i32
  }
  func.func @transform_6(%arg0: i32, %arg1: i32) -> (i32, i32) {
    %c0_i32 = arith.constant 0 : i32
    %c0_i32_0 = arith.constant 0 : i32
    %c0_i32_1 = arith.constant 0 : i32
    return %c0_i32, %c0_i32_0 : i32, i32
  }
}

module attributes {stable_mosaic.version = 14 : i64} {
  func.func @_pool_body(%arg0: i32, %arg1: i32, %arg2: memref<1x256x1024xf32, #tpu.memory_space<vmem>>, %arg3: memref<2x1024xf32, #tpu.memory_space<vmem>>, %arg4: memref<1x1024xf32, #tpu.memory_space<vmem>>, %arg5: memref<1x1024xf32, #tpu.memory_space<vmem>>, %arg6: memref<1x1x1024xf32, #tpu.memory_space<vmem>>, %arg7: memref<1x1x1024xf32, #tpu.memory_space<vmem>>) attributes {dimension_semantics = [#tpu.dimension_semantics<arbitrary>, #tpu.dimension_semantics<arbitrary>], iteration_bounds = array<i64: 8, 4>, scalar_prefetch = 0 : i64, scratch_operands = 0 : i64, tpu.core_type = #tpu.core_type<tc>, window_params = [{transform_indices = @transform_0, window_bounds = array<i64: 1, 256, 1024>}, {pipeline_mode = #tpu.pipeline_mode<synchronous>, transform_indices = @transform_1, window_bounds = array<i64: 2, 1024>}, {pipeline_mode = #tpu.pipeline_mode<synchronous>, transform_indices = @transform_2, window_bounds = array<i64: 1, 1024>}, {pipeline_mode = #tpu.pipeline_mode<synchronous>, transform_indices = @transform_3, window_bounds = array<i64: 1, 1024>}, {transform_indices = @transform_4, window_bounds = array<i64: 1, 1, 1024>}, {transform_indices = @transform_5, window_bounds = array<i64: 1, 1, 1024>}]} {
    %get3A = arith.constant 0 : index
    %get3A_0 = arith.constant 0 : index
    %get3A_1 = vector.load %arg3[%get3A, %get3A_0] : memref<2x1024xf32, #tpu.memory_space<vmem>>, vector<1x1024xf32>
    %div3A = arith.constant 8.192000e+03 : f32
    %div3A_2 = vector.broadcast %div3A : f32 to vector<1x1024xf32>
    %div3A_3 = arith.divf %get3A_1, %div3A_2 : vector<1x1024xf32>
    %get3A_4 = arith.constant 1 : index
    %get3A_5 = arith.constant 0 : index
    %get3A_6 = vector.load %arg3[%get3A_4, %get3A_5] : memref<2x1024xf32, #tpu.memory_space<vmem>>, vector<1x1024xf32>
    %div3A_7 = arith.constant 8.192000e+03 : f32
    %div3A_8 = vector.broadcast %div3A_7 : f32 to vector<1x1024xf32>
    %div3A_9 = arith.divf %get3A_6, %div3A_8 : vector<1x1024xf32>
    %mul3A = arith.mulf %div3A_3, %div3A_3 : vector<1x1024xf32>
    %sub3A = arith.subf %div3A_9, %mul3A : vector<1x1024xf32>
    %get3A_10 = arith.constant 0 : index
    %get3A_11 = arith.constant 0 : index
    %get3A_12 = vector.load %arg4[%get3A_10, %get3A_11] : memref<1x1024xf32, #tpu.memory_space<vmem>>, vector<1x1024xf32>
    %add3A = arith.constant 9.99999974E-6 : f32
    %add3A_13 = vector.broadcast %add3A : f32 to vector<1x1024xf32>
    %add3A_14 = arith.addf %sub3A, %add3A_13 : vector<1x1024xf32>
    %sqrt3A = math.sqrt %add3A_14 : vector<1x1024xf32>
    %div3A_15 = arith.divf %get3A_12, %sqrt3A : vector<1x1024xf32>
    %get3A_16 = arith.constant 0 : index
    %get3A_17 = arith.constant 0 : index
    %get3A_18 = vector.load %arg5[%get3A_16, %get3A_17] : memref<1x1024xf32, #tpu.memory_space<vmem>>, vector<1x1024xf32>
    %mul3A_19 = arith.mulf %div3A_3, %div3A_15 : vector<1x1024xf32>
    %sub3A_20 = arith.subf %get3A_18, %mul3A_19 : vector<1x1024xf32>
    %get3A_21 = arith.constant 0 : index
    %get3A_22 = arith.constant 0 : index
    %get3A_23 = arith.constant 0 : index
    %get3A_24 = vector.load %arg2[%get3A_21, %get3A_22, %get3A_23] : memref<1x256x1024xf32, #tpu.memory_space<vmem>>, vector<1x256x1024xf32>
    %get3A_25 = vector.shape_cast %get3A_24 : vector<1x256x1024xf32> to vector<256x1024xf32>
    %mul3A_26 = vector.broadcast %div3A_15 : vector<1x1024xf32> to vector<256x1024xf32>
    %mul3A_27 = arith.mulf %get3A_25, %mul3A_26 : vector<256x1024xf32>
    %add3A_28 = vector.broadcast %sub3A_20 : vector<1x1024xf32> to vector<256x1024xf32>
    %add3A_29 = arith.addf %mul3A_27, %add3A_28 : vector<256x1024xf32>
    %ge3A = arith.constant 0.000000e+00 : f32
    %ge3A_30 = vector.broadcast %ge3A : f32 to vector<256x1024xf32>
    %ge3A_31 = arith.cmpf oge, %add3A_29, %ge3A_30 : vector<256x1024xf32>
    %mul3A_32 = arith.constant 2.000000e-01 : f32
    %mul3A_33 = vector.broadcast %mul3A_32 : f32 to vector<256x1024xf32>
    %mul3A_34 = arith.mulf %mul3A_33, %add3A_29 : vector<256x1024xf32>
    %select_n3A = arith.select %ge3A_31, %add3A_29, %mul3A_34 : vector<256x1024xi1>, vector<256x1024xf32>
    %reduce_max3A = arith.constant dense<0xFF800000> : vector<1024xf32>
    %reduce_max3A_35 = vector.multi_reduction <maximumf>, %select_n3A, %reduce_max3A [0] : vector<256x1024xf32> to vector<1024xf32>
    %broadcast_in_dim3A = vector.shape_cast %reduce_max3A_35 : vector<1024xf32> to vector<1x1024xf32>
    %reduce_sum3A = arith.constant dense<0.000000e+00> : vector<1024xf32>
    %reduce_sum3A_36 = vector.multi_reduction <add>, %select_n3A, %reduce_sum3A [0] : vector<256x1024xf32> to vector<1024xf32>
    %broadcast_in_dim3A_37 = vector.shape_cast %reduce_sum3A_36 : vector<1024xf32> to vector<1x1024xf32>
    %div3A_38 = arith.constant 1.024000e+03 : f32
    %div3A_39 = vector.broadcast %div3A_38 : f32 to vector<1x1024xf32>
    %div3A_40 = arith.divf %broadcast_in_dim3A_37, %div3A_39 : vector<1x1024xf32>
    %eq3A = arith.constant 0 : i32
    %eq3A_41 = arith.cmpi eq, %arg1, %eq3A : i32
    %convert_element_type3A = arith.extui %eq3A_41 : i1 to i32
    %cond3A = arith.constant 0 : i32
    %cond3A_42 = arith.cmpi ne, %convert_element_type3A, %cond3A : i32
    scf.if %cond3A_42 {
      %swap3A = arith.constant 0 : index
      %swap3A_47 = arith.constant 0 : index
      %swap3A_48 = arith.constant 0 : index
      %swap3A_49 = vector.load %arg6[%swap3A, %swap3A_47, %swap3A_48] : memref<1x1x1024xf32, #tpu.memory_space<vmem>>, vector<1x1x1024xf32>
      %swap3A_50 = vector.shape_cast %swap3A_49 : vector<1x1x1024xf32> to vector<1x1024xf32>
      %swap3A_51 = vector.shape_cast %broadcast_in_dim3A : vector<1x1024xf32> to vector<1x1x1024xf32>
      tpu.vector_store %arg6[%swap3A, %swap3A_47, %swap3A_48], %swap3A_51 {strides = array<i32>} : memref<1x1x1024xf32, #tpu.memory_space<vmem>>, vector<1x1x1024xf32>,
      %swap3A_52 = arith.constant 0 : index
      %swap3A_53 = arith.constant 0 : index
      %swap3A_54 = arith.constant 0 : index
      %swap3A_55 = vector.load %arg7[%swap3A_52, %swap3A_53, %swap3A_54] : memref<1x1x1024xf32, #tpu.memory_space<vmem>>, vector<1x1x1024xf32>
      %swap3A_56 = vector.shape_cast %swap3A_55 : vector<1x1x1024xf32> to vector<1x1024xf32>
      %swap3A_57 = vector.shape_cast %div3A_40 : vector<1x1024xf32> to vector<1x1x1024xf32>
      tpu.vector_store %arg7[%swap3A_52, %swap3A_53, %swap3A_54], %swap3A_57 {strides = array<i32>} : memref<1x1x1024xf32, #tpu.memory_space<vmem>>, vector<1x1x1024xf32>,
    } else {
    }
    %ne3A = arith.constant 0 : i32
    %ne3A_43 = arith.cmpi ne, %arg1, %ne3A : i32
    %convert_element_type3A_44 = arith.extui %ne3A_43 : i1 to i32
    %cond3A_45 = arith.constant 0 : i32
    %cond3A_46 = arith.cmpi ne, %convert_element_type3A_44, %cond3A_45 : i32
    scf.if %cond3A_46 {
      %get3A_47 = arith.constant 0 : index
      %get3A_48 = arith.constant 0 : index
      %get3A_49 = arith.constant 0 : index
      %get3A_50 = vector.load %arg6[%get3A_47, %get3A_48, %get3A_49] : memref<1x1x1024xf32, #tpu.memory_space<vmem>>, vector<1x1x1024xf32>
      %get3A_51 = vector.shape_cast %get3A_50 : vector<1x1x1024xf32> to vector<1x1024xf32>
      %max3A = arith.maximumf %get3A_51, %broadcast_in_dim3A : vector<1x1024xf32>
      %swap3A = arith.constant 0 : index
      %swap3A_52 = arith.constant 0 : index
      %swap3A_53 = arith.constant 0 : index
      %swap3A_54 = vector.load %arg6[%swap3A, %swap3A_52, %swap3A_53] : memref<1x1x1024xf32, #tpu.memory_space<vmem>>, vector<1x1x1024xf32>
      %swap3A_55 = vector.shape_cast %swap3A_54 : vector<1x1x1024xf32> to vector<1x1024xf32>
      %swap3A_56 = vector.shape_cast %max3A : vector<1x1024xf32> to vector<1x1x1024xf32>
      tpu.vector_store %arg6[%swap3A, %swap3A_52, %swap3A_53], %swap3A_56 {strides = array<i32>} : memref<1x1x1024xf32, #tpu.memory_space<vmem>>, vector<1x1x1024xf32>,
      %get3A_57 = arith.constant 0 : index
      %get3A_58 = arith.constant 0 : index
      %get3A_59 = arith.constant 0 : index
      %get3A_60 = vector.load %arg7[%get3A_57, %get3A_58, %get3A_59] : memref<1x1x1024xf32, #tpu.memory_space<vmem>>, vector<1x1x1024xf32>
      %get3A_61 = vector.shape_cast %get3A_60 : vector<1x1x1024xf32> to vector<1x1024xf32>
      %add3A_62 = arith.addf %get3A_61, %div3A_40 : vector<1x1024xf32>
      %swap3A_63 = arith.constant 0 : index
      %swap3A_64 = arith.constant 0 : index
      %swap3A_65 = arith.constant 0 : index
      %swap3A_66 = vector.load %arg7[%swap3A_63, %swap3A_64, %swap3A_65] : memref<1x1x1024xf32, #tpu.memory_space<vmem>>, vector<1x1x1024xf32>
      %swap3A_67 = vector.shape_cast %swap3A_66 : vector<1x1x1024xf32> to vector<1x1024xf32>
      %swap3A_68 = vector.shape_cast %add3A_62 : vector<1x1024xf32> to vector<1x1x1024xf32>
      tpu.vector_store %arg7[%swap3A_63, %swap3A_64, %swap3A_65], %swap3A_68 {strides = array<i32>} : memref<1x1x1024xf32, #tpu.memory_space<vmem>>, vector<1x1x1024xf32>,
    } else {
    }
    return
  }
  func.func @transform_0(%arg0: i32, %arg1: i32) -> (i32, i32, i32) {
    %c0_i32 = arith.constant 0 : i32
    %c0_i32_0 = arith.constant 0 : i32
    return %arg0, %arg1, %c0_i32 : i32, i32, i32
  }
  func.func @transform_1(%arg0: i32, %arg1: i32) -> (i32, i32) {
    %c0_i32 = arith.constant 0 : i32
    %c0_i32_0 = arith.constant 0 : i32
    %c0_i32_1 = arith.constant 0 : i32
    return %c0_i32, %c0_i32_0 : i32, i32
  }
  func.func @transform_2(%arg0: i32, %arg1: i32) -> (i32, i32) {
    %c0_i32 = arith.constant 0 : i32
    %c0_i32_0 = arith.constant 0 : i32
    %c0_i32_1 = arith.constant 0 : i32
    return %c0_i32, %c0_i32_0 : i32, i32
  }
  func.func @transform_3(%arg0: i32, %arg1: i32) -> (i32, i32) {
    %c0_i32 = arith.constant 0 : i32
    %c0_i32_0 = arith.constant 0 : i32
    %c0_i32_1 = arith.constant 0 : i32
    return %c0_i32, %c0_i32_0 : i32, i32
  }
  func.func @transform_4(%arg0: i32, %arg1: i32) -> (i32, i32, i32) {
    %c0_i32 = arith.constant 0 : i32
    %c0_i32_0 = arith.constant 0 : i32
    %c0_i32_1 = arith.constant 0 : i32
    return %arg0, %c0_i32, %c0_i32_0 : i32, i32, i32
  }
  func.func @transform_5(%arg0: i32, %arg1: i32) -> (i32, i32, i32) {
    %c0_i32 = arith.constant 0 : i32
    %c0_i32_0 = arith.constant 0 : i32
    %c0_i32_1 = arith.constant 0 : i32
    return %arg0, %c0_i32, %c0_i32_0 : i32, i32, i32
  }
}

module attributes {stable_mosaic.version = 14 : i64} {
  func.func @_head_body(%arg0: memref<8x1024xf32, #tpu.memory_space<vmem>>, %arg1: memref<8x1024xf32, #tpu.memory_space<vmem>>, %arg2: memref<2048x512xf32, #tpu.memory_space<vmem>>, %arg3: memref<1x512xf32, #tpu.memory_space<vmem>>, %arg4: memref<1x512xf32, #tpu.memory_space<vmem>>, %arg5: memref<512x256xf32, #tpu.memory_space<vmem>>, %arg6: memref<1x256xf32, #tpu.memory_space<vmem>>, %arg7: memref<1x256xf32, #tpu.memory_space<vmem>>, %arg8: memref<1x256xf32, #tpu.memory_space<vmem>>, %arg9: memref<256x40xf32, #tpu.memory_space<vmem>>, %arg10: memref<1x40xf32, #tpu.memory_space<vmem>>, %arg11: memref<8x40xf32, #tpu.memory_space<vmem>>) attributes {dimension_semantics = [], scalar_prefetch = 0 : i64, scratch_operands = 0 : i64, tpu.core_type = #tpu.core_type<tc>} {
    %get3A = arith.constant 0 : index
    %get3A_0 = arith.constant 0 : index
    %get3A_1 = vector.load %arg0[%get3A, %get3A_0] : memref<8x1024xf32, #tpu.memory_space<vmem>>, vector<8x1024xf32>
    %get3A_2 = arith.constant 0 : index
    %get3A_3 = arith.constant 0 : index
    %get3A_4 = vector.load %arg1[%get3A_2, %get3A_3] : memref<8x1024xf32, #tpu.memory_space<vmem>>, vector<8x1024xf32>
    %concatenate3A = tpu.concatenate %get3A_1, %get3A_4 in 1 : vector<8x1024xf32>, vector<8x1024xf32> -> vector<8x2048xf32>
    %convert_element_type3A = arith.truncf %concatenate3A : vector<8x2048xf32> to vector<8x2048xbf16>
    %get3A_5 = arith.constant 0 : index
    %get3A_6 = arith.constant 0 : index
    %get3A_7 = vector.load %arg2[%get3A_5, %get3A_6] : memref<2048x512xf32, #tpu.memory_space<vmem>>, vector<2048x512xf32>
    %convert_element_type3A_8 = arith.truncf %get3A_7 : vector<2048x512xf32> to vector<2048x512xbf16>
    %dot_general3A = arith.constant dense<0.000000e+00> : vector<8x512xf32>
    %dot_general3A_9 = tpu.matmul %convert_element_type3A, %convert_element_type3A_8, %dot_general3A {dimension_numbers = #tpu.dot_dimension_numbers<[1], [0], [0], [1], [0, 0, 1, 1], [], []>, transpose_lhs_hint = false} : vector<8x2048xbf16>, vector<2048x512xbf16>, vector<8x512xf32> -> vector<8x512xf32>
    %reduce_sum3A = arith.constant dense<0.000000e+00> : vector<512xf32>
    %reduce_sum3A_10 = vector.multi_reduction <add>, %dot_general3A_9, %reduce_sum3A [0] : vector<8x512xf32> to vector<512xf32>
    %broadcast_in_dim3A = vector.shape_cast %reduce_sum3A_10 : vector<512xf32> to vector<1x512xf32>
    %div3A = arith.constant 8.000000e+00 : f32
    %div3A_11 = vector.broadcast %div3A : f32 to vector<1x512xf32>
    %div3A_12 = arith.divf %broadcast_in_dim3A, %div3A_11 : vector<1x512xf32>
    %sub3A = vector.broadcast %div3A_12 : vector<1x512xf32> to vector<8x512xf32>
    %sub3A_13 = arith.subf %dot_general3A_9, %sub3A : vector<8x512xf32>
    %sub3A_14 = vector.broadcast %div3A_12 : vector<1x512xf32> to vector<8x512xf32>
    %sub3A_15 = arith.subf %dot_general3A_9, %sub3A_14 : vector<8x512xf32>
    %mul3A = arith.mulf %sub3A_13, %sub3A_15 : vector<8x512xf32>
    %reduce_sum3A_16 = arith.constant dense<0.000000e+00> : vector<512xf32>
    %reduce_sum3A_17 = vector.multi_reduction <add>, %mul3A, %reduce_sum3A_16 [0] : vector<8x512xf32> to vector<512xf32>
    %broadcast_in_dim3A_18 = vector.shape_cast %reduce_sum3A_17 : vector<512xf32> to vector<1x512xf32>
    %div3A_19 = arith.constant 8.000000e+00 : f32
    %div3A_20 = vector.broadcast %div3A_19 : f32 to vector<1x512xf32>
    %div3A_21 = arith.divf %broadcast_in_dim3A_18, %div3A_20 : vector<1x512xf32>
    %sub3A_22 = vector.broadcast %div3A_12 : vector<1x512xf32> to vector<8x512xf32>
    %sub3A_23 = arith.subf %dot_general3A_9, %sub3A_22 : vector<8x512xf32>
    %add3A = arith.constant 9.99999974E-6 : f32
    %add3A_24 = vector.broadcast %add3A : f32 to vector<1x512xf32>
    %add3A_25 = arith.addf %div3A_21, %add3A_24 : vector<1x512xf32>
    %sqrt3A = math.sqrt %add3A_25 : vector<1x512xf32>
    %div3A_26 = vector.broadcast %sqrt3A : vector<1x512xf32> to vector<8x512xf32>
    %div3A_27 = arith.divf %sub3A_23, %div3A_26 : vector<8x512xf32>
    %get3A_28 = arith.constant 0 : index
    %get3A_29 = arith.constant 0 : index
    %get3A_30 = vector.load %arg3[%get3A_28, %get3A_29] : memref<1x512xf32, #tpu.memory_space<vmem>>, vector<1x512xf32>
    %mul3A_31 = vector.broadcast %get3A_30 : vector<1x512xf32> to vector<8x512xf32>
    %mul3A_32 = arith.mulf %div3A_27, %mul3A_31 : vector<8x512xf32>
    %get3A_33 = arith.constant 0 : index
    %get3A_34 = arith.constant 0 : index
    %get3A_35 = vector.load %arg4[%get3A_33, %get3A_34] : memref<1x512xf32, #tpu.memory_space<vmem>>, vector<1x512xf32>
    %add3A_36 = vector.broadcast %get3A_35 : vector<1x512xf32> to vector<8x512xf32>
    %add3A_37 = arith.addf %mul3A_32, %add3A_36 : vector<8x512xf32>
    %ge3A = arith.constant 0.000000e+00 : f32
    %ge3A_38 = vector.broadcast %ge3A : f32 to vector<8x512xf32>
    %ge3A_39 = arith.cmpf oge, %add3A_37, %ge3A_38 : vector<8x512xf32>
    %mul3A_40 = arith.constant 2.000000e-01 : f32
    %mul3A_41 = vector.broadcast %mul3A_40 : f32 to vector<8x512xf32>
    %mul3A_42 = arith.mulf %mul3A_41, %add3A_37 : vector<8x512xf32>
    %select_n3A = arith.select %ge3A_39, %add3A_37, %mul3A_42 : vector<8x512xi1>, vector<8x512xf32>
    %convert_element_type3A_43 = arith.truncf %select_n3A : vector<8x512xf32> to vector<8x512xbf16>
    %get3A_44 = arith.constant 0 : index
    %get3A_45 = arith.constant 0 : index
    %get3A_46 = vector.load %arg5[%get3A_44, %get3A_45] : memref<512x256xf32, #tpu.memory_space<vmem>>, vector<512x256xf32>
    %convert_element_type3A_47 = arith.truncf %get3A_46 : vector<512x256xf32> to vector<512x256xbf16>
    %dot_general3A_48 = arith.constant dense<0.000000e+00> : vector<8x256xf32>
    %dot_general3A_49 = tpu.matmul %convert_element_type3A_43, %convert_element_type3A_47, %dot_general3A_48 {dimension_numbers = #tpu.dot_dimension_numbers<[1], [0], [0], [1], [0, 0, 1, 1], [], []>, transpose_lhs_hint = false} : vector<8x512xbf16>, vector<512x256xbf16>, vector<8x256xf32> -> vector<8x256xf32>
    %get3A_50 = arith.constant 0 : index
    %get3A_51 = arith.constant 0 : index
    %get3A_52 = vector.load %arg6[%get3A_50, %get3A_51] : memref<1x256xf32, #tpu.memory_space<vmem>>, vector<1x256xf32>
    %add3A_53 = vector.broadcast %get3A_52 : vector<1x256xf32> to vector<8x256xf32>
    %add3A_54 = arith.addf %dot_general3A_49, %add3A_53 : vector<8x256xf32>
    %reduce_sum3A_55 = arith.constant dense<0.000000e+00> : vector<256xf32>
    %reduce_sum3A_56 = vector.multi_reduction <add>, %add3A_54, %reduce_sum3A_55 [0] : vector<8x256xf32> to vector<256xf32>
    %broadcast_in_dim3A_57 = vector.shape_cast %reduce_sum3A_56 : vector<256xf32> to vector<1x256xf32>
    %div3A_58 = arith.constant 8.000000e+00 : f32
    %div3A_59 = vector.broadcast %div3A_58 : f32 to vector<1x256xf32>
    %div3A_60 = arith.divf %broadcast_in_dim3A_57, %div3A_59 : vector<1x256xf32>
    %sub3A_61 = vector.broadcast %div3A_60 : vector<1x256xf32> to vector<8x256xf32>
    %sub3A_62 = arith.subf %add3A_54, %sub3A_61 : vector<8x256xf32>
    %sub3A_63 = vector.broadcast %div3A_60 : vector<1x256xf32> to vector<8x256xf32>
    %sub3A_64 = arith.subf %add3A_54, %sub3A_63 : vector<8x256xf32>
    %mul3A_65 = arith.mulf %sub3A_62, %sub3A_64 : vector<8x256xf32>
    %reduce_sum3A_66 = arith.constant dense<0.000000e+00> : vector<256xf32>
    %reduce_sum3A_67 = vector.multi_reduction <add>, %mul3A_65, %reduce_sum3A_66 [0] : vector<8x256xf32> to vector<256xf32>
    %broadcast_in_dim3A_68 = vector.shape_cast %reduce_sum3A_67 : vector<256xf32> to vector<1x256xf32>
    %div3A_69 = arith.constant 8.000000e+00 : f32
    %div3A_70 = vector.broadcast %div3A_69 : f32 to vector<1x256xf32>
    %div3A_71 = arith.divf %broadcast_in_dim3A_68, %div3A_70 : vector<1x256xf32>
    %sub3A_72 = vector.broadcast %div3A_60 : vector<1x256xf32> to vector<8x256xf32>
    %sub3A_73 = arith.subf %add3A_54, %sub3A_72 : vector<8x256xf32>
    %add3A_74 = arith.constant 9.99999974E-6 : f32
    %add3A_75 = vector.broadcast %add3A_74 : f32 to vector<1x256xf32>
    %add3A_76 = arith.addf %div3A_71, %add3A_75 : vector<1x256xf32>
    %sqrt3A_77 = math.sqrt %add3A_76 : vector<1x256xf32>
    %div3A_78 = vector.broadcast %sqrt3A_77 : vector<1x256xf32> to vector<8x256xf32>
    %div3A_79 = arith.divf %sub3A_73, %div3A_78 : vector<8x256xf32>
    %get3A_80 = arith.constant 0 : index
    %get3A_81 = arith.constant 0 : index
    %get3A_82 = vector.load %arg7[%get3A_80, %get3A_81] : memref<1x256xf32, #tpu.memory_space<vmem>>, vector<1x256xf32>
    %mul3A_83 = vector.broadcast %get3A_82 : vector<1x256xf32> to vector<8x256xf32>
    %mul3A_84 = arith.mulf %div3A_79, %mul3A_83 : vector<8x256xf32>
    %get3A_85 = arith.constant 0 : index
    %get3A_86 = arith.constant 0 : index
    %get3A_87 = vector.load %arg8[%get3A_85, %get3A_86] : memref<1x256xf32, #tpu.memory_space<vmem>>, vector<1x256xf32>
    %add3A_88 = vector.broadcast %get3A_87 : vector<1x256xf32> to vector<8x256xf32>
    %add3A_89 = arith.addf %mul3A_84, %add3A_88 : vector<8x256xf32>
    %ge3A_90 = arith.constant 0.000000e+00 : f32
    %ge3A_91 = vector.broadcast %ge3A_90 : f32 to vector<8x256xf32>
    %ge3A_92 = arith.cmpf oge, %add3A_89, %ge3A_91 : vector<8x256xf32>
    %mul3A_93 = arith.constant 2.000000e-01 : f32
    %mul3A_94 = vector.broadcast %mul3A_93 : f32 to vector<8x256xf32>
    %mul3A_95 = arith.mulf %mul3A_94, %add3A_89 : vector<8x256xf32>
    %select_n3A_96 = arith.select %ge3A_92, %add3A_89, %mul3A_95 : vector<8x256xi1>, vector<8x256xf32>
    %convert_element_type3A_97 = arith.truncf %select_n3A_96 : vector<8x256xf32> to vector<8x256xbf16>
    %get3A_98 = arith.constant 0 : index
    %get3A_99 = arith.constant 0 : index
    %get3A_100 = vector.load %arg9[%get3A_98, %get3A_99] : memref<256x40xf32, #tpu.memory_space<vmem>>, vector<256x40xf32>
    %convert_element_type3A_101 = arith.truncf %get3A_100 : vector<256x40xf32> to vector<256x40xbf16>
    %dot_general3A_102 = arith.constant dense<0.000000e+00> : vector<8x40xf32>
    %dot_general3A_103 = tpu.matmul %convert_element_type3A_97, %convert_element_type3A_101, %dot_general3A_102 {dimension_numbers = #tpu.dot_dimension_numbers<[1], [0], [0], [1], [0, 0, 1, 1], [], []>, transpose_lhs_hint = false} : vector<8x256xbf16>, vector<256x40xbf16>, vector<8x40xf32> -> vector<8x40xf32>
    %get3A_104 = arith.constant 0 : index
    %get3A_105 = arith.constant 0 : index
    %get3A_106 = vector.load %arg10[%get3A_104, %get3A_105] : memref<1x40xf32, #tpu.memory_space<vmem>>, vector<1x40xf32>
    %add3A_107 = vector.broadcast %get3A_106 : vector<1x40xf32> to vector<8x40xf32>
    %add3A_108 = arith.addf %dot_general3A_103, %add3A_107 : vector<8x40xf32>
    %swap3A = arith.constant 0 : index
    %swap3A_109 = arith.constant 0 : index
    %swap3A_110 = vector.load %arg11[%swap3A, %swap3A_109] : memref<8x40xf32, #tpu.memory_space<vmem>>, vector<8x40xf32>
    tpu.vector_store %arg11[%swap3A, %swap3A_109], %add3A_108 {strides = array<i32>} : memref<8x40xf32, #tpu.memory_space<vmem>>, vector<8x40xf32>,
    return
  }
}

</mosaic_0001>

<sc_bundles>
// kernel: kernel.25.cloned.1.call-start
scs
__scs_entry_jumppad:
0x0: {  	(pc) =	sbr.rel $0x88, $3  }
0x1: {  	(tag) =	ssettag $0x0;
	lr =	simm.s32 $0x1  }
0x2: {  	[smem:$0x3F88] =	sst lr;
	_ =	strace $0xD0000000  }
0x3: {  	_ = 	snop  }
0x4: {  	_ = 	snop  }
0x5: {  	_ = 	snop  }
0x6: {  	_ = 	snop  }
0x7: {  	_ = 	snop  }
__scs_overlays_trampoline_lowered:
0x8: {  	[smem:$0x3F97] =	sst s0  }
0x9: {  	[smem:$0x3F98] =	sst s1  }
0xa: {  	[smem:$0x3F99] =	sst s2  }
0xb: {  	[smem:$0x3F9A] =	sst s3  }
0xc: {  	[smem:$0x3F9B] =	sst s4  }
0xd: {  	[smem:$0x3F9C] =	sst s5  }
0xe: {  	[smem:$0x3F9D] =	sst s6  }
0xf: {  	[smem:$0x3F9E] =	sst s7  }
0x10: {  	[smem:$0x3F9F] =	sst s8  }
0x11: {  	[smem:$0x3FA0] =	sst s9;
	s0 =	simm.s32 @!p0 $0x0  }
0x12: {  	s1 =	sld [smem:$0x3F86];
	s0 =	simm.s32 @p0 $0x1  }
0x13: {  	[smem:$0x3FA1] =	sst s0;
	s0 =	simm.s32 @!p1 $0x0  }
0x14: {  	s2 =	sld [smem:$0x3F85];
	s0 =	simm.s32 @p1 $0x1  }
0x15: {  	[smem:$0x3FA2] =	sst s0;
	s0 =	simm.s32 @!p2 $0x0  }
0x16: {  	s3 =	sld [smem:$0x3FDB];
	s0 =	simm.s32 @p2 $0x1  }
0x17: {  	s4 =	simm.s32 $0x1BF5;
	[smem:$0x3FA4] =	sst s0  }
0x18: {  	s0 =	sld [smem:$0x3F87];
	_ =	swait.ge [sflag:s4], $0x0  }
0x19: {  	s7 =	sld [smem:$0x3F88]  }
0x1a: {  	s8 =	sadd.s32 $0xFFFFE003, lr  }
0x1b: {  	s9 =	sadd.s32 $0xFFFFFEF7, lr;
	s5 =	simm.s32 $0xFFFFFFFF;
	p2 =	slt.u32 s8, $0xFFFFF086  }
0x1c: {  	p1 =	slt.u32 s9, $0xF7A;
	s5 =	simm.s32 @!p2 $0x0  }
0x1d: {  	s5 =	simm.s32 @p1 $0x1;
	p0 =	seq.s32 s7, s2  }
0x1e: {  	s7 =	smul.u32 @!p0 $0xF7A, s2;
	p2 =	seq.s32 @!p0 s5, $0x0  }
0x1f: {  	s9 =	smul.u32 $0xF7A, s1;
	s8 =	simm.s32 @!p0 $0x1BF5;
	p2 =	por !p2, p0  }
0x20: {  	[sflag:s8] =	ssyncset.s32 @!p0 $0xFFFFF086;
	s6 =	sadd.s32 @!p0 s3, s7;
	s7 =	simm.s32 @!p0 $0x108  }
0x21: {  	s3 =	sadd.s32 s3, s9;
	s6 =	sadd.s32 @!p0 $0x88, s6;
	s7 =	simm.s32 @p2 $0x1082  }
0x22: {  	[simem:s7], [sflag:s8] =	dma.local @!p0 [hbm:s6], $0xF7A  }
0x23: {  	s9 =	sor.u32 $0xD0000000, s2;
	s6 =	simm.s32 $0x108;
	_ =	swait.ge @!p0 [sflag:s8], $0x0  }
0x24: {  	s3 =	sadd.s32 $0x88, s3;
	s6 =	simm.s32 @!p1 $0x1082;
	[sflag:s4] =	ssyncset.s32 $0xFFFFF086  }
0x25: {  	[simem:s6], [sflag:s4] =	dma.local [hbm:s3], $0xF7A  }
0x26: {  	[smem:$0x3F88] =	sst s1;
	(tag) =	ssettag s2;
	_ =	strace s9  }
0x27: {  	s1 =	sld [smem:$0x3F98]  }
0x28: {  	s2 =	sld [smem:$0x3F99]  }
0x29: {  	s4 =	sld [smem:$0x3F9B]  }
0x2a: {  	p0 =	seq.s32 s5, $0x0;
	s5 =	sld [smem:$0x3F9C]  }
0x2b: {  	s6 =	sld [smem:$0x3F9D]  }
0x2c: {  	s7 =	sld [smem:$0x3F9E]  }
0x2d: {  	s3 =	simm.s32 $0x108;
	s8 =	sld [smem:$0x3F9F]  }
0x2e: {  	s3 =	simm.s32 @!p0 $0x1082;
	s9 =	sld [smem:$0x3FA0]  }
0x2f: {  	lr =	sadd.s32 s0, s3;
	s0 =	sld [smem:$0x3F97]  }
0x30: {  	s3 =	sld [smem:$0x3F9A]  }
0x31: {  	[smem:$0x3FA3] =	sst s10  }
0x32: {  	s10 =	sld [smem:$0x3FA1];
	_ =	sdelay $0x3  }
0x33: {  	p0 =	seq.s32 s10, $0x1;
	s10 =	sld [smem:$0x3FA3];
	_ =	sdelay $0x3  }
0x34: {  	[smem:$0x3FA3] =	sst s10  }
0x35: {  	s10 =	sld [smem:$0x3FA2];
	_ =	sdelay $0x3  }
0x36: {  	p1 =	seq.s32 s10, $0x1;
	s10 =	sld [smem:$0x3FA3];
	_ =	sdelay $0x3  }
0x37: {  	[smem:$0x3FA3] =	sst s10  }
0x38: {  	s10 =	sld [smem:$0x3FA4]  }
0x39: {  	_ = 	snop;
	(pc) =	sbr.ind lr, $3  }
0x3a: {  	_ = 	snop  }
0x3b: {  	_ = 	snop  }
0x3c: {  	p2 =	seq.s32 s10, $0x1;
	s10 =	sld [smem:$0x3FA3]  }
0x3d: {  	_ =	shalt  }
0x3e: {  	_ =	shalt  }
0x3f: {  	_ =	shalt  }
0x40: {  	_ =	shalt  }
0x41: {  	_ =	shalt  }
0x42: {  	_ =	shalt  }
0x43: {  	_ =	shalt  }
0x44: {  	_ =	shalt  }
0x45: {  	_ =	shalt  }
0x46: {  	_ =	shalt  }
0x47: {  	_ =	shalt  }
0x48: {  	_ =	shalt  }
0x49: {  	_ =	shalt  }
0x4a: {  	_ =	shalt  }
0x4b: {  	_ =	shalt  }
0x4c: {  	_ =	shalt  }
0x4d: {  	_ =	shalt  }
0x4e: {  	_ =	shalt  }
0x4f: {  	_ =	shalt  }
0x50: {  	_ =	shalt  }
0x51: {  	_ =	shalt  }
0x52: {  	_ =	shalt  }
0x53: {  	_ =	shalt  }
0x54: {  	_ =	shalt  }
0x55: {  	_ =	shalt  }
0x56: {  	_ =	shalt  }
0x57: {  	_ =	shalt  }
0x58: {  	_ =	shalt  }
0x59: {  	_ =	shalt  }
0x5a: {  	_ =	shalt  }
0x5b: {  	_ =	shalt  }
0x5c: {  	_ =	shalt  }
0x5d: {  	_ =	shalt  }
0x5e: {  	_ =	shalt  }
0x5f: {  	_ =	shalt  }
0x60: {  	_ =	shalt  }
0x61: {  	_ =	shalt  }
0x62: {  	_ =	shalt  }
0x63: {  	_ =	shalt  }
0x64: {  	_ =	shalt  }
0x65: {  	_ =	shalt  }
0x66: {  	_ =	shalt  }
0x67: {  	_ =	shalt  }
0x68: {  	_ =	shalt  }
0x69: {  	_ =	shalt  }
0x6a: {  	_ =	shalt  }
0x6b: {  	_ =	shalt  }
0x6c: {  	_ =	shalt  }
0x6d: {  	_ =	shalt  }
0x6e: {  	_ =	shalt  }
0x6f: {  	_ =	shalt  }
0x70: {  	_ =	shalt  }
0x71: {  	_ =	shalt  }
0x72: {  	_ =	shalt  }
0x73: {  	_ =	shalt  }
0x74: {  	_ =	shalt  }
0x75: {  	_ =	shalt  }
0x76: {  	_ =	shalt  }
0x77: {  	_ =	shalt  }
0x78: {  	_ =	shalt  }
0x79: {  	_ =	shalt  }
0x7a: {  	_ =	shalt  }
0x7b: {  	_ =	shalt  }
0x7c: {  	_ =	shalt  }
0x7d: {  	_ =	shalt  }
0x7e: {  	_ =	shalt  }
0x7f: {  	_ =	shalt  }
0x80: {  	_ =	shalt  }
0x81: {  	_ =	shalt  }
0x82: {  	_ =	shalt  }
0x83: {  	_ =	shalt  }
0x84: {  	_ =	shalt  }
0x85: {  	_ =	shalt  }
0x86: {  	_ =	shalt  }
0x87: {  	_ =	shalt  }
.Lfunc_end0:
.L_simem_size_0:
called_computation_lowered:
.L_overlay_start_0:
0x88: {  	s2 =	sld [smem:$0x3FD9]  }
0x89: {  	s3 =	sld [smem:$0x3FFE];
	_ =	sdelay $0x1  }
0x8a: {  	s1 =	srdreg.scid  }
0x8b: {  	s0 =	sand.u32 $0x1, s1  }
0x8c: {  	s16 =	sshll.u32 s0, $0xA;
	s2 =	sadd.s32 s3, s2  }
0x8d: {  	s2 =	sadd.s32 s2, s16  }
0x8e: {  	[smem:$0x3FAF] =	sst s2  }
0x8f: {  	_ = 	snop  }
0x90: {  	(tm) =	ssettm $0x1  }
0x91: {  	s17 =	sld [smem:$0x3FFB];
	_ =	sdelay $0x3  }
0x92: {  	_ =	strace s17  }
0x93: {  	s2 =	sld [smem:$0x3FFC];
	_ =	sdelay $0x3  }
0x94: {  	_ =	strace s2  }
0x95: {  	s2 =	sld [smem:$0x3FFD];
	_ =	sdelay $0x3  }
0x96: {  	_ =	strace s2  }
0x97: {  	_ =	strace $0x8FFFFFFF  }
0x98: {  	s18 =	sld [smem:$0x3FDB];
	_ =	sdelay $0x1  }
0x99: {  	s19 =	simm.s32 $_scs_section_size  }
0x9a: {  	s4 =	simm.s32 $_size__tile_overlayer_lowered;
	s5 =	simm.s32 $_tile_overlayer_lowered  }
0x9b: {  	s22 =	simm.s32 $0x1BFF;
	s21 =	sshll.u32 s5, $0x1;
	s2 =	sadd.s32 s19, s18  }
0x9c: {  	s6 =	simm.s32 $0x0;
	s20 =	sshll.u32 s4, $0x1;
	s4 =	sadd.s32 s21, s2  }
0x9d: {  	[timem:s6], [sflag:s22] =	dma.local [hbm:s4], s20  }
0x9e: {  	_ =	swait.ge [sflag:s22], s20  }
0x9f: {  	s3 =	ssub.s32 $0x0, s20;
	[sflag:s22] =	ssyncset.done $0x0  }
0xa0: {  	[sflag:s22] =	ssyncadd.s32 s3;
	_ =	sdelay $0x1  }
0xa1: {  	s23 =	simm.s32 $0x1B8B  }
0xa2: {  	_ =	swait.ge [sflag:s23], $0x1  }
0xa3: {  	[sflag:s23] =	ssyncset.done $0x0  }
0xa4: {  	s25 =	simm.s32 $0x1B8E;
	s24 =	sld [smem:$0x3FFE];
	[sflag:s23] =	ssyncadd.s32 $0xFFFFFFFF  }
0xa5: {  	s26 =	simm.s32 $execute0_lowered;
	[smem:$0x3FD2] =	sst s25  }
0xa6: {  	s4 =	sshll.u32 s26, $0x1;
	_ =	strace $0x80000046;
	[dreg:$0x1] =	wrdreg $0xFFFFFFFF  }
0xa7: {  	s28 =	simm.s32 $_size_execute0_lowered;
	s2 =	sadd.s32 s2, s4;
	[dreg:$0x0] =	wrdreg $0x0  }
0xa8: {  	s4 =	sshll.u32 s28, $0x1;
	[dreg:$0x2] =	wrdreg s2  }
0xa9: {  	[dreg:$0x3] =	wrdreg s4  }
0xaa: {  	[dreg:$0x4] =	wrdreg $0xC0  }
0xab: {  	_ =	task [dreg:s6], $0x5FFFF  }
0xac: {  	[dreg:$0x1] =	wrdreg $0xFFFFFFFF  }
0xad: {  	[dreg:$0x0] =	wrdreg $0x60  }
0xae: {  	[dreg:$0x2] =	wrdreg s24  }
0xaf: {  	[dreg:$0x3] =	wrdreg $0x9  }
0xb0: {  	_ =	task.clear_ibuf [dreg:s6], $0x4FFFF;
	_ =	strace $0x90000046  }
0xb1: {  	s29 =	simm.s32 $0x9;
	_ =	strace $0x80000048  }
0xb2: {  	_ =	swait.ge [sflag:s29], $0x1  }
0xb3: {  	[sflag:s29] =	ssyncadd.s32 $0xFFFFFFFF  }
0xb4: {  	_ =	strace $0x90000048  }
0xb5: {  	_ =	sfence  }
0xb6: {  	s30 =	sld [smem:$0x0];
	_ =	sdelay $0x2  }
0xb7: {  	s31 =	sshll.u32 s1, $0xD;
	s1 =	sshrl.u32 s1, $0x2  }
0xb8: {  	s3 =	sand.u32 $0x4000, s31;
	s1 =	sadd.s32 s1, s30  }
0xb9: {  	s0 =	sor.u32 s3, s0;
	s1 =	sshll.u32 s1, $0x11  }
0xba: {  	s0 =	sor.u32 s1, s0  }
0xbb: {  	s0 =	sadd.s32 $0x8F2B, s0  }
0xbc: {  	[sflag:s0] =	ssyncadd.remote.s32 $0x1  }
0xbd: {  	_ =	sfence.sel $0xFFFF  }
0xbe: {  	[dreg:$0x0] =	wrdreg $0xFFFFFFFF;
	(pc) =	sbr.abs _section_cstart, $3  }
0xbf: {  	[dreg:$0x1] =	wrdreg $0xFFFFFFFF  }
0xc0: {  	_ =	task.clear_ibuf [dreg:s6], $0x2FFFF;
	_ =	strace $0x9FFFFFFF  }
0xc1: {  	(tm) =	ssettm $0x7FFFFFFF  }
tec
execute0_lowered:
.L_overlay_start_1:
0x0: {  	(tag) =	ssettag $0x1  }
0x1: {  	s1 =	srdreg.scid  }
0x2: {  	s0 =	stileid.u32;
	s4 =	rddreg [dreg:$0x0];
	s2 =	simm.s32 $0x0  }
0x3: {  	s11 =	simm.s32 $0x0;
	s5 =	sand.u32 $0x1, s1;
	s1 =	rddreg [dreg:$0x1]  }
0x4: {  	s3 =	sshll.u32 s0, $0x1;
	[smem:$0x7FF] =	sst s2;
	s7 =	smul.u32 $0x28000, s0  }
0x5: {  	s3 =	sor.u32 s5, s3;
	_ =	strace $0x80000047;
	s10 =	smul.u32 $0x14000, s5  }
0x6: {  	s8 =	ssub.s32 $0x2, s5;
	s6 =	smul.u32 $0x280, s3;
	s3 =	sadd.s32 $0x6000, s4  }
0x7: {  	s9 =	sshrl.u32 s8, $0x1;
	s30 =	sadd.s32 s7, s4;
	s7 =	simm.s32 $0x2  }
0x8: {  	s31 =	ssub.s32 s8, s9;
	s8 =	simm.s32 $0x80;
	s9 =	simm.s32 $0x1400  }
0x9: {  	s29 =	sadd.s32 s6, s4;
	s5 =	smax.u32 s31, $0x1;
	s6 =	sadd.s32 s10, s30  }
0xa: {  	s10 =	simm.s32 $0x1;
	s4 =	sadd.s32 $0x26000, s29;
	s6 =	sadd.s32 $0x2B000, s6  }
.LBB2_1:
0xb: {  	[tilespmem:s2], [sflag:$0x2] =	stream.linear.gather [hbm4b:s4+s2], $0x1400, $0x38;
	[tilespmem:$0x5400] =	vst v63  }
0xc: {  	_ =	swait.ge [sflag:s7], $0x1400  }
0xd: {  	[sflag:s7] =	ssyncset.done $0x0  }
0xe: {  	s12 =	simm.s32 $0x0;
	[sflag:s7] =	ssyncadd.s32 $0xFFFFEC00  }
0xf: {  	[tilespmem:s9], [sflag:$0x1] =	stream.indirect.gather [hbm4b:s3+s8], $0x80, s12, s8, $0xb8;
	[tilespmem:$0x5400] =	vst v63  }
0x10: {  	_ =	swait.ge [sflag:s10], $0x4000  }
0x11: {  	[sflag:s10] =	ssyncset.done $0x0  }
0x12: {  	[sflag:s10] =	ssyncadd.s32 $0xFFFFC000  }
0x13: {  	[hbm4b:s6+s2] =	stream.linear.scatter [tilespmem:s9], [sflag:$0x2], $0x4000, $0x38;
	[tilespmem:$0x5400] =	vst v63  }
0x14: {  	s13 =	simm.s32 $0x200;
	_ =	swait.ge [sflag:s7], $0x4000  }
0x15: {  	s14 =	simm.s32 $0x400;
	s12 =	sadd.s32 $0x800, s6;
	[sflag:s7] =	ssyncset.done $0x0  }
.LBB2_2:
0x16: {  	s15 =	sshra.s32 s13, $0x2  }
0x17: {  	[sflag:s7] =	ssyncadd.s32 $0xFFFFC000;
	s13 =	smov.u32 s14;
	s16 =	sadd.s32 $0x200, s14  }
0x18: {  	[tilespmem:s9], [sflag:$0x1] =	stream.indirect.gather [hbm4b:s3+s8], $0x80, s15, s8, $0xb8;
	[tilespmem:$0x5400] =	vst v63  }
0x19: {  	p0 =	sne.s32 s14, $0x4E00;
	_ =	swait.ge [sflag:s10], $0x4000  }
.Ltmp0:
0x1a: {  	[sflag:s10] =	ssyncset.done $0x0;
	(pc) =	sbr.rel @p0 .LBB2_2-.Ltmp0, $4  }
0x1b: {  	[sflag:s10] =	ssyncadd.s32 $0xFFFFC000  }
0x1c: {  	[hbm4b:s12+s2] =	stream.linear.scatter [tilespmem:s9], [sflag:$0x2], $0x4000, $0x38;
	[tilespmem:$0x5400] =	vst v63  }
0x1d: {  	_ =	swait.ge [sflag:s7], $0x4000  }
0x1e: {  	s14 =	smov.u32 s16;
	s12 =	sadd.s32 $0x800, s12;
	[sflag:s7] =	ssyncset.done $0x0  }
0x1f: {  	s13 =	sshra.s32 s13, $0x2;
	[sflag:s7] =	ssyncadd.s32 $0xFFFFC000  }
0x20: {  	[tilespmem:s9], [sflag:$0x1] =	stream.indirect.gather [hbm4b:s3+s8], $0x80, s13, s8, $0xb8;
	[tilespmem:$0x5400] =	vst v63  }
0x21: {  	s11 =	sadd.s32 $0x1, s11;
	_ =	swait.ge [sflag:s10], $0x4000  }
0x22: {  	p0 =	sne.s32 s11, s5;
	[sflag:s10] =	ssyncset.done $0x0  }
.Ltmp1:
0x23: {  	[sflag:s10] =	ssyncadd.s32 $0xFFFFC000;
	(pc) =	sbr.rel @p0 .LBB2_1-.Ltmp1, $4  }
0x24: {  	[hbm4b:s12+s2] =	stream.linear.scatter [tilespmem:s9], [sflag:$0x2], $0x4000, $0x38;
	[tilespmem:$0x5400] =	vst v63  }
0x25: {  	_ =	swait.ge [sflag:s7], $0x4000  }
0x26: {  	[sflag:s7] =	ssyncset.done $0x0  }
0x27: {  	[sflag:s7] =	ssyncadd.s32 $0xFFFFC000  }
0x28: {  	_ =	sfence.sel $0x180000  }
0x29: {  	[bflag:$0x0] =	sbarrier.arrive $0xFFFF  }
0x2a: {  	p0 =	sne.s32 s0, $0x0;
	_ =	strace $0x90000047  }
0x2b: {  	s0 =	sadd.s32 @!p0 $0x100000, s1;
	[bflag:$0x2] =	sbarrier.arrive $0xFFFF  }
0x2c: {  	[sflag:s0] =	ssyncadd.tile.s32 @!p0 $0x1;
	_ =	shalt  }
.Lfunc_end2:
_tile_overlayer_lowered:
.L_overlay_start_2:
0x2d: {  	(tag) =	ssettag $0x2  }
0x2e: {  	s0 =	rddreg [dreg:$0x0];
	s2 =	stileid.u32  }
0x2f: {  	s1 =	rddreg [dreg:$0x1];
	p0 =	sne.s32 s2, $0x0  }
0x30: {  	s3 =	rddreg [dreg:$0x2];
	[bflag:$0x3] =	sbarrier.arrive $0xFFFF;
	s2 =	simm.s32 @!p0 $0x1C02  }
0x31: {  	[timem:s3], [sflag:s2] =	dma.local @!p0 [hbm:s0], s1  }
0x32: {  	s0 =	simm.s32 @!p0 $0x2  }
0x33: {  	_ =	swait.ge @!p0 [sflag:s0], s1  }
0x34: {  	s1 =	ssub.s32 @!p0 $0x0, s1;
	[sflag:s0] =	ssyncset.done @!p0 $0x0  }
0x35: {  	[sflag:s0] =	ssyncadd.s32 @!p0 s1  }
0x36: {  	[bflag:$0x3] =	sbarrier.arrive $0xFFFF  }
0x37: {  	_ =	shalt  }

// kernel: kernel.28.cloned.1.call-start
scs
__scs_entry_jumppad:
0x0: {  	(pc) =	sbr.rel $0x88, $3  }
0x1: {  	(tag) =	ssettag $0x0;
	lr =	simm.s32 $0x1  }
0x2: {  	[smem:$0x3F88] =	sst lr;
	_ =	strace $0xD0000000  }
0x3: {  	_ = 	snop  }
0x4: {  	_ = 	snop  }
0x5: {  	_ = 	snop  }
0x6: {  	_ = 	snop  }
0x7: {  	_ = 	snop  }
__scs_overlays_trampoline_lowered:
0x8: {  	[smem:$0x3F97] =	sst s0  }
0x9: {  	[smem:$0x3F98] =	sst s1  }
0xa: {  	[smem:$0x3F99] =	sst s2  }
0xb: {  	[smem:$0x3F9A] =	sst s3  }
0xc: {  	[smem:$0x3F9B] =	sst s4  }
0xd: {  	[smem:$0x3F9C] =	sst s5  }
0xe: {  	[smem:$0x3F9D] =	sst s6  }
0xf: {  	[smem:$0x3F9E] =	sst s7  }
0x10: {  	[smem:$0x3F9F] =	sst s8  }
0x11: {  	[smem:$0x3FA0] =	sst s9;
	s0 =	simm.s32 @!p0 $0x0  }
0x12: {  	s1 =	sld [smem:$0x3F86];
	s0 =	simm.s32 @p0 $0x1  }
0x13: {  	[smem:$0x3FA1] =	sst s0;
	s0 =	simm.s32 @!p1 $0x0  }
0x14: {  	s2 =	sld [smem:$0x3F85];
	s0 =	simm.s32 @p1 $0x1  }
0x15: {  	[smem:$0x3FA2] =	sst s0;
	s0 =	simm.s32 @!p2 $0x0  }
0x16: {  	s3 =	sld [smem:$0x3FDB];
	s0 =	simm.s32 @p2 $0x1  }
0x17: {  	s4 =	simm.s32 $0x1BF5;
	[smem:$0x3FA4] =	sst s0  }
0x18: {  	s0 =	sld [smem:$0x3F87];
	_ =	swait.ge [sflag:s4], $0x0  }
0x19: {  	s7 =	sld [smem:$0x3F88]  }
0x1a: {  	s8 =	sadd.s32 $0xFFFFE003, lr  }
0x1b: {  	s9 =	sadd.s32 $0xFFFFFEF7, lr;
	s5 =	simm.s32 $0xFFFFFFFF;
	p2 =	slt.u32 s8, $0xFFFFF086  }
0x1c: {  	p1 =	slt.u32 s9, $0xF7A;
	s5 =	simm.s32 @!p2 $0x0  }
0x1d: {  	s5 =	simm.s32 @p1 $0x1;
	p0 =	seq.s32 s7, s2  }
0x1e: {  	s7 =	smul.u32 @!p0 $0xF7A, s2;
	p2 =	seq.s32 @!p0 s5, $0x0  }
0x1f: {  	s9 =	smul.u32 $0xF7A, s1;
	s8 =	simm.s32 @!p0 $0x1BF5;
	p2 =	por !p2, p0  }
0x20: {  	[sflag:s8] =	ssyncset.s32 @!p0 $0xFFFFF086;
	s6 =	sadd.s32 @!p0 s3, s7;
	s7 =	simm.s32 @!p0 $0x108  }
0x21: {  	s3 =	sadd.s32 s3, s9;
	s6 =	sadd.s32 @!p0 $0x88, s6;
	s7 =	simm.s32 @p2 $0x1082  }
0x22: {  	[simem:s7], [sflag:s8] =	dma.local @!p0 [hbm:s6], $0xF7A  }
0x23: {  	s9 =	sor.u32 $0xD0000000, s2;
	s6 =	simm.s32 $0x108;
	_ =	swait.ge @!p0 [sflag:s8], $0x0  }
0x24: {  	s3 =	sadd.s32 $0x88, s3;
	s6 =	simm.s32 @!p1 $0x1082;
	[sflag:s4] =	ssyncset.s32 $0xFFFFF086  }
0x25: {  	[simem:s6], [sflag:s4] =	dma.local [hbm:s3], $0xF7A  }
0x26: {  	[smem:$0x3F88] =	sst s1;
	(tag) =	ssettag s2;
	_ =	strace s9  }
0x27: {  	s1 =	sld [smem:$0x3F98]  }
0x28: {  	s2 =	sld [smem:$0x3F99]  }
0x29: {  	s4 =	sld [smem:$0x3F9B]  }
0x2a: {  	p0 =	seq.s32 s5, $0x0;
	s5 =	sld [smem:$0x3F9C]  }
0x2b: {  	s6 =	sld [smem:$0x3F9D]  }
0x2c: {  	s7 =	sld [smem:$0x3F9E]  }
0x2d: {  	s3 =	simm.s32 $0x108;
	s8 =	sld [smem:$0x3F9F]  }
0x2e: {  	s3 =	simm.s32 @!p0 $0x1082;
	s9 =	sld [smem:$0x3FA0]  }
0x2f: {  	lr =	sadd.s32 s0, s3;
	s0 =	sld [smem:$0x3F97]  }
0x30: {  	s3 =	sld [smem:$0x3F9A]  }
0x31: {  	[smem:$0x3FA3] =	sst s10  }
0x32: {  	s10 =	sld [smem:$0x3FA1];
	_ =	sdelay $0x3  }
0x33: {  	p0 =	seq.s32 s10, $0x1;
	s10 =	sld [smem:$0x3FA3];
	_ =	sdelay $0x3  }
0x34: {  	[smem:$0x3FA3] =	sst s10  }
0x35: {  	s10 =	sld [smem:$0x3FA2];
	_ =	sdelay $0x3  }
0x36: {  	p1 =	seq.s32 s10, $0x1;
	s10 =	sld [smem:$0x3FA3];
	_ =	sdelay $0x3  }
0x37: {  	[smem:$0x3FA3] =	sst s10  }
0x38: {  	s10 =	sld [smem:$0x3FA4]  }
0x39: {  	_ = 	snop;
	(pc) =	sbr.ind lr, $3  }
0x3a: {  	_ = 	snop  }
0x3b: {  	_ = 	snop  }
0x3c: {  	p2 =	seq.s32 s10, $0x1;
	s10 =	sld [smem:$0x3FA3]  }
0x3d: {  	_ =	shalt  }
0x3e: {  	_ =	shalt  }
0x3f: {  	_ =	shalt  }
0x40: {  	_ =	shalt  }
0x41: {  	_ =	shalt  }
0x42: {  	_ =	shalt  }
0x43: {  	_ =	shalt  }
0x44: {  	_ =	shalt  }
0x45: {  	_ =	shalt  }
0x46: {  	_ =	shalt  }
0x47: {  	_ =	shalt  }
0x48: {  	_ =	shalt  }
0x49: {  	_ =	shalt  }
0x4a: {  	_ =	shalt  }
0x4b: {  	_ =	shalt  }
0x4c: {  	_ =	shalt  }
0x4d: {  	_ =	shalt  }
0x4e: {  	_ =	shalt  }
0x4f: {  	_ =	shalt  }
0x50: {  	_ =	shalt  }
0x51: {  	_ =	shalt  }
0x52: {  	_ =	shalt  }
0x53: {  	_ =	shalt  }
0x54: {  	_ =	shalt  }
0x55: {  	_ =	shalt  }
0x56: {  	_ =	shalt  }
0x57: {  	_ =	shalt  }
0x58: {  	_ =	shalt  }
0x59: {  	_ =	shalt  }
0x5a: {  	_ =	shalt  }
0x5b: {  	_ =	shalt  }
0x5c: {  	_ =	shalt  }
0x5d: {  	_ =	shalt  }
0x5e: {  	_ =	shalt  }
0x5f: {  	_ =	shalt  }
0x60: {  	_ =	shalt  }
0x61: {  	_ =	shalt  }
0x62: {  	_ =	shalt  }
0x63: {  	_ =	shalt  }
0x64: {  	_ =	shalt  }
0x65: {  	_ =	shalt  }
0x66: {  	_ =	shalt  }
0x67: {  	_ =	shalt  }
0x68: {  	_ =	shalt  }
0x69: {  	_ =	shalt  }
0x6a: {  	_ =	shalt  }
0x6b: {  	_ =	shalt  }
0x6c: {  	_ =	shalt  }
0x6d: {  	_ =	shalt  }
0x6e: {  	_ =	shalt  }
0x6f: {  	_ =	shalt  }
0x70: {  	_ =	shalt  }
0x71: {  	_ =	shalt  }
0x72: {  	_ =	shalt  }
0x73: {  	_ =	shalt  }
0x74: {  	_ =	shalt  }
0x75: {  	_ =	shalt  }
0x76: {  	_ =	shalt  }
0x77: {  	_ =	shalt  }
0x78: {  	_ =	shalt  }
0x79: {  	_ =	shalt  }
0x7a: {  	_ =	shalt  }
0x7b: {  	_ =	shalt  }
0x7c: {  	_ =	shalt  }
0x7d: {  	_ =	shalt  }
0x7e: {  	_ =	shalt  }
0x7f: {  	_ =	shalt  }
0x80: {  	_ =	shalt  }
0x81: {  	_ =	shalt  }
0x82: {  	_ =	shalt  }
0x83: {  	_ =	shalt  }
0x84: {  	_ =	shalt  }
0x85: {  	_ =	shalt  }
0x86: {  	_ =	shalt  }
0x87: {  	_ =	shalt  }
.Lfunc_end0:
.L_simem_size_0:
called_computation.1_lowered:
.L_overlay_start_0:
0x88: {  	s2 =	sld [smem:$0x3FD9]  }
0x89: {  	s3 =	sld [smem:$0x3FFE];
	_ =	sdelay $0x1  }
0x8a: {  	s1 =	srdreg.scid  }
0x8b: {  	s0 =	sand.u32 $0x1, s1  }
0x8c: {  	s16 =	sshll.u32 s0, $0xA;
	s2 =	sadd.s32 s3, s2  }
0x8d: {  	s2 =	sadd.s32 s2, s16  }
0x8e: {  	[smem:$0x3FAF] =	sst s2  }
0x8f: {  	_ = 	snop  }
0x90: {  	(tm) =	ssettm $0x1  }
0x91: {  	s17 =	sld [smem:$0x3FFB];
	_ =	sdelay $0x3  }
0x92: {  	_ =	strace s17  }
0x93: {  	s2 =	sld [smem:$0x3FFC];
	_ =	sdelay $0x3  }
0x94: {  	_ =	strace s2  }
0x95: {  	s2 =	sld [smem:$0x3FFD];
	_ =	sdelay $0x3  }
0x96: {  	_ =	strace s2  }
0x97: {  	_ =	strace $0x8FFFFFFF  }
0x98: {  	s18 =	sld [smem:$0x3FDB];
	_ =	sdelay $0x1  }
0x99: {  	s19 =	simm.s32 $_scs_section_size  }
0x9a: {  	s4 =	simm.s32 $_size__tile_overlayer_lowered;
	s5 =	simm.s32 $_tile_overlayer_lowered  }
0x9b: {  	s22 =	simm.s32 $0x1BFF;
	s21 =	sshll.u32 s5, $0x1;
	s2 =	sadd.s32 s19, s18  }
0x9c: {  	s6 =	simm.s32 $0x0;
	s20 =	sshll.u32 s4, $0x1;
	s4 =	sadd.s32 s21, s2  }
0x9d: {  	[timem:s6], [sflag:s22] =	dma.local [hbm:s4], s20  }
0x9e: {  	_ =	swait.ge [sflag:s22], s20  }
0x9f: {  	s3 =	ssub.s32 $0x0, s20;
	[sflag:s22] =	ssyncset.done $0x0  }
0xa0: {  	[sflag:s22] =	ssyncadd.s32 s3;
	_ =	sdelay $0x1  }
0xa1: {  	s23 =	simm.s32 $0x1B8B  }
0xa2: {  	_ =	swait.ge [sflag:s23], $0x1  }
0xa3: {  	[sflag:s23] =	ssyncset.done $0x0  }
0xa4: {  	s25 =	simm.s32 $0x1B8E;
	s24 =	sld [smem:$0x3FFE];
	[sflag:s23] =	ssyncadd.s32 $0xFFFFFFFF  }
0xa5: {  	s26 =	simm.s32 $execute0_lowered;
	[smem:$0x3FD2] =	sst s25  }
0xa6: {  	s4 =	sshll.u32 s26, $0x1;
	_ =	strace $0x80000049;
	[dreg:$0x1] =	wrdreg $0xFFFFFFFF  }
0xa7: {  	s28 =	simm.s32 $_size_execute0_lowered;
	s2 =	sadd.s32 s2, s4;
	[dreg:$0x0] =	wrdreg $0x0  }
0xa8: {  	s4 =	sshll.u32 s28, $0x1;
	[dreg:$0x2] =	wrdreg s2  }
0xa9: {  	[dreg:$0x3] =	wrdreg s4  }
0xaa: {  	[dreg:$0x4] =	wrdreg $0xC0  }
0xab: {  	_ =	task [dreg:s6], $0x5FFFF  }
0xac: {  	[dreg:$0x1] =	wrdreg $0xFFFFFFFF  }
0xad: {  	[dreg:$0x0] =	wrdreg $0x60  }
0xae: {  	[dreg:$0x2] =	wrdreg s24  }
0xaf: {  	[dreg:$0x3] =	wrdreg $0x9  }
0xb0: {  	_ =	task.clear_ibuf [dreg:s6], $0x4FFFF;
	_ =	strace $0x90000049  }
0xb1: {  	s29 =	simm.s32 $0x9;
	_ =	strace $0x8000004B  }
0xb2: {  	_ =	swait.ge [sflag:s29], $0x1  }
0xb3: {  	[sflag:s29] =	ssyncadd.s32 $0xFFFFFFFF  }
0xb4: {  	_ =	strace $0x9000004B  }
0xb5: {  	_ =	sfence  }
0xb6: {  	s30 =	sld [smem:$0x0];
	_ =	sdelay $0x2  }
0xb7: {  	s31 =	sshll.u32 s1, $0xD;
	s1 =	sshrl.u32 s1, $0x2  }
0xb8: {  	s3 =	sand.u32 $0x4000, s31;
	s1 =	sadd.s32 s1, s30  }
0xb9: {  	s0 =	sor.u32 s3, s0;
	s1 =	sshll.u32 s1, $0x11  }
0xba: {  	s0 =	sor.u32 s1, s0  }
0xbb: {  	s0 =	sadd.s32 $0x8F2B, s0  }
0xbc: {  	[sflag:s0] =	ssyncadd.remote.s32 $0x1  }
0xbd: {  	_ =	sfence.sel $0xFFFF  }
0xbe: {  	[dreg:$0x0] =	wrdreg $0xFFFFFFFF;
	(pc) =	sbr.abs _section_cstart, $3  }
0xbf: {  	[dreg:$0x1] =	wrdreg $0xFFFFFFFF  }
0xc0: {  	_ =	task.clear_ibuf [dreg:s6], $0x2FFFF;
	_ =	strace $0x9FFFFFFF  }
0xc1: {  	(tm) =	ssettm $0x7FFFFFFF  }
tec
execute0_lowered:
.L_overlay_start_1:
0x0: {  	(tag) =	ssettag $0x1  }
0x1: {  	s1 =	srdreg.scid  }
0x2: {  	s0 =	stileid.u32;
	s4 =	rddreg [dreg:$0x0];
	s2 =	simm.s32 $0x0  }
0x3: {  	s11 =	simm.s32 $0x0;
	s5 =	sand.u32 $0x1, s1;
	s1 =	rddreg [dreg:$0x1]  }
0x4: {  	s3 =	sshll.u32 s0, $0x1;
	[smem:$0x7FF] =	sst s2;
	s7 =	smul.u32 $0x28000, s0  }
0x5: {  	s3 =	sor.u32 s5, s3;
	_ =	strace $0x8000004A;
	s10 =	smul.u32 $0x14000, s5  }
0x6: {  	s8 =	ssub.s32 $0x2, s5;
	s6 =	smul.u32 $0x280, s3;
	s3 =	sadd.s32 $0x26000, s4  }
0x7: {  	s9 =	sshrl.u32 s8, $0x1;
	s30 =	sadd.s32 s7, s4;
	s7 =	simm.s32 $0x2  }
0x8: {  	s31 =	ssub.s32 s8, s9;
	s8 =	simm.s32 $0x80;
	s9 =	simm.s32 $0x1400  }
0x9: {  	s29 =	sadd.s32 s6, s4;
	s5 =	smax.u32 s31, $0x1;
	s6 =	sadd.s32 s10, s30  }
0xa: {  	s10 =	simm.s32 $0x1;
	s4 =	sadd.s32 $0x46000, s29;
	s6 =	sadd.s32 $0x4B000, s6  }
.LBB2_1:
0xb: {  	[tilespmem:s2], [sflag:$0x2] =	stream.linear.gather [hbm4b:s4+s2], $0x1400, $0x38;
	[tilespmem:$0x5400] =	vst v63  }
0xc: {  	_ =	swait.ge [sflag:s7], $0x1400  }
0xd: {  	[sflag:s7] =	ssyncset.done $0x0  }
0xe: {  	s12 =	simm.s32 $0x0;
	[sflag:s7] =	ssyncadd.s32 $0xFFFFEC00  }
0xf: {  	[tilespmem:s9], [sflag:$0x1] =	stream.indirect.gather [hbm4b:s3+s8], $0x80, s12, s8, $0xb8;
	[tilespmem:$0x5400] =	vst v63  }
0x10: {  	_ =	swait.ge [sflag:s10], $0x4000  }
0x11: {  	[sflag:s10] =	ssyncset.done $0x0  }
0x12: {  	[sflag:s10] =	ssyncadd.s32 $0xFFFFC000  }
0x13: {  	[hbm4b:s6+s2] =	stream.linear.scatter [tilespmem:s9], [sflag:$0x2], $0x4000, $0x38;
	[tilespmem:$0x5400] =	vst v63  }
0x14: {  	s13 =	simm.s32 $0x200;
	_ =	swait.ge [sflag:s7], $0x4000  }
0x15: {  	s14 =	simm.s32 $0x400;
	s12 =	sadd.s32 $0x800, s6;
	[sflag:s7] =	ssyncset.done $0x0  }
.LBB2_2:
0x16: {  	s15 =	sshra.s32 s13, $0x2  }
0x17: {  	[sflag:s7] =	ssyncadd.s32 $0xFFFFC000;
	s13 =	smov.u32 s14;
	s16 =	sadd.s32 $0x200, s14  }
0x18: {  	[tilespmem:s9], [sflag:$0x1] =	stream.indirect.gather [hbm4b:s3+s8], $0x80, s15, s8, $0xb8;
	[tilespmem:$0x5400] =	vst v63  }
0x19: {  	p0 =	sne.s32 s14, $0x4E00;
	_ =	swait.ge [sflag:s10], $0x4000  }
.Ltmp0:
0x1a: {  	[sflag:s10] =	ssyncset.done $0x0;
	(pc) =	sbr.rel @p0 .LBB2_2-.Ltmp0, $4  }
0x1b: {  	[sflag:s10] =	ssyncadd.s32 $0xFFFFC000  }
0x1c: {  	[hbm4b:s12+s2] =	stream.linear.scatter [tilespmem:s9], [sflag:$0x2], $0x4000, $0x38;
	[tilespmem:$0x5400] =	vst v63  }
0x1d: {  	_ =	swait.ge [sflag:s7], $0x4000  }
0x1e: {  	s14 =	smov.u32 s16;
	s12 =	sadd.s32 $0x800, s12;
	[sflag:s7] =	ssyncset.done $0x0  }
0x1f: {  	s13 =	sshra.s32 s13, $0x2;
	[sflag:s7] =	ssyncadd.s32 $0xFFFFC000  }
0x20: {  	[tilespmem:s9], [sflag:$0x1] =	stream.indirect.gather [hbm4b:s3+s8], $0x80, s13, s8, $0xb8;
	[tilespmem:$0x5400] =	vst v63  }
0x21: {  	s11 =	sadd.s32 $0x1, s11;
	_ =	swait.ge [sflag:s10], $0x4000  }
0x22: {  	p0 =	sne.s32 s11, s5;
	[sflag:s10] =	ssyncset.done $0x0  }
.Ltmp1:
0x23: {  	[sflag:s10] =	ssyncadd.s32 $0xFFFFC000;
	(pc) =	sbr.rel @p0 .LBB2_1-.Ltmp1, $4  }
0x24: {  	[hbm4b:s12+s2] =	stream.linear.scatter [tilespmem:s9], [sflag:$0x2], $0x4000, $0x38;
	[tilespmem:$0x5400] =	vst v63  }
0x25: {  	_ =	swait.ge [sflag:s7], $0x4000  }
0x26: {  	[sflag:s7] =	ssyncset.done $0x0  }
0x27: {  	[sflag:s7] =	ssyncadd.s32 $0xFFFFC000  }
0x28: {  	_ =	sfence.sel $0x180000  }
0x29: {  	[bflag:$0x0] =	sbarrier.arrive $0xFFFF  }
0x2a: {  	p0 =	sne.s32 s0, $0x0;
	_ =	strace $0x9000004A  }
0x2b: {  	s0 =	sadd.s32 @!p0 $0x100000, s1;
	[bflag:$0x2] =	sbarrier.arrive $0xFFFF  }
0x2c: {  	[sflag:s0] =	ssyncadd.tile.s32 @!p0 $0x1;
	_ =	shalt  }
.Lfunc_end2:
_tile_overlayer_lowered:
.L_overlay_start_2:
0x2d: {  	(tag) =	ssettag $0x2  }
0x2e: {  	s0 =	rddreg [dreg:$0x0];
	s2 =	stileid.u32  }
0x2f: {  	s1 =	rddreg [dreg:$0x1];
	p0 =	sne.s32 s2, $0x0  }
0x30: {  	s3 =	rddreg [dreg:$0x2];
	[bflag:$0x3] =	sbarrier.arrive $0xFFFF;
	s2 =	simm.s32 @!p0 $0x1C02  }
0x31: {  	[timem:s3], [sflag:s2] =	dma.local @!p0 [hbm:s0], s1  }
0x32: {  	s0 =	simm.s32 @!p0 $0x2  }
0x33: {  	_ =	swait.ge @!p0 [sflag:s0], s1  }
0x34: {  	s1 =	ssub.s32 @!p0 $0x0, s1;
	[sflag:s0] =	ssyncset.done @!p0 $0x0  }
0x35: {  	[sflag:s0] =	ssyncadd.s32 @!p0 s1  }
0x36: {  	[bflag:$0x3] =	sbarrier.arrive $0xFFFF  }
0x37: {  	_ =	shalt  }

// kernel: kernel.31.cloned.1.call-start
scs
__scs_entry_jumppad:
0x0: {  	(pc) =	sbr.rel $0x88, $3  }
0x1: {  	(tag) =	ssettag $0x0;
	lr =	simm.s32 $0x1  }
0x2: {  	[smem:$0x3F88] =	sst lr;
	_ =	strace $0xD0000000  }
0x3: {  	_ = 	snop  }
0x4: {  	_ = 	snop  }
0x5: {  	_ = 	snop  }
0x6: {  	_ = 	snop  }
0x7: {  	_ = 	snop  }
__scs_overlays_trampoline_lowered:
0x8: {  	[smem:$0x3F97] =	sst s0  }
0x9: {  	[smem:$0x3F98] =	sst s1  }
0xa: {  	[smem:$0x3F99] =	sst s2  }
0xb: {  	[smem:$0x3F9A] =	sst s3  }
0xc: {  	[smem:$0x3F9B] =	sst s4  }
0xd: {  	[smem:$0x3F9C] =	sst s5  }
0xe: {  	[smem:$0x3F9D] =	sst s6  }
0xf: {  	[smem:$0x3F9E] =	sst s7  }
0x10: {  	[smem:$0x3F9F] =	sst s8  }
0x11: {  	[smem:$0x3FA0] =	sst s9;
	s0 =	simm.s32 @!p0 $0x0  }
0x12: {  	s1 =	sld [smem:$0x3F86];
	s0 =	simm.s32 @p0 $0x1  }
0x13: {  	[smem:$0x3FA1] =	sst s0;
	s0 =	simm.s32 @!p1 $0x0  }
0x14: {  	s2 =	sld [smem:$0x3F85];
	s0 =	simm.s32 @p1 $0x1  }
0x15: {  	[smem:$0x3FA2] =	sst s0;
	s0 =	simm.s32 @!p2 $0x0  }
0x16: {  	s3 =	sld [smem:$0x3FDB];
	s0 =	simm.s32 @p2 $0x1  }
0x17: {  	s4 =	simm.s32 $0x1BF5;
	[smem:$0x3FA4] =	sst s0  }
0x18: {  	s0 =	sld [smem:$0x3F87];
	_ =	swait.ge [sflag:s4], $0x0  }
0x19: {  	s7 =	sld [smem:$0x3F88]  }
0x1a: {  	s8 =	sadd.s32 $0xFFFFE003, lr  }
0x1b: {  	s9 =	sadd.s32 $0xFFFFFEF7, lr;
	s5 =	simm.s32 $0xFFFFFFFF;
	p2 =	slt.u32 s8, $0xFFFFF086  }
0x1c: {  	p1 =	slt.u32 s9, $0xF7A;
	s5 =	simm.s32 @!p2 $0x0  }
0x1d: {  	s5 =	simm.s32 @p1 $0x1;
	p0 =	seq.s32 s7, s2  }
0x1e: {  	s7 =	smul.u32 @!p0 $0xF7A, s2;
	p2 =	seq.s32 @!p0 s5, $0x0  }
0x1f: {  	s9 =	smul.u32 $0xF7A, s1;
	s8 =	simm.s32 @!p0 $0x1BF5;
	p2 =	por !p2, p0  }
0x20: {  	[sflag:s8] =	ssyncset.s32 @!p0 $0xFFFFF086;
	s6 =	sadd.s32 @!p0 s3, s7;
	s7 =	simm.s32 @!p0 $0x108  }
0x21: {  	s3 =	sadd.s32 s3, s9;
	s6 =	sadd.s32 @!p0 $0x88, s6;
	s7 =	simm.s32 @p2 $0x1082  }
0x22: {  	[simem:s7], [sflag:s8] =	dma.local @!p0 [hbm:s6], $0xF7A  }
0x23: {  	s9 =	sor.u32 $0xD0000000, s2;
	s6 =	simm.s32 $0x108;
	_ =	swait.ge @!p0 [sflag:s8], $0x0  }
0x24: {  	s3 =	sadd.s32 $0x88, s3;
	s6 =	simm.s32 @!p1 $0x1082;
	[sflag:s4] =	ssyncset.s32 $0xFFFFF086  }
0x25: {  	[simem:s6], [sflag:s4] =	dma.local [hbm:s3], $0xF7A  }
0x26: {  	[smem:$0x3F88] =	sst s1;
	(tag) =	ssettag s2;
	_ =	strace s9  }
0x27: {  	s1 =	sld [smem:$0x3F98]  }
0x28: {  	s2 =	sld [smem:$0x3F99]  }
0x29: {  	s4 =	sld [smem:$0x3F9B]  }
0x2a: {  	p0 =	seq.s32 s5, $0x0;
	s5 =	sld [smem:$0x3F9C]  }
0x2b: {  	s6 =	sld [smem:$0x3F9D]  }
0x2c: {  	s7 =	sld [smem:$0x3F9E]  }
0x2d: {  	s3 =	simm.s32 $0x108;
	s8 =	sld [smem:$0x3F9F]  }
0x2e: {  	s3 =	simm.s32 @!p0 $0x1082;
	s9 =	sld [smem:$0x3FA0]  }
0x2f: {  	lr =	sadd.s32 s0, s3;
	s0 =	sld [smem:$0x3F97]  }
0x30: {  	s3 =	sld [smem:$0x3F9A]  }
0x31: {  	[smem:$0x3FA3] =	sst s10  }
0x32: {  	s10 =	sld [smem:$0x3FA1];
	_ =	sdelay $0x3  }
0x33: {  	p0 =	seq.s32 s10, $0x1;
	s10 =	sld [smem:$0x3FA3];
	_ =	sdelay $0x3  }
0x34: {  	[smem:$0x3FA3] =	sst s10  }
0x35: {  	s10 =	sld [smem:$0x3FA2];
	_ =	sdelay $0x3  }
0x36: {  	p1 =	seq.s32 s10, $0x1;
	s10 =	sld [smem:$0x3FA3];
	_ =	sdelay $0x3  }
0x37: {  	[smem:$0x3FA3] =	sst s10  }
0x38: {  	s10 =	sld [smem:$0x3FA4]  }
0x39: {  	_ = 	snop;
	(pc) =	sbr.ind lr, $3  }
0x3a: {  	_ = 	snop  }
0x3b: {  	_ = 	snop  }
0x3c: {  	p2 =	seq.s32 s10, $0x1;
	s10 =	sld [smem:$0x3FA3]  }
0x3d: {  	_ =	shalt  }
0x3e: {  	_ =	shalt  }
0x3f: {  	_ =	shalt  }
0x40: {  	_ =	shalt  }
0x41: {  	_ =	shalt  }
0x42: {  	_ =	shalt  }
0x43: {  	_ =	shalt  }
0x44: {  	_ =	shalt  }
0x45: {  	_ =	shalt  }
0x46: {  	_ =	shalt  }
0x47: {  	_ =	shalt  }
0x48: {  	_ =	shalt  }
0x49: {  	_ =	shalt  }
0x4a: {  	_ =	shalt  }
0x4b: {  	_ =	shalt  }
0x4c: {  	_ =	shalt  }
0x4d: {  	_ =	shalt  }
0x4e: {  	_ =	shalt  }
0x4f: {  	_ =	shalt  }
0x50: {  	_ =	shalt  }
0x51: {  	_ =	shalt  }
0x52: {  	_ =	shalt  }
0x53: {  	_ =	shalt  }
0x54: {  	_ =	shalt  }
0x55: {  	_ =	shalt  }
0x56: {  	_ =	shalt  }
0x57: {  	_ =	shalt  }
0x58: {  	_ =	shalt  }
0x59: {  	_ =	shalt  }
0x5a: {  	_ =	shalt  }
0x5b: {  	_ =	shalt  }
0x5c: {  	_ =	shalt  }
0x5d: {  	_ =	shalt  }
0x5e: {  	_ =	shalt  }
0x5f: {  	_ =	shalt  }
0x60: {  	_ =	shalt  }
0x61: {  	_ =	shalt  }
0x62: {  	_ =	shalt  }
0x63: {  	_ =	shalt  }
0x64: {  	_ =	shalt  }
0x65: {  	_ =	shalt  }
0x66: {  	_ =	shalt  }
0x67: {  	_ =	shalt  }
0x68: {  	_ =	shalt  }
0x69: {  	_ =	shalt  }
0x6a: {  	_ =	shalt  }
0x6b: {  	_ =	shalt  }
0x6c: {  	_ =	shalt  }
0x6d: {  	_ =	shalt  }
0x6e: {  	_ =	shalt  }
0x6f: {  	_ =	shalt  }
0x70: {  	_ =	shalt  }
0x71: {  	_ =	shalt  }
0x72: {  	_ =	shalt  }
0x73: {  	_ =	shalt  }
0x74: {  	_ =	shalt  }
0x75: {  	_ =	shalt  }
0x76: {  	_ =	shalt  }
0x77: {  	_ =	shalt  }
0x78: {  	_ =	shalt  }
0x79: {  	_ =	shalt  }
0x7a: {  	_ =	shalt  }
0x7b: {  	_ =	shalt  }
0x7c: {  	_ =	shalt  }
0x7d: {  	_ =	shalt  }
0x7e: {  	_ =	shalt  }
0x7f: {  	_ =	shalt  }
0x80: {  	_ =	shalt  }
0x81: {  	_ =	shalt  }
0x82: {  	_ =	shalt  }
0x83: {  	_ =	shalt  }
0x84: {  	_ =	shalt  }
0x85: {  	_ =	shalt  }
0x86: {  	_ =	shalt  }
0x87: {  	_ =	shalt  }
.Lfunc_end0:
.L_simem_size_0:
called_computation.2_lowered:
.L_overlay_start_0:
0x88: {  	s2 =	sld [smem:$0x3FD9]  }
0x89: {  	s3 =	sld [smem:$0x3FFE];
	_ =	sdelay $0x1  }
0x8a: {  	s1 =	srdreg.scid  }
0x8b: {  	s0 =	sand.u32 $0x1, s1  }
0x8c: {  	s16 =	sshll.u32 s0, $0xA;
	s2 =	sadd.s32 s3, s2  }
0x8d: {  	s2 =	sadd.s32 s2, s16  }
0x8e: {  	[smem:$0x3FAF] =	sst s2  }
0x8f: {  	_ = 	snop  }
0x90: {  	(tm) =	ssettm $0x1  }
0x91: {  	s17 =	sld [smem:$0x3FFB];
	_ =	sdelay $0x3  }
0x92: {  	_ =	strace s17  }
0x93: {  	s2 =	sld [smem:$0x3FFC];
	_ =	sdelay $0x3  }
0x94: {  	_ =	strace s2  }
0x95: {  	s2 =	sld [smem:$0x3FFD];
	_ =	sdelay $0x3  }
0x96: {  	_ =	strace s2  }
0x97: {  	_ =	strace $0x8FFFFFFF  }
0x98: {  	s18 =	sld [smem:$0x3FDB];
	_ =	sdelay $0x1  }
0x99: {  	s19 =	simm.s32 $_scs_section_size  }
0x9a: {  	s4 =	simm.s32 $_size__tile_overlayer_lowered;
	s5 =	simm.s32 $_tile_overlayer_lowered  }
0x9b: {  	s22 =	simm.s32 $0x1BFF;
	s21 =	sshll.u32 s5, $0x1;
	s2 =	sadd.s32 s19, s18  }
0x9c: {  	s6 =	simm.s32 $0x0;
	s20 =	sshll.u32 s4, $0x1;
	s4 =	sadd.s32 s21, s2  }
0x9d: {  	[timem:s6], [sflag:s22] =	dma.local [hbm:s4], s20  }
0x9e: {  	_ =	swait.ge [sflag:s22], s20  }
0x9f: {  	s3 =	ssub.s32 $0x0, s20;
	[sflag:s22] =	ssyncset.done $0x0  }
0xa0: {  	[sflag:s22] =	ssyncadd.s32 s3;
	_ =	sdelay $0x1  }
0xa1: {  	s23 =	simm.s32 $0x1B8B  }
0xa2: {  	_ =	swait.ge [sflag:s23], $0x1  }
0xa3: {  	[sflag:s23] =	ssyncset.done $0x0  }
0xa4: {  	s25 =	simm.s32 $0x1B8E;
	s24 =	sld [smem:$0x3FFE];
	[sflag:s23] =	ssyncadd.s32 $0xFFFFFFFF  }
0xa5: {  	s26 =	simm.s32 $execute0_lowered;
	[smem:$0x3FD2] =	sst s25  }
0xa6: {  	s4 =	sshll.u32 s26, $0x1;
	_ =	strace $0x8000004C;
	[dreg:$0x1] =	wrdreg $0xFFFFFFFF  }
0xa7: {  	s28 =	simm.s32 $_size_execute0_lowered;
	s2 =	sadd.s32 s2, s4;
	[dreg:$0x0] =	wrdreg $0x0  }
0xa8: {  	s4 =	sshll.u32 s28, $0x1;
	[dreg:$0x2] =	wrdreg s2  }
0xa9: {  	[dreg:$0x3] =	wrdreg s4  }
0xaa: {  	[dreg:$0x4] =	wrdreg $0xC0  }
0xab: {  	_ =	task [dreg:s6], $0x5FFFF  }
0xac: {  	[dreg:$0x1] =	wrdreg $0xFFFFFFFF  }
0xad: {  	[dreg:$0x0] =	wrdreg $0x60  }
0xae: {  	[dreg:$0x2] =	wrdreg s24  }
0xaf: {  	[dreg:$0x3] =	wrdreg $0x9  }
0xb0: {  	_ =	task.clear_ibuf [dreg:s6], $0x4FFFF;
	_ =	strace $0x9000004C  }
0xb1: {  	s29 =	simm.s32 $0x9;
	_ =	strace $0x8000004E  }
0xb2: {  	_ =	swait.ge [sflag:s29], $0x1  }
0xb3: {  	[sflag:s29] =	ssyncadd.s32 $0xFFFFFFFF  }
0xb4: {  	_ =	strace $0x9000004E  }
0xb5: {  	_ =	sfence  }
0xb6: {  	s30 =	sld [smem:$0x0];
	_ =	sdelay $0x2  }
0xb7: {  	s31 =	sshll.u32 s1, $0xD;
	s1 =	sshrl.u32 s1, $0x2  }
0xb8: {  	s3 =	sand.u32 $0x4000, s31;
	s1 =	sadd.s32 s1, s30  }
0xb9: {  	s0 =	sor.u32 s3, s0;
	s1 =	sshll.u32 s1, $0x11  }
0xba: {  	s0 =	sor.u32 s1, s0  }
0xbb: {  	s0 =	sadd.s32 $0x8F2B, s0  }
0xbc: {  	[sflag:s0] =	ssyncadd.remote.s32 $0x1  }
0xbd: {  	_ =	sfence.sel $0xFFFF  }
0xbe: {  	[dreg:$0x0] =	wrdreg $0xFFFFFFFF;
	(pc) =	sbr.abs _section_cstart, $3  }
0xbf: {  	[dreg:$0x1] =	wrdreg $0xFFFFFFFF  }
0xc0: {  	_ =	task.clear_ibuf [dreg:s6], $0x2FFFF;
	_ =	strace $0x9FFFFFFF  }
0xc1: {  	(tm) =	ssettm $0x7FFFFFFF  }
tec
execute0_lowered:
.L_overlay_start_1:
0x0: {  	(tag) =	ssettag $0x1  }
0x1: {  	s1 =	srdreg.scid  }
0x2: {  	s0 =	stileid.u32;
	s4 =	rddreg [dreg:$0x0];
	s2 =	simm.s32 $0x0  }
0x3: {  	s11 =	simm.s32 $0x0;
	s5 =	sand.u32 $0x1, s1;
	s1 =	rddreg [dreg:$0x1]  }
0x4: {  	s3 =	sshll.u32 s0, $0x1;
	[smem:$0x7FF] =	sst s2;
	s7 =	smul.u32 $0x28000, s0  }
0x5: {  	s3 =	sor.u32 s5, s3;
	_ =	strace $0x8000004D;
	s10 =	smul.u32 $0x14000, s5  }
0x6: {  	s8 =	ssub.s32 $0x2, s5;
	s6 =	smul.u32 $0x280, s3;
	s3 =	sadd.s32 $0x26000, s4  }
0x7: {  	s9 =	sshrl.u32 s8, $0x1;
	s30 =	sadd.s32 s7, s4;
	s7 =	simm.s32 $0x2  }
0x8: {  	s31 =	ssub.s32 s8, s9;
	s8 =	simm.s32 $0x80;
	s9 =	simm.s32 $0x1400  }
0x9: {  	s29 =	sadd.s32 s6, s4;
	s5 =	smax.u32 s31, $0x1;
	s6 =	sadd.s32 s10, s30  }
0xa: {  	s10 =	simm.s32 $0x1;
	s4 =	sadd.s32 $0x46000, s29;
	s6 =	sadd.s32 $0x4B000, s6  }
.LBB2_1:
0xb: {  	[tilespmem:s2], [sflag:$0x2] =	stream.linear.gather [hbm4b:s4+s2], $0x1400, $0x38;
	[tilespmem:$0x5400] =	vst v63  }
0xc: {  	_ =	swait.ge [sflag:s7], $0x1400  }
0xd: {  	[sflag:s7] =	ssyncset.done $0x0  }
0xe: {  	s12 =	simm.s32 $0x0;
	[sflag:s7] =	ssyncadd.s32 $0xFFFFEC00  }
0xf: {  	[tilespmem:s9], [sflag:$0x1] =	stream.indirect.gather [hbm4b:s3+s8], $0x80, s12, s8, $0xb8;
	[tilespmem:$0x5400] =	vst v63  }
0x10: {  	_ =	swait.ge [sflag:s10], $0x4000  }
0x11: {  	[sflag:s10] =	ssyncset.done $0x0  }
0x12: {  	[sflag:s10] =	ssyncadd.s32 $0xFFFFC000  }
0x13: {  	[hbm4b:s6+s2] =	stream.linear.scatter [tilespmem:s9], [sflag:$0x2], $0x4000, $0x38;
	[tilespmem:$0x5400] =	vst v63  }
0x14: {  	s13 =	simm.s32 $0x200;
	_ =	swait.ge [sflag:s7], $0x4000  }
0x15: {  	s14 =	simm.s32 $0x400;
	s12 =	sadd.s32 $0x800, s6;
	[sflag:s7] =	ssyncset.done $0x0  }
.LBB2_2:
0x16: {  	s15 =	sshra.s32 s13, $0x2  }
0x17: {  	[sflag:s7] =	ssyncadd.s32 $0xFFFFC000;
	s13 =	smov.u32 s14;
	s16 =	sadd.s32 $0x200, s14  }
0x18: {  	[tilespmem:s9], [sflag:$0x1] =	stream.indirect.gather [hbm4b:s3+s8], $0x80, s15, s8, $0xb8;
	[tilespmem:$0x5400] =	vst v63  }
0x19: {  	p0 =	sne.s32 s14, $0x4E00;
	_ =	swait.ge [sflag:s10], $0x4000  }
.Ltmp0:
0x1a: {  	[sflag:s10] =	ssyncset.done $0x0;
	(pc) =	sbr.rel @p0 .LBB2_2-.Ltmp0, $4  }
0x1b: {  	[sflag:s10] =	ssyncadd.s32 $0xFFFFC000  }
0x1c: {  	[hbm4b:s12+s2] =	stream.linear.scatter [tilespmem:s9], [sflag:$0x2], $0x4000, $0x38;
	[tilespmem:$0x5400] =	vst v63  }
0x1d: {  	_ =	swait.ge [sflag:s7], $0x4000  }
0x1e: {  	s14 =	smov.u32 s16;
	s12 =	sadd.s32 $0x800, s12;
	[sflag:s7] =	ssyncset.done $0x0  }
0x1f: {  	s13 =	sshra.s32 s13, $0x2;
	[sflag:s7] =	ssyncadd.s32 $0xFFFFC000  }
0x20: {  	[tilespmem:s9], [sflag:$0x1] =	stream.indirect.gather [hbm4b:s3+s8], $0x80, s13, s8, $0xb8;
	[tilespmem:$0x5400] =	vst v63  }
0x21: {  	s11 =	sadd.s32 $0x1, s11;
	_ =	swait.ge [sflag:s10], $0x4000  }
0x22: {  	p0 =	sne.s32 s11, s5;
	[sflag:s10] =	ssyncset.done $0x0  }
.Ltmp1:
0x23: {  	[sflag:s10] =	ssyncadd.s32 $0xFFFFC000;
	(pc) =	sbr.rel @p0 .LBB2_1-.Ltmp1, $4  }
0x24: {  	[hbm4b:s12+s2] =	stream.linear.scatter [tilespmem:s9], [sflag:$0x2], $0x4000, $0x38;
	[tilespmem:$0x5400] =	vst v63  }
0x25: {  	_ =	swait.ge [sflag:s7], $0x4000  }
0x26: {  	[sflag:s7] =	ssyncset.done $0x0  }
0x27: {  	[sflag:s7] =	ssyncadd.s32 $0xFFFFC000  }
0x28: {  	_ =	sfence.sel $0x180000  }
0x29: {  	[bflag:$0x0] =	sbarrier.arrive $0xFFFF  }
0x2a: {  	p0 =	sne.s32 s0, $0x0;
	_ =	strace $0x9000004D  }
0x2b: {  	s0 =	sadd.s32 @!p0 $0x100000, s1;
	[bflag:$0x2] =	sbarrier.arrive $0xFFFF  }
0x2c: {  	[sflag:s0] =	ssyncadd.tile.s32 @!p0 $0x1;
	_ =	shalt  }
.Lfunc_end2:
_tile_overlayer_lowered:
.L_overlay_start_2:
0x2d: {  	(tag) =	ssettag $0x2  }
0x2e: {  	s0 =	rddreg [dreg:$0x0];
	s2 =	stileid.u32  }
0x2f: {  	s1 =	rddreg [dreg:$0x1];
	p0 =	sne.s32 s2, $0x0  }
0x30: {  	s3 =	rddreg [dreg:$0x2];
	[bflag:$0x3] =	sbarrier.arrive $0xFFFF;
	s2 =	simm.s32 @!p0 $0x1C02  }
0x31: {  	[timem:s3], [sflag:s2] =	dma.local @!p0 [hbm:s0], s1  }
0x32: {  	s0 =	simm.s32 @!p0 $0x2  }
0x33: {  	_ =	swait.ge @!p0 [sflag:s0], s1  }
0x34: {  	s1 =	ssub.s32 @!p0 $0x0, s1;
	[sflag:s0] =	ssyncset.done @!p0 $0x0  }
0x35: {  	[sflag:s0] =	ssyncadd.s32 @!p0 s1  }
0x36: {  	[bflag:$0x3] =	sbarrier.arrive $0xFFFF  }
0x37: {  	_ =	shalt  }

// kernel: kernel.34.cloned.1.call-start
scs
__scs_entry_jumppad:
0x0: {  	(pc) =	sbr.rel $0x88, $3  }
0x1: {  	(tag) =	ssettag $0x0;
	lr =	simm.s32 $0x1  }
0x2: {  	[smem:$0x3F88] =	sst lr;
	_ =	strace $0xD0000000  }
0x3: {  	_ = 	snop  }
0x4: {  	_ = 	snop  }
0x5: {  	_ = 	snop  }
0x6: {  	_ = 	snop  }
0x7: {  	_ = 	snop  }
__scs_overlays_trampoline_lowered:
0x8: {  	[smem:$0x3F97] =	sst s0  }
0x9: {  	[smem:$0x3F98] =	sst s1  }
0xa: {  	[smem:$0x3F99] =	sst s2  }
0xb: {  	[smem:$0x3F9A] =	sst s3  }
0xc: {  	[smem:$0x3F9B] =	sst s4  }
0xd: {  	[smem:$0x3F9C] =	sst s5  }
0xe: {  	[smem:$0x3F9D] =	sst s6  }
0xf: {  	[smem:$0x3F9E] =	sst s7  }
0x10: {  	[smem:$0x3F9F] =	sst s8  }
0x11: {  	[smem:$0x3FA0] =	sst s9;
	s0 =	simm.s32 @!p0 $0x0  }
0x12: {  	s1 =	sld [smem:$0x3F86];
	s0 =	simm.s32 @p0 $0x1  }
0x13: {  	[smem:$0x3FA1] =	sst s0;
	s0 =	simm.s32 @!p1 $0x0  }
0x14: {  	s2 =	sld [smem:$0x3F85];
	s0 =	simm.s32 @p1 $0x1  }
0x15: {  	[smem:$0x3FA2] =	sst s0;
	s0 =	simm.s32 @!p2 $0x0  }
0x16: {  	s3 =	sld [smem:$0x3FDB];
	s0 =	simm.s32 @p2 $0x1  }
0x17: {  	s4 =	simm.s32 $0x1BF5;
	[smem:$0x3FA4] =	sst s0  }
0x18: {  	s0 =	sld [smem:$0x3F87];
	_ =	swait.ge [sflag:s4], $0x0  }
0x19: {  	s7 =	sld [smem:$0x3F88]  }
0x1a: {  	s8 =	sadd.s32 $0xFFFFE003, lr  }
0x1b: {  	s9 =	sadd.s32 $0xFFFFFEF7, lr;
	s5 =	simm.s32 $0xFFFFFFFF;
	p2 =	slt.u32 s8, $0xFFFFF086  }
0x1c: {  	p1 =	slt.u32 s9, $0xF7A;
	s5 =	simm.s32 @!p2 $0x0  }
0x1d: {  	s5 =	simm.s32 @p1 $0x1;
	p0 =	seq.s32 s7, s2  }
0x1e: {  	s7 =	smul.u32 @!p0 $0xF7A, s2;
	p2 =	seq.s32 @!p0 s5, $0x0  }
0x1f: {  	s9 =	smul.u32 $0xF7A, s1;
	s8 =	simm.s32 @!p0 $0x1BF5;
	p2 =	por !p2, p0  }
0x20: {  	[sflag:s8] =	ssyncset.s32 @!p0 $0xFFFFF086;
	s6 =	sadd.s32 @!p0 s3, s7;
	s7 =	simm.s32 @!p0 $0x108  }
0x21: {  	s3 =	sadd.s32 s3, s9;
	s6 =	sadd.s32 @!p0 $0x88, s6;
	s7 =	simm.s32 @p2 $0x1082  }
0x22: {  	[simem:s7], [sflag:s8] =	dma.local @!p0 [hbm:s6], $0xF7A  }
0x23: {  	s9 =	sor.u32 $0xD0000000, s2;
	s6 =	simm.s32 $0x108;
	_ =	swait.ge @!p0 [sflag:s8], $0x0  }
0x24: {  	s3 =	sadd.s32 $0x88, s3;
	s6 =	simm.s32 @!p1 $0x1082;
	[sflag:s4] =	ssyncset.s32 $0xFFFFF086  }
0x25: {  	[simem:s6], [sflag:s4] =	dma.local [hbm:s3], $0xF7A  }
0x26: {  	[smem:$0x3F88] =	sst s1;
	(tag) =	ssettag s2;
	_ =	strace s9  }
0x27: {  	s1 =	sld [smem:$0x3F98]  }
0x28: {  	s2 =	sld [smem:$0x3F99]  }
0x29: {  	s4 =	sld [smem:$0x3F9B]  }
0x2a: {  	p0 =	seq.s32 s5, $0x0;
	s5 =	sld [smem:$0x3F9C]  }
0x2b: {  	s6 =	sld [smem:$0x3F9D]  }
0x2c: {  	s7 =	sld [smem:$0x3F9E]  }
0x2d: {  	s3 =	simm.s32 $0x108;
	s8 =	sld [smem:$0x3F9F]  }
0x2e: {  	s3 =	simm.s32 @!p0 $0x1082;
	s9 =	sld [smem:$0x3FA0]  }
0x2f: {  	lr =	sadd.s32 s0, s3;
	s0 =	sld [smem:$0x3F97]  }
0x30: {  	s3 =	sld [smem:$0x3F9A]  }
0x31: {  	[smem:$0x3FA3] =	sst s10  }
0x32: {  	s10 =	sld [smem:$0x3FA1];
	_ =	sdelay $0x3  }
0x33: {  	p0 =	seq.s32 s10, $0x1;
	s10 =	sld [smem:$0x3FA3];
	_ =	sdelay $0x3  }
0x34: {  	[smem:$0x3FA3] =	sst s10  }
0x35: {  	s10 =	sld [smem:$0x3FA2];
	_ =	sdelay $0x3  }
0x36: {  	p1 =	seq.s32 s10, $0x1;
	s10 =	sld [smem:$0x3FA3];
	_ =	sdelay $0x3  }
0x37: {  	[smem:$0x3FA3] =	sst s10  }
0x38: {  	s10 =	sld [smem:$0x3FA4]  }
0x39: {  	_ = 	snop;
	(pc) =	sbr.ind lr, $3  }
0x3a: {  	_ = 	snop  }
0x3b: {  	_ = 	snop  }
0x3c: {  	p2 =	seq.s32 s10, $0x1;
	s10 =	sld [smem:$0x3FA3]  }
0x3d: {  	_ =	shalt  }
0x3e: {  	_ =	shalt  }
0x3f: {  	_ =	shalt  }
0x40: {  	_ =	shalt  }
0x41: {  	_ =	shalt  }
0x42: {  	_ =	shalt  }
0x43: {  	_ =	shalt  }
0x44: {  	_ =	shalt  }
0x45: {  	_ =	shalt  }
0x46: {  	_ =	shalt  }
0x47: {  	_ =	shalt  }
0x48: {  	_ =	shalt  }
0x49: {  	_ =	shalt  }
0x4a: {  	_ =	shalt  }
0x4b: {  	_ =	shalt  }
0x4c: {  	_ =	shalt  }
0x4d: {  	_ =	shalt  }
0x4e: {  	_ =	shalt  }
0x4f: {  	_ =	shalt  }
0x50: {  	_ =	shalt  }
0x51: {  	_ =	shalt  }
0x52: {  	_ =	shalt  }
0x53: {  	_ =	shalt  }
0x54: {  	_ =	shalt  }
0x55: {  	_ =	shalt  }
0x56: {  	_ =	shalt  }
0x57: {  	_ =	shalt  }
0x58: {  	_ =	shalt  }
0x59: {  	_ =	shalt  }
0x5a: {  	_ =	shalt  }
0x5b: {  	_ =	shalt  }
0x5c: {  	_ =	shalt  }
0x5d: {  	_ =	shalt  }
0x5e: {  	_ =	shalt  }
0x5f: {  	_ =	shalt  }
0x60: {  	_ =	shalt  }
0x61: {  	_ =	shalt  }
0x62: {  	_ =	shalt  }
0x63: {  	_ =	shalt  }
0x64: {  	_ =	shalt  }
0x65: {  	_ =	shalt  }
0x66: {  	_ =	shalt  }
0x67: {  	_ =	shalt  }
0x68: {  	_ =	shalt  }
0x69: {  	_ =	shalt  }
0x6a: {  	_ =	shalt  }
0x6b: {  	_ =	shalt  }
0x6c: {  	_ =	shalt  }
0x6d: {  	_ =	shalt  }
0x6e: {  	_ =	shalt  }
0x6f: {  	_ =	shalt  }
0x70: {  	_ =	shalt  }
0x71: {  	_ =	shalt  }
0x72: {  	_ =	shalt  }
0x73: {  	_ =	shalt  }
0x74: {  	_ =	shalt  }
0x75: {  	_ =	shalt  }
0x76: {  	_ =	shalt  }
0x77: {  	_ =	shalt  }
0x78: {  	_ =	shalt  }
0x79: {  	_ =	shalt  }
0x7a: {  	_ =	shalt  }
0x7b: {  	_ =	shalt  }
0x7c: {  	_ =	shalt  }
0x7d: {  	_ =	shalt  }
0x7e: {  	_ =	shalt  }
0x7f: {  	_ =	shalt  }
0x80: {  	_ =	shalt  }
0x81: {  	_ =	shalt  }
0x82: {  	_ =	shalt  }
0x83: {  	_ =	shalt  }
0x84: {  	_ =	shalt  }
0x85: {  	_ =	shalt  }
0x86: {  	_ =	shalt  }
0x87: {  	_ =	shalt  }
.Lfunc_end0:
.L_simem_size_0:
called_computation.3_lowered:
.L_overlay_start_0:
0x88: {  	s2 =	sld [smem:$0x3FD9]  }
0x89: {  	s3 =	sld [smem:$0x3FFE];
	_ =	sdelay $0x1  }
0x8a: {  	s1 =	srdreg.scid  }
0x8b: {  	s0 =	sand.u32 $0x1, s1  }
0x8c: {  	s16 =	sshll.u32 s0, $0xA;
	s2 =	sadd.s32 s3, s2  }
0x8d: {  	s2 =	sadd.s32 s2, s16  }
0x8e: {  	[smem:$0x3FAF] =	sst s2  }
0x8f: {  	_ = 	snop  }
0x90: {  	(tm) =	ssettm $0x1  }
0x91: {  	s17 =	sld [smem:$0x3FFB];
	_ =	sdelay $0x3  }
0x92: {  	_ =	strace s17  }
0x93: {  	s2 =	sld [smem:$0x3FFC];
	_ =	sdelay $0x3  }
0x94: {  	_ =	strace s2  }
0x95: {  	s2 =	sld [smem:$0x3FFD];
	_ =	sdelay $0x3  }
0x96: {  	_ =	strace s2  }
0x97: {  	_ =	strace $0x8FFFFFFF  }
0x98: {  	s18 =	sld [smem:$0x3FDB];
	_ =	sdelay $0x1  }
0x99: {  	s19 =	simm.s32 $_scs_section_size  }
0x9a: {  	s4 =	simm.s32 $_size__tile_overlayer_lowered;
	s5 =	simm.s32 $_tile_overlayer_lowered  }
0x9b: {  	s22 =	simm.s32 $0x1BFF;
	s21 =	sshll.u32 s5, $0x1;
	s2 =	sadd.s32 s19, s18  }
0x9c: {  	s6 =	simm.s32 $0x0;
	s20 =	sshll.u32 s4, $0x1;
	s4 =	sadd.s32 s21, s2  }
0x9d: {  	[timem:s6], [sflag:s22] =	dma.local [hbm:s4], s20  }
0x9e: {  	_ =	swait.ge [sflag:s22], s20  }
0x9f: {  	s3 =	ssub.s32 $0x0, s20;
	[sflag:s22] =	ssyncset.done $0x0  }
0xa0: {  	[sflag:s22] =	ssyncadd.s32 s3;
	_ =	sdelay $0x1  }
0xa1: {  	s23 =	simm.s32 $0x1B8B  }
0xa2: {  	_ =	swait.ge [sflag:s23], $0x1  }
0xa3: {  	[sflag:s23] =	ssyncset.done $0x0  }
0xa4: {  	s25 =	simm.s32 $0x1B8E;
	s24 =	sld [smem:$0x3FFE];
	[sflag:s23] =	ssyncadd.s32 $0xFFFFFFFF  }
0xa5: {  	s26 =	simm.s32 $execute0_lowered;
	[smem:$0x3FD2] =	sst s25  }
0xa6: {  	s4 =	sshll.u32 s26, $0x1;
	_ =	strace $0x8000004F;
	[dreg:$0x1] =	wrdreg $0xFFFFFFFF  }
0xa7: {  	s28 =	simm.s32 $_size_execute0_lowered;
	s2 =	sadd.s32 s2, s4;
	[dreg:$0x0] =	wrdreg $0x0  }
0xa8: {  	s4 =	sshll.u32 s28, $0x1;
	[dreg:$0x2] =	wrdreg s2  }
0xa9: {  	[dreg:$0x3] =	wrdreg s4  }
0xaa: {  	[dreg:$0x4] =	wrdreg $0xC0  }
0xab: {  	_ =	task [dreg:s6], $0x5FFFF  }
0xac: {  	[dreg:$0x1] =	wrdreg $0xFFFFFFFF  }
0xad: {  	[dreg:$0x0] =	wrdreg $0x60  }
0xae: {  	[dreg:$0x2] =	wrdreg s24  }
0xaf: {  	[dreg:$0x3] =	wrdreg $0x9  }
0xb0: {  	_ =	task.clear_ibuf [dreg:s6], $0x4FFFF;
	_ =	strace $0x9000004F  }
0xb1: {  	s29 =	simm.s32 $0x9;
	_ =	strace $0x80000051  }
0xb2: {  	_ =	swait.ge [sflag:s29], $0x1  }
0xb3: {  	[sflag:s29] =	ssyncadd.s32 $0xFFFFFFFF  }
0xb4: {  	_ =	strace $0x90000051  }
0xb5: {  	_ =	sfence  }
0xb6: {  	s30 =	sld [smem:$0x0];
	_ =	sdelay $0x2  }
0xb7: {  	s31 =	sshll.u32 s1, $0xD;
	s1 =	sshrl.u32 s1, $0x2  }
0xb8: {  	s3 =	sand.u32 $0x4000, s31;
	s1 =	sadd.s32 s1, s30  }
0xb9: {  	s0 =	sor.u32 s3, s0;
	s1 =	sshll.u32 s1, $0x11  }
0xba: {  	s0 =	sor.u32 s1, s0  }
0xbb: {  	s0 =	sadd.s32 $0x8F2B, s0  }
0xbc: {  	[sflag:s0] =	ssyncadd.remote.s32 $0x1  }
0xbd: {  	_ =	sfence.sel $0xFFFF  }
0xbe: {  	[dreg:$0x0] =	wrdreg $0xFFFFFFFF;
	(pc) =	sbr.abs _section_cstart, $3  }
0xbf: {  	[dreg:$0x1] =	wrdreg $0xFFFFFFFF  }
0xc0: {  	_ =	task.clear_ibuf [dreg:s6], $0x2FFFF;
	_ =	strace $0x9FFFFFFF  }
0xc1: {  	(tm) =	ssettm $0x7FFFFFFF  }
tec
execute0_lowered:
.L_overlay_start_1:
0x0: {  	(tag) =	ssettag $0x1  }
0x1: {  	s1 =	srdreg.scid  }
0x2: {  	s0 =	stileid.u32;
	s4 =	rddreg [dreg:$0x0];
	s2 =	simm.s32 $0x0  }
0x3: {  	s11 =	simm.s32 $0x0;
	s5 =	sand.u32 $0x1, s1;
	s1 =	rddreg [dreg:$0x1]  }
0x4: {  	s3 =	sshll.u32 s0, $0x1;
	[smem:$0x7FF] =	sst s2;
	s7 =	smul.u32 $0x28000, s0  }
0x5: {  	s3 =	sor.u32 s5, s3;
	_ =	strace $0x80000050;
	s10 =	smul.u32 $0x14000, s5  }
0x6: {  	s8 =	ssub.s32 $0x2, s5;
	s6 =	smul.u32 $0x280, s3;
	s3 =	sadd.s32 $0x26000, s4  }
0x7: {  	s9 =	sshrl.u32 s8, $0x1;
	s30 =	sadd.s32 s7, s4;
	s7 =	simm.s32 $0x2  }
0x8: {  	s31 =	ssub.s32 s8, s9;
	s8 =	simm.s32 $0x80;
	s9 =	simm.s32 $0x1400  }
0x9: {  	s29 =	sadd.s32 s6, s4;
	s5 =	smax.u32 s31, $0x1;
	s6 =	sadd.s32 s10, s30  }
0xa: {  	s10 =	simm.s32 $0x1;
	s4 =	sadd.s32 $0x46000, s29;
	s6 =	sadd.s32 $0x4B000, s6  }
.LBB2_1:
0xb: {  	[tilespmem:s2], [sflag:$0x2] =	stream.linear.gather [hbm4b:s4+s2], $0x1400, $0x38;
	[tilespmem:$0x5400] =	vst v63  }
0xc: {  	_ =	swait.ge [sflag:s7], $0x1400  }
0xd: {  	[sflag:s7] =	ssyncset.done $0x0  }
0xe: {  	s12 =	simm.s32 $0x0;
	[sflag:s7] =	ssyncadd.s32 $0xFFFFEC00  }
0xf: {  	[tilespmem:s9], [sflag:$0x1] =	stream.indirect.gather [hbm4b:s3+s8], $0x80, s12, s8, $0xb8;
	[tilespmem:$0x5400] =	vst v63  }
0x10: {  	_ =	swait.ge [sflag:s10], $0x4000  }
0x11: {  	[sflag:s10] =	ssyncset.done $0x0  }
0x12: {  	[sflag:s10] =	ssyncadd.s32 $0xFFFFC000  }
0x13: {  	[hbm4b:s6+s2] =	stream.linear.scatter [tilespmem:s9], [sflag:$0x2], $0x4000, $0x38;
	[tilespmem:$0x5400] =	vst v63  }
0x14: {  	s13 =	simm.s32 $0x200;
	_ =	swait.ge [sflag:s7], $0x4000  }
0x15: {  	s14 =	simm.s32 $0x400;
	s12 =	sadd.s32 $0x800, s6;
	[sflag:s7] =	ssyncset.done $0x0  }
.LBB2_2:
0x16: {  	s15 =	sshra.s32 s13, $0x2  }
0x17: {  	[sflag:s7] =	ssyncadd.s32 $0xFFFFC000;
	s13 =	smov.u32 s14;
	s16 =	sadd.s32 $0x200, s14  }
0x18: {  	[tilespmem:s9], [sflag:$0x1] =	stream.indirect.gather [hbm4b:s3+s8], $0x80, s15, s8, $0xb8;
	[tilespmem:$0x5400] =	vst v63  }
0x19: {  	p0 =	sne.s32 s14, $0x4E00;
	_ =	swait.ge [sflag:s10], $0x4000  }
.Ltmp0:
0x1a: {  	[sflag:s10] =	ssyncset.done $0x0;
	(pc) =	sbr.rel @p0 .LBB2_2-.Ltmp0, $4  }
0x1b: {  	[sflag:s10] =	ssyncadd.s32 $0xFFFFC000  }
0x1c: {  	[hbm4b:s12+s2] =	stream.linear.scatter [tilespmem:s9], [sflag:$0x2], $0x4000, $0x38;
	[tilespmem:$0x5400] =	vst v63  }
0x1d: {  	_ =	swait.ge [sflag:s7], $0x4000  }
0x1e: {  	s14 =	smov.u32 s16;
	s12 =	sadd.s32 $0x800, s12;
	[sflag:s7] =	ssyncset.done $0x0  }
0x1f: {  	s13 =	sshra.s32 s13, $0x2;
	[sflag:s7] =	ssyncadd.s32 $0xFFFFC000  }
0x20: {  	[tilespmem:s9], [sflag:$0x1] =	stream.indirect.gather [hbm4b:s3+s8], $0x80, s13, s8, $0xb8;
	[tilespmem:$0x5400] =	vst v63  }
0x21: {  	s11 =	sadd.s32 $0x1, s11;
	_ =	swait.ge [sflag:s10], $0x4000  }
0x22: {  	p0 =	sne.s32 s11, s5;
	[sflag:s10] =	ssyncset.done $0x0  }
.Ltmp1:
0x23: {  	[sflag:s10] =	ssyncadd.s32 $0xFFFFC000;
	(pc) =	sbr.rel @p0 .LBB2_1-.Ltmp1, $4  }
0x24: {  	[hbm4b:s12+s2] =	stream.linear.scatter [tilespmem:s9], [sflag:$0x2], $0x4000, $0x38;
	[tilespmem:$0x5400] =	vst v63  }
0x25: {  	_ =	swait.ge [sflag:s7], $0x4000  }
0x26: {  	[sflag:s7] =	ssyncset.done $0x0  }
0x27: {  	[sflag:s7] =	ssyncadd.s32 $0xFFFFC000  }
0x28: {  	_ =	sfence.sel $0x180000  }
0x29: {  	[bflag:$0x0] =	sbarrier.arrive $0xFFFF  }
0x2a: {  	p0 =	sne.s32 s0, $0x0;
	_ =	strace $0x90000050  }
0x2b: {  	s0 =	sadd.s32 @!p0 $0x100000, s1;
	[bflag:$0x2] =	sbarrier.arrive $0xFFFF  }
0x2c: {  	[sflag:s0] =	ssyncadd.tile.s32 @!p0 $0x1;
	_ =	shalt  }
.Lfunc_end2:
_tile_overlayer_lowered:
.L_overlay_start_2:
0x2d: {  	(tag) =	ssettag $0x2  }
0x2e: {  	s0 =	rddreg [dreg:$0x0];
	s2 =	stileid.u32  }
0x2f: {  	s1 =	rddreg [dreg:$0x1];
	p0 =	sne.s32 s2, $0x0  }
0x30: {  	s3 =	rddreg [dreg:$0x2];
	[bflag:$0x3] =	sbarrier.arrive $0xFFFF;
	s2 =	simm.s32 @!p0 $0x1C02  }
0x31: {  	[timem:s3], [sflag:s2] =	dma.local @!p0 [hbm:s0], s1  }
0x32: {  	s0 =	simm.s32 @!p0 $0x2  }
0x33: {  	_ =	swait.ge @!p0 [sflag:s0], s1  }
0x34: {  	s1 =	ssub.s32 @!p0 $0x0, s1;
	[sflag:s0] =	ssyncset.done @!p0 $0x0  }
0x35: {  	[sflag:s0] =	ssyncadd.s32 @!p0 s1  }
0x36: {  	[bflag:$0x3] =	sbarrier.arrive $0xFFFF  }
0x37: {  	_ =	shalt  }

</sc_bundles>
